<compile_context>
chip_gen: v7x
topology: tpu7x:2x2x1
jax: 0.10.2.dev20260603
libtpu: 0.0.44.dev20260713+nightly
codegen_flags: <defaults>
</compile_context>

<pallas_src>
import functools

import jax
import jax.numpy as jnp
from jax import lax
from jax.experimental import pallas as pl
from jax.experimental.pallas import tpu as pltpu
from jax.experimental.pallas import tpu_sc as plsc

N_NEURONS = 16384
N_IN = 16384
NNZ = 268435
N_BASIS = 5
N_SYN = 10
T = 256

RB = 256
NBLK = N_NEURONS // RB
NWORK = 32
PASSES = NBLK // NWORK
C = 32
NBC = T // C
S = 1024
SG = 8
NNZ_P = ((NNZ + 8 + S - 1) // S + 1) * S
ACCW = N_SYN * C * RB


def _lane_bcast(v, i):
    return lax.gather(
        v,
        jnp.full((16, 1), i, dtype=jnp.int32),
        lax.GatherDimensionNumbers(
            offset_dims=(), collapsed_slice_dims=(0,), start_index_map=(0,)),
        slice_sizes=(1,),
        mode=lax.GatherScatterMode.PROMISE_IN_BOUNDS)


def _sc_body(xcc, colsp, laddrp, wp, offs, y3,
             offs_s, offs_sp, cidx, la_v, w_v, xbuf, acc, sem):
    sid = lax.axis_index("s")
    wid = lax.axis_index("c") * 16 + sid

    @pl.when(sid == 0)
    def _():
        pltpu.sync_copy(offs, offs_sp)
    plsc.subcore_barrier()
    pltpu.sync_copy(offs_sp, offs_s)
    ciota = lax.iota(jnp.int32, 16)
    ciota_sc = [ciota * RB, (ciota + 16) * RB]

    def pass_body(p, _):
        blk = wid * PASSES + p
        p0 = offs_s[blk]
        p1 = offs_s[blk + 1]
        p0a = p0 & ~7
        nch = (p1 - p0a + S - 1) // S

        def nb_body(nb, _):
            def zr(z, _):
                acc[pl.ds(z * 16, 16)] = jnp.zeros((16,), jnp.float32)
                return 0
            lax.fori_loop(0, ACCW // 16, zr, 0)

            nbase = nb * N_IN

            def ch_body(ch, _):
                g0 = pl.multiple_of(p0a + ch * S, 8)
                for k in range(SG):
                    pltpu.sync_copy(colsp.at[pl.ds(g0 + k * 128, 128)],
                                    cidx.at[k])
                pltpu.sync_copy(laddrp.at[pl.ds(g0, S)], la_v)
                pltpu.sync_copy(wp.at[pl.ds(g0, S)], w_v)

                def fix(j, _):
                    sl = pl.ds(j * 16, 16)
                    gidx = g0 + j * 16 + ciota
                    ok = (gidx >= p0) & (gidx < p1)
                    w_v[sl] = jnp.where(ok, w_v[sl], 0.0)
                    k = j // 8
                    j2 = j % 8
                    sl2 = pl.ds(j2 * 16, 16)
                    cidx[k, sl2] = cidx[k, sl2] + nbase
                    return 0
                lax.fori_loop(0, S // 16, fix, 0)

                cps = [pltpu.async_copy(xcc.at[cidx.at[k]], xbuf.at[k], sem)
                       for k in range(SG)]
                for cp in cps:
                    cp.wait()

                def grp(k, _):
                    def grp2(jj, _):
                        base = k * 128 + jj * 16
                        a16 = la_v[pl.ds(base, 16)]
                        w16 = w_v[pl.ds(base, 16)]
                        for i in range(16):
                            ab = _lane_bcast(a16, i)
                            wb = _lane_bcast(w16, i)
                            for cc in range(2):
                                xrow = xbuf[k, jj * 16 + i, pl.ds(cc * 16, 16)]
                                plsc.addupdate_scatter(
                                    acc, [ab + ciota_sc[cc]], wb * xrow)
                        return 0
                    return lax.fori_loop(0, 8, grp2, 0)
                lax.fori_loop(0, SG, grp, 0)
                return 0
            lax.fori_loop(0, nch, ch_body, 0)

            for s in range(N_SYN):
                dst0 = ((s * NBC + nb) * NBLK + blk) * (C * RB)
                pltpu.sync_copy(
                    acc.at[pl.ds(s * C * RB, C * RB)],
                    y3.at[pl.ds(dst0, C * RB)])
            return 0
        lax.fori_loop(0, NBC, nb_body, 0)
        return 0
    lax.fori_loop(0, PASSES, pass_body, 0)


def _tc_contract_kernel(y_ref, f_ref, o_ref):
    for r in range(N_BASIS):
        z = f_ref[0, r] * y_ref[0, :, 0]
        for s in range(1, N_SYN):
            z = z + f_ref[s, r] * y_ref[s, :, 0]
        o_ref[r, 0] = z


def kernel(inp, weights, synaptic_weights, indices, syn_ids):
    b, t, n_in = inp.shape
    rows = indices[:, 0].astype(jnp.int32)
    cols = indices[:, 1].astype(jnp.int32)

    xT = inp.reshape(T, N_IN)
    xcc = xT.reshape(NBC, C, N_IN).transpose(0, 2, 1).reshape(NBC * N_IN, C)

    laddr = syn_ids.astype(jnp.int32) * (C * RB) + (rows % RB)
    pad = NNZ_P - NNZ
    colsp = jnp.pad(cols, (0, pad))
    laddrp = jnp.pad(laddr, (0, pad))
    wp = jnp.pad(weights, (0, pad))

    bounds = jnp.arange(0, N_NEURONS + 1, RB, dtype=jnp.int32)
    offs = jnp.zeros((72,), jnp.int32).at[:NBLK + 1].set(
        jnp.searchsorted(rows, bounds).astype(jnp.int32))

    mesh = plsc.VectorSubcoreMesh(core_axis_name="c", subcore_axis_name="s")
    y3 = pl.kernel(
        _sc_body,
        mesh=mesh,
        compiler_params=pltpu.CompilerParams(needs_layout_passes=False, use_tc_tiling_on_sc=False),
        out_type=jax.ShapeDtypeStruct((N_SYN * NBC * NBLK * C * RB,), jnp.float32),
        scratch_types=[
            pltpu.SMEM((72,), jnp.int32),
            pltpu.VMEM_SHARED((72,), jnp.int32),
            pltpu.VMEM((SG, 128), jnp.int32),
            pltpu.VMEM((S,), jnp.int32),
            pltpu.VMEM((S,), jnp.float32),
            pltpu.VMEM((SG, 128, C), jnp.float32),
            pltpu.VMEM((ACCW,), jnp.float32),
            pltpu.SemaphoreType.DMA,
        ],
    )(xcc, colsp, laddrp, wp, offs)

    y5 = y3.reshape(N_SYN, NBC, NBLK, C, RB)
    out6 = pl.pallas_call(
        _tc_contract_kernel,
        grid=(NBLK,),
        in_specs=[
            pl.BlockSpec((N_SYN, NBC, 1, C, RB), lambda i: (0, 0, i, 0, 0)),
            pl.BlockSpec(memory_space=pltpu.SMEM),
        ],
        out_specs=pl.BlockSpec((N_BASIS, 1, NBC, C, RB),
                               lambda i: (0, i, 0, 0, 0)),
        out_shape=jax.ShapeDtypeStruct((N_BASIS, NBLK, NBC, C, RB),
                                       jnp.float32),
    )(y5, synaptic_weights)

    return jnp.transpose(out6, (2, 3, 1, 4, 0)).reshape(
        b, t, N_NEURONS * N_BASIS)

# --- scband reference (transcript-rebuilt; emitter-appended) ---
"""Pipeline reference for scband-sparse-layer-27831388078549 (READ-ONLY COPY).

The authoritative reference and input builder live on the scoring server;
editing this copy changes nothing except your own understanding.
"""

import jax, jax.numpy as jnp
import numpy as np

N_NEURONS = 16384
N_IN = 16384
NNZ = 268435
N_BASIS = 5
N_SYN_TYPES = 10
B, T = 1, 256


def setup_inputs(seed: int = 0) -> dict:
    key = jax.random.key(seed)
    k1, k2, k3, k4, k5, k6 = jax.random.split(key, 6)
    rows = jnp.sort(jax.random.randint(k1, (NNZ,), 0, N_NEURONS))
    cols = jax.random.randint(k2, (NNZ,), 0, N_IN)
    indices = jnp.stack([rows, cols], axis=1)
    weights = jax.random.normal(k3, (NNZ,), dtype=jnp.float32)
    synaptic_weights = jax.random.uniform(k4, (N_SYN_TYPES, N_BASIS), dtype=jnp.float32)
    syn_ids = jax.random.randint(k5, (NNZ,), 0, N_SYN_TYPES)
    inp = jax.random.normal(k6, (B, T, N_IN), dtype=jnp.float32)
    return {"inp": inp, "weights": weights, "synaptic_weights": synaptic_weights,
            "indices": indices, "syn_ids": syn_ids}


def reference(inp, weights, synaptic_weights, indices, syn_ids):
    # Faithful translation of SparseLayer.call (direct path, batch < max_batch).
    rows = indices[:, 0]
    cols = indices[:, 1]
    factors = synaptic_weights[syn_ids]            # [NNZ, N_BASIS] gather
    b, t, n_in = inp.shape
    x = inp.reshape(b * t, n_in).T                 # [N_IN, batch]
    gathered = x[cols]                             # [NNZ, batch] gather (shared across basis)
    outs = []
    for r in range(N_BASIS):
        w_r = weights * factors[:, r]              # per-receptor scaled sparse weights
        contrib = gathered * w_r[:, None]          # [NNZ, batch]
        # sparse_dense_matmul(sparse[N_NEURONS, N_IN], x) == scatter-add over rows
        out_r = jax.ops.segment_sum(contrib, rows, num_segments=N_NEURONS)
        outs.append(out_r)
    i_in = jnp.stack(outs, axis=0)                 # [N_BASIS, N_NEURONS, batch]
    res = jnp.transpose(i_in, (2, 1, 0))           # [batch, N_NEURONS, N_BASIS]
    return res.reshape(b, t, N_NEURONS * N_BASIS)

if __name__ == "__main__":
    import jax
    _d = setup_inputs()
    print(jax.jit(kernel)(*tuple(_d.values())))

</pallas_src>

<mosaic_0001>
#map = affine_map<(d0, d1) -> (0, 0)>
#map1 = affine_map<(d0, d1) -> (0)>
module attributes {stable_mosaic.version = 14 : i64} {
  func.func @_sc_body(%arg0: i32, %arg1: i32, %arg2: memref<131072x32xf32, #tpu.memory_space<hbm>>, %arg3: memref<270336xi32, #tpu.memory_space<hbm>>, %arg4: memref<270336xi32, #tpu.memory_space<hbm>>, %arg5: memref<270336xf32, #tpu.memory_space<hbm>>, %arg6: memref<72xi32, #tpu.memory_space<hbm>>, %arg7: memref<41943040xf32, #tpu.memory_space<hbm>>, %arg8: memref<72xi32, #tpu.memory_space<smem>>, %arg9: memref<72xi32, #tpu.memory_space<vmem_shared>>, %arg10: memref<8x128xi32, #tpu.memory_space<vmem>>, %arg11: memref<1024xi32, #tpu.memory_space<vmem>>, %arg12: memref<1024xf32, #tpu.memory_space<vmem>>, %arg13: memref<8x128x32xf32, #tpu.memory_space<vmem>>, %arg14: memref<81920xf32, #tpu.memory_space<vmem>>, %arg15: memref<!tpu.dma_semaphore, #tpu.memory_space<semaphore_mem>>) attributes {dimension_semantics = [#tpu.dimension_semantics<core_parallel>, #tpu.dimension_semantics<subcore_parallel>], iteration_bounds = array<i64: 2, 16>, scalar_prefetch = 0 : i64, scratch_operands = 8 : i64, tpu.core_type = #tpu.core_type<sc_vector_subcore>, window_params = [{transform_indices = #map}, {transform_indices = #map1}, {transform_indices = #map1}, {transform_indices = #map1}, {transform_indices = #map1}, {transform_indices = #map1}]} {
    %mul3A = arith.constant 16 : i32
    %mul3A_0 = arith.muli %arg0, %mul3A : i32
    %add3A = arith.addi %mul3A_0, %arg1 : i32
    %eq3A = arith.constant 0 : i32
    %eq3A_1 = arith.cmpi eq, %arg1, %eq3A : i32
    %convert_element_type3A = arith.extui %eq3A_1 : i1 to i32
    %cond3A = arith.constant 0 : i32
    %cond3A_2 = arith.cmpi ne, %convert_element_type3A, %cond3A : i32
    scf.if %cond3A_2 {
      "tpu.region"() ({
        %run_scoped3A = tpu.sem_alloc : memref<!tpu.dma_semaphore, #tpu.memory_space<semaphore_mem>>
        tpu.enqueue_dma source(%arg6 : memref<72xi32, #tpu.memory_space<hbm>>) target(%arg9 : memref<72xi32, #tpu.memory_space<vmem_shared>>) target_semaphore(%run_scoped3A : memref<!tpu.dma_semaphore, #tpu.memory_space<semaphore_mem>>)
        tpu.wait_dma2 semaphore(%run_scoped3A : memref<!tpu.dma_semaphore, #tpu.memory_space<semaphore_mem>>) src(%arg6 : memref<72xi32, #tpu.memory_space<hbm>>) dst(%arg9 : memref<72xi32, #tpu.memory_space<vmem_shared>>)
        tpu.yield
      }) : () -> ()
    } else {
    }
    %barrier3A = arith.constant 0 : index
    tpu.barrier barrier_id(%barrier3A)
    "tpu.region"() ({
      %run_scoped3A = tpu.sem_alloc : memref<!tpu.dma_semaphore, #tpu.memory_space<semaphore_mem>>
      tpu.enqueue_dma source(%arg9 : memref<72xi32, #tpu.memory_space<vmem_shared>>) target(%arg8 : memref<72xi32, #tpu.memory_space<smem>>) target_semaphore(%run_scoped3A : memref<!tpu.dma_semaphore, #tpu.memory_space<semaphore_mem>>)
      tpu.wait_dma2 semaphore(%run_scoped3A : memref<!tpu.dma_semaphore, #tpu.memory_space<semaphore_mem>>) src(%arg9 : memref<72xi32, #tpu.memory_space<vmem_shared>>) dst(%arg8 : memref<72xi32, #tpu.memory_space<smem>>)
      tpu.yield
    }) : () -> ()
    %iota3A = tpu.iota {dimensions = array<i32: 0>} : vector<16xi32>
    %mul3A_3 = arith.constant 256 : i32
    %mul3A_4 = vector.broadcast %mul3A_3 : i32 to vector<16xi32>
    %mul3A_5 = arith.muli %iota3A, %mul3A_4 : vector<16xi32>
    %add3A_6 = arith.constant 16 : i32
    %add3A_7 = vector.broadcast %add3A_6 : i32 to vector<16xi32>
    %add3A_8 = arith.addi %iota3A, %add3A_7 : vector<16xi32>
    %mul3A_9 = arith.constant 256 : i32
    %mul3A_10 = vector.broadcast %mul3A_9 : i32 to vector<16xi32>
    %mul3A_11 = arith.muli %add3A_8, %mul3A_10 : vector<16xi32>
    %scan3A = arith.constant 0 : i32
    %scan3A_12 = arith.constant 0 : i32
    %scan3A_13 = arith.constant 2 : i32
    %scan3A_14 = arith.addi %scan3A_12, %scan3A_13 : i32
    %scan3A_15 = arith.constant 1 : i32
    %scan3A_16 = scf.for %scan3A_18 = %scan3A_12 to %scan3A_14 step %scan3A_15 iter_args(%scan3A_19 = %scan3A) -> (i32)  : i32 {
      %mul3A_20 = arith.constant 2 : i32
      %mul3A_21 = arith.muli %add3A, %mul3A_20 : i32
      %add3A_22 = arith.addi %mul3A_21, %scan3A_18 : i32
      %get3A = arith.index_cast %add3A_22 : i32 to index
      %get3A_23 = memref.load %arg8[%get3A] : memref<72xi32, #tpu.memory_space<smem>>
      %add3A_24 = arith.constant 1 : i32
      %add3A_25 = arith.addi %add3A_22, %add3A_24 : i32
      %get3A_26 = arith.index_cast %add3A_25 : i32 to index
      %get3A_27 = memref.load %arg8[%get3A_26] : memref<72xi32, #tpu.memory_space<smem>>
      %and3A = arith.constant -8 : i32
      %and3A_28 = arith.andi %get3A_23, %and3A : i32
      %sub3A = arith.subi %get3A_27, %and3A_28 : i32
      %add3A_29 = arith.constant 1024 : i32
      %add3A_30 = arith.addi %sub3A, %add3A_29 : i32
      %sub3A_31 = arith.constant 1 : i32
      %sub3A_32 = arith.subi %add3A_30, %sub3A_31 : i32
      %jit3A = arith.constant 1024 : i32
      %div3A = arith.divsi %sub3A_32, %jit3A : i32
      %sign3A = arith.constant 0 : i32
      %sign3A_33 = arith.cmpi sgt, %sub3A_32, %sign3A : i32
      %sign3A_34 = arith.extui %sign3A_33 : i1 to i32
      %sign3A_35 = arith.constant 0 : i32
      %sign3A_36 = arith.cmpi slt, %sub3A_32, %sign3A_35 : i32
      %sign3A_37 = arith.extui %sign3A_36 : i1 to i32
      %sign3A_38 = arith.subi %sign3A_34, %sign3A_37 : i32
      %sign3A_39 = arith.constant 0 : i32
      %sign3A_40 = arith.cmpi sgt, %jit3A, %sign3A_39 : i32
      %sign3A_41 = arith.extui %sign3A_40 : i1 to i32
      %sign3A_42 = arith.constant 0 : i32
      %sign3A_43 = arith.cmpi slt, %jit3A, %sign3A_42 : i32
      %sign3A_44 = arith.extui %sign3A_43 : i1 to i32
      %sign3A_45 = arith.subi %sign3A_41, %sign3A_44 : i32
      %ne3A = arith.cmpi ne, %sign3A_38, %sign3A_45 : i32
      %rem3A = arith.remsi %sub3A_32, %jit3A : i32
      %ne3A_46 = arith.constant 0 : i32
      %ne3A_47 = arith.cmpi ne, %rem3A, %ne3A_46 : i32
      %and3A_48 = arith.andi %ne3A, %ne3A_47 : i1
      %sub3A_49 = arith.constant 1 : i32
      %sub3A_50 = arith.subi %div3A, %sub3A_49 : i32
      %select_n3A = arith.select %and3A_48, %sub3A_50, %div3A : i32
      %scan3A_51 = arith.constant 0 : i32
      %scan3A_52 = arith.constant 0 : i32
      %scan3A_53 = arith.constant 8 : i32
      %scan3A_54 = arith.addi %scan3A_52, %scan3A_53 : i32
      %scan3A_55 = arith.constant 1 : i32
      %scan3A_56 = scf.for %scan3A_59 = %scan3A_52 to %scan3A_54 step %scan3A_55 iter_args(%scan3A_60 = %scan3A_51) -> (i32)  : i32 {
        %scan3A_61 = arith.constant 0 : i32
        %scan3A_62 = arith.constant 0 : i32
        %scan3A_63 = arith.constant 5120 : i32
        %scan3A_64 = arith.addi %scan3A_62, %scan3A_63 : i32
        %scan3A_65 = arith.constant 1 : i32
        %scan3A_66 = scf.for %scan3A_152 = %scan3A_62 to %scan3A_64 step %scan3A_65 iter_args(%scan3A_153 = %scan3A_61) -> (i32)  : i32 {
          %broadcast_in_dim3A = arith.constant 0.000000e+00 : f32
          %broadcast_in_dim3A_154 = vector.broadcast %broadcast_in_dim3A : f32 to vector<16xf32>
          %mul3A_155 = arith.constant 16 : i32
          %mul3A_156 = arith.muli %scan3A_152, %mul3A_155 : i32
          %swap3A = arith.index_cast %mul3A_156 : i32 to index
          %swap3A_157 = tpu.vector_load %arg14[%swap3A] {strides = array<i32>} : memref<81920xf32, #tpu.memory_space<vmem>>, vector<16xf32>,
          tpu.vector_store %arg14[%swap3A], %broadcast_in_dim3A_154 {strides = array<i32>} : memref<81920xf32, #tpu.memory_space<vmem>>, vector<16xf32>,
          %scan3A_158 = arith.constant 0 : i32
          scf.yield %scan3A_158 : i32
        }
        %scan3A_67 = arith.constant 5120 : i32
        %mul3A_68 = arith.constant 16384 : i32
        %mul3A_69 = arith.muli %scan3A_59, %mul3A_68 : i32
        %while3A = arith.constant 0 : i32
        %while3A_70 = arith.constant 0 : i32
        %while3A_71 = arith.subi %select_n3A, %while3A : i32
        %while3A_72 = arith.addi %while3A, %while3A_71 : i32
        %while3A_73 = arith.constant 1 : i32
        %while3A_74 = arith.divsi %while3A_71, %while3A_73 : i32
        %while3A_75 = arith.muli %while3A_74, %while3A_73 : i32
        %while3A_76 = arith.addi %while3A, %while3A_75 : i32
        %while3A_77 = arith.constant 1 : i32
        %while3A_78 = scf.for %while3A_152 = %while3A to %while3A_76 step %while3A_77 iter_args(%while3A_153 = %while3A_70) -> (i32)  : i32 {
          %mul3A_154 = arith.constant 1024 : i32
          %mul3A_155 = arith.muli %while3A_152, %mul3A_154 : i32
          %add3A_156 = arith.addi %and3A_28, %mul3A_155 : i32
          %multiple_of3A = tpu.assume_multiple %add3A_156, 8 : i32
          %add3A_157 = arith.constant 0 : i32
          %add3A_158 = arith.addi %multiple_of3A, %add3A_157 : i32
          %run_scoped3A = arith.constant 0 : i32
          "tpu.region"() ({
            %run_scoped3A_385 = tpu.sem_alloc : memref<!tpu.dma_semaphore, #tpu.memory_space<semaphore_mem>>
            %dma_start3A_386 = arith.constant 0 : i32
            %dma_start3A_387 = tpu.memref_slice %arg10[%run_scoped3A, %dma_start3A_386] : memref<8x128xi32, #tpu.memory_space<vmem>> -> memref<1x128xi32, #tpu.memory_space<vmem>>
            %dma_start3A_388 = tpu.memref_squeeze %dma_start3A_387 : memref<1x128xi32, #tpu.memory_space<vmem>> -> memref<128xi32, #tpu.memory_space<vmem>>
            %dma_start3A_389 = tpu.memref_slice %arg3[%add3A_158] : memref<270336xi32, #tpu.memory_space<hbm>> -> memref<128xi32, #tpu.memory_space<hbm>>
            %dma_start3A_390 = arith.constant 0 : i32
            %dma_start3A_391 = tpu.memref_slice %arg10[%run_scoped3A, %dma_start3A_390] : memref<8x128xi32, #tpu.memory_space<vmem>> -> memref<1x128xi32, #tpu.memory_space<vmem>>
            %dma_start3A_392 = tpu.memref_squeeze %dma_start3A_391 : memref<1x128xi32, #tpu.memory_space<vmem>> -> memref<128xi32, #tpu.memory_space<vmem>>
            %dma_start3A_393 = tpu.memref_slice %arg3[%add3A_158] : memref<270336xi32, #tpu.memory_space<hbm>> -> memref<128xi32, #tpu.memory_space<hbm>>
            tpu.enqueue_dma source(%dma_start3A_393 : memref<128xi32, #tpu.memory_space<hbm>>) target(%dma_start3A_392 : memref<128xi32, #tpu.memory_space<vmem>>) target_semaphore(%run_scoped3A_385 : memref<!tpu.dma_semaphore, #tpu.memory_space<semaphore_mem>>)
            %dma_wait3A_394 = arith.constant 0 : i32
            %dma_wait3A_395 = tpu.memref_slice %arg10[%run_scoped3A, %dma_wait3A_394] : memref<8x128xi32, #tpu.memory_space<vmem>> -> memref<1x128xi32, #tpu.memory_space<vmem>>
            %dma_wait3A_396 = tpu.memref_squeeze %dma_wait3A_395 : memref<1x128xi32, #tpu.memory_space<vmem>> -> memref<128xi32, #tpu.memory_space<vmem>>
            %dma_wait3A_397 = tpu.memref_slice %arg3[%add3A_158] : memref<270336xi32, #tpu.memory_space<hbm>> -> memref<128xi32, #tpu.memory_space<hbm>>
            %dma_wait3A_398 = arith.constant 0 : i32
            %dma_wait3A_399 = tpu.memref_slice %arg10[%run_scoped3A, %dma_wait3A_398] : memref<8x128xi32, #tpu.memory_space<vmem>> -> memref<1x128xi32, #tpu.memory_space<vmem>>
            %dma_wait3A_400 = tpu.memref_squeeze %dma_wait3A_399 : memref<1x128xi32, #tpu.memory_space<vmem>> -> memref<128xi32, #tpu.memory_space<vmem>>
            %dma_wait3A_401 = tpu.memref_slice %arg3[%add3A_158] : memref<270336xi32, #tpu.memory_space<hbm>> -> memref<128xi32, #tpu.memory_space<hbm>>
            tpu.wait_dma2 semaphore(%run_scoped3A_385 : memref<!tpu.dma_semaphore, #tpu.memory_space<semaphore_mem>>) src(%dma_wait3A_401 : memref<128xi32, #tpu.memory_space<hbm>>) dst(%dma_wait3A_400 : memref<128xi32, #tpu.memory_space<vmem>>)
            tpu.yield
          }) : () -> ()
          %add3A_159 = arith.constant 128 : i32
          %add3A_160 = arith.addi %multiple_of3A, %add3A_159 : i32
          %run_scoped3A_161 = arith.constant 1 : i32
          "tpu.region"() ({
            %run_scoped3A_385 = tpu.sem_alloc : memref<!tpu.dma_semaphore, #tpu.memory_space<semaphore_mem>>
            %dma_start3A_386 = arith.constant 0 : i32
            %dma_start3A_387 = tpu.memref_slice %arg10[%run_scoped3A_161, %dma_start3A_386] : memref<8x128xi32, #tpu.memory_space<vmem>> -> memref<1x128xi32, #tpu.memory_space<vmem>>
            %dma_start3A_388 = tpu.memref_squeeze %dma_start3A_387 : memref<1x128xi32, #tpu.memory_space<vmem>> -> memref<128xi32, #tpu.memory_space<vmem>>
            %dma_start3A_389 = tpu.memref_slice %arg3[%add3A_160] : memref<270336xi32, #tpu.memory_space<hbm>> -> memref<128xi32, #tpu.memory_space<hbm>>
            %dma_start3A_390 = arith.constant 0 : i32
            %dma_start3A_391 = tpu.memref_slice %arg10[%run_scoped3A_161, %dma_start3A_390] : memref<8x128xi32, #tpu.memory_space<vmem>> -> memref<1x128xi32, #tpu.memory_space<vmem>>
            %dma_start3A_392 = tpu.memref_squeeze %dma_start3A_391 : memref<1x128xi32, #tpu.memory_space<vmem>> -> memref<128xi32, #tpu.memory_space<vmem>>
            %dma_start3A_393 = tpu.memref_slice %arg3[%add3A_160] : memref<270336xi32, #tpu.memory_space<hbm>> -> memref<128xi32, #tpu.memory_space<hbm>>
            tpu.enqueue_dma source(%dma_start3A_393 : memref<128xi32, #tpu.memory_space<hbm>>) target(%dma_start3A_392 : memref<128xi32, #tpu.memory_space<vmem>>) target_semaphore(%run_scoped3A_385 : memref<!tpu.dma_semaphore, #tpu.memory_space<semaphore_mem>>)
            %dma_wait3A_394 = arith.constant 0 : i32
            %dma_wait3A_395 = tpu.memref_slice %arg10[%run_scoped3A_161, %dma_wait3A_394] : memref<8x128xi32, #tpu.memory_space<vmem>> -> memref<1x128xi32, #tpu.memory_space<vmem>>
            %dma_wait3A_396 = tpu.memref_squeeze %dma_wait3A_395 : memref<1x128xi32, #tpu.memory_space<vmem>> -> memref<128xi32, #tpu.memory_space<vmem>>
            %dma_wait3A_397 = tpu.memref_slice %arg3[%add3A_160] : memref<270336xi32, #tpu.memory_space<hbm>> -> memref<128xi32, #tpu.memory_space<hbm>>
            %dma_wait3A_398 = arith.constant 0 : i32
            %dma_wait3A_399 = tpu.memref_slice %arg10[%run_scoped3A_161, %dma_wait3A_398] : memref<8x128xi32, #tpu.memory_space<vmem>> -> memref<1x128xi32, #tpu.memory_space<vmem>>
            %dma_wait3A_400 = tpu.memref_squeeze %dma_wait3A_399 : memref<1x128xi32, #tpu.memory_space<vmem>> -> memref<128xi32, #tpu.memory_space<vmem>>
            %dma_wait3A_401 = tpu.memref_slice %arg3[%add3A_160] : memref<270336xi32, #tpu.memory_space<hbm>> -> memref<128xi32, #tpu.memory_space<hbm>>
            tpu.wait_dma2 semaphore(%run_scoped3A_385 : memref<!tpu.dma_semaphore, #tpu.memory_space<semaphore_mem>>) src(%dma_wait3A_401 : memref<128xi32, #tpu.memory_space<hbm>>) dst(%dma_wait3A_400 : memref<128xi32, #tpu.memory_space<vmem>>)
            tpu.yield
          }) : () -> ()
          %add3A_162 = arith.constant 256 : i32
          %add3A_163 = arith.addi %multiple_of3A, %add3A_162 : i32
          %run_scoped3A_164 = arith.constant 2 : i32
          "tpu.region"() ({
            %run_scoped3A_385 = tpu.sem_alloc : memref<!tpu.dma_semaphore, #tpu.memory_space<semaphore_mem>>
            %dma_start3A_386 = arith.constant 0 : i32
            %dma_start3A_387 = tpu.memref_slice %arg10[%run_scoped3A_164, %dma_start3A_386] : memref<8x128xi32, #tpu.memory_space<vmem>> -> memref<1x128xi32, #tpu.memory_space<vmem>>
            %dma_start3A_388 = tpu.memref_squeeze %dma_start3A_387 : memref<1x128xi32, #tpu.memory_space<vmem>> -> memref<128xi32, #tpu.memory_space<vmem>>
            %dma_start3A_389 = tpu.memref_slice %arg3[%add3A_163] : memref<270336xi32, #tpu.memory_space<hbm>> -> memref<128xi32, #tpu.memory_space<hbm>>
            %dma_start3A_390 = arith.constant 0 : i32
            %dma_start3A_391 = tpu.memref_slice %arg10[%run_scoped3A_164, %dma_start3A_390] : memref<8x128xi32, #tpu.memory_space<vmem>> -> memref<1x128xi32, #tpu.memory_space<vmem>>
            %dma_start3A_392 = tpu.memref_squeeze %dma_start3A_391 : memref<1x128xi32, #tpu.memory_space<vmem>> -> memref<128xi32, #tpu.memory_space<vmem>>
            %dma_start3A_393 = tpu.memref_slice %arg3[%add3A_163] : memref<270336xi32, #tpu.memory_space<hbm>> -> memref<128xi32, #tpu.memory_space<hbm>>
            tpu.enqueue_dma source(%dma_start3A_393 : memref<128xi32, #tpu.memory_space<hbm>>) target(%dma_start3A_392 : memref<128xi32, #tpu.memory_space<vmem>>) target_semaphore(%run_scoped3A_385 : memref<!tpu.dma_semaphore, #tpu.memory_space<semaphore_mem>>)
            %dma_wait3A_394 = arith.constant 0 : i32
            %dma_wait3A_395 = tpu.memref_slice %arg10[%run_scoped3A_164, %dma_wait3A_394] : memref<8x128xi32, #tpu.memory_space<vmem>> -> memref<1x128xi32, #tpu.memory_space<vmem>>
            %dma_wait3A_396 = tpu.memref_squeeze %dma_wait3A_395 : memref<1x128xi32, #tpu.memory_space<vmem>> -> memref<128xi32, #tpu.memory_space<vmem>>
            %dma_wait3A_397 = tpu.memref_slice %arg3[%add3A_163] : memref<270336xi32, #tpu.memory_space<hbm>> -> memref<128xi32, #tpu.memory_space<hbm>>
            %dma_wait3A_398 = arith.constant 0 : i32
            %dma_wait3A_399 = tpu.memref_slice %arg10[%run_scoped3A_164, %dma_wait3A_398] : memref<8x128xi32, #tpu.memory_space<vmem>> -> memref<1x128xi32, #tpu.memory_space<vmem>>
            %dma_wait3A_400 = tpu.memref_squeeze %dma_wait3A_399 : memref<1x128xi32, #tpu.memory_space<vmem>> -> memref<128xi32, #tpu.memory_space<vmem>>
            %dma_wait3A_401 = tpu.memref_slice %arg3[%add3A_163] : memref<270336xi32, #tpu.memory_space<hbm>> -> memref<128xi32, #tpu.memory_space<hbm>>
            tpu.wait_dma2 semaphore(%run_scoped3A_385 : memref<!tpu.dma_semaphore, #tpu.memory_space<semaphore_mem>>) src(%dma_wait3A_401 : memref<128xi32, #tpu.memory_space<hbm>>) dst(%dma_wait3A_400 : memref<128xi32, #tpu.memory_space<vmem>>)
            tpu.yield
          }) : () -> ()
          %add3A_165 = arith.constant 384 : i32
          %add3A_166 = arith.addi %multiple_of3A, %add3A_165 : i32
          %run_scoped3A_167 = arith.constant 3 : i32
          "tpu.region"() ({
            %run_scoped3A_385 = tpu.sem_alloc : memref<!tpu.dma_semaphore, #tpu.memory_space<semaphore_mem>>
            %dma_start3A_386 = arith.constant 0 : i32
            %dma_start3A_387 = tpu.memref_slice %arg10[%run_scoped3A_167, %dma_start3A_386] : memref<8x128xi32, #tpu.memory_space<vmem>> -> memref<1x128xi32, #tpu.memory_space<vmem>>
            %dma_start3A_388 = tpu.memref_squeeze %dma_start3A_387 : memref<1x128xi32, #tpu.memory_space<vmem>> -> memref<128xi32, #tpu.memory_space<vmem>>
            %dma_start3A_389 = tpu.memref_slice %arg3[%add3A_166] : memref<270336xi32, #tpu.memory_space<hbm>> -> memref<128xi32, #tpu.memory_space<hbm>>
            %dma_start3A_390 = arith.constant 0 : i32
            %dma_start3A_391 = tpu.memref_slice %arg10[%run_scoped3A_167, %dma_start3A_390] : memref<8x128xi32, #tpu.memory_space<vmem>> -> memref<1x128xi32, #tpu.memory_space<vmem>>
            %dma_start3A_392 = tpu.memref_squeeze %dma_start3A_391 : memref<1x128xi32, #tpu.memory_space<vmem>> -> memref<128xi32, #tpu.memory_space<vmem>>
            %dma_start3A_393 = tpu.memref_slice %arg3[%add3A_166] : memref<270336xi32, #tpu.memory_space<hbm>> -> memref<128xi32, #tpu.memory_space<hbm>>
            tpu.enqueue_dma source(%dma_start3A_393 : memref<128xi32, #tpu.memory_space<hbm>>) target(%dma_start3A_392 : memref<128xi32, #tpu.memory_space<vmem>>) target_semaphore(%run_scoped3A_385 : memref<!tpu.dma_semaphore, #tpu.memory_space<semaphore_mem>>)
            %dma_wait3A_394 = arith.constant 0 : i32
            %dma_wait3A_395 = tpu.memref_slice %arg10[%run_scoped3A_167, %dma_wait3A_394] : memref<8x128xi32, #tpu.memory_space<vmem>> -> memref<1x128xi32, #tpu.memory_space<vmem>>
            %dma_wait3A_396 = tpu.memref_squeeze %dma_wait3A_395 : memref<1x128xi32, #tpu.memory_space<vmem>> -> memref<128xi32, #tpu.memory_space<vmem>>
            %dma_wait3A_397 = tpu.memref_slice %arg3[%add3A_166] : memref<270336xi32, #tpu.memory_space<hbm>> -> memref<128xi32, #tpu.memory_space<hbm>>
            %dma_wait3A_398 = arith.constant 0 : i32
            %dma_wait3A_399 = tpu.memref_slice %arg10[%run_scoped3A_167, %dma_wait3A_398] : memref<8x128xi32, #tpu.memory_space<vmem>> -> memref<1x128xi32, #tpu.memory_space<vmem>>
            %dma_wait3A_400 = tpu.memref_squeeze %dma_wait3A_399 : memref<1x128xi32, #tpu.memory_space<vmem>> -> memref<128xi32, #tpu.memory_space<vmem>>
            %dma_wait3A_401 = tpu.memref_slice %arg3[%add3A_166] : memref<270336xi32, #tpu.memory_space<hbm>> -> memref<128xi32, #tpu.memory_space<hbm>>
            tpu.wait_dma2 semaphore(%run_scoped3A_385 : memref<!tpu.dma_semaphore, #tpu.memory_space<semaphore_mem>>) src(%dma_wait3A_401 : memref<128xi32, #tpu.memory_space<hbm>>) dst(%dma_wait3A_400 : memref<128xi32, #tpu.memory_space<vmem>>)
            tpu.yield
          }) : () -> ()
          %add3A_168 = arith.constant 512 : i32
          %add3A_169 = arith.addi %multiple_of3A, %add3A_168 : i32
          %run_scoped3A_170 = arith.constant 4 : i32
          "tpu.region"() ({
            %run_scoped3A_385 = tpu.sem_alloc : memref<!tpu.dma_semaphore, #tpu.memory_space<semaphore_mem>>
            %dma_start3A_386 = arith.constant 0 : i32
            %dma_start3A_387 = tpu.memref_slice %arg10[%run_scoped3A_170, %dma_start3A_386] : memref<8x128xi32, #tpu.memory_space<vmem>> -> memref<1x128xi32, #tpu.memory_space<vmem>>
            %dma_start3A_388 = tpu.memref_squeeze %dma_start3A_387 : memref<1x128xi32, #tpu.memory_space<vmem>> -> memref<128xi32, #tpu.memory_space<vmem>>
            %dma_start3A_389 = tpu.memref_slice %arg3[%add3A_169] : memref<270336xi32, #tpu.memory_space<hbm>> -> memref<128xi32, #tpu.memory_space<hbm>>
            %dma_start3A_390 = arith.constant 0 : i32
            %dma_start3A_391 = tpu.memref_slice %arg10[%run_scoped3A_170, %dma_start3A_390] : memref<8x128xi32, #tpu.memory_space<vmem>> -> memref<1x128xi32, #tpu.memory_space<vmem>>
            %dma_start3A_392 = tpu.memref_squeeze %dma_start3A_391 : memref<1x128xi32, #tpu.memory_space<vmem>> -> memref<128xi32, #tpu.memory_space<vmem>>
            %dma_start3A_393 = tpu.memref_slice %arg3[%add3A_169] : memref<270336xi32, #tpu.memory_space<hbm>> -> memref<128xi32, #tpu.memory_space<hbm>>
            tpu.enqueue_dma source(%dma_start3A_393 : memref<128xi32, #tpu.memory_space<hbm>>) target(%dma_start3A_392 : memref<128xi32, #tpu.memory_space<vmem>>) target_semaphore(%run_scoped3A_385 : memref<!tpu.dma_semaphore, #tpu.memory_space<semaphore_mem>>)
            %dma_wait3A_394 = arith.constant 0 : i32
            %dma_wait3A_395 = tpu.memref_slice %arg10[%run_scoped3A_170, %dma_wait3A_394] : memref<8x128xi32, #tpu.memory_space<vmem>> -> memref<1x128xi32, #tpu.memory_space<vmem>>
            %dma_wait3A_396 = tpu.memref_squeeze %dma_wait3A_395 : memref<1x128xi32, #tpu.memory_space<vmem>> -> memref<128xi32, #tpu.memory_space<vmem>>
            %dma_wait3A_397 = tpu.memref_slice %arg3[%add3A_169] : memref<270336xi32, #tpu.memory_space<hbm>> -> memref<128xi32, #tpu.memory_space<hbm>>
            %dma_wait3A_398 = arith.constant 0 : i32
            %dma_wait3A_399 = tpu.memref_slice %arg10[%run_scoped3A_170, %dma_wait3A_398] : memref<8x128xi32, #tpu.memory_space<vmem>> -> memref<1x128xi32, #tpu.memory_space<vmem>>
            %dma_wait3A_400 = tpu.memref_squeeze %dma_wait3A_399 : memref<1x128xi32, #tpu.memory_space<vmem>> -> memref<128xi32, #tpu.memory_space<vmem>>
            %dma_wait3A_401 = tpu.memref_slice %arg3[%add3A_169] : memref<270336xi32, #tpu.memory_space<hbm>> -> memref<128xi32, #tpu.memory_space<hbm>>
            tpu.wait_dma2 semaphore(%run_scoped3A_385 : memref<!tpu.dma_semaphore, #tpu.memory_space<semaphore_mem>>) src(%dma_wait3A_401 : memref<128xi32, #tpu.memory_space<hbm>>) dst(%dma_wait3A_400 : memref<128xi32, #tpu.memory_space<vmem>>)
            tpu.yield
          }) : () -> ()
          %add3A_171 = arith.constant 640 : i32
          %add3A_172 = arith.addi %multiple_of3A, %add3A_171 : i32
          %run_scoped3A_173 = arith.constant 5 : i32
          "tpu.region"() ({
            %run_scoped3A_385 = tpu.sem_alloc : memref<!tpu.dma_semaphore, #tpu.memory_space<semaphore_mem>>
            %dma_start3A_386 = arith.constant 0 : i32
            %dma_start3A_387 = tpu.memref_slice %arg10[%run_scoped3A_173, %dma_start3A_386] : memref<8x128xi32, #tpu.memory_space<vmem>> -> memref<1x128xi32, #tpu.memory_space<vmem>>
            %dma_start3A_388 = tpu.memref_squeeze %dma_start3A_387 : memref<1x128xi32, #tpu.memory_space<vmem>> -> memref<128xi32, #tpu.memory_space<vmem>>
            %dma_start3A_389 = tpu.memref_slice %arg3[%add3A_172] : memref<270336xi32, #tpu.memory_space<hbm>> -> memref<128xi32, #tpu.memory_space<hbm>>
            %dma_start3A_390 = arith.constant 0 : i32
            %dma_start3A_391 = tpu.memref_slice %arg10[%run_scoped3A_173, %dma_start3A_390] : memref<8x128xi32, #tpu.memory_space<vmem>> -> memref<1x128xi32, #tpu.memory_space<vmem>>
            %dma_start3A_392 = tpu.memref_squeeze %dma_start3A_391 : memref<1x128xi32, #tpu.memory_space<vmem>> -> memref<128xi32, #tpu.memory_space<vmem>>
            %dma_start3A_393 = tpu.memref_slice %arg3[%add3A_172] : memref<270336xi32, #tpu.memory_space<hbm>> -> memref<128xi32, #tpu.memory_space<hbm>>
            tpu.enqueue_dma source(%dma_start3A_393 : memref<128xi32, #tpu.memory_space<hbm>>) target(%dma_start3A_392 : memref<128xi32, #tpu.memory_space<vmem>>) target_semaphore(%run_scoped3A_385 : memref<!tpu.dma_semaphore, #tpu.memory_space<semaphore_mem>>)
            %dma_wait3A_394 = arith.constant 0 : i32
            %dma_wait3A_395 = tpu.memref_slice %arg10[%run_scoped3A_173, %dma_wait3A_394] : memref<8x128xi32, #tpu.memory_space<vmem>> -> memref<1x128xi32, #tpu.memory_space<vmem>>
            %dma_wait3A_396 = tpu.memref_squeeze %dma_wait3A_395 : memref<1x128xi32, #tpu.memory_space<vmem>> -> memref<128xi32, #tpu.memory_space<vmem>>
            %dma_wait3A_397 = tpu.memref_slice %arg3[%add3A_172] : memref<270336xi32, #tpu.memory_space<hbm>> -> memref<128xi32, #tpu.memory_space<hbm>>
            %dma_wait3A_398 = arith.constant 0 : i32
            %dma_wait3A_399 = tpu.memref_slice %arg10[%run_scoped3A_173, %dma_wait3A_398] : memref<8x128xi32, #tpu.memory_space<vmem>> -> memref<1x128xi32, #tpu.memory_space<vmem>>
            %dma_wait3A_400 = tpu.memref_squeeze %dma_wait3A_399 : memref<1x128xi32, #tpu.memory_space<vmem>> -> memref<128xi32, #tpu.memory_space<vmem>>
            %dma_wait3A_401 = tpu.memref_slice %arg3[%add3A_172] : memref<270336xi32, #tpu.memory_space<hbm>> -> memref<128xi32, #tpu.memory_space<hbm>>
            tpu.wait_dma2 semaphore(%run_scoped3A_385 : memref<!tpu.dma_semaphore, #tpu.memory_space<semaphore_mem>>) src(%dma_wait3A_401 : memref<128xi32, #tpu.memory_space<hbm>>) dst(%dma_wait3A_400 : memref<128xi32, #tpu.memory_space<vmem>>)
            tpu.yield
          }) : () -> ()
          %add3A_174 = arith.constant 768 : i32
          %add3A_175 = arith.addi %multiple_of3A, %add3A_174 : i32
          %run_scoped3A_176 = arith.constant 6 : i32
          "tpu.region"() ({
            %run_scoped3A_385 = tpu.sem_alloc : memref<!tpu.dma_semaphore, #tpu.memory_space<semaphore_mem>>
            %dma_start3A_386 = arith.constant 0 : i32
            %dma_start3A_387 = tpu.memref_slice %arg10[%run_scoped3A_176, %dma_start3A_386] : memref<8x128xi32, #tpu.memory_space<vmem>> -> memref<1x128xi32, #tpu.memory_space<vmem>>
            %dma_start3A_388 = tpu.memref_squeeze %dma_start3A_387 : memref<1x128xi32, #tpu.memory_space<vmem>> -> memref<128xi32, #tpu.memory_space<vmem>>
            %dma_start3A_389 = tpu.memref_slice %arg3[%add3A_175] : memref<270336xi32, #tpu.memory_space<hbm>> -> memref<128xi32, #tpu.memory_space<hbm>>
            %dma_start3A_390 = arith.constant 0 : i32
            %dma_start3A_391 = tpu.memref_slice %arg10[%run_scoped3A_176, %dma_start3A_390] : memref<8x128xi32, #tpu.memory_space<vmem>> -> memref<1x128xi32, #tpu.memory_space<vmem>>
            %dma_start3A_392 = tpu.memref_squeeze %dma_start3A_391 : memref<1x128xi32, #tpu.memory_space<vmem>> -> memref<128xi32, #tpu.memory_space<vmem>>
            %dma_start3A_393 = tpu.memref_slice %arg3[%add3A_175] : memref<270336xi32, #tpu.memory_space<hbm>> -> memref<128xi32, #tpu.memory_space<hbm>>
            tpu.enqueue_dma source(%dma_start3A_393 : memref<128xi32, #tpu.memory_space<hbm>>) target(%dma_start3A_392 : memref<128xi32, #tpu.memory_space<vmem>>) target_semaphore(%run_scoped3A_385 : memref<!tpu.dma_semaphore, #tpu.memory_space<semaphore_mem>>)
            %dma_wait3A_394 = arith.constant 0 : i32
            %dma_wait3A_395 = tpu.memref_slice %arg10[%run_scoped3A_176, %dma_wait3A_394] : memref<8x128xi32, #tpu.memory_space<vmem>> -> memref<1x128xi32, #tpu.memory_space<vmem>>
            %dma_wait3A_396 = tpu.memref_squeeze %dma_wait3A_395 : memref<1x128xi32, #tpu.memory_space<vmem>> -> memref<128xi32, #tpu.memory_space<vmem>>
            %dma_wait3A_397 = tpu.memref_slice %arg3[%add3A_175] : memref<270336xi32, #tpu.memory_space<hbm>> -> memref<128xi32, #tpu.memory_space<hbm>>
            %dma_wait3A_398 = arith.constant 0 : i32
            %dma_wait3A_399 = tpu.memref_slice %arg10[%run_scoped3A_176, %dma_wait3A_398] : memref<8x128xi32, #tpu.memory_space<vmem>> -> memref<1x128xi32, #tpu.memory_space<vmem>>
            %dma_wait3A_400 = tpu.memref_squeeze %dma_wait3A_399 : memref<1x128xi32, #tpu.memory_space<vmem>> -> memref<128xi32, #tpu.memory_space<vmem>>
            %dma_wait3A_401 = tpu.memref_slice %arg3[%add3A_175] : memref<270336xi32, #tpu.memory_space<hbm>> -> memref<128xi32, #tpu.memory_space<hbm>>
            tpu.wait_dma2 semaphore(%run_scoped3A_385 : memref<!tpu.dma_semaphore, #tpu.memory_space<semaphore_mem>>) src(%dma_wait3A_401 : memref<128xi32, #tpu.memory_space<hbm>>) dst(%dma_wait3A_400 : memref<128xi32, #tpu.memory_space<vmem>>)
            tpu.yield
          }) : () -> ()
          %add3A_177 = arith.constant 896 : i32
          %add3A_178 = arith.addi %multiple_of3A, %add3A_177 : i32
          %run_scoped3A_179 = arith.constant 7 : i32
          "tpu.region"() ({
            %run_scoped3A_385 = tpu.sem_alloc : memref<!tpu.dma_semaphore, #tpu.memory_space<semaphore_mem>>
            %dma_start3A_386 = arith.constant 0 : i32
            %dma_start3A_387 = tpu.memref_slice %arg10[%run_scoped3A_179, %dma_start3A_386] : memref<8x128xi32, #tpu.memory_space<vmem>> -> memref<1x128xi32, #tpu.memory_space<vmem>>
            %dma_start3A_388 = tpu.memref_squeeze %dma_start3A_387 : memref<1x128xi32, #tpu.memory_space<vmem>> -> memref<128xi32, #tpu.memory_space<vmem>>
            %dma_start3A_389 = tpu.memref_slice %arg3[%add3A_178] : memref<270336xi32, #tpu.memory_space<hbm>> -> memref<128xi32, #tpu.memory_space<hbm>>
            %dma_start3A_390 = arith.constant 0 : i32
            %dma_start3A_391 = tpu.memref_slice %arg10[%run_scoped3A_179, %dma_start3A_390] : memref<8x128xi32, #tpu.memory_space<vmem>> -> memref<1x128xi32, #tpu.memory_space<vmem>>
            %dma_start3A_392 = tpu.memref_squeeze %dma_start3A_391 : memref<1x128xi32, #tpu.memory_space<vmem>> -> memref<128xi32, #tpu.memory_space<vmem>>
            %dma_start3A_393 = tpu.memref_slice %arg3[%add3A_178] : memref<270336xi32, #tpu.memory_space<hbm>> -> memref<128xi32, #tpu.memory_space<hbm>>
            tpu.enqueue_dma source(%dma_start3A_393 : memref<128xi32, #tpu.memory_space<hbm>>) target(%dma_start3A_392 : memref<128xi32, #tpu.memory_space<vmem>>) target_semaphore(%run_scoped3A_385 : memref<!tpu.dma_semaphore, #tpu.memory_space<semaphore_mem>>)
            %dma_wait3A_394 = arith.constant 0 : i32
            %dma_wait3A_395 = tpu.memref_slice %arg10[%run_scoped3A_179, %dma_wait3A_394] : memref<8x128xi32, #tpu.memory_space<vmem>> -> memref<1x128xi32, #tpu.memory_space<vmem>>
            %dma_wait3A_396 = tpu.memref_squeeze %dma_wait3A_395 : memref<1x128xi32, #tpu.memory_space<vmem>> -> memref<128xi32, #tpu.memory_space<vmem>>
            %dma_wait3A_397 = tpu.memref_slice %arg3[%add3A_178] : memref<270336xi32, #tpu.memory_space<hbm>> -> memref<128xi32, #tpu.memory_space<hbm>>
            %dma_wait3A_398 = arith.constant 0 : i32
            %dma_wait3A_399 = tpu.memref_slice %arg10[%run_scoped3A_179, %dma_wait3A_398] : memref<8x128xi32, #tpu.memory_space<vmem>> -> memref<1x128xi32, #tpu.memory_space<vmem>>
            %dma_wait3A_400 = tpu.memref_squeeze %dma_wait3A_399 : memref<1x128xi32, #tpu.memory_space<vmem>> -> memref<128xi32, #tpu.memory_space<vmem>>
            %dma_wait3A_401 = tpu.memref_slice %arg3[%add3A_178] : memref<270336xi32, #tpu.memory_space<hbm>> -> memref<128xi32, #tpu.memory_space<hbm>>
            tpu.wait_dma2 semaphore(%run_scoped3A_385 : memref<!tpu.dma_semaphore, #tpu.memory_space<semaphore_mem>>) src(%dma_wait3A_401 : memref<128xi32, #tpu.memory_space<hbm>>) dst(%dma_wait3A_400 : memref<128xi32, #tpu.memory_space<vmem>>)
            tpu.yield
          }) : () -> ()
          "tpu.region"() ({
            %run_scoped3A_385 = tpu.sem_alloc : memref<!tpu.dma_semaphore, #tpu.memory_space<semaphore_mem>>
            %dma_start3A_386 = tpu.memref_slice %arg4[%multiple_of3A] : memref<270336xi32, #tpu.memory_space<hbm>> -> memref<1024xi32, #tpu.memory_space<hbm>>
            %dma_start3A_387 = tpu.memref_slice %arg4[%multiple_of3A] : memref<270336xi32, #tpu.memory_space<hbm>> -> memref<1024xi32, #tpu.memory_space<hbm>>
            tpu.enqueue_dma source(%dma_start3A_387 : memref<1024xi32, #tpu.memory_space<hbm>>) target(%arg11 : memref<1024xi32, #tpu.memory_space<vmem>>) target_semaphore(%run_scoped3A_385 : memref<!tpu.dma_semaphore, #tpu.memory_space<semaphore_mem>>)
            %dma_wait3A_388 = tpu.memref_slice %arg4[%multiple_of3A] : memref<270336xi32, #tpu.memory_space<hbm>> -> memref<1024xi32, #tpu.memory_space<hbm>>
            %dma_wait3A_389 = tpu.memref_slice %arg4[%multiple_of3A] : memref<270336xi32, #tpu.memory_space<hbm>> -> memref<1024xi32, #tpu.memory_space<hbm>>
            tpu.wait_dma2 semaphore(%run_scoped3A_385 : memref<!tpu.dma_semaphore, #tpu.memory_space<semaphore_mem>>) src(%dma_wait3A_389 : memref<1024xi32, #tpu.memory_space<hbm>>) dst(%arg11 : memref<1024xi32, #tpu.memory_space<vmem>>)
            tpu.yield
          }) : () -> ()
          "tpu.region"() ({
            %run_scoped3A_385 = tpu.sem_alloc : memref<!tpu.dma_semaphore, #tpu.memory_space<semaphore_mem>>
            %dma_start3A_386 = tpu.memref_slice %arg5[%multiple_of3A] : memref<270336xf32, #tpu.memory_space<hbm>> -> memref<1024xf32, #tpu.memory_space<hbm>>
            %dma_start3A_387 = tpu.memref_slice %arg5[%multiple_of3A] : memref<270336xf32, #tpu.memory_space<hbm>> -> memref<1024xf32, #tpu.memory_space<hbm>>
            tpu.enqueue_dma source(%dma_start3A_387 : memref<1024xf32, #tpu.memory_space<hbm>>) target(%arg12 : memref<1024xf32, #tpu.memory_space<vmem>>) target_semaphore(%run_scoped3A_385 : memref<!tpu.dma_semaphore, #tpu.memory_space<semaphore_mem>>)
            %dma_wait3A_388 = tpu.memref_slice %arg5[%multiple_of3A] : memref<270336xf32, #tpu.memory_space<hbm>> -> memref<1024xf32, #tpu.memory_space<hbm>>
            %dma_wait3A_389 = tpu.memref_slice %arg5[%multiple_of3A] : memref<270336xf32, #tpu.memory_space<hbm>> -> memref<1024xf32, #tpu.memory_space<hbm>>
            tpu.wait_dma2 semaphore(%run_scoped3A_385 : memref<!tpu.dma_semaphore, #tpu.memory_space<semaphore_mem>>) src(%dma_wait3A_389 : memref<1024xf32, #tpu.memory_space<hbm>>) dst(%arg12 : memref<1024xf32, #tpu.memory_space<vmem>>)
            tpu.yield
          }) : () -> ()
          %scan3A_180 = arith.constant 0 : i32
          %scan3A_181 = arith.constant 0 : i32
          %scan3A_182 = arith.constant 64 : i32
          %scan3A_183 = arith.addi %scan3A_181, %scan3A_182 : i32
          %scan3A_184 = arith.constant 1 : i32
          %scan3A_185 = scf.for %scan3A_385 = %scan3A_181 to %scan3A_183 step %scan3A_184 iter_args(%scan3A_386 = %scan3A_180) -> (i32)  : i32 {
            %mul3A_387 = arith.constant 16 : i32
            %mul3A_388 = arith.muli %scan3A_385, %mul3A_387 : i32
            %mul3A_389 = arith.constant 16 : i32
            %mul3A_390 = arith.muli %scan3A_385, %mul3A_389 : i32
            %add3A_391 = arith.addi %multiple_of3A, %mul3A_390 : i32
            %add3A_392 = vector.broadcast %add3A_391 : i32 to vector<16xi32>
            %add3A_393 = arith.addi %add3A_392, %iota3A : vector<16xi32>
            %ge3A = vector.broadcast %get3A_23 : i32 to vector<16xi32>
            %ge3A_394 = arith.cmpi sge, %add3A_393, %ge3A : vector<16xi32>
            %lt3A = vector.broadcast %get3A_27 : i32 to vector<16xi32>
            %lt3A_395 = arith.cmpi slt, %add3A_393, %lt3A : vector<16xi32>
            %and3A_396 = arith.andi %ge3A_394, %lt3A_395 : vector<16xi1>
            %get3A_397 = arith.index_cast %mul3A_388 : i32 to index
            %get3A_398 = tpu.vector_load %arg12[%get3A_397] {strides = array<i32>} : memref<1024xf32, #tpu.memory_space<vmem>>, vector<16xf32>,
            %jit3A_399 = arith.constant 0.000000e+00 : f32
            %broadcast_in_dim3A = vector.broadcast %jit3A_399 : f32 to vector<16xf32>
            %select_n3A_400 = arith.select %and3A_396, %get3A_398, %broadcast_in_dim3A : vector<16xi1>, vector<16xf32>
            %swap3A = arith.index_cast %mul3A_388 : i32 to index
            %swap3A_401 = tpu.vector_load %arg12[%swap3A] {strides = array<i32>} : memref<1024xf32, #tpu.memory_space<vmem>>, vector<16xf32>,
            tpu.vector_store %arg12[%swap3A], %select_n3A_400 {strides = array<i32>} : memref<1024xf32, #tpu.memory_space<vmem>>, vector<16xf32>,
            %jit3A_402 = arith.constant 8 : i32
            %div3A_403 = arith.divsi %scan3A_385, %jit3A_402 : i32
            %sign3A_404 = arith.constant 0 : i32
            %sign3A_405 = arith.cmpi sgt, %scan3A_385, %sign3A_404 : i32
            %sign3A_406 = arith.extui %sign3A_405 : i1 to i32
            %sign3A_407 = arith.constant 0 : i32
            %sign3A_408 = arith.cmpi slt, %scan3A_385, %sign3A_407 : i32
            %sign3A_409 = arith.extui %sign3A_408 : i1 to i32
            %sign3A_410 = arith.subi %sign3A_406, %sign3A_409 : i32
            %sign3A_411 = arith.constant 0 : i32
            %sign3A_412 = arith.cmpi sgt, %jit3A_402, %sign3A_411 : i32
            %sign3A_413 = arith.extui %sign3A_412 : i1 to i32
            %sign3A_414 = arith.constant 0 : i32
            %sign3A_415 = arith.cmpi slt, %jit3A_402, %sign3A_414 : i32
            %sign3A_416 = arith.extui %sign3A_415 : i1 to i32
            %sign3A_417 = arith.subi %sign3A_413, %sign3A_416 : i32
            %ne3A_418 = arith.cmpi ne, %sign3A_410, %sign3A_417 : i32
            %rem3A_419 = arith.remsi %scan3A_385, %jit3A_402 : i32
            %ne3A_420 = arith.constant 0 : i32
            %ne3A_421 = arith.cmpi ne, %rem3A_419, %ne3A_420 : i32
            %and3A_422 = arith.andi %ne3A_418, %ne3A_421 : i1
            %sub3A_423 = arith.constant 1 : i32
            %sub3A_424 = arith.subi %div3A_403, %sub3A_423 : i32
            %select_n3A_425 = arith.select %and3A_422, %sub3A_424, %div3A_403 : i32
            %jit3A_426 = arith.constant 8 : i32
            %eq3A_427 = arith.constant 0 : i32
            %eq3A_428 = arith.cmpi eq, %jit3A_426, %eq3A_427 : i32
            %jit3A_429 = arith.constant 1 : i32
            %select_n3A_430 = arith.select %eq3A_428, %jit3A_429, %jit3A_426 : i32
            %rem3A_431 = arith.remsi %scan3A_385, %select_n3A_430 : i32
            %ne3A_432 = arith.constant 0 : i32
            %ne3A_433 = arith.cmpi ne, %rem3A_431, %ne3A_432 : i32
            %lt3A_434 = arith.constant 0 : i32
            %lt3A_435 = arith.cmpi slt, %rem3A_431, %lt3A_434 : i32
            %lt3A_436 = arith.constant 0 : i32
            %lt3A_437 = arith.cmpi slt, %select_n3A_430, %lt3A_436 : i32
            %ne3A_438 = arith.xori %lt3A_435, %lt3A_437 : i1
            %and3A_439 = arith.andi %ne3A_438, %ne3A_433 : i1
            %add3A_440 = arith.addi %rem3A_431, %select_n3A_430 : i32
            %select_n3A_441 = arith.select %and3A_439, %add3A_440, %rem3A_431 : i32
            %mul3A_442 = arith.constant 16 : i32
            %mul3A_443 = arith.muli %select_n3A_441, %mul3A_442 : i32
            %get3A_444 = arith.index_cast %select_n3A_425 : i32 to index
            %get3A_445 = arith.index_cast %mul3A_443 : i32 to index
            %get3A_446 = tpu.vector_load %arg10[%get3A_444, %get3A_445] {strides = array<i32>} : memref<8x128xi32, #tpu.memory_space<vmem>>, vector<16xi32>,
            %add3A_447 = vector.broadcast %mul3A_69 : i32 to vector<16xi32>
            %add3A_448 = arith.addi %get3A_446, %add3A_447 : vector<16xi32>
            %swap3A_449 = arith.index_cast %select_n3A_425 : i32 to index
            %swap3A_450 = arith.index_cast %mul3A_443 : i32 to index
            %swap3A_451 = tpu.vector_load %arg10[%swap3A_449, %swap3A_450] {strides = array<i32>} : memref<8x128xi32, #tpu.memory_space<vmem>>, vector<16xi32>,
            tpu.vector_store %arg10[%swap3A_449, %swap3A_450], %add3A_448 {strides = array<i32>} : memref<8x128xi32, #tpu.memory_space<vmem>>, vector<16xi32>,
            %scan3A_452 = arith.constant 0 : i32
            scf.yield %scan3A_452 : i32
          }
          %scan3A_186 = arith.constant 64 : i32
          %dma_start3A = arith.constant 0 : i32
          %dma_start3A_187 = arith.constant 0 : i32
          %dma_start3A_188 = arith.constant 0 : i32
          %dma_start3A_189 = arith.constant 0 : i32
          %dma_start3A_190 = tpu.memref_slice %arg13[%dma_start3A_187, %dma_start3A_188, %dma_start3A_189] : memref<8x128x32xf32, #tpu.memory_space<vmem>> -> memref<1x128x32xf32, #tpu.memory_space<vmem>>
          %dma_start3A_191 = tpu.memref_squeeze %dma_start3A_190 : memref<1x128x32xf32, #tpu.memory_space<vmem>> -> memref<128x32xf32, #tpu.memory_space<vmem>>
          %dma_start3A_192 = arith.constant 0 : i32
          %dma_start3A_193 = tpu.memref_slice %arg10[%dma_start3A, %dma_start3A_192] : memref<8x128xi32, #tpu.memory_space<vmem>> -> memref<1x128xi32, #tpu.memory_space<vmem>>
          %dma_start3A_194 = tpu.memref_squeeze %dma_start3A_193 : memref<1x128xi32, #tpu.memory_space<vmem>> -> memref<128xi32, #tpu.memory_space<vmem>>
          %dma_start3A_195 = arith.constant 0 : i32
          %dma_start3A_196 = arith.constant 0 : i32
          %dma_start3A_197 = tpu.memref_slice %arg2[%dma_start3A_195, %dma_start3A_196] : memref<131072x32xf32, #tpu.memory_space<hbm>> -> memref<131072x32xf32, #tpu.memory_space<hbm>>
          tpu.enqueue_indirect_dma source(%dma_start3A_197 : memref<131072x32xf32, #tpu.memory_space<hbm>>) target(%dma_start3A_191 : memref<128x32xf32, #tpu.memory_space<vmem>>) offsets(%dma_start3A_194 : memref<128xi32, #tpu.memory_space<vmem>>) semaphore(%arg15 : memref<!tpu.dma_semaphore, #tpu.memory_space<semaphore_mem>>)
          %dma_start3A_198 = arith.constant 1 : i32
          %dma_start3A_199 = arith.constant 1 : i32
          %dma_start3A_200 = arith.constant 0 : i32
          %dma_start3A_201 = arith.constant 0 : i32
          %dma_start3A_202 = tpu.memref_slice %arg13[%dma_start3A_199, %dma_start3A_200, %dma_start3A_201] : memref<8x128x32xf32, #tpu.memory_space<vmem>> -> memref<1x128x32xf32, #tpu.memory_space<vmem>>
          %dma_start3A_203 = tpu.memref_squeeze %dma_start3A_202 : memref<1x128x32xf32, #tpu.memory_space<vmem>> -> memref<128x32xf32, #tpu.memory_space<vmem>>
          %dma_start3A_204 = arith.constant 0 : i32
          %dma_start3A_205 = tpu.memref_slice %arg10[%dma_start3A_198, %dma_start3A_204] : memref<8x128xi32, #tpu.memory_space<vmem>> -> memref<1x128xi32, #tpu.memory_space<vmem>>
          %dma_start3A_206 = tpu.memref_squeeze %dma_start3A_205 : memref<1x128xi32, #tpu.memory_space<vmem>> -> memref<128xi32, #tpu.memory_space<vmem>>
          %dma_start3A_207 = arith.constant 0 : i32
          %dma_start3A_208 = arith.constant 0 : i32
          %dma_start3A_209 = tpu.memref_slice %arg2[%dma_start3A_207, %dma_start3A_208] : memref<131072x32xf32, #tpu.memory_space<hbm>> -> memref<131072x32xf32, #tpu.memory_space<hbm>>
          tpu.enqueue_indirect_dma source(%dma_start3A_209 : memref<131072x32xf32, #tpu.memory_space<hbm>>) target(%dma_start3A_203 : memref<128x32xf32, #tpu.memory_space<vmem>>) offsets(%dma_start3A_206 : memref<128xi32, #tpu.memory_space<vmem>>) semaphore(%arg15 : memref<!tpu.dma_semaphore, #tpu.memory_space<semaphore_mem>>)
          %dma_start3A_210 = arith.constant 2 : i32
          %dma_start3A_211 = arith.constant 2 : i32
          %dma_start3A_212 = arith.constant 0 : i32
          %dma_start3A_213 = arith.constant 0 : i32
          %dma_start3A_214 = tpu.memref_slice %arg13[%dma_start3A_211, %dma_start3A_212, %dma_start3A_213] : memref<8x128x32xf32, #tpu.memory_space<vmem>> -> memref<1x128x32xf32, #tpu.memory_space<vmem>>
          %dma_start3A_215 = tpu.memref_squeeze %dma_start3A_214 : memref<1x128x32xf32, #tpu.memory_space<vmem>> -> memref<128x32xf32, #tpu.memory_space<vmem>>
          %dma_start3A_216 = arith.constant 0 : i32
          %dma_start3A_217 = tpu.memref_slice %arg10[%dma_start3A_210, %dma_start3A_216] : memref<8x128xi32, #tpu.memory_space<vmem>> -> memref<1x128xi32, #tpu.memory_space<vmem>>
          %dma_start3A_218 = tpu.memref_squeeze %dma_start3A_217 : memref<1x128xi32, #tpu.memory_space<vmem>> -> memref<128xi32, #tpu.memory_space<vmem>>
          %dma_start3A_219 = arith.constant 0 : i32
          %dma_start3A_220 = arith.constant 0 : i32
          %dma_start3A_221 = tpu.memref_slice %arg2[%dma_start3A_219, %dma_start3A_220] : memref<131072x32xf32, #tpu.memory_space<hbm>> -> memref<131072x32xf32, #tpu.memory_space<hbm>>
          tpu.enqueue_indirect_dma source(%dma_start3A_221 : memref<131072x32xf32, #tpu.memory_space<hbm>>) target(%dma_start3A_215 : memref<128x32xf32, #tpu.memory_space<vmem>>) offsets(%dma_start3A_218 : memref<128xi32, #tpu.memory_space<vmem>>) semaphore(%arg15 : memref<!tpu.dma_semaphore, #tpu.memory_space<semaphore_mem>>)
          %dma_start3A_222 = arith.constant 3 : i32
          %dma_start3A_223 = arith.constant 3 : i32
          %dma_start3A_224 = arith.constant 0 : i32
          %dma_start3A_225 = arith.constant 0 : i32
          %dma_start3A_226 = tpu.memref_slice %arg13[%dma_start3A_223, %dma_start3A_224, %dma_start3A_225] : memref<8x128x32xf32, #tpu.memory_space<vmem>> -> memref<1x128x32xf32, #tpu.memory_space<vmem>>
          %dma_start3A_227 = tpu.memref_squeeze %dma_start3A_226 : memref<1x128x32xf32, #tpu.memory_space<vmem>> -> memref<128x32xf32, #tpu.memory_space<vmem>>
          %dma_start3A_228 = arith.constant 0 : i32
          %dma_start3A_229 = tpu.memref_slice %arg10[%dma_start3A_222, %dma_start3A_228] : memref<8x128xi32, #tpu.memory_space<vmem>> -> memref<1x128xi32, #tpu.memory_space<vmem>>
          %dma_start3A_230 = tpu.memref_squeeze %dma_start3A_229 : memref<1x128xi32, #tpu.memory_space<vmem>> -> memref<128xi32, #tpu.memory_space<vmem>>
          %dma_start3A_231 = arith.constant 0 : i32
          %dma_start3A_232 = arith.constant 0 : i32
          %dma_start3A_233 = tpu.memref_slice %arg2[%dma_start3A_231, %dma_start3A_232] : memref<131072x32xf32, #tpu.memory_space<hbm>> -> memref<131072x32xf32, #tpu.memory_space<hbm>>
          tpu.enqueue_indirect_dma source(%dma_start3A_233 : memref<131072x32xf32, #tpu.memory_space<hbm>>) target(%dma_start3A_227 : memref<128x32xf32, #tpu.memory_space<vmem>>) offsets(%dma_start3A_230 : memref<128xi32, #tpu.memory_space<vmem>>) semaphore(%arg15 : memref<!tpu.dma_semaphore, #tpu.memory_space<semaphore_mem>>)
          %dma_start3A_234 = arith.constant 4 : i32
          %dma_start3A_235 = arith.constant 4 : i32
          %dma_start3A_236 = arith.constant 0 : i32
          %dma_start3A_237 = arith.constant 0 : i32
          %dma_start3A_238 = tpu.memref_slice %arg13[%dma_start3A_235, %dma_start3A_236, %dma_start3A_237] : memref<8x128x32xf32, #tpu.memory_space<vmem>> -> memref<1x128x32xf32, #tpu.memory_space<vmem>>
          %dma_start3A_239 = tpu.memref_squeeze %dma_start3A_238 : memref<1x128x32xf32, #tpu.memory_space<vmem>> -> memref<128x32xf32, #tpu.memory_space<vmem>>
          %dma_start3A_240 = arith.constant 0 : i32
          %dma_start3A_241 = tpu.memref_slice %arg10[%dma_start3A_234, %dma_start3A_240] : memref<8x128xi32, #tpu.memory_space<vmem>> -> memref<1x128xi32, #tpu.memory_space<vmem>>
          %dma_start3A_242 = tpu.memref_squeeze %dma_start3A_241 : memref<1x128xi32, #tpu.memory_space<vmem>> -> memref<128xi32, #tpu.memory_space<vmem>>
          %dma_start3A_243 = arith.constant 0 : i32
          %dma_start3A_244 = arith.constant 0 : i32
          %dma_start3A_245 = tpu.memref_slice %arg2[%dma_start3A_243, %dma_start3A_244] : memref<131072x32xf32, #tpu.memory_space<hbm>> -> memref<131072x32xf32, #tpu.memory_space<hbm>>
          tpu.enqueue_indirect_dma source(%dma_start3A_245 : memref<131072x32xf32, #tpu.memory_space<hbm>>) target(%dma_start3A_239 : memref<128x32xf32, #tpu.memory_space<vmem>>) offsets(%dma_start3A_242 : memref<128xi32, #tpu.memory_space<vmem>>) semaphore(%arg15 : memref<!tpu.dma_semaphore, #tpu.memory_space<semaphore_mem>>)
          %dma_start3A_246 = arith.constant 5 : i32
          %dma_start3A_247 = arith.constant 5 : i32
          %dma_start3A_248 = arith.constant 0 : i32
          %dma_start3A_249 = arith.constant 0 : i32
          %dma_start3A_250 = tpu.memref_slice %arg13[%dma_start3A_247, %dma_start3A_248, %dma_start3A_249] : memref<8x128x32xf32, #tpu.memory_space<vmem>> -> memref<1x128x32xf32, #tpu.memory_space<vmem>>
          %dma_start3A_251 = tpu.memref_squeeze %dma_start3A_250 : memref<1x128x32xf32, #tpu.memory_space<vmem>> -> memref<128x32xf32, #tpu.memory_space<vmem>>
          %dma_start3A_252 = arith.constant 0 : i32
          %dma_start3A_253 = tpu.memref_slice %arg10[%dma_start3A_246, %dma_start3A_252] : memref<8x128xi32, #tpu.memory_space<vmem>> -> memref<1x128xi32, #tpu.memory_space<vmem>>
          %dma_start3A_254 = tpu.memref_squeeze %dma_start3A_253 : memref<1x128xi32, #tpu.memory_space<vmem>> -> memref<128xi32, #tpu.memory_space<vmem>>
          %dma_start3A_255 = arith.constant 0 : i32
          %dma_start3A_256 = arith.constant 0 : i32
          %dma_start3A_257 = tpu.memref_slice %arg2[%dma_start3A_255, %dma_start3A_256] : memref<131072x32xf32, #tpu.memory_space<hbm>> -> memref<131072x32xf32, #tpu.memory_space<hbm>>
          tpu.enqueue_indirect_dma source(%dma_start3A_257 : memref<131072x32xf32, #tpu.memory_space<hbm>>) target(%dma_start3A_251 : memref<128x32xf32, #tpu.memory_space<vmem>>) offsets(%dma_start3A_254 : memref<128xi32, #tpu.memory_space<vmem>>) semaphore(%arg15 : memref<!tpu.dma_semaphore, #tpu.memory_space<semaphore_mem>>)
          %dma_start3A_258 = arith.constant 6 : i32
          %dma_start3A_259 = arith.constant 6 : i32
          %dma_start3A_260 = arith.constant 0 : i32
          %dma_start3A_261 = arith.constant 0 : i32
          %dma_start3A_262 = tpu.memref_slice %arg13[%dma_start3A_259, %dma_start3A_260, %dma_start3A_261] : memref<8x128x32xf32, #tpu.memory_space<vmem>> -> memref<1x128x32xf32, #tpu.memory_space<vmem>>
          %dma_start3A_263 = tpu.memref_squeeze %dma_start3A_262 : memref<1x128x32xf32, #tpu.memory_space<vmem>> -> memref<128x32xf32, #tpu.memory_space<vmem>>
          %dma_start3A_264 = arith.constant 0 : i32
          %dma_start3A_265 = tpu.memref_slice %arg10[%dma_start3A_258, %dma_start3A_264] : memref<8x128xi32, #tpu.memory_space<vmem>> -> memref<1x128xi32, #tpu.memory_space<vmem>>
          %dma_start3A_266 = tpu.memref_squeeze %dma_start3A_265 : memref<1x128xi32, #tpu.memory_space<vmem>> -> memref<128xi32, #tpu.memory_space<vmem>>
          %dma_start3A_267 = arith.constant 0 : i32
          %dma_start3A_268 = arith.constant 0 : i32
          %dma_start3A_269 = tpu.memref_slice %arg2[%dma_start3A_267, %dma_start3A_268] : memref<131072x32xf32, #tpu.memory_space<hbm>> -> memref<131072x32xf32, #tpu.memory_space<hbm>>
          tpu.enqueue_indirect_dma source(%dma_start3A_269 : memref<131072x32xf32, #tpu.memory_space<hbm>>) target(%dma_start3A_263 : memref<128x32xf32, #tpu.memory_space<vmem>>) offsets(%dma_start3A_266 : memref<128xi32, #tpu.memory_space<vmem>>) semaphore(%arg15 : memref<!tpu.dma_semaphore, #tpu.memory_space<semaphore_mem>>)
          %dma_start3A_270 = arith.constant 7 : i32
          %dma_start3A_271 = arith.constant 7 : i32
          %dma_start3A_272 = arith.constant 0 : i32
          %dma_start3A_273 = arith.constant 0 : i32
          %dma_start3A_274 = tpu.memref_slice %arg13[%dma_start3A_271, %dma_start3A_272, %dma_start3A_273] : memref<8x128x32xf32, #tpu.memory_space<vmem>> -> memref<1x128x32xf32, #tpu.memory_space<vmem>>
          %dma_start3A_275 = tpu.memref_squeeze %dma_start3A_274 : memref<1x128x32xf32, #tpu.memory_space<vmem>> -> memref<128x32xf32, #tpu.memory_space<vmem>>
          %dma_start3A_276 = arith.constant 0 : i32
          %dma_start3A_277 = tpu.memref_slice %arg10[%dma_start3A_270, %dma_start3A_276] : memref<8x128xi32, #tpu.memory_space<vmem>> -> memref<1x128xi32, #tpu.memory_space<vmem>>
          %dma_start3A_278 = tpu.memref_squeeze %dma_start3A_277 : memref<1x128xi32, #tpu.memory_space<vmem>> -> memref<128xi32, #tpu.memory_space<vmem>>
          %dma_start3A_279 = arith.constant 0 : i32
          %dma_start3A_280 = arith.constant 0 : i32
          %dma_start3A_281 = tpu.memref_slice %arg2[%dma_start3A_279, %dma_start3A_280] : memref<131072x32xf32, #tpu.memory_space<hbm>> -> memref<131072x32xf32, #tpu.memory_space<hbm>>
          tpu.enqueue_indirect_dma source(%dma_start3A_281 : memref<131072x32xf32, #tpu.memory_space<hbm>>) target(%dma_start3A_275 : memref<128x32xf32, #tpu.memory_space<vmem>>) offsets(%dma_start3A_278 : memref<128xi32, #tpu.memory_space<vmem>>) semaphore(%arg15 : memref<!tpu.dma_semaphore, #tpu.memory_space<semaphore_mem>>)
          %dma_wait3A = arith.constant 0 : i32
          %dma_wait3A_282 = arith.constant 0 : i32
          %dma_wait3A_283 = arith.constant 0 : i32
          %dma_wait3A_284 = arith.constant 0 : i32
          %dma_wait3A_285 = tpu.memref_slice %arg13[%dma_wait3A_282, %dma_wait3A_283, %dma_wait3A_284] : memref<8x128x32xf32, #tpu.memory_space<vmem>> -> memref<1x128x32xf32, #tpu.memory_space<vmem>>
          %dma_wait3A_286 = tpu.memref_squeeze %dma_wait3A_285 : memref<1x128x32xf32, #tpu.memory_space<vmem>> -> memref<128x32xf32, #tpu.memory_space<vmem>>
          %dma_wait3A_287 = arith.constant 0 : i32
          %dma_wait3A_288 = tpu.memref_slice %arg10[%dma_wait3A, %dma_wait3A_287] : memref<8x128xi32, #tpu.memory_space<vmem>> -> memref<1x128xi32, #tpu.memory_space<vmem>>
          %dma_wait3A_289 = tpu.memref_squeeze %dma_wait3A_288 : memref<1x128xi32, #tpu.memory_space<vmem>> -> memref<128xi32, #tpu.memory_space<vmem>>
          %dma_wait3A_290 = arith.constant 0 : i32
          %dma_wait3A_291 = arith.constant 0 : i32
          %dma_wait3A_292 = tpu.memref_slice %arg2[%dma_wait3A_290, %dma_wait3A_291] : memref<131072x32xf32, #tpu.memory_space<hbm>> -> memref<131072x32xf32, #tpu.memory_space<hbm>>
          tpu.wait_indirect_dma semaphore(%arg15 : memref<!tpu.dma_semaphore, #tpu.memory_space<semaphore_mem>>) src(%dma_wait3A_292 : memref<131072x32xf32, #tpu.memory_space<hbm>>) dst(%dma_wait3A_286 : memref<128x32xf32, #tpu.memory_space<vmem>>)
          %dma_wait3A_293 = arith.constant 1 : i32
          %dma_wait3A_294 = arith.constant 1 : i32
          %dma_wait3A_295 = arith.constant 0 : i32
          %dma_wait3A_296 = arith.constant 0 : i32
          %dma_wait3A_297 = tpu.memref_slice %arg13[%dma_wait3A_294, %dma_wait3A_295, %dma_wait3A_296] : memref<8x128x32xf32, #tpu.memory_space<vmem>> -> memref<1x128x32xf32, #tpu.memory_space<vmem>>
          %dma_wait3A_298 = tpu.memref_squeeze %dma_wait3A_297 : memref<1x128x32xf32, #tpu.memory_space<vmem>> -> memref<128x32xf32, #tpu.memory_space<vmem>>
          %dma_wait3A_299 = arith.constant 0 : i32
          %dma_wait3A_300 = tpu.memref_slice %arg10[%dma_wait3A_293, %dma_wait3A_299] : memref<8x128xi32, #tpu.memory_space<vmem>> -> memref<1x128xi32, #tpu.memory_space<vmem>>
          %dma_wait3A_301 = tpu.memref_squeeze %dma_wait3A_300 : memref<1x128xi32, #tpu.memory_space<vmem>> -> memref<128xi32, #tpu.memory_space<vmem>>
          %dma_wait3A_302 = arith.constant 0 : i32
          %dma_wait3A_303 = arith.constant 0 : i32
          %dma_wait3A_304 = tpu.memref_slice %arg2[%dma_wait3A_302, %dma_wait3A_303] : memref<131072x32xf32, #tpu.memory_space<hbm>> -> memref<131072x32xf32, #tpu.memory_space<hbm>>
          tpu.wait_indirect_dma semaphore(%arg15 : memref<!tpu.dma_semaphore, #tpu.memory_space<semaphore_mem>>) src(%dma_wait3A_304 : memref<131072x32xf32, #tpu.memory_space<hbm>>) dst(%dma_wait3A_298 : memref<128x32xf32, #tpu.memory_space<vmem>>)
          %dma_wait3A_305 = arith.constant 2 : i32
          %dma_wait3A_306 = arith.constant 2 : i32
          %dma_wait3A_307 = arith.constant 0 : i32
          %dma_wait3A_308 = arith.constant 0 : i32
          %dma_wait3A_309 = tpu.memref_slice %arg13[%dma_wait3A_306, %dma_wait3A_307, %dma_wait3A_308] : memref<8x128x32xf32, #tpu.memory_space<vmem>> -> memref<1x128x32xf32, #tpu.memory_space<vmem>>
          %dma_wait3A_310 = tpu.memref_squeeze %dma_wait3A_309 : memref<1x128x32xf32, #tpu.memory_space<vmem>> -> memref<128x32xf32, #tpu.memory_space<vmem>>
          %dma_wait3A_311 = arith.constant 0 : i32
          %dma_wait3A_312 = tpu.memref_slice %arg10[%dma_wait3A_305, %dma_wait3A_311] : memref<8x128xi32, #tpu.memory_space<vmem>> -> memref<1x128xi32, #tpu.memory_space<vmem>>
          %dma_wait3A_313 = tpu.memref_squeeze %dma_wait3A_312 : memref<1x128xi32, #tpu.memory_space<vmem>> -> memref<128xi32, #tpu.memory_space<vmem>>
          %dma_wait3A_314 = arith.constant 0 : i32
          %dma_wait3A_315 = arith.constant 0 : i32
          %dma_wait3A_316 = tpu.memref_slice %arg2[%dma_wait3A_314, %dma_wait3A_315] : memref<131072x32xf32, #tpu.memory_space<hbm>> -> memref<131072x32xf32, #tpu.memory_space<hbm>>
          tpu.wait_indirect_dma semaphore(%arg15 : memref<!tpu.dma_semaphore, #tpu.memory_space<semaphore_mem>>) src(%dma_wait3A_316 : memref<131072x32xf32, #tpu.memory_space<hbm>>) dst(%dma_wait3A_310 : memref<128x32xf32, #tpu.memory_space<vmem>>)
          %dma_wait3A_317 = arith.constant 3 : i32
          %dma_wait3A_318 = arith.constant 3 : i32
          %dma_wait3A_319 = arith.constant 0 : i32
          %dma_wait3A_320 = arith.constant 0 : i32
          %dma_wait3A_321 = tpu.memref_slice %arg13[%dma_wait3A_318, %dma_wait3A_319, %dma_wait3A_320] : memref<8x128x32xf32, #tpu.memory_space<vmem>> -> memref<1x128x32xf32, #tpu.memory_space<vmem>>
          %dma_wait3A_322 = tpu.memref_squeeze %dma_wait3A_321 : memref<1x128x32xf32, #tpu.memory_space<vmem>> -> memref<128x32xf32, #tpu.memory_space<vmem>>
          %dma_wait3A_323 = arith.constant 0 : i32
          %dma_wait3A_324 = tpu.memref_slice %arg10[%dma_wait3A_317, %dma_wait3A_323] : memref<8x128xi32, #tpu.memory_space<vmem>> -> memref<1x128xi32, #tpu.memory_space<vmem>>
          %dma_wait3A_325 = tpu.memref_squeeze %dma_wait3A_324 : memref<1x128xi32, #tpu.memory_space<vmem>> -> memref<128xi32, #tpu.memory_space<vmem>>
          %dma_wait3A_326 = arith.constant 0 : i32
          %dma_wait3A_327 = arith.constant 0 : i32
          %dma_wait3A_328 = tpu.memref_slice %arg2[%dma_wait3A_326, %dma_wait3A_327] : memref<131072x32xf32, #tpu.memory_space<hbm>> -> memref<131072x32xf32, #tpu.memory_space<hbm>>
          tpu.wait_indirect_dma semaphore(%arg15 : memref<!tpu.dma_semaphore, #tpu.memory_space<semaphore_mem>>) src(%dma_wait3A_328 : memref<131072x32xf32, #tpu.memory_space<hbm>>) dst(%dma_wait3A_322 : memref<128x32xf32, #tpu.memory_space<vmem>>)
          %dma_wait3A_329 = arith.constant 4 : i32
          %dma_wait3A_330 = arith.constant 4 : i32
          %dma_wait3A_331 = arith.constant 0 : i32
          %dma_wait3A_332 = arith.constant 0 : i32
          %dma_wait3A_333 = tpu.memref_slice %arg13[%dma_wait3A_330, %dma_wait3A_331, %dma_wait3A_332] : memref<8x128x32xf32, #tpu.memory_space<vmem>> -> memref<1x128x32xf32, #tpu.memory_space<vmem>>
          %dma_wait3A_334 = tpu.memref_squeeze %dma_wait3A_333 : memref<1x128x32xf32, #tpu.memory_space<vmem>> -> memref<128x32xf32, #tpu.memory_space<vmem>>
          %dma_wait3A_335 = arith.constant 0 : i32
          %dma_wait3A_336 = tpu.memref_slice %arg10[%dma_wait3A_329, %dma_wait3A_335] : memref<8x128xi32, #tpu.memory_space<vmem>> -> memref<1x128xi32, #tpu.memory_space<vmem>>
          %dma_wait3A_337 = tpu.memref_squeeze %dma_wait3A_336 : memref<1x128xi32, #tpu.memory_space<vmem>> -> memref<128xi32, #tpu.memory_space<vmem>>
          %dma_wait3A_338 = arith.constant 0 : i32
          %dma_wait3A_339 = arith.constant 0 : i32
          %dma_wait3A_340 = tpu.memref_slice %arg2[%dma_wait3A_338, %dma_wait3A_339] : memref<131072x32xf32, #tpu.memory_space<hbm>> -> memref<131072x32xf32, #tpu.memory_space<hbm>>
          tpu.wait_indirect_dma semaphore(%arg15 : memref<!tpu.dma_semaphore, #tpu.memory_space<semaphore_mem>>) src(%dma_wait3A_340 : memref<131072x32xf32, #tpu.memory_space<hbm>>) dst(%dma_wait3A_334 : memref<128x32xf32, #tpu.memory_space<vmem>>)
          %dma_wait3A_341 = arith.constant 5 : i32
          %dma_wait3A_342 = arith.constant 5 : i32
          %dma_wait3A_343 = arith.constant 0 : i32
          %dma_wait3A_344 = arith.constant 0 : i32
          %dma_wait3A_345 = tpu.memref_slice %arg13[%dma_wait3A_342, %dma_wait3A_343, %dma_wait3A_344] : memref<8x128x32xf32, #tpu.memory_space<vmem>> -> memref<1x128x32xf32, #tpu.memory_space<vmem>>
          %dma_wait3A_346 = tpu.memref_squeeze %dma_wait3A_345 : memref<1x128x32xf32, #tpu.memory_space<vmem>> -> memref<128x32xf32, #tpu.memory_space<vmem>>
          %dma_wait3A_347 = arith.constant 0 : i32
          %dma_wait3A_348 = tpu.memref_slice %arg10[%dma_wait3A_341, %dma_wait3A_347] : memref<8x128xi32, #tpu.memory_space<vmem>> -> memref<1x128xi32, #tpu.memory_space<vmem>>
          %dma_wait3A_349 = tpu.memref_squeeze %dma_wait3A_348 : memref<1x128xi32, #tpu.memory_space<vmem>> -> memref<128xi32, #tpu.memory_space<vmem>>
          %dma_wait3A_350 = arith.constant 0 : i32
          %dma_wait3A_351 = arith.constant 0 : i32
          %dma_wait3A_352 = tpu.memref_slice %arg2[%dma_wait3A_350, %dma_wait3A_351] : memref<131072x32xf32, #tpu.memory_space<hbm>> -> memref<131072x32xf32, #tpu.memory_space<hbm>>
          tpu.wait_indirect_dma semaphore(%arg15 : memref<!tpu.dma_semaphore, #tpu.memory_space<semaphore_mem>>) src(%dma_wait3A_352 : memref<131072x32xf32, #tpu.memory_space<hbm>>) dst(%dma_wait3A_346 : memref<128x32xf32, #tpu.memory_space<vmem>>)
          %dma_wait3A_353 = arith.constant 6 : i32
          %dma_wait3A_354 = arith.constant 6 : i32
          %dma_wait3A_355 = arith.constant 0 : i32
          %dma_wait3A_356 = arith.constant 0 : i32
          %dma_wait3A_357 = tpu.memref_slice %arg13[%dma_wait3A_354, %dma_wait3A_355, %dma_wait3A_356] : memref<8x128x32xf32, #tpu.memory_space<vmem>> -> memref<1x128x32xf32, #tpu.memory_space<vmem>>
          %dma_wait3A_358 = tpu.memref_squeeze %dma_wait3A_357 : memref<1x128x32xf32, #tpu.memory_space<vmem>> -> memref<128x32xf32, #tpu.memory_space<vmem>>
          %dma_wait3A_359 = arith.constant 0 : i32
          %dma_wait3A_360 = tpu.memref_slice %arg10[%dma_wait3A_353, %dma_wait3A_359] : memref<8x128xi32, #tpu.memory_space<vmem>> -> memref<1x128xi32, #tpu.memory_space<vmem>>
          %dma_wait3A_361 = tpu.memref_squeeze %dma_wait3A_360 : memref<1x128xi32, #tpu.memory_space<vmem>> -> memref<128xi32, #tpu.memory_space<vmem>>
          %dma_wait3A_362 = arith.constant 0 : i32
          %dma_wait3A_363 = arith.constant 0 : i32
          %dma_wait3A_364 = tpu.memref_slice %arg2[%dma_wait3A_362, %dma_wait3A_363] : memref<131072x32xf32, #tpu.memory_space<hbm>> -> memref<131072x32xf32, #tpu.memory_space<hbm>>
          tpu.wait_indirect_dma semaphore(%arg15 : memref<!tpu.dma_semaphore, #tpu.memory_space<semaphore_mem>>) src(%dma_wait3A_364 : memref<131072x32xf32, #tpu.memory_space<hbm>>) dst(%dma_wait3A_358 : memref<128x32xf32, #tpu.memory_space<vmem>>)
          %dma_wait3A_365 = arith.constant 7 : i32
          %dma_wait3A_366 = arith.constant 7 : i32
          %dma_wait3A_367 = arith.constant 0 : i32
          %dma_wait3A_368 = arith.constant 0 : i32
          %dma_wait3A_369 = tpu.memref_slice %arg13[%dma_wait3A_366, %dma_wait3A_367, %dma_wait3A_368] : memref<8x128x32xf32, #tpu.memory_space<vmem>> -> memref<1x128x32xf32, #tpu.memory_space<vmem>>
          %dma_wait3A_370 = tpu.memref_squeeze %dma_wait3A_369 : memref<1x128x32xf32, #tpu.memory_space<vmem>> -> memref<128x32xf32, #tpu.memory_space<vmem>>
          %dma_wait3A_371 = arith.constant 0 : i32
          %dma_wait3A_372 = tpu.memref_slice %arg10[%dma_wait3A_365, %dma_wait3A_371] : memref<8x128xi32, #tpu.memory_space<vmem>> -> memref<1x128xi32, #tpu.memory_space<vmem>>
          %dma_wait3A_373 = tpu.memref_squeeze %dma_wait3A_372 : memref<1x128xi32, #tpu.memory_space<vmem>> -> memref<128xi32, #tpu.memory_space<vmem>>
          %dma_wait3A_374 = arith.constant 0 : i32
          %dma_wait3A_375 = arith.constant 0 : i32
          %dma_wait3A_376 = tpu.memref_slice %arg2[%dma_wait3A_374, %dma_wait3A_375] : memref<131072x32xf32, #tpu.memory_space<hbm>> -> memref<131072x32xf32, #tpu.memory_space<hbm>>
          tpu.wait_indirect_dma semaphore(%arg15 : memref<!tpu.dma_semaphore, #tpu.memory_space<semaphore_mem>>) src(%dma_wait3A_376 : memref<131072x32xf32, #tpu.memory_space<hbm>>) dst(%dma_wait3A_370 : memref<128x32xf32, #tpu.memory_space<vmem>>)
          %scan3A_377 = arith.constant 0 : i32
          %scan3A_378 = arith.constant 0 : i32
          %scan3A_379 = arith.constant 8 : i32
          %scan3A_380 = arith.addi %scan3A_378, %scan3A_379 : i32
          %scan3A_381 = arith.constant 1 : i32
          %scan3A_382 = scf.for %scan3A_385 = %scan3A_378 to %scan3A_380 step %scan3A_381 iter_args(%scan3A_386 = %scan3A_377) -> (i32)  : i32 {
            %scan3A_387 = arith.constant 0 : i32
            %scan3A_388 = arith.constant 0 : i32
            %scan3A_389 = arith.constant 8 : i32
            %scan3A_390 = arith.addi %scan3A_388, %scan3A_389 : i32
            %scan3A_391 = arith.constant 1 : i32
            %scan3A_392 = scf.for %scan3A_394 = %scan3A_388 to %scan3A_390 step %scan3A_391 iter_args(%scan3A_395 = %scan3A_387) -> (i32)  : i32 {
              %mul3A_396 = arith.constant 128 : i32
              %mul3A_397 = arith.muli %scan3A_385, %mul3A_396 : i32
              %mul3A_398 = arith.constant 16 : i32
              %mul3A_399 = arith.muli %scan3A_394, %mul3A_398 : i32
              %add3A_400 = arith.addi %mul3A_397, %mul3A_399 : i32
              %get3A_401 = arith.index_cast %add3A_400 : i32 to index
              %get3A_402 = tpu.vector_load %arg11[%get3A_401] {strides = array<i32>} : memref<1024xi32, #tpu.memory_space<vmem>>, vector<16xi32>,
              %get3A_403 = arith.index_cast %add3A_400 : i32 to index
              %get3A_404 = tpu.vector_load %arg12[%get3A_403] {strides = array<i32>} : memref<1024xf32, #tpu.memory_space<vmem>>, vector<16xf32>,
              %broadcast_in_dim3A = arith.constant 0 : i32
              %broadcast_in_dim3A_405 = vector.broadcast %broadcast_in_dim3A : i32 to vector<16x1xi32>
              %gather3A = vector.shape_cast %broadcast_in_dim3A_405 : vector<16x1xi32> to vector<16xi32>
              %gather3A_406 = tpu.dynamic_gather %get3A_402[%gather3A] in [0] : vector<16xi32>, vector<16xi32> -> vector<16xi32>
              %broadcast_in_dim3A_407 = arith.constant 0 : i32
              %broadcast_in_dim3A_408 = vector.broadcast %broadcast_in_dim3A_407 : i32 to vector<16x1xi32>
              %gather3A_409 = vector.shape_cast %broadcast_in_dim3A_408 : vector<16x1xi32> to vector<16xi32>
              %gather3A_410 = tpu.dynamic_gather %get3A_404[%gather3A_409] in [0] : vector<16xf32>, vector<16xi32> -> vector<16xf32>
              %mul3A_411 = arith.constant 16 : i32
              %mul3A_412 = arith.muli %scan3A_394, %mul3A_411 : i32
              %add3A_413 = arith.constant 0 : i32
              %add3A_414 = arith.addi %mul3A_412, %add3A_413 : i32
              %get3A_415 = arith.index_cast %scan3A_385 : i32 to index
              %get3A_416 = arith.index_cast %add3A_414 : i32 to index
              %get3A_417 = arith.constant 0 : index
              %get3A_418 = tpu.vector_load %arg13[%get3A_415, %get3A_416, %get3A_417] {strides = array<i32>} : memref<8x128x32xf32, #tpu.memory_space<vmem>>, vector<16xf32>,
              %add3A_419 = arith.addi %gather3A_406, %mul3A_5 : vector<16xi32>
              %mul3A_420 = arith.mulf %gather3A_410, %get3A_418 : vector<16xf32>
              tpu.vector_store_idx %arg14[%add3A_419], %mul3A_420 {add = true} : memref<81920xf32, #tpu.memory_space<vmem>>[vector<16xi32>], vector<16xf32>,
              %mul3A_421 = arith.constant 16 : i32
              %mul3A_422 = arith.muli %scan3A_394, %mul3A_421 : i32
              %add3A_423 = arith.constant 0 : i32
              %add3A_424 = arith.addi %mul3A_422, %add3A_423 : i32
              %get3A_425 = arith.index_cast %scan3A_385 : i32 to index
              %get3A_426 = arith.index_cast %add3A_424 : i32 to index
              %get3A_427 = arith.constant 16 : index
              %get3A_428 = tpu.vector_load %arg13[%get3A_425, %get3A_426, %get3A_427] {strides = array<i32>} : memref<8x128x32xf32, #tpu.memory_space<vmem>>, vector<16xf32>,
              %add3A_429 = arith.addi %gather3A_406, %mul3A_11 : vector<16xi32>
              %mul3A_430 = arith.mulf %gather3A_410, %get3A_428 : vector<16xf32>
              tpu.vector_store_idx %arg14[%add3A_429], %mul3A_430 {add = true} : memref<81920xf32, #tpu.memory_space<vmem>>[vector<16xi32>], vector<16xf32>,
              %broadcast_in_dim3A_431 = arith.constant 1 : i32
              %broadcast_in_dim3A_432 = vector.broadcast %broadcast_in_dim3A_431 : i32 to vector<16x1xi32>
              %gather3A_433 = vector.shape_cast %broadcast_in_dim3A_432 : vector<16x1xi32> to vector<16xi32>
              %gather3A_434 = tpu.dynamic_gather %get3A_402[%gather3A_433] in [0] : vector<16xi32>, vector<16xi32> -> vector<16xi32>
              %broadcast_in_dim3A_435 = arith.constant 1 : i32
              %broadcast_in_dim3A_436 = vector.broadcast %broadcast_in_dim3A_435 : i32 to vector<16x1xi32>
              %gather3A_437 = vector.shape_cast %broadcast_in_dim3A_436 : vector<16x1xi32> to vector<16xi32>
              %gather3A_438 = tpu.dynamic_gather %get3A_404[%gather3A_437] in [0] : vector<16xf32>, vector<16xi32> -> vector<16xf32>
              %mul3A_439 = arith.constant 16 : i32
              %mul3A_440 = arith.muli %scan3A_394, %mul3A_439 : i32
              %add3A_441 = arith.constant 1 : i32
              %add3A_442 = arith.addi %mul3A_440, %add3A_441 : i32
              %get3A_443 = arith.index_cast %scan3A_385 : i32 to index
              %get3A_444 = arith.index_cast %add3A_442 : i32 to index
              %get3A_445 = arith.constant 0 : index
              %get3A_446 = tpu.vector_load %arg13[%get3A_443, %get3A_444, %get3A_445] {strides = array<i32>} : memref<8x128x32xf32, #tpu.memory_space<vmem>>, vector<16xf32>,
              %add3A_447 = arith.addi %gather3A_434, %mul3A_5 : vector<16xi32>
              %mul3A_448 = arith.mulf %gather3A_438, %get3A_446 : vector<16xf32>
              tpu.vector_store_idx %arg14[%add3A_447], %mul3A_448 {add = true} : memref<81920xf32, #tpu.memory_space<vmem>>[vector<16xi32>], vector<16xf32>,
              %mul3A_449 = arith.constant 16 : i32
              %mul3A_450 = arith.muli %scan3A_394, %mul3A_449 : i32
              %add3A_451 = arith.constant 1 : i32
              %add3A_452 = arith.addi %mul3A_450, %add3A_451 : i32
              %get3A_453 = arith.index_cast %scan3A_385 : i32 to index
              %get3A_454 = arith.index_cast %add3A_452 : i32 to index
              %get3A_455 = arith.constant 16 : index
              %get3A_456 = tpu.vector_load %arg13[%get3A_453, %get3A_454, %get3A_455] {strides = array<i32>} : memref<8x128x32xf32, #tpu.memory_space<vmem>>, vector<16xf32>,
              %add3A_457 = arith.addi %gather3A_434, %mul3A_11 : vector<16xi32>
              %mul3A_458 = arith.mulf %gather3A_438, %get3A_456 : vector<16xf32>
              tpu.vector_store_idx %arg14[%add3A_457], %mul3A_458 {add = true} : memref<81920xf32, #tpu.memory_space<vmem>>[vector<16xi32>], vector<16xf32>,
              %broadcast_in_dim3A_459 = arith.constant 2 : i32
              %broadcast_in_dim3A_460 = vector.broadcast %broadcast_in_dim3A_459 : i32 to vector<16x1xi32>
              %gather3A_461 = vector.shape_cast %broadcast_in_dim3A_460 : vector<16x1xi32> to vector<16xi32>
              %gather3A_462 = tpu.dynamic_gather %get3A_402[%gather3A_461] in [0] : vector<16xi32>, vector<16xi32> -> vector<16xi32>
              %broadcast_in_dim3A_463 = arith.constant 2 : i32
              %broadcast_in_dim3A_464 = vector.broadcast %broadcast_in_dim3A_463 : i32 to vector<16x1xi32>
              %gather3A_465 = vector.shape_cast %broadcast_in_dim3A_464 : vector<16x1xi32> to vector<16xi32>
              %gather3A_466 = tpu.dynamic_gather %get3A_404[%gather3A_465] in [0] : vector<16xf32>, vector<16xi32> -> vector<16xf32>
              %mul3A_467 = arith.constant 16 : i32
              %mul3A_468 = arith.muli %scan3A_394, %mul3A_467 : i32
              %add3A_469 = arith.constant 2 : i32
              %add3A_470 = arith.addi %mul3A_468, %add3A_469 : i32
              %get3A_471 = arith.index_cast %scan3A_385 : i32 to index
              %get3A_472 = arith.index_cast %add3A_470 : i32 to index
              %get3A_473 = arith.constant 0 : index
              %get3A_474 = tpu.vector_load %arg13[%get3A_471, %get3A_472, %get3A_473] {strides = array<i32>} : memref<8x128x32xf32, #tpu.memory_space<vmem>>, vector<16xf32>,
              %add3A_475 = arith.addi %gather3A_462, %mul3A_5 : vector<16xi32>
              %mul3A_476 = arith.mulf %gather3A_466, %get3A_474 : vector<16xf32>
              tpu.vector_store_idx %arg14[%add3A_475], %mul3A_476 {add = true} : memref<81920xf32, #tpu.memory_space<vmem>>[vector<16xi32>], vector<16xf32>,
              %mul3A_477 = arith.constant 16 : i32
              %mul3A_478 = arith.muli %scan3A_394, %mul3A_477 : i32
              %add3A_479 = arith.constant 2 : i32
              %add3A_480 = arith.addi %mul3A_478, %add3A_479 : i32
              %get3A_481 = arith.index_cast %scan3A_385 : i32 to index
              %get3A_482 = arith.index_cast %add3A_480 : i32 to index
              %get3A_483 = arith.constant 16 : index
              %get3A_484 = tpu.vector_load %arg13[%get3A_481, %get3A_482, %get3A_483] {strides = array<i32>} : memref<8x128x32xf32, #tpu.memory_space<vmem>>, vector<16xf32>,
              %add3A_485 = arith.addi %gather3A_462, %mul3A_11 : vector<16xi32>
              %mul3A_486 = arith.mulf %gather3A_466, %get3A_484 : vector<16xf32>
              tpu.vector_store_idx %arg14[%add3A_485], %mul3A_486 {add = true} : memref<81920xf32, #tpu.memory_space<vmem>>[vector<16xi32>], vector<16xf32>,
              %broadcast_in_dim3A_487 = arith.constant 3 : i32
              %broadcast_in_dim3A_488 = vector.broadcast %broadcast_in_dim3A_487 : i32 to vector<16x1xi32>
              %gather3A_489 = vector.shape_cast %broadcast_in_dim3A_488 : vector<16x1xi32> to vector<16xi32>
              %gather3A_490 = tpu.dynamic_gather %get3A_402[%gather3A_489] in [0] : vector<16xi32>, vector<16xi32> -> vector<16xi32>
              %broadcast_in_dim3A_491 = arith.constant 3 : i32
              %broadcast_in_dim3A_492 = vector.broadcast %broadcast_in_dim3A_491 : i32 to vector<16x1xi32>
              %gather3A_493 = vector.shape_cast %broadcast_in_dim3A_492 : vector<16x1xi32> to vector<16xi32>
              %gather3A_494 = tpu.dynamic_gather %get3A_404[%gather3A_493] in [0] : vector<16xf32>, vector<16xi32> -> vector<16xf32>
              %mul3A_495 = arith.constant 16 : i32
              %mul3A_496 = arith.muli %scan3A_394, %mul3A_495 : i32
              %add3A_497 = arith.constant 3 : i32
              %add3A_498 = arith.addi %mul3A_496, %add3A_497 : i32
              %get3A_499 = arith.index_cast %scan3A_385 : i32 to index
              %get3A_500 = arith.index_cast %add3A_498 : i32 to index
              %get3A_501 = arith.constant 0 : index
              %get3A_502 = tpu.vector_load %arg13[%get3A_499, %get3A_500, %get3A_501] {strides = array<i32>} : memref<8x128x32xf32, #tpu.memory_space<vmem>>, vector<16xf32>,
              %add3A_503 = arith.addi %gather3A_490, %mul3A_5 : vector<16xi32>
              %mul3A_504 = arith.mulf %gather3A_494, %get3A_502 : vector<16xf32>
              tpu.vector_store_idx %arg14[%add3A_503], %mul3A_504 {add = true} : memref<81920xf32, #tpu.memory_space<vmem>>[vector<16xi32>], vector<16xf32>,
              %mul3A_505 = arith.constant 16 : i32
              %mul3A_506 = arith.muli %scan3A_394, %mul3A_505 : i32
              %add3A_507 = arith.constant 3 : i32
              %add3A_508 = arith.addi %mul3A_506, %add3A_507 : i32
              %get3A_509 = arith.index_cast %scan3A_385 : i32 to index
              %get3A_510 = arith.index_cast %add3A_508 : i32 to index
              %get3A_511 = arith.constant 16 : index
              %get3A_512 = tpu.vector_load %arg13[%get3A_509, %get3A_510, %get3A_511] {strides = array<i32>} : memref<8x128x32xf32, #tpu.memory_space<vmem>>, vector<16xf32>,
              %add3A_513 = arith.addi %gather3A_490, %mul3A_11 : vector<16xi32>
              %mul3A_514 = arith.mulf %gather3A_494, %get3A_512 : vector<16xf32>
              tpu.vector_store_idx %arg14[%add3A_513], %mul3A_514 {add = true} : memref<81920xf32, #tpu.memory_space<vmem>>[vector<16xi32>], vector<16xf32>,
              %broadcast_in_dim3A_515 = arith.constant 4 : i32
              %broadcast_in_dim3A_516 = vector.broadcast %broadcast_in_dim3A_515 : i32 to vector<16x1xi32>
              %gather3A_517 = vector.shape_cast %broadcast_in_dim3A_516 : vector<16x1xi32> to vector<16xi32>
              %gather3A_518 = tpu.dynamic_gather %get3A_402[%gather3A_517] in [0] : vector<16xi32>, vector<16xi32> -> vector<16xi32>
              %broadcast_in_dim3A_519 = arith.constant 4 : i32
              %broadcast_in_dim3A_520 = vector.broadcast %broadcast_in_dim3A_519 : i32 to vector<16x1xi32>
              %gather3A_521 = vector.shape_cast %broadcast_in_dim3A_520 : vector<16x1xi32> to vector<16xi32>
              %gather3A_522 = tpu.dynamic_gather %get3A_404[%gather3A_521] in [0] : vector<16xf32>, vector<16xi32> -> vector<16xf32>
              %mul3A_523 = arith.constant 16 : i32
              %mul3A_524 = arith.muli %scan3A_394, %mul3A_523 : i32
              %add3A_525 = arith.constant 4 : i32
              %add3A_526 = arith.addi %mul3A_524, %add3A_525 : i32
              %get3A_527 = arith.index_cast %scan3A_385 : i32 to index
              %get3A_528 = arith.index_cast %add3A_526 : i32 to index
              %get3A_529 = arith.constant 0 : index
              %get3A_530 = tpu.vector_load %arg13[%get3A_527, %get3A_528, %get3A_529] {strides = array<i32>} : memref<8x128x32xf32, #tpu.memory_space<vmem>>, vector<16xf32>,
              %add3A_531 = arith.addi %gather3A_518, %mul3A_5 : vector<16xi32>
              %mul3A_532 = arith.mulf %gather3A_522, %get3A_530 : vector<16xf32>
              tpu.vector_store_idx %arg14[%add3A_531], %mul3A_532 {add = true} : memref<81920xf32, #tpu.memory_space<vmem>>[vector<16xi32>], vector<16xf32>,
              %mul3A_533 = arith.constant 16 : i32
              %mul3A_534 = arith.muli %scan3A_394, %mul3A_533 : i32
              %add3A_535 = arith.constant 4 : i32
              %add3A_536 = arith.addi %mul3A_534, %add3A_535 : i32
              %get3A_537 = arith.index_cast %scan3A_385 : i32 to index
              %get3A_538 = arith.index_cast %add3A_536 : i32 to index
              %get3A_539 = arith.constant 16 : index
              %get3A_540 = tpu.vector_load %arg13[%get3A_537, %get3A_538, %get3A_539] {strides = array<i32>} : memref<8x128x32xf32, #tpu.memory_space<vmem>>, vector<16xf32>,
              %add3A_541 = arith.addi %gather3A_518, %mul3A_11 : vector<16xi32>
              %mul3A_542 = arith.mulf %gather3A_522, %get3A_540 : vector<16xf32>
              tpu.vector_store_idx %arg14[%add3A_541], %mul3A_542 {add = true} : memref<81920xf32, #tpu.memory_space<vmem>>[vector<16xi32>], vector<16xf32>,
              %broadcast_in_dim3A_543 = arith.constant 5 : i32
              %broadcast_in_dim3A_544 = vector.broadcast %broadcast_in_dim3A_543 : i32 to vector<16x1xi32>
              %gather3A_545 = vector.shape_cast %broadcast_in_dim3A_544 : vector<16x1xi32> to vector<16xi32>
              %gather3A_546 = tpu.dynamic_gather %get3A_402[%gather3A_545] in [0] : vector<16xi32>, vector<16xi32> -> vector<16xi32>
              %broadcast_in_dim3A_547 = arith.constant 5 : i32
              %broadcast_in_dim3A_548 = vector.broadcast %broadcast_in_dim3A_547 : i32 to vector<16x1xi32>
              %gather3A_549 = vector.shape_cast %broadcast_in_dim3A_548 : vector<16x1xi32> to vector<16xi32>
              %gather3A_550 = tpu.dynamic_gather %get3A_404[%gather3A_549] in [0] : vector<16xf32>, vector<16xi32> -> vector<16xf32>
              %mul3A_551 = arith.constant 16 : i32
              %mul3A_552 = arith.muli %scan3A_394, %mul3A_551 : i32
              %add3A_553 = arith.constant 5 : i32
              %add3A_554 = arith.addi %mul3A_552, %add3A_553 : i32
              %get3A_555 = arith.index_cast %scan3A_385 : i32 to index
              %get3A_556 = arith.index_cast %add3A_554 : i32 to index
              %get3A_557 = arith.constant 0 : index
              %get3A_558 = tpu.vector_load %arg13[%get3A_555, %get3A_556, %get3A_557] {strides = array<i32>} : memref<8x128x32xf32, #tpu.memory_space<vmem>>, vector<16xf32>,
              %add3A_559 = arith.addi %gather3A_546, %mul3A_5 : vector<16xi32>
              %mul3A_560 = arith.mulf %gather3A_550, %get3A_558 : vector<16xf32>
              tpu.vector_store_idx %arg14[%add3A_559], %mul3A_560 {add = true} : memref<81920xf32, #tpu.memory_space<vmem>>[vector<16xi32>], vector<16xf32>,
              %mul3A_561 = arith.constant 16 : i32
              %mul3A_562 = arith.muli %scan3A_394, %mul3A_561 : i32
              %add3A_563 = arith.constant 5 : i32
              %add3A_564 = arith.addi %mul3A_562, %add3A_563 : i32
              %get3A_565 = arith.index_cast %scan3A_385 : i32 to index
              %get3A_566 = arith.index_cast %add3A_564 : i32 to index
              %get3A_567 = arith.constant 16 : index
              %get3A_568 = tpu.vector_load %arg13[%get3A_565, %get3A_566, %get3A_567] {strides = array<i32>} : memref<8x128x32xf32, #tpu.memory_space<vmem>>, vector<16xf32>,
              %add3A_569 = arith.addi %gather3A_546, %mul3A_11 : vector<16xi32>
              %mul3A_570 = arith.mulf %gather3A_550, %get3A_568 : vector<16xf32>
              tpu.vector_store_idx %arg14[%add3A_569], %mul3A_570 {add = true} : memref<81920xf32, #tpu.memory_space<vmem>>[vector<16xi32>], vector<16xf32>,
              %broadcast_in_dim3A_571 = arith.constant 6 : i32
              %broadcast_in_dim3A_572 = vector.broadcast %broadcast_in_dim3A_571 : i32 to vector<16x1xi32>
              %gather3A_573 = vector.shape_cast %broadcast_in_dim3A_572 : vector<16x1xi32> to vector<16xi32>
              %gather3A_574 = tpu.dynamic_gather %get3A_402[%gather3A_573] in [0] : vector<16xi32>, vector<16xi32> -> vector<16xi32>
              %broadcast_in_dim3A_575 = arith.constant 6 : i32
              %broadcast_in_dim3A_576 = vector.broadcast %broadcast_in_dim3A_575 : i32 to vector<16x1xi32>
              %gather3A_577 = vector.shape_cast %broadcast_in_dim3A_576 : vector<16x1xi32> to vector<16xi32>
              %gather3A_578 = tpu.dynamic_gather %get3A_404[%gather3A_577] in [0] : vector<16xf32>, vector<16xi32> -> vector<16xf32>
              %mul3A_579 = arith.constant 16 : i32
              %mul3A_580 = arith.muli %scan3A_394, %mul3A_579 : i32
              %add3A_581 = arith.constant 6 : i32
              %add3A_582 = arith.addi %mul3A_580, %add3A_581 : i32
              %get3A_583 = arith.index_cast %scan3A_385 : i32 to index
              %get3A_584 = arith.index_cast %add3A_582 : i32 to index
              %get3A_585 = arith.constant 0 : index
              %get3A_586 = tpu.vector_load %arg13[%get3A_583, %get3A_584, %get3A_585] {strides = array<i32>} : memref<8x128x32xf32, #tpu.memory_space<vmem>>, vector<16xf32>,
              %add3A_587 = arith.addi %gather3A_574, %mul3A_5 : vector<16xi32>
              %mul3A_588 = arith.mulf %gather3A_578, %get3A_586 : vector<16xf32>
              tpu.vector_store_idx %arg14[%add3A_587], %mul3A_588 {add = true} : memref<81920xf32, #tpu.memory_space<vmem>>[vector<16xi32>], vector<16xf32>,
              %mul3A_589 = arith.constant 16 : i32
              %mul3A_590 = arith.muli %scan3A_394, %mul3A_589 : i32
              %add3A_591 = arith.constant 6 : i32
              %add3A_592 = arith.addi %mul3A_590, %add3A_591 : i32
              %get3A_593 = arith.index_cast %scan3A_385 : i32 to index
              %get3A_594 = arith.index_cast %add3A_592 : i32 to index
              %get3A_595 = arith.constant 16 : index
              %get3A_596 = tpu.vector_load %arg13[%get3A_593, %get3A_594, %get3A_595] {strides = array<i32>} : memref<8x128x32xf32, #tpu.memory_space<vmem>>, vector<16xf32>,
              %add3A_597 = arith.addi %gather3A_574, %mul3A_11 : vector<16xi32>
              %mul3A_598 = arith.mulf %gather3A_578, %get3A_596 : vector<16xf32>
              tpu.vector_store_idx %arg14[%add3A_597], %mul3A_598 {add = true} : memref<81920xf32, #tpu.memory_space<vmem>>[vector<16xi32>], vector<16xf32>,
              %broadcast_in_dim3A_599 = arith.constant 7 : i32
              %broadcast_in_dim3A_600 = vector.broadcast %broadcast_in_dim3A_599 : i32 to vector<16x1xi32>
              %gather3A_601 = vector.shape_cast %broadcast_in_dim3A_600 : vector<16x1xi32> to vector<16xi32>
              %gather3A_602 = tpu.dynamic_gather %get3A_402[%gather3A_601] in [0] : vector<16xi32>, vector<16xi32> -> vector<16xi32>
              %broadcast_in_dim3A_603 = arith.constant 7 : i32
              %broadcast_in_dim3A_604 = vector.broadcast %broadcast_in_dim3A_603 : i32 to vector<16x1xi32>
              %gather3A_605 = vector.shape_cast %broadcast_in_dim3A_604 : vector<16x1xi32> to vector<16xi32>
              %gather3A_606 = tpu.dynamic_gather %get3A_404[%gather3A_605] in [0] : vector<16xf32>, vector<16xi32> -> vector<16xf32>
              %mul3A_607 = arith.constant 16 : i32
              %mul3A_608 = arith.muli %scan3A_394, %mul3A_607 : i32
              %add3A_609 = arith.constant 7 : i32
              %add3A_610 = arith.addi %mul3A_608, %add3A_609 : i32
              %get3A_611 = arith.index_cast %scan3A_385 : i32 to index
              %get3A_612 = arith.index_cast %add3A_610 : i32 to index
              %get3A_613 = arith.constant 0 : index
              %get3A_614 = tpu.vector_load %arg13[%get3A_611, %get3A_612, %get3A_613] {strides = array<i32>} : memref<8x128x32xf32, #tpu.memory_space<vmem>>, vector<16xf32>,
              %add3A_615 = arith.addi %gather3A_602, %mul3A_5 : vector<16xi32>
              %mul3A_616 = arith.mulf %gather3A_606, %get3A_614 : vector<16xf32>
              tpu.vector_store_idx %arg14[%add3A_615], %mul3A_616 {add = true} : memref<81920xf32, #tpu.memory_space<vmem>>[vector<16xi32>], vector<16xf32>,
              %mul3A_617 = arith.constant 16 : i32
              %mul3A_618 = arith.muli %scan3A_394, %mul3A_617 : i32
              %add3A_619 = arith.constant 7 : i32
              %add3A_620 = arith.addi %mul3A_618, %add3A_619 : i32
              %get3A_621 = arith.index_cast %scan3A_385 : i32 to index
              %get3A_622 = arith.index_cast %add3A_620 : i32 to index
              %get3A_623 = arith.constant 16 : index
              %get3A_624 = tpu.vector_load %arg13[%get3A_621, %get3A_622, %get3A_623] {strides = array<i32>} : memref<8x128x32xf32, #tpu.memory_space<vmem>>, vector<16xf32>,
              %add3A_625 = arith.addi %gather3A_602, %mul3A_11 : vector<16xi32>
              %mul3A_626 = arith.mulf %gather3A_606, %get3A_624 : vector<16xf32>
              tpu.vector_store_idx %arg14[%add3A_625], %mul3A_626 {add = true} : memref<81920xf32, #tpu.memory_space<vmem>>[vector<16xi32>], vector<16xf32>,
              %broadcast_in_dim3A_627 = arith.constant 8 : i32
              %broadcast_in_dim3A_628 = vector.broadcast %broadcast_in_dim3A_627 : i32 to vector<16x1xi32>
              %gather3A_629 = vector.shape_cast %broadcast_in_dim3A_628 : vector<16x1xi32> to vector<16xi32>
              %gather3A_630 = tpu.dynamic_gather %get3A_402[%gather3A_629] in [0] : vector<16xi32>, vector<16xi32> -> vector<16xi32>
              %broadcast_in_dim3A_631 = arith.constant 8 : i32
              %broadcast_in_dim3A_632 = vector.broadcast %broadcast_in_dim3A_631 : i32 to vector<16x1xi32>
              %gather3A_633 = vector.shape_cast %broadcast_in_dim3A_632 : vector<16x1xi32> to vector<16xi32>
              %gather3A_634 = tpu.dynamic_gather %get3A_404[%gather3A_633] in [0] : vector<16xf32>, vector<16xi32> -> vector<16xf32>
              %mul3A_635 = arith.constant 16 : i32
              %mul3A_636 = arith.muli %scan3A_394, %mul3A_635 : i32
              %add3A_637 = arith.constant 8 : i32
              %add3A_638 = arith.addi %mul3A_636, %add3A_637 : i32
              %get3A_639 = arith.index_cast %scan3A_385 : i32 to index
              %get3A_640 = arith.index_cast %add3A_638 : i32 to index
              %get3A_641 = arith.constant 0 : index
              %get3A_642 = tpu.vector_load %arg13[%get3A_639, %get3A_640, %get3A_641] {strides = array<i32>} : memref<8x128x32xf32, #tpu.memory_space<vmem>>, vector<16xf32>,
              %add3A_643 = arith.addi %gather3A_630, %mul3A_5 : vector<16xi32>
              %mul3A_644 = arith.mulf %gather3A_634, %get3A_642 : vector<16xf32>
              tpu.vector_store_idx %arg14[%add3A_643], %mul3A_644 {add = true} : memref<81920xf32, #tpu.memory_space<vmem>>[vector<16xi32>], vector<16xf32>,
              %mul3A_645 = arith.constant 16 : i32
              %mul3A_646 = arith.muli %scan3A_394, %mul3A_645 : i32
              %add3A_647 = arith.constant 8 : i32
              %add3A_648 = arith.addi %mul3A_646, %add3A_647 : i32
              %get3A_649 = arith.index_cast %scan3A_385 : i32 to index
              %get3A_650 = arith.index_cast %add3A_648 : i32 to index
              %get3A_651 = arith.constant 16 : index
              %get3A_652 = tpu.vector_load %arg13[%get3A_649, %get3A_650, %get3A_651] {strides = array<i32>} : memref<8x128x32xf32, #tpu.memory_space<vmem>>, vector<16xf32>,
              %add3A_653 = arith.addi %gather3A_630, %mul3A_11 : vector<16xi32>
              %mul3A_654 = arith.mulf %gather3A_634, %get3A_652 : vector<16xf32>
              tpu.vector_store_idx %arg14[%add3A_653], %mul3A_654 {add = true} : memref<81920xf32, #tpu.memory_space<vmem>>[vector<16xi32>], vector<16xf32>,
              %broadcast_in_dim3A_655 = arith.constant 9 : i32
              %broadcast_in_dim3A_656 = vector.broadcast %broadcast_in_dim3A_655 : i32 to vector<16x1xi32>
              %gather3A_657 = vector.shape_cast %broadcast_in_dim3A_656 : vector<16x1xi32> to vector<16xi32>
              %gather3A_658 = tpu.dynamic_gather %get3A_402[%gather3A_657] in [0] : vector<16xi32>, vector<16xi32> -> vector<16xi32>
              %broadcast_in_dim3A_659 = arith.constant 9 : i32
              %broadcast_in_dim3A_660 = vector.broadcast %broadcast_in_dim3A_659 : i32 to vector<16x1xi32>
              %gather3A_661 = vector.shape_cast %broadcast_in_dim3A_660 : vector<16x1xi32> to vector<16xi32>
              %gather3A_662 = tpu.dynamic_gather %get3A_404[%gather3A_661] in [0] : vector<16xf32>, vector<16xi32> -> vector<16xf32>
              %mul3A_663 = arith.constant 16 : i32
              %mul3A_664 = arith.muli %scan3A_394, %mul3A_663 : i32
              %add3A_665 = arith.constant 9 : i32
              %add3A_666 = arith.addi %mul3A_664, %add3A_665 : i32
              %get3A_667 = arith.index_cast %scan3A_385 : i32 to index
              %get3A_668 = arith.index_cast %add3A_666 : i32 to index
              %get3A_669 = arith.constant 0 : index
              %get3A_670 = tpu.vector_load %arg13[%get3A_667, %get3A_668, %get3A_669] {strides = array<i32>} : memref<8x128x32xf32, #tpu.memory_space<vmem>>, vector<16xf32>,
              %add3A_671 = arith.addi %gather3A_658, %mul3A_5 : vector<16xi32>
              %mul3A_672 = arith.mulf %gather3A_662, %get3A_670 : vector<16xf32>
              tpu.vector_store_idx %arg14[%add3A_671], %mul3A_672 {add = true} : memref<81920xf32, #tpu.memory_space<vmem>>[vector<16xi32>], vector<16xf32>,
              %mul3A_673 = arith.constant 16 : i32
              %mul3A_674 = arith.muli %scan3A_394, %mul3A_673 : i32
              %add3A_675 = arith.constant 9 : i32
              %add3A_676 = arith.addi %mul3A_674, %add3A_675 : i32
              %get3A_677 = arith.index_cast %scan3A_385 : i32 to index
              %get3A_678 = arith.index_cast %add3A_676 : i32 to index
              %get3A_679 = arith.constant 16 : index
              %get3A_680 = tpu.vector_load %arg13[%get3A_677, %get3A_678, %get3A_679] {strides = array<i32>} : memref<8x128x32xf32, #tpu.memory_space<vmem>>, vector<16xf32>,
              %add3A_681 = arith.addi %gather3A_658, %mul3A_11 : vector<16xi32>
              %mul3A_682 = arith.mulf %gather3A_662, %get3A_680 : vector<16xf32>
              tpu.vector_store_idx %arg14[%add3A_681], %mul3A_682 {add = true} : memref<81920xf32, #tpu.memory_space<vmem>>[vector<16xi32>], vector<16xf32>,
              %broadcast_in_dim3A_683 = arith.constant 10 : i32
              %broadcast_in_dim3A_684 = vector.broadcast %broadcast_in_dim3A_683 : i32 to vector<16x1xi32>
              %gather3A_685 = vector.shape_cast %broadcast_in_dim3A_684 : vector<16x1xi32> to vector<16xi32>
              %gather3A_686 = tpu.dynamic_gather %get3A_402[%gather3A_685] in [0] : vector<16xi32>, vector<16xi32> -> vector<16xi32>
              %broadcast_in_dim3A_687 = arith.constant 10 : i32
              %broadcast_in_dim3A_688 = vector.broadcast %broadcast_in_dim3A_687 : i32 to vector<16x1xi32>
              %gather3A_689 = vector.shape_cast %broadcast_in_dim3A_688 : vector<16x1xi32> to vector<16xi32>
              %gather3A_690 = tpu.dynamic_gather %get3A_404[%gather3A_689] in [0] : vector<16xf32>, vector<16xi32> -> vector<16xf32>
              %mul3A_691 = arith.constant 16 : i32
              %mul3A_692 = arith.muli %scan3A_394, %mul3A_691 : i32
              %add3A_693 = arith.constant 10 : i32
              %add3A_694 = arith.addi %mul3A_692, %add3A_693 : i32
              %get3A_695 = arith.index_cast %scan3A_385 : i32 to index
              %get3A_696 = arith.index_cast %add3A_694 : i32 to index
              %get3A_697 = arith.constant 0 : index
              %get3A_698 = tpu.vector_load %arg13[%get3A_695, %get3A_696, %get3A_697] {strides = array<i32>} : memref<8x128x32xf32, #tpu.memory_space<vmem>>, vector<16xf32>,
              %add3A_699 = arith.addi %gather3A_686, %mul3A_5 : vector<16xi32>
              %mul3A_700 = arith.mulf %gather3A_690, %get3A_698 : vector<16xf32>
              tpu.vector_store_idx %arg14[%add3A_699], %mul3A_700 {add = true} : memref<81920xf32, #tpu.memory_space<vmem>>[vector<16xi32>], vector<16xf32>,
              %mul3A_701 = arith.constant 16 : i32
              %mul3A_702 = arith.muli %scan3A_394, %mul3A_701 : i32
              %add3A_703 = arith.constant 10 : i32
              %add3A_704 = arith.addi %mul3A_702, %add3A_703 : i32
              %get3A_705 = arith.index_cast %scan3A_385 : i32 to index
              %get3A_706 = arith.index_cast %add3A_704 : i32 to index
              %get3A_707 = arith.constant 16 : index
              %get3A_708 = tpu.vector_load %arg13[%get3A_705, %get3A_706, %get3A_707] {strides = array<i32>} : memref<8x128x32xf32, #tpu.memory_space<vmem>>, vector<16xf32>,
              %add3A_709 = arith.addi %gather3A_686, %mul3A_11 : vector<16xi32>
              %mul3A_710 = arith.mulf %gather3A_690, %get3A_708 : vector<16xf32>
              tpu.vector_store_idx %arg14[%add3A_709], %mul3A_710 {add = true} : memref<81920xf32, #tpu.memory_space<vmem>>[vector<16xi32>], vector<16xf32>,
              %broadcast_in_dim3A_711 = arith.constant 11 : i32
              %broadcast_in_dim3A_712 = vector.broadcast %broadcast_in_dim3A_711 : i32 to vector<16x1xi32>
              %gather3A_713 = vector.shape_cast %broadcast_in_dim3A_712 : vector<16x1xi32> to vector<16xi32>
              %gather3A_714 = tpu.dynamic_gather %get3A_402[%gather3A_713] in [0] : vector<16xi32>, vector<16xi32> -> vector<16xi32>
              %broadcast_in_dim3A_715 = arith.constant 11 : i32
              %broadcast_in_dim3A_716 = vector.broadcast %broadcast_in_dim3A_715 : i32 to vector<16x1xi32>
              %gather3A_717 = vector.shape_cast %broadcast_in_dim3A_716 : vector<16x1xi32> to vector<16xi32>
              %gather3A_718 = tpu.dynamic_gather %get3A_404[%gather3A_717] in [0] : vector<16xf32>, vector<16xi32> -> vector<16xf32>
              %mul3A_719 = arith.constant 16 : i32
              %mul3A_720 = arith.muli %scan3A_394, %mul3A_719 : i32
              %add3A_721 = arith.constant 11 : i32
              %add3A_722 = arith.addi %mul3A_720, %add3A_721 : i32
              %get3A_723 = arith.index_cast %scan3A_385 : i32 to index
              %get3A_724 = arith.index_cast %add3A_722 : i32 to index
              %get3A_725 = arith.constant 0 : index
              %get3A_726 = tpu.vector_load %arg13[%get3A_723, %get3A_724, %get3A_725] {strides = array<i32>} : memref<8x128x32xf32, #tpu.memory_space<vmem>>, vector<16xf32>,
              %add3A_727 = arith.addi %gather3A_714, %mul3A_5 : vector<16xi32>
              %mul3A_728 = arith.mulf %gather3A_718, %get3A_726 : vector<16xf32>
              tpu.vector_store_idx %arg14[%add3A_727], %mul3A_728 {add = true} : memref<81920xf32, #tpu.memory_space<vmem>>[vector<16xi32>], vector<16xf32>,
              %mul3A_729 = arith.constant 16 : i32
              %mul3A_730 = arith.muli %scan3A_394, %mul3A_729 : i32
              %add3A_731 = arith.constant 11 : i32
              %add3A_732 = arith.addi %mul3A_730, %add3A_731 : i32
              %get3A_733 = arith.index_cast %scan3A_385 : i32 to index
              %get3A_734 = arith.index_cast %add3A_732 : i32 to index
              %get3A_735 = arith.constant 16 : index
              %get3A_736 = tpu.vector_load %arg13[%get3A_733, %get3A_734, %get3A_735] {strides = array<i32>} : memref<8x128x32xf32, #tpu.memory_space<vmem>>, vector<16xf32>,
              %add3A_737 = arith.addi %gather3A_714, %mul3A_11 : vector<16xi32>
              %mul3A_738 = arith.mulf %gather3A_718, %get3A_736 : vector<16xf32>
              tpu.vector_store_idx %arg14[%add3A_737], %mul3A_738 {add = true} : memref<81920xf32, #tpu.memory_space<vmem>>[vector<16xi32>], vector<16xf32>,
              %broadcast_in_dim3A_739 = arith.constant 12 : i32
              %broadcast_in_dim3A_740 = vector.broadcast %broadcast_in_dim3A_739 : i32 to vector<16x1xi32>
              %gather3A_741 = vector.shape_cast %broadcast_in_dim3A_740 : vector<16x1xi32> to vector<16xi32>
              %gather3A_742 = tpu.dynamic_gather %get3A_402[%gather3A_741] in [0] : vector<16xi32>, vector<16xi32> -> vector<16xi32>
              %broadcast_in_dim3A_743 = arith.constant 12 : i32
              %broadcast_in_dim3A_744 = vector.broadcast %broadcast_in_dim3A_743 : i32 to vector<16x1xi32>
              %gather3A_745 = vector.shape_cast %broadcast_in_dim3A_744 : vector<16x1xi32> to vector<16xi32>
              %gather3A_746 = tpu.dynamic_gather %get3A_404[%gather3A_745] in [0] : vector<16xf32>, vector<16xi32> -> vector<16xf32>
              %mul3A_747 = arith.constant 16 : i32
              %mul3A_748 = arith.muli %scan3A_394, %mul3A_747 : i32
              %add3A_749 = arith.constant 12 : i32
              %add3A_750 = arith.addi %mul3A_748, %add3A_749 : i32
              %get3A_751 = arith.index_cast %scan3A_385 : i32 to index
              %get3A_752 = arith.index_cast %add3A_750 : i32 to index
              %get3A_753 = arith.constant 0 : index
              %get3A_754 = tpu.vector_load %arg13[%get3A_751, %get3A_752, %get3A_753] {strides = array<i32>} : memref<8x128x32xf32, #tpu.memory_space<vmem>>, vector<16xf32>,
              %add3A_755 = arith.addi %gather3A_742, %mul3A_5 : vector<16xi32>
              %mul3A_756 = arith.mulf %gather3A_746, %get3A_754 : vector<16xf32>
              tpu.vector_store_idx %arg14[%add3A_755], %mul3A_756 {add = true} : memref<81920xf32, #tpu.memory_space<vmem>>[vector<16xi32>], vector<16xf32>,
              %mul3A_757 = arith.constant 16 : i32
              %mul3A_758 = arith.muli %scan3A_394, %mul3A_757 : i32
              %add3A_759 = arith.constant 12 : i32
              %add3A_760 = arith.addi %mul3A_758, %add3A_759 : i32
              %get3A_761 = arith.index_cast %scan3A_385 : i32 to index
              %get3A_762 = arith.index_cast %add3A_760 : i32 to index
              %get3A_763 = arith.constant 16 : index
              %get3A_764 = tpu.vector_load %arg13[%get3A_761, %get3A_762, %get3A_763] {strides = array<i32>} : memref<8x128x32xf32, #tpu.memory_space<vmem>>, vector<16xf32>,
              %add3A_765 = arith.addi %gather3A_742, %mul3A_11 : vector<16xi32>
              %mul3A_766 = arith.mulf %gather3A_746, %get3A_764 : vector<16xf32>
              tpu.vector_store_idx %arg14[%add3A_765], %mul3A_766 {add = true} : memref<81920xf32, #tpu.memory_space<vmem>>[vector<16xi32>], vector<16xf32>,
              %broadcast_in_dim3A_767 = arith.constant 13 : i32
              %broadcast_in_dim3A_768 = vector.broadcast %broadcast_in_dim3A_767 : i32 to vector<16x1xi32>
              %gather3A_769 = vector.shape_cast %broadcast_in_dim3A_768 : vector<16x1xi32> to vector<16xi32>
              %gather3A_770 = tpu.dynamic_gather %get3A_402[%gather3A_769] in [0] : vector<16xi32>, vector<16xi32> -> vector<16xi32>
              %broadcast_in_dim3A_771 = arith.constant 13 : i32
              %broadcast_in_dim3A_772 = vector.broadcast %broadcast_in_dim3A_771 : i32 to vector<16x1xi32>
              %gather3A_773 = vector.shape_cast %broadcast_in_dim3A_772 : vector<16x1xi32> to vector<16xi32>
              %gather3A_774 = tpu.dynamic_gather %get3A_404[%gather3A_773] in [0] : vector<16xf32>, vector<16xi32> -> vector<16xf32>
              %mul3A_775 = arith.constant 16 : i32
              %mul3A_776 = arith.muli %scan3A_394, %mul3A_775 : i32
              %add3A_777 = arith.constant 13 : i32
              %add3A_778 = arith.addi %mul3A_776, %add3A_777 : i32
              %get3A_779 = arith.index_cast %scan3A_385 : i32 to index
              %get3A_780 = arith.index_cast %add3A_778 : i32 to index
              %get3A_781 = arith.constant 0 : index
              %get3A_782 = tpu.vector_load %arg13[%get3A_779, %get3A_780, %get3A_781] {strides = array<i32>} : memref<8x128x32xf32, #tpu.memory_space<vmem>>, vector<16xf32>,
              %add3A_783 = arith.addi %gather3A_770, %mul3A_5 : vector<16xi32>
              %mul3A_784 = arith.mulf %gather3A_774, %get3A_782 : vector<16xf32>
              tpu.vector_store_idx %arg14[%add3A_783], %mul3A_784 {add = true} : memref<81920xf32, #tpu.memory_space<vmem>>[vector<16xi32>], vector<16xf32>,
              %mul3A_785 = arith.constant 16 : i32
              %mul3A_786 = arith.muli %scan3A_394, %mul3A_785 : i32
              %add3A_787 = arith.constant 13 : i32
              %add3A_788 = arith.addi %mul3A_786, %add3A_787 : i32
              %get3A_789 = arith.index_cast %scan3A_385 : i32 to index
              %get3A_790 = arith.index_cast %add3A_788 : i32 to index
              %get3A_791 = arith.constant 16 : index
              %get3A_792 = tpu.vector_load %arg13[%get3A_789, %get3A_790, %get3A_791] {strides = array<i32>} : memref<8x128x32xf32, #tpu.memory_space<vmem>>, vector<16xf32>,
              %add3A_793 = arith.addi %gather3A_770, %mul3A_11 : vector<16xi32>
              %mul3A_794 = arith.mulf %gather3A_774, %get3A_792 : vector<16xf32>
              tpu.vector_store_idx %arg14[%add3A_793], %mul3A_794 {add = true} : memref<81920xf32, #tpu.memory_space<vmem>>[vector<16xi32>], vector<16xf32>,
              %broadcast_in_dim3A_795 = arith.constant 14 : i32
              %broadcast_in_dim3A_796 = vector.broadcast %broadcast_in_dim3A_795 : i32 to vector<16x1xi32>
              %gather3A_797 = vector.shape_cast %broadcast_in_dim3A_796 : vector<16x1xi32> to vector<16xi32>
              %gather3A_798 = tpu.dynamic_gather %get3A_402[%gather3A_797] in [0] : vector<16xi32>, vector<16xi32> -> vector<16xi32>
              %broadcast_in_dim3A_799 = arith.constant 14 : i32
              %broadcast_in_dim3A_800 = vector.broadcast %broadcast_in_dim3A_799 : i32 to vector<16x1xi32>
              %gather3A_801 = vector.shape_cast %broadcast_in_dim3A_800 : vector<16x1xi32> to vector<16xi32>
              %gather3A_802 = tpu.dynamic_gather %get3A_404[%gather3A_801] in [0] : vector<16xf32>, vector<16xi32> -> vector<16xf32>
              %mul3A_803 = arith.constant 16 : i32
              %mul3A_804 = arith.muli %scan3A_394, %mul3A_803 : i32
              %add3A_805 = arith.constant 14 : i32
              %add3A_806 = arith.addi %mul3A_804, %add3A_805 : i32
              %get3A_807 = arith.index_cast %scan3A_385 : i32 to index
              %get3A_808 = arith.index_cast %add3A_806 : i32 to index
              %get3A_809 = arith.constant 0 : index
              %get3A_810 = tpu.vector_load %arg13[%get3A_807, %get3A_808, %get3A_809] {strides = array<i32>} : memref<8x128x32xf32, #tpu.memory_space<vmem>>, vector<16xf32>,
              %add3A_811 = arith.addi %gather3A_798, %mul3A_5 : vector<16xi32>
              %mul3A_812 = arith.mulf %gather3A_802, %get3A_810 : vector<16xf32>
              tpu.vector_store_idx %arg14[%add3A_811], %mul3A_812 {add = true} : memref<81920xf32, #tpu.memory_space<vmem>>[vector<16xi32>], vector<16xf32>,
              %mul3A_813 = arith.constant 16 : i32
              %mul3A_814 = arith.muli %scan3A_394, %mul3A_813 : i32
              %add3A_815 = arith.constant 14 : i32
              %add3A_816 = arith.addi %mul3A_814, %add3A_815 : i32
              %get3A_817 = arith.index_cast %scan3A_385 : i32 to index
              %get3A_818 = arith.index_cast %add3A_816 : i32 to index
              %get3A_819 = arith.constant 16 : index
              %get3A_820 = tpu.vector_load %arg13[%get3A_817, %get3A_818, %get3A_819] {strides = array<i32>} : memref<8x128x32xf32, #tpu.memory_space<vmem>>, vector<16xf32>,
              %add3A_821 = arith.addi %gather3A_798, %mul3A_11 : vector<16xi32>
              %mul3A_822 = arith.mulf %gather3A_802, %get3A_820 : vector<16xf32>
              tpu.vector_store_idx %arg14[%add3A_821], %mul3A_822 {add = true} : memref<81920xf32, #tpu.memory_space<vmem>>[vector<16xi32>], vector<16xf32>,
              %broadcast_in_dim3A_823 = arith.constant 15 : i32
              %broadcast_in_dim3A_824 = vector.broadcast %broadcast_in_dim3A_823 : i32 to vector<16x1xi32>
              %gather3A_825 = vector.shape_cast %broadcast_in_dim3A_824 : vector<16x1xi32> to vector<16xi32>
              %gather3A_826 = tpu.dynamic_gather %get3A_402[%gather3A_825] in [0] : vector<16xi32>, vector<16xi32> -> vector<16xi32>
              %broadcast_in_dim3A_827 = arith.constant 15 : i32
              %broadcast_in_dim3A_828 = vector.broadcast %broadcast_in_dim3A_827 : i32 to vector<16x1xi32>
              %gather3A_829 = vector.shape_cast %broadcast_in_dim3A_828 : vector<16x1xi32> to vector<16xi32>
              %gather3A_830 = tpu.dynamic_gather %get3A_404[%gather3A_829] in [0] : vector<16xf32>, vector<16xi32> -> vector<16xf32>
              %mul3A_831 = arith.constant 16 : i32
              %mul3A_832 = arith.muli %scan3A_394, %mul3A_831 : i32
              %add3A_833 = arith.constant 15 : i32
              %add3A_834 = arith.addi %mul3A_832, %add3A_833 : i32
              %get3A_835 = arith.index_cast %scan3A_385 : i32 to index
              %get3A_836 = arith.index_cast %add3A_834 : i32 to index
              %get3A_837 = arith.constant 0 : index
              %get3A_838 = tpu.vector_load %arg13[%get3A_835, %get3A_836, %get3A_837] {strides = array<i32>} : memref<8x128x32xf32, #tpu.memory_space<vmem>>, vector<16xf32>,
              %add3A_839 = arith.addi %gather3A_826, %mul3A_5 : vector<16xi32>
              %mul3A_840 = arith.mulf %gather3A_830, %get3A_838 : vector<16xf32>
              tpu.vector_store_idx %arg14[%add3A_839], %mul3A_840 {add = true} : memref<81920xf32, #tpu.memory_space<vmem>>[vector<16xi32>], vector<16xf32>,
              %mul3A_841 = arith.constant 16 : i32
              %mul3A_842 = arith.muli %scan3A_394, %mul3A_841 : i32
              %add3A_843 = arith.constant 15 : i32
              %add3A_844 = arith.addi %mul3A_842, %add3A_843 : i32
              %get3A_845 = arith.index_cast %scan3A_385 : i32 to index
              %get3A_846 = arith.index_cast %add3A_844 : i32 to index
              %get3A_847 = arith.constant 16 : index
              %get3A_848 = tpu.vector_load %arg13[%get3A_845, %get3A_846, %get3A_847] {strides = array<i32>} : memref<8x128x32xf32, #tpu.memory_space<vmem>>, vector<16xf32>,
              %add3A_849 = arith.addi %gather3A_826, %mul3A_11 : vector<16xi32>
              %mul3A_850 = arith.mulf %gather3A_830, %get3A_848 : vector<16xf32>
              tpu.vector_store_idx %arg14[%add3A_849], %mul3A_850 {add = true} : memref<81920xf32, #tpu.memory_space<vmem>>[vector<16xi32>], vector<16xf32>,
              %scan3A_851 = arith.constant 0 : i32
              scf.yield %scan3A_851 : i32
            }
            %scan3A_393 = arith.constant 8 : i32
            scf.yield %scan3A_392 : i32
          }
          %scan3A_383 = arith.constant 8 : i32
          %while3A_384 = arith.constant 0 : i32
          scf.yield %while3A_384 : i32
        }
        %while3A_79 = arith.constant 1 : i32
        %while3A_80 = scf.for %while3A_152 = %while3A_76 to %while3A_72 step %while3A_79 iter_args(%while3A_153 = %while3A_78) -> (i32)  : i32 {
          %mul3A_154 = arith.constant 1024 : i32
          %mul3A_155 = arith.muli %while3A_152, %mul3A_154 : i32
          %add3A_156 = arith.addi %and3A_28, %mul3A_155 : i32
          %multiple_of3A = tpu.assume_multiple %add3A_156, 8 : i32
          %add3A_157 = arith.constant 0 : i32
          %add3A_158 = arith.addi %multiple_of3A, %add3A_157 : i32
          %run_scoped3A = arith.constant 0 : i32
          "tpu.region"() ({
            %run_scoped3A_385 = tpu.sem_alloc : memref<!tpu.dma_semaphore, #tpu.memory_space<semaphore_mem>>
            %dma_start3A_386 = arith.constant 0 : i32
            %dma_start3A_387 = tpu.memref_slice %arg10[%run_scoped3A, %dma_start3A_386] : memref<8x128xi32, #tpu.memory_space<vmem>> -> memref<1x128xi32, #tpu.memory_space<vmem>>
            %dma_start3A_388 = tpu.memref_squeeze %dma_start3A_387 : memref<1x128xi32, #tpu.memory_space<vmem>> -> memref<128xi32, #tpu.memory_space<vmem>>
            %dma_start3A_389 = tpu.memref_slice %arg3[%add3A_158] : memref<270336xi32, #tpu.memory_space<hbm>> -> memref<128xi32, #tpu.memory_space<hbm>>
            %dma_start3A_390 = arith.constant 0 : i32
            %dma_start3A_391 = tpu.memref_slice %arg10[%run_scoped3A, %dma_start3A_390] : memref<8x128xi32, #tpu.memory_space<vmem>> -> memref<1x128xi32, #tpu.memory_space<vmem>>
            %dma_start3A_392 = tpu.memref_squeeze %dma_start3A_391 : memref<1x128xi32, #tpu.memory_space<vmem>> -> memref<128xi32, #tpu.memory_space<vmem>>
            %dma_start3A_393 = tpu.memref_slice %arg3[%add3A_158] : memref<270336xi32, #tpu.memory_space<hbm>> -> memref<128xi32, #tpu.memory_space<hbm>>
            tpu.enqueue_dma source(%dma_start3A_393 : memref<128xi32, #tpu.memory_space<hbm>>) target(%dma_start3A_392 : memref<128xi32, #tpu.memory_space<vmem>>) target_semaphore(%run_scoped3A_385 : memref<!tpu.dma_semaphore, #tpu.memory_space<semaphore_mem>>)
            %dma_wait3A_394 = arith.constant 0 : i32
            %dma_wait3A_395 = tpu.memref_slice %arg10[%run_scoped3A, %dma_wait3A_394] : memref<8x128xi32, #tpu.memory_space<vmem>> -> memref<1x128xi32, #tpu.memory_space<vmem>>
            %dma_wait3A_396 = tpu.memref_squeeze %dma_wait3A_395 : memref<1x128xi32, #tpu.memory_space<vmem>> -> memref<128xi32, #tpu.memory_space<vmem>>
            %dma_wait3A_397 = tpu.memref_slice %arg3[%add3A_158] : memref<270336xi32, #tpu.memory_space<hbm>> -> memref<128xi32, #tpu.memory_space<hbm>>
            %dma_wait3A_398 = arith.constant 0 : i32
            %dma_wait3A_399 = tpu.memref_slice %arg10[%run_scoped3A, %dma_wait3A_398] : memref<8x128xi32, #tpu.memory_space<vmem>> -> memref<1x128xi32, #tpu.memory_space<vmem>>
            %dma_wait3A_400 = tpu.memref_squeeze %dma_wait3A_399 : memref<1x128xi32, #tpu.memory_space<vmem>> -> memref<128xi32, #tpu.memory_space<vmem>>
            %dma_wait3A_401 = tpu.memref_slice %arg3[%add3A_158] : memref<270336xi32, #tpu.memory_space<hbm>> -> memref<128xi32, #tpu.memory_space<hbm>>
            tpu.wait_dma2 semaphore(%run_scoped3A_385 : memref<!tpu.dma_semaphore, #tpu.memory_space<semaphore_mem>>) src(%dma_wait3A_401 : memref<128xi32, #tpu.memory_space<hbm>>) dst(%dma_wait3A_400 : memref<128xi32, #tpu.memory_space<vmem>>)
            tpu.yield
          }) : () -> ()
          %add3A_159 = arith.constant 128 : i32
          %add3A_160 = arith.addi %multiple_of3A, %add3A_159 : i32
          %run_scoped3A_161 = arith.constant 1 : i32
          "tpu.region"() ({
            %run_scoped3A_385 = tpu.sem_alloc : memref<!tpu.dma_semaphore, #tpu.memory_space<semaphore_mem>>
            %dma_start3A_386 = arith.constant 0 : i32
            %dma_start3A_387 = tpu.memref_slice %arg10[%run_scoped3A_161, %dma_start3A_386] : memref<8x128xi32, #tpu.memory_space<vmem>> -> memref<1x128xi32, #tpu.memory_space<vmem>>
            %dma_start3A_388 = tpu.memref_squeeze %dma_start3A_387 : memref<1x128xi32, #tpu.memory_space<vmem>> -> memref<128xi32, #tpu.memory_space<vmem>>
            %dma_start3A_389 = tpu.memref_slice %arg3[%add3A_160] : memref<270336xi32, #tpu.memory_space<hbm>> -> memref<128xi32, #tpu.memory_space<hbm>>
            %dma_start3A_390 = arith.constant 0 : i32
            %dma_start3A_391 = tpu.memref_slice %arg10[%run_scoped3A_161, %dma_start3A_390] : memref<8x128xi32, #tpu.memory_space<vmem>> -> memref<1x128xi32, #tpu.memory_space<vmem>>
            %dma_start3A_392 = tpu.memref_squeeze %dma_start3A_391 : memref<1x128xi32, #tpu.memory_space<vmem>> -> memref<128xi32, #tpu.memory_space<vmem>>
            %dma_start3A_393 = tpu.memref_slice %arg3[%add3A_160] : memref<270336xi32, #tpu.memory_space<hbm>> -> memref<128xi32, #tpu.memory_space<hbm>>
            tpu.enqueue_dma source(%dma_start3A_393 : memref<128xi32, #tpu.memory_space<hbm>>) target(%dma_start3A_392 : memref<128xi32, #tpu.memory_space<vmem>>) target_semaphore(%run_scoped3A_385 : memref<!tpu.dma_semaphore, #tpu.memory_space<semaphore_mem>>)
            %dma_wait3A_394 = arith.constant 0 : i32
            %dma_wait3A_395 = tpu.memref_slice %arg10[%run_scoped3A_161, %dma_wait3A_394] : memref<8x128xi32, #tpu.memory_space<vmem>> -> memref<1x128xi32, #tpu.memory_space<vmem>>
            %dma_wait3A_396 = tpu.memref_squeeze %dma_wait3A_395 : memref<1x128xi32, #tpu.memory_space<vmem>> -> memref<128xi32, #tpu.memory_space<vmem>>
            %dma_wait3A_397 = tpu.memref_slice %arg3[%add3A_160] : memref<270336xi32, #tpu.memory_space<hbm>> -> memref<128xi32, #tpu.memory_space<hbm>>
            %dma_wait3A_398 = arith.constant 0 : i32
            %dma_wait3A_399 = tpu.memref_slice %arg10[%run_scoped3A_161, %dma_wait3A_398] : memref<8x128xi32, #tpu.memory_space<vmem>> -> memref<1x128xi32, #tpu.memory_space<vmem>>
            %dma_wait3A_400 = tpu.memref_squeeze %dma_wait3A_399 : memref<1x128xi32, #tpu.memory_space<vmem>> -> memref<128xi32, #tpu.memory_space<vmem>>
            %dma_wait3A_401 = tpu.memref_slice %arg3[%add3A_160] : memref<270336xi32, #tpu.memory_space<hbm>> -> memref<128xi32, #tpu.memory_space<hbm>>
            tpu.wait_dma2 semaphore(%run_scoped3A_385 : memref<!tpu.dma_semaphore, #tpu.memory_space<semaphore_mem>>) src(%dma_wait3A_401 : memref<128xi32, #tpu.memory_space<hbm>>) dst(%dma_wait3A_400 : memref<128xi32, #tpu.memory_space<vmem>>)
            tpu.yield
          }) : () -> ()
          %add3A_162 = arith.constant 256 : i32
          %add3A_163 = arith.addi %multiple_of3A, %add3A_162 : i32
          %run_scoped3A_164 = arith.constant 2 : i32
          "tpu.region"() ({
            %run_scoped3A_385 = tpu.sem_alloc : memref<!tpu.dma_semaphore, #tpu.memory_space<semaphore_mem>>
            %dma_start3A_386 = arith.constant 0 : i32
            %dma_start3A_387 = tpu.memref_slice %arg10[%run_scoped3A_164, %dma_start3A_386] : memref<8x128xi32, #tpu.memory_space<vmem>> -> memref<1x128xi32, #tpu.memory_space<vmem>>
            %dma_start3A_388 = tpu.memref_squeeze %dma_start3A_387 : memref<1x128xi32, #tpu.memory_space<vmem>> -> memref<128xi32, #tpu.memory_space<vmem>>
            %dma_start3A_389 = tpu.memref_slice %arg3[%add3A_163] : memref<270336xi32, #tpu.memory_space<hbm>> -> memref<128xi32, #tpu.memory_space<hbm>>
            %dma_start3A_390 = arith.constant 0 : i32
            %dma_start3A_391 = tpu.memref_slice %arg10[%run_scoped3A_164, %dma_start3A_390] : memref<8x128xi32, #tpu.memory_space<vmem>> -> memref<1x128xi32, #tpu.memory_space<vmem>>
            %dma_start3A_392 = tpu.memref_squeeze %dma_start3A_391 : memref<1x128xi32, #tpu.memory_space<vmem>> -> memref<128xi32, #tpu.memory_space<vmem>>
            %dma_start3A_393 = tpu.memref_slice %arg3[%add3A_163] : memref<270336xi32, #tpu.memory_space<hbm>> -> memref<128xi32, #tpu.memory_space<hbm>>
            tpu.enqueue_dma source(%dma_start3A_393 : memref<128xi32, #tpu.memory_space<hbm>>) target(%dma_start3A_392 : memref<128xi32, #tpu.memory_space<vmem>>) target_semaphore(%run_scoped3A_385 : memref<!tpu.dma_semaphore, #tpu.memory_space<semaphore_mem>>)
            %dma_wait3A_394 = arith.constant 0 : i32
            %dma_wait3A_395 = tpu.memref_slice %arg10[%run_scoped3A_164, %dma_wait3A_394] : memref<8x128xi32, #tpu.memory_space<vmem>> -> memref<1x128xi32, #tpu.memory_space<vmem>>
            %dma_wait3A_396 = tpu.memref_squeeze %dma_wait3A_395 : memref<1x128xi32, #tpu.memory_space<vmem>> -> memref<128xi32, #tpu.memory_space<vmem>>
            %dma_wait3A_397 = tpu.memref_slice %arg3[%add3A_163] : memref<270336xi32, #tpu.memory_space<hbm>> -> memref<128xi32, #tpu.memory_space<hbm>>
            %dma_wait3A_398 = arith.constant 0 : i32
            %dma_wait3A_399 = tpu.memref_slice %arg10[%run_scoped3A_164, %dma_wait3A_398] : memref<8x128xi32, #tpu.memory_space<vmem>> -> memref<1x128xi32, #tpu.memory_space<vmem>>
            %dma_wait3A_400 = tpu.memref_squeeze %dma_wait3A_399 : memref<1x128xi32, #tpu.memory_space<vmem>> -> memref<128xi32, #tpu.memory_space<vmem>>
            %dma_wait3A_401 = tpu.memref_slice %arg3[%add3A_163] : memref<270336xi32, #tpu.memory_space<hbm>> -> memref<128xi32, #tpu.memory_space<hbm>>
            tpu.wait_dma2 semaphore(%run_scoped3A_385 : memref<!tpu.dma_semaphore, #tpu.memory_space<semaphore_mem>>) src(%dma_wait3A_401 : memref<128xi32, #tpu.memory_space<hbm>>) dst(%dma_wait3A_400 : memref<128xi32, #tpu.memory_space<vmem>>)
            tpu.yield
          }) : () -> ()
          %add3A_165 = arith.constant 384 : i32
          %add3A_166 = arith.addi %multiple_of3A, %add3A_165 : i32
          %run_scoped3A_167 = arith.constant 3 : i32
          "tpu.region"() ({
            %run_scoped3A_385 = tpu.sem_alloc : memref<!tpu.dma_semaphore, #tpu.memory_space<semaphore_mem>>
            %dma_start3A_386 = arith.constant 0 : i32
            %dma_start3A_387 = tpu.memref_slice %arg10[%run_scoped3A_167, %dma_start3A_386] : memref<8x128xi32, #tpu.memory_space<vmem>> -> memref<1x128xi32, #tpu.memory_space<vmem>>
            %dma_start3A_388 = tpu.memref_squeeze %dma_start3A_387 : memref<1x128xi32, #tpu.memory_space<vmem>> -> memref<128xi32, #tpu.memory_space<vmem>>
            %dma_start3A_389 = tpu.memref_slice %arg3[%add3A_166] : memref<270336xi32, #tpu.memory_space<hbm>> -> memref<128xi32, #tpu.memory_space<hbm>>
            %dma_start3A_390 = arith.constant 0 : i32
            %dma_start3A_391 = tpu.memref_slice %arg10[%run_scoped3A_167, %dma_start3A_390] : memref<8x128xi32, #tpu.memory_space<vmem>> -> memref<1x128xi32, #tpu.memory_space<vmem>>
            %dma_start3A_392 = tpu.memref_squeeze %dma_start3A_391 : memref<1x128xi32, #tpu.memory_space<vmem>> -> memref<128xi32, #tpu.memory_space<vmem>>
            %dma_start3A_393 = tpu.memref_slice %arg3[%add3A_166] : memref<270336xi32, #tpu.memory_space<hbm>> -> memref<128xi32, #tpu.memory_space<hbm>>
            tpu.enqueue_dma source(%dma_start3A_393 : memref<128xi32, #tpu.memory_space<hbm>>) target(%dma_start3A_392 : memref<128xi32, #tpu.memory_space<vmem>>) target_semaphore(%run_scoped3A_385 : memref<!tpu.dma_semaphore, #tpu.memory_space<semaphore_mem>>)
            %dma_wait3A_394 = arith.constant 0 : i32
            %dma_wait3A_395 = tpu.memref_slice %arg10[%run_scoped3A_167, %dma_wait3A_394] : memref<8x128xi32, #tpu.memory_space<vmem>> -> memref<1x128xi32, #tpu.memory_space<vmem>>
            %dma_wait3A_396 = tpu.memref_squeeze %dma_wait3A_395 : memref<1x128xi32, #tpu.memory_space<vmem>> -> memref<128xi32, #tpu.memory_space<vmem>>
            %dma_wait3A_397 = tpu.memref_slice %arg3[%add3A_166] : memref<270336xi32, #tpu.memory_space<hbm>> -> memref<128xi32, #tpu.memory_space<hbm>>
            %dma_wait3A_398 = arith.constant 0 : i32
            %dma_wait3A_399 = tpu.memref_slice %arg10[%run_scoped3A_167, %dma_wait3A_398] : memref<8x128xi32, #tpu.memory_space<vmem>> -> memref<1x128xi32, #tpu.memory_space<vmem>>
            %dma_wait3A_400 = tpu.memref_squeeze %dma_wait3A_399 : memref<1x128xi32, #tpu.memory_space<vmem>> -> memref<128xi32, #tpu.memory_space<vmem>>
            %dma_wait3A_401 = tpu.memref_slice %arg3[%add3A_166] : memref<270336xi32, #tpu.memory_space<hbm>> -> memref<128xi32, #tpu.memory_space<hbm>>
            tpu.wait_dma2 semaphore(%run_scoped3A_385 : memref<!tpu.dma_semaphore, #tpu.memory_space<semaphore_mem>>) src(%dma_wait3A_401 : memref<128xi32, #tpu.memory_space<hbm>>) dst(%dma_wait3A_400 : memref<128xi32, #tpu.memory_space<vmem>>)
            tpu.yield
          }) : () -> ()
          %add3A_168 = arith.constant 512 : i32
          %add3A_169 = arith.addi %multiple_of3A, %add3A_168 : i32
          %run_scoped3A_170 = arith.constant 4 : i32
          "tpu.region"() ({
            %run_scoped3A_385 = tpu.sem_alloc : memref<!tpu.dma_semaphore, #tpu.memory_space<semaphore_mem>>
            %dma_start3A_386 = arith.constant 0 : i32
            %dma_start3A_387 = tpu.memref_slice %arg10[%run_scoped3A_170, %dma_start3A_386] : memref<8x128xi32, #tpu.memory_space<vmem>> -> memref<1x128xi32, #tpu.memory_space<vmem>>
            %dma_start3A_388 = tpu.memref_squeeze %dma_start3A_387 : memref<1x128xi32, #tpu.memory_space<vmem>> -> memref<128xi32, #tpu.memory_space<vmem>>
            %dma_start3A_389 = tpu.memref_slice %arg3[%add3A_169] : memref<270336xi32, #tpu.memory_space<hbm>> -> memref<128xi32, #tpu.memory_space<hbm>>
            %dma_start3A_390 = arith.constant 0 : i32
            %dma_start3A_391 = tpu.memref_slice %arg10[%run_scoped3A_170, %dma_start3A_390] : memref<8x128xi32, #tpu.memory_space<vmem>> -> memref<1x128xi32, #tpu.memory_space<vmem>>
            %dma_start3A_392 = tpu.memref_squeeze %dma_start3A_391 : memref<1x128xi32, #tpu.memory_space<vmem>> -> memref<128xi32, #tpu.memory_space<vmem>>
            %dma_start3A_393 = tpu.memref_slice %arg3[%add3A_169] : memref<270336xi32, #tpu.memory_space<hbm>> -> memref<128xi32, #tpu.memory_space<hbm>>
            tpu.enqueue_dma source(%dma_start3A_393 : memref<128xi32, #tpu.memory_space<hbm>>) target(%dma_start3A_392 : memref<128xi32, #tpu.memory_space<vmem>>) target_semaphore(%run_scoped3A_385 : memref<!tpu.dma_semaphore, #tpu.memory_space<semaphore_mem>>)
            %dma_wait3A_394 = arith.constant 0 : i32
            %dma_wait3A_395 = tpu.memref_slice %arg10[%run_scoped3A_170, %dma_wait3A_394] : memref<8x128xi32, #tpu.memory_space<vmem>> -> memref<1x128xi32, #tpu.memory_space<vmem>>
            %dma_wait3A_396 = tpu.memref_squeeze %dma_wait3A_395 : memref<1x128xi32, #tpu.memory_space<vmem>> -> memref<128xi32, #tpu.memory_space<vmem>>
            %dma_wait3A_397 = tpu.memref_slice %arg3[%add3A_169] : memref<270336xi32, #tpu.memory_space<hbm>> -> memref<128xi32, #tpu.memory_space<hbm>>
            %dma_wait3A_398 = arith.constant 0 : i32
            %dma_wait3A_399 = tpu.memref_slice %arg10[%run_scoped3A_170, %dma_wait3A_398] : memref<8x128xi32, #tpu.memory_space<vmem>> -> memref<1x128xi32, #tpu.memory_space<vmem>>
            %dma_wait3A_400 = tpu.memref_squeeze %dma_wait3A_399 : memref<1x128xi32, #tpu.memory_space<vmem>> -> memref<128xi32, #tpu.memory_space<vmem>>
            %dma_wait3A_401 = tpu.memref_slice %arg3[%add3A_169] : memref<270336xi32, #tpu.memory_space<hbm>> -> memref<128xi32, #tpu.memory_space<hbm>>
            tpu.wait_dma2 semaphore(%run_scoped3A_385 : memref<!tpu.dma_semaphore, #tpu.memory_space<semaphore_mem>>) src(%dma_wait3A_401 : memref<128xi32, #tpu.memory_space<hbm>>) dst(%dma_wait3A_400 : memref<128xi32, #tpu.memory_space<vmem>>)
            tpu.yield
          }) : () -> ()
          %add3A_171 = arith.constant 640 : i32
          %add3A_172 = arith.addi %multiple_of3A, %add3A_171 : i32
          %run_scoped3A_173 = arith.constant 5 : i32
          "tpu.region"() ({
            %run_scoped3A_385 = tpu.sem_alloc : memref<!tpu.dma_semaphore, #tpu.memory_space<semaphore_mem>>
            %dma_start3A_386 = arith.constant 0 : i32
            %dma_start3A_387 = tpu.memref_slice %arg10[%run_scoped3A_173, %dma_start3A_386] : memref<8x128xi32, #tpu.memory_space<vmem>> -> memref<1x128xi32, #tpu.memory_space<vmem>>
            %dma_start3A_388 = tpu.memref_squeeze %dma_start3A_387 : memref<1x128xi32, #tpu.memory_space<vmem>> -> memref<128xi32, #tpu.memory_space<vmem>>
            %dma_start3A_389 = tpu.memref_slice %arg3[%add3A_172] : memref<270336xi32, #tpu.memory_space<hbm>> -> memref<128xi32, #tpu.memory_space<hbm>>
            %dma_start3A_390 = arith.constant 0 : i32
            %dma_start3A_391 = tpu.memref_slice %arg10[%run_scoped3A_173, %dma_start3A_390] : memref<8x128xi32, #tpu.memory_space<vmem>> -> memref<1x128xi32, #tpu.memory_space<vmem>>
            %dma_start3A_392 = tpu.memref_squeeze %dma_start3A_391 : memref<1x128xi32, #tpu.memory_space<vmem>> -> memref<128xi32, #tpu.memory_space<vmem>>
            %dma_start3A_393 = tpu.memref_slice %arg3[%add3A_172] : memref<270336xi32, #tpu.memory_space<hbm>> -> memref<128xi32, #tpu.memory_space<hbm>>
            tpu.enqueue_dma source(%dma_start3A_393 : memref<128xi32, #tpu.memory_space<hbm>>) target(%dma_start3A_392 : memref<128xi32, #tpu.memory_space<vmem>>) target_semaphore(%run_scoped3A_385 : memref<!tpu.dma_semaphore, #tpu.memory_space<semaphore_mem>>)
            %dma_wait3A_394 = arith.constant 0 : i32
            %dma_wait3A_395 = tpu.memref_slice %arg10[%run_scoped3A_173, %dma_wait3A_394] : memref<8x128xi32, #tpu.memory_space<vmem>> -> memref<1x128xi32, #tpu.memory_space<vmem>>
            %dma_wait3A_396 = tpu.memref_squeeze %dma_wait3A_395 : memref<1x128xi32, #tpu.memory_space<vmem>> -> memref<128xi32, #tpu.memory_space<vmem>>
            %dma_wait3A_397 = tpu.memref_slice %arg3[%add3A_172] : memref<270336xi32, #tpu.memory_space<hbm>> -> memref<128xi32, #tpu.memory_space<hbm>>
            %dma_wait3A_398 = arith.constant 0 : i32
            %dma_wait3A_399 = tpu.memref_slice %arg10[%run_scoped3A_173, %dma_wait3A_398] : memref<8x128xi32, #tpu.memory_space<vmem>> -> memref<1x128xi32, #tpu.memory_space<vmem>>
            %dma_wait3A_400 = tpu.memref_squeeze %dma_wait3A_399 : memref<1x128xi32, #tpu.memory_space<vmem>> -> memref<128xi32, #tpu.memory_space<vmem>>
            %dma_wait3A_401 = tpu.memref_slice %arg3[%add3A_172] : memref<270336xi32, #tpu.memory_space<hbm>> -> memref<128xi32, #tpu.memory_space<hbm>>
            tpu.wait_dma2 semaphore(%run_scoped3A_385 : memref<!tpu.dma_semaphore, #tpu.memory_space<semaphore_mem>>) src(%dma_wait3A_401 : memref<128xi32, #tpu.memory_space<hbm>>) dst(%dma_wait3A_400 : memref<128xi32, #tpu.memory_space<vmem>>)
            tpu.yield
          }) : () -> ()
          %add3A_174 = arith.constant 768 : i32
          %add3A_175 = arith.addi %multiple_of3A, %add3A_174 : i32
          %run_scoped3A_176 = arith.constant 6 : i32
          "tpu.region"() ({
            %run_scoped3A_385 = tpu.sem_alloc : memref<!tpu.dma_semaphore, #tpu.memory_space<semaphore_mem>>
            %dma_start3A_386 = arith.constant 0 : i32
            %dma_start3A_387 = tpu.memref_slice %arg10[%run_scoped3A_176, %dma_start3A_386] : memref<8x128xi32, #tpu.memory_space<vmem>> -> memref<1x128xi32, #tpu.memory_space<vmem>>
            %dma_start3A_388 = tpu.memref_squeeze %dma_start3A_387 : memref<1x128xi32, #tpu.memory_space<vmem>> -> memref<128xi32, #tpu.memory_space<vmem>>
            %dma_start3A_389 = tpu.memref_slice %arg3[%add3A_175] : memref<270336xi32, #tpu.memory_space<hbm>> -> memref<128xi32, #tpu.memory_space<hbm>>
            %dma_start3A_390 = arith.constant 0 : i32
            %dma_start3A_391 = tpu.memref_slice %arg10[%run_scoped3A_176, %dma_start3A_390] : memref<8x128xi32, #tpu.memory_space<vmem>> -> memref<1x128xi32, #tpu.memory_space<vmem>>
            %dma_start3A_392 = tpu.memref_squeeze %dma_start3A_391 : memref<1x128xi32, #tpu.memory_space<vmem>> -> memref<128xi32, #tpu.memory_space<vmem>>
            %dma_start3A_393 = tpu.memref_slice %arg3[%add3A_175] : memref<270336xi32, #tpu.memory_space<hbm>> -> memref<128xi32, #tpu.memory_space<hbm>>
            tpu.enqueue_dma source(%dma_start3A_393 : memref<128xi32, #tpu.memory_space<hbm>>) target(%dma_start3A_392 : memref<128xi32, #tpu.memory_space<vmem>>) target_semaphore(%run_scoped3A_385 : memref<!tpu.dma_semaphore, #tpu.memory_space<semaphore_mem>>)
            %dma_wait3A_394 = arith.constant 0 : i32
            %dma_wait3A_395 = tpu.memref_slice %arg10[%run_scoped3A_176, %dma_wait3A_394] : memref<8x128xi32, #tpu.memory_space<vmem>> -> memref<1x128xi32, #tpu.memory_space<vmem>>
            %dma_wait3A_396 = tpu.memref_squeeze %dma_wait3A_395 : memref<1x128xi32, #tpu.memory_space<vmem>> -> memref<128xi32, #tpu.memory_space<vmem>>
            %dma_wait3A_397 = tpu.memref_slice %arg3[%add3A_175] : memref<270336xi32, #tpu.memory_space<hbm>> -> memref<128xi32, #tpu.memory_space<hbm>>
            %dma_wait3A_398 = arith.constant 0 : i32
            %dma_wait3A_399 = tpu.memref_slice %arg10[%run_scoped3A_176, %dma_wait3A_398] : memref<8x128xi32, #tpu.memory_space<vmem>> -> memref<1x128xi32, #tpu.memory_space<vmem>>
            %dma_wait3A_400 = tpu.memref_squeeze %dma_wait3A_399 : memref<1x128xi32, #tpu.memory_space<vmem>> -> memref<128xi32, #tpu.memory_space<vmem>>
            %dma_wait3A_401 = tpu.memref_slice %arg3[%add3A_175] : memref<270336xi32, #tpu.memory_space<hbm>> -> memref<128xi32, #tpu.memory_space<hbm>>
            tpu.wait_dma2 semaphore(%run_scoped3A_385 : memref<!tpu.dma_semaphore, #tpu.memory_space<semaphore_mem>>) src(%dma_wait3A_401 : memref<128xi32, #tpu.memory_space<hbm>>) dst(%dma_wait3A_400 : memref<128xi32, #tpu.memory_space<vmem>>)
            tpu.yield
          }) : () -> ()
          %add3A_177 = arith.constant 896 : i32
          %add3A_178 = arith.addi %multiple_of3A, %add3A_177 : i32
          %run_scoped3A_179 = arith.constant 7 : i32
          "tpu.region"() ({
            %run_scoped3A_385 = tpu.sem_alloc : memref<!tpu.dma_semaphore, #tpu.memory_space<semaphore_mem>>
            %dma_start3A_386 = arith.constant 0 : i32
            %dma_start3A_387 = tpu.memref_slice %arg10[%run_scoped3A_179, %dma_start3A_386] : memref<8x128xi32, #tpu.memory_space<vmem>> -> memref<1x128xi32, #tpu.memory_space<vmem>>
            %dma_start3A_388 = tpu.memref_squeeze %dma_start3A_387 : memref<1x128xi32, #tpu.memory_space<vmem>> -> memref<128xi32, #tpu.memory_space<vmem>>
            %dma_start3A_389 = tpu.memref_slice %arg3[%add3A_178] : memref<270336xi32, #tpu.memory_space<hbm>> -> memref<128xi32, #tpu.memory_space<hbm>>
            %dma_start3A_390 = arith.constant 0 : i32
            %dma_start3A_391 = tpu.memref_slice %arg10[%run_scoped3A_179, %dma_start3A_390] : memref<8x128xi32, #tpu.memory_space<vmem>> -> memref<1x128xi32, #tpu.memory_space<vmem>>
            %dma_start3A_392 = tpu.memref_squeeze %dma_start3A_391 : memref<1x128xi32, #tpu.memory_space<vmem>> -> memref<128xi32, #tpu.memory_space<vmem>>
            %dma_start3A_393 = tpu.memref_slice %arg3[%add3A_178] : memref<270336xi32, #tpu.memory_space<hbm>> -> memref<128xi32, #tpu.memory_space<hbm>>
            tpu.enqueue_dma source(%dma_start3A_393 : memref<128xi32, #tpu.memory_space<hbm>>) target(%dma_start3A_392 : memref<128xi32, #tpu.memory_space<vmem>>) target_semaphore(%run_scoped3A_385 : memref<!tpu.dma_semaphore, #tpu.memory_space<semaphore_mem>>)
            %dma_wait3A_394 = arith.constant 0 : i32
            %dma_wait3A_395 = tpu.memref_slice %arg10[%run_scoped3A_179, %dma_wait3A_394] : memref<8x128xi32, #tpu.memory_space<vmem>> -> memref<1x128xi32, #tpu.memory_space<vmem>>
            %dma_wait3A_396 = tpu.memref_squeeze %dma_wait3A_395 : memref<1x128xi32, #tpu.memory_space<vmem>> -> memref<128xi32, #tpu.memory_space<vmem>>
            %dma_wait3A_397 = tpu.memref_slice %arg3[%add3A_178] : memref<270336xi32, #tpu.memory_space<hbm>> -> memref<128xi32, #tpu.memory_space<hbm>>
            %dma_wait3A_398 = arith.constant 0 : i32
            %dma_wait3A_399 = tpu.memref_slice %arg10[%run_scoped3A_179, %dma_wait3A_398] : memref<8x128xi32, #tpu.memory_space<vmem>> -> memref<1x128xi32, #tpu.memory_space<vmem>>
            %dma_wait3A_400 = tpu.memref_squeeze %dma_wait3A_399 : memref<1x128xi32, #tpu.memory_space<vmem>> -> memref<128xi32, #tpu.memory_space<vmem>>
            %dma_wait3A_401 = tpu.memref_slice %arg3[%add3A_178] : memref<270336xi32, #tpu.memory_space<hbm>> -> memref<128xi32, #tpu.memory_space<hbm>>
            tpu.wait_dma2 semaphore(%run_scoped3A_385 : memref<!tpu.dma_semaphore, #tpu.memory_space<semaphore_mem>>) src(%dma_wait3A_401 : memref<128xi32, #tpu.memory_space<hbm>>) dst(%dma_wait3A_400 : memref<128xi32, #tpu.memory_space<vmem>>)
            tpu.yield
          }) : () -> ()
          "tpu.region"() ({
            %run_scoped3A_385 = tpu.sem_alloc : memref<!tpu.dma_semaphore, #tpu.memory_space<semaphore_mem>>
            %dma_start3A_386 = tpu.memref_slice %arg4[%multiple_of3A] : memref<270336xi32, #tpu.memory_space<hbm>> -> memref<1024xi32, #tpu.memory_space<hbm>>
            %dma_start3A_387 = tpu.memref_slice %arg4[%multiple_of3A] : memref<270336xi32, #tpu.memory_space<hbm>> -> memref<1024xi32, #tpu.memory_space<hbm>>
            tpu.enqueue_dma source(%dma_start3A_387 : memref<1024xi32, #tpu.memory_space<hbm>>) target(%arg11 : memref<1024xi32, #tpu.memory_space<vmem>>) target_semaphore(%run_scoped3A_385 : memref<!tpu.dma_semaphore, #tpu.memory_space<semaphore_mem>>)
            %dma_wait3A_388 = tpu.memref_slice %arg4[%multiple_of3A] : memref<270336xi32, #tpu.memory_space<hbm>> -> memref<1024xi32, #tpu.memory_space<hbm>>
            %dma_wait3A_389 = tpu.memref_slice %arg4[%multiple_of3A] : memref<270336xi32, #tpu.memory_space<hbm>> -> memref<1024xi32, #tpu.memory_space<hbm>>
            tpu.wait_dma2 semaphore(%run_scoped3A_385 : memref<!tpu.dma_semaphore, #tpu.memory_space<semaphore_mem>>) src(%dma_wait3A_389 : memref<1024xi32, #tpu.memory_space<hbm>>) dst(%arg11 : memref<1024xi32, #tpu.memory_space<vmem>>)
            tpu.yield
          }) : () -> ()
          "tpu.region"() ({
            %run_scoped3A_385 = tpu.sem_alloc : memref<!tpu.dma_semaphore, #tpu.memory_space<semaphore_mem>>
            %dma_start3A_386 = tpu.memref_slice %arg5[%multiple_of3A] : memref<270336xf32, #tpu.memory_space<hbm>> -> memref<1024xf32, #tpu.memory_space<hbm>>
            %dma_start3A_387 = tpu.memref_slice %arg5[%multiple_of3A] : memref<270336xf32, #tpu.memory_space<hbm>> -> memref<1024xf32, #tpu.memory_space<hbm>>
            tpu.enqueue_dma source(%dma_start3A_387 : memref<1024xf32, #tpu.memory_space<hbm>>) target(%arg12 : memref<1024xf32, #tpu.memory_space<vmem>>) target_semaphore(%run_scoped3A_385 : memref<!tpu.dma_semaphore, #tpu.memory_space<semaphore_mem>>)
            %dma_wait3A_388 = tpu.memref_slice %arg5[%multiple_of3A] : memref<270336xf32, #tpu.memory_space<hbm>> -> memref<1024xf32, #tpu.memory_space<hbm>>
            %dma_wait3A_389 = tpu.memref_slice %arg5[%multiple_of3A] : memref<270336xf32, #tpu.memory_space<hbm>> -> memref<1024xf32, #tpu.memory_space<hbm>>
            tpu.wait_dma2 semaphore(%run_scoped3A_385 : memref<!tpu.dma_semaphore, #tpu.memory_space<semaphore_mem>>) src(%dma_wait3A_389 : memref<1024xf32, #tpu.memory_space<hbm>>) dst(%arg12 : memref<1024xf32, #tpu.memory_space<vmem>>)
            tpu.yield
          }) : () -> ()
          %scan3A_180 = arith.constant 0 : i32
          %scan3A_181 = arith.constant 0 : i32
          %scan3A_182 = arith.constant 64 : i32
          %scan3A_183 = arith.addi %scan3A_181, %scan3A_182 : i32
          %scan3A_184 = arith.constant 1 : i32
          %scan3A_185 = scf.for %scan3A_385 = %scan3A_181 to %scan3A_183 step %scan3A_184 iter_args(%scan3A_386 = %scan3A_180) -> (i32)  : i32 {
            %mul3A_387 = arith.constant 16 : i32
            %mul3A_388 = arith.muli %scan3A_385, %mul3A_387 : i32
            %mul3A_389 = arith.constant 16 : i32
            %mul3A_390 = arith.muli %scan3A_385, %mul3A_389 : i32
            %add3A_391 = arith.addi %multiple_of3A, %mul3A_390 : i32
            %add3A_392 = vector.broadcast %add3A_391 : i32 to vector<16xi32>
            %add3A_393 = arith.addi %add3A_392, %iota3A : vector<16xi32>
            %ge3A = vector.broadcast %get3A_23 : i32 to vector<16xi32>
            %ge3A_394 = arith.cmpi sge, %add3A_393, %ge3A : vector<16xi32>
            %lt3A = vector.broadcast %get3A_27 : i32 to vector<16xi32>
            %lt3A_395 = arith.cmpi slt, %add3A_393, %lt3A : vector<16xi32>
            %and3A_396 = arith.andi %ge3A_394, %lt3A_395 : vector<16xi1>
            %get3A_397 = arith.index_cast %mul3A_388 : i32 to index
            %get3A_398 = tpu.vector_load %arg12[%get3A_397] {strides = array<i32>} : memref<1024xf32, #tpu.memory_space<vmem>>, vector<16xf32>,
            %jit3A_399 = arith.constant 0.000000e+00 : f32
            %broadcast_in_dim3A = vector.broadcast %jit3A_399 : f32 to vector<16xf32>
            %select_n3A_400 = arith.select %and3A_396, %get3A_398, %broadcast_in_dim3A : vector<16xi1>, vector<16xf32>
            %swap3A = arith.index_cast %mul3A_388 : i32 to index
            %swap3A_401 = tpu.vector_load %arg12[%swap3A] {strides = array<i32>} : memref<1024xf32, #tpu.memory_space<vmem>>, vector<16xf32>,
            tpu.vector_store %arg12[%swap3A], %select_n3A_400 {strides = array<i32>} : memref<1024xf32, #tpu.memory_space<vmem>>, vector<16xf32>,
            %jit3A_402 = arith.constant 8 : i32
            %div3A_403 = arith.divsi %scan3A_385, %jit3A_402 : i32
            %sign3A_404 = arith.constant 0 : i32
            %sign3A_405 = arith.cmpi sgt, %scan3A_385, %sign3A_404 : i32
            %sign3A_406 = arith.extui %sign3A_405 : i1 to i32
            %sign3A_407 = arith.constant 0 : i32
            %sign3A_408 = arith.cmpi slt, %scan3A_385, %sign3A_407 : i32
            %sign3A_409 = arith.extui %sign3A_408 : i1 to i32
            %sign3A_410 = arith.subi %sign3A_406, %sign3A_409 : i32
            %sign3A_411 = arith.constant 0 : i32
            %sign3A_412 = arith.cmpi sgt, %jit3A_402, %sign3A_411 : i32
            %sign3A_413 = arith.extui %sign3A_412 : i1 to i32
            %sign3A_414 = arith.constant 0 : i32
            %sign3A_415 = arith.cmpi slt, %jit3A_402, %sign3A_414 : i32
            %sign3A_416 = arith.extui %sign3A_415 : i1 to i32
            %sign3A_417 = arith.subi %sign3A_413, %sign3A_416 : i32
            %ne3A_418 = arith.cmpi ne, %sign3A_410, %sign3A_417 : i32
            %rem3A_419 = arith.remsi %scan3A_385, %jit3A_402 : i32
            %ne3A_420 = arith.constant 0 : i32
            %ne3A_421 = arith.cmpi ne, %rem3A_419, %ne3A_420 : i32
            %and3A_422 = arith.andi %ne3A_418, %ne3A_421 : i1
            %sub3A_423 = arith.constant 1 : i32
            %sub3A_424 = arith.subi %div3A_403, %sub3A_423 : i32
            %select_n3A_425 = arith.select %and3A_422, %sub3A_424, %div3A_403 : i32
            %jit3A_426 = arith.constant 8 : i32
            %eq3A_427 = arith.constant 0 : i32
            %eq3A_428 = arith.cmpi eq, %jit3A_426, %eq3A_427 : i32
            %jit3A_429 = arith.constant 1 : i32
            %select_n3A_430 = arith.select %eq3A_428, %jit3A_429, %jit3A_426 : i32
            %rem3A_431 = arith.remsi %scan3A_385, %select_n3A_430 : i32
            %ne3A_432 = arith.constant 0 : i32
            %ne3A_433 = arith.cmpi ne, %rem3A_431, %ne3A_432 : i32
            %lt3A_434 = arith.constant 0 : i32
            %lt3A_435 = arith.cmpi slt, %rem3A_431, %lt3A_434 : i32
            %lt3A_436 = arith.constant 0 : i32
            %lt3A_437 = arith.cmpi slt, %select_n3A_430, %lt3A_436 : i32
            %ne3A_438 = arith.xori %lt3A_435, %lt3A_437 : i1
            %and3A_439 = arith.andi %ne3A_438, %ne3A_433 : i1
            %add3A_440 = arith.addi %rem3A_431, %select_n3A_430 : i32
            %select_n3A_441 = arith.select %and3A_439, %add3A_440, %rem3A_431 : i32
            %mul3A_442 = arith.constant 16 : i32
            %mul3A_443 = arith.muli %select_n3A_441, %mul3A_442 : i32
            %get3A_444 = arith.index_cast %select_n3A_425 : i32 to index
            %get3A_445 = arith.index_cast %mul3A_443 : i32 to index
            %get3A_446 = tpu.vector_load %arg10[%get3A_444, %get3A_445] {strides = array<i32>} : memref<8x128xi32, #tpu.memory_space<vmem>>, vector<16xi32>,
            %add3A_447 = vector.broadcast %mul3A_69 : i32 to vector<16xi32>
            %add3A_448 = arith.addi %get3A_446, %add3A_447 : vector<16xi32>
            %swap3A_449 = arith.index_cast %select_n3A_425 : i32 to index
            %swap3A_450 = arith.index_cast %mul3A_443 : i32 to index
            %swap3A_451 = tpu.vector_load %arg10[%swap3A_449, %swap3A_450] {strides = array<i32>} : memref<8x128xi32, #tpu.memory_space<vmem>>, vector<16xi32>,
            tpu.vector_store %arg10[%swap3A_449, %swap3A_450], %add3A_448 {strides = array<i32>} : memref<8x128xi32, #tpu.memory_space<vmem>>, vector<16xi32>,
            %scan3A_452 = arith.constant 0 : i32
            scf.yield %scan3A_452 : i32
          }
          %scan3A_186 = arith.constant 64 : i32
          %dma_start3A = arith.constant 0 : i32
          %dma_start3A_187 = arith.constant 0 : i32
          %dma_start3A_188 = arith.constant 0 : i32
          %dma_start3A_189 = arith.constant 0 : i32
          %dma_start3A_190 = tpu.memref_slice %arg13[%dma_start3A_187, %dma_start3A_188, %dma_start3A_189] : memref<8x128x32xf32, #tpu.memory_space<vmem>> -> memref<1x128x32xf32, #tpu.memory_space<vmem>>
          %dma_start3A_191 = tpu.memref_squeeze %dma_start3A_190 : memref<1x128x32xf32, #tpu.memory_space<vmem>> -> memref<128x32xf32, #tpu.memory_space<vmem>>
          %dma_start3A_192 = arith.constant 0 : i32
          %dma_start3A_193 = tpu.memref_slice %arg10[%dma_start3A, %dma_start3A_192] : memref<8x128xi32, #tpu.memory_space<vmem>> -> memref<1x128xi32, #tpu.memory_space<vmem>>
          %dma_start3A_194 = tpu.memref_squeeze %dma_start3A_193 : memref<1x128xi32, #tpu.memory_space<vmem>> -> memref<128xi32, #tpu.memory_space<vmem>>
          %dma_start3A_195 = arith.constant 0 : i32
          %dma_start3A_196 = arith.constant 0 : i32
          %dma_start3A_197 = tpu.memref_slice %arg2[%dma_start3A_195, %dma_start3A_196] : memref<131072x32xf32, #tpu.memory_space<hbm>> -> memref<131072x32xf32, #tpu.memory_space<hbm>>
          tpu.enqueue_indirect_dma source(%dma_start3A_197 : memref<131072x32xf32, #tpu.memory_space<hbm>>) target(%dma_start3A_191 : memref<128x32xf32, #tpu.memory_space<vmem>>) offsets(%dma_start3A_194 : memref<128xi32, #tpu.memory_space<vmem>>) semaphore(%arg15 : memref<!tpu.dma_semaphore, #tpu.memory_space<semaphore_mem>>)
          %dma_start3A_198 = arith.constant 1 : i32
          %dma_start3A_199 = arith.constant 1 : i32
          %dma_start3A_200 = arith.constant 0 : i32
          %dma_start3A_201 = arith.constant 0 : i32
          %dma_start3A_202 = tpu.memref_slice %arg13[%dma_start3A_199, %dma_start3A_200, %dma_start3A_201] : memref<8x128x32xf32, #tpu.memory_space<vmem>> -> memref<1x128x32xf32, #tpu.memory_space<vmem>>
          %dma_start3A_203 = tpu.memref_squeeze %dma_start3A_202 : memref<1x128x32xf32, #tpu.memory_space<vmem>> -> memref<128x32xf32, #tpu.memory_space<vmem>>
          %dma_start3A_204 = arith.constant 0 : i32
          %dma_start3A_205 = tpu.memref_slice %arg10[%dma_start3A_198, %dma_start3A_204] : memref<8x128xi32, #tpu.memory_space<vmem>> -> memref<1x128xi32, #tpu.memory_space<vmem>>
          %dma_start3A_206 = tpu.memref_squeeze %dma_start3A_205 : memref<1x128xi32, #tpu.memory_space<vmem>> -> memref<128xi32, #tpu.memory_space<vmem>>
          %dma_start3A_207 = arith.constant 0 : i32
          %dma_start3A_208 = arith.constant 0 : i32
          %dma_start3A_209 = tpu.memref_slice %arg2[%dma_start3A_207, %dma_start3A_208] : memref<131072x32xf32, #tpu.memory_space<hbm>> -> memref<131072x32xf32, #tpu.memory_space<hbm>>
          tpu.enqueue_indirect_dma source(%dma_start3A_209 : memref<131072x32xf32, #tpu.memory_space<hbm>>) target(%dma_start3A_203 : memref<128x32xf32, #tpu.memory_space<vmem>>) offsets(%dma_start3A_206 : memref<128xi32, #tpu.memory_space<vmem>>) semaphore(%arg15 : memref<!tpu.dma_semaphore, #tpu.memory_space<semaphore_mem>>)
          %dma_start3A_210 = arith.constant 2 : i32
          %dma_start3A_211 = arith.constant 2 : i32
          %dma_start3A_212 = arith.constant 0 : i32
          %dma_start3A_213 = arith.constant 0 : i32
          %dma_start3A_214 = tpu.memref_slice %arg13[%dma_start3A_211, %dma_start3A_212, %dma_start3A_213] : memref<8x128x32xf32, #tpu.memory_space<vmem>> -> memref<1x128x32xf32, #tpu.memory_space<vmem>>
          %dma_start3A_215 = tpu.memref_squeeze %dma_start3A_214 : memref<1x128x32xf32, #tpu.memory_space<vmem>> -> memref<128x32xf32, #tpu.memory_space<vmem>>
          %dma_start3A_216 = arith.constant 0 : i32
          %dma_start3A_217 = tpu.memref_slice %arg10[%dma_start3A_210, %dma_start3A_216] : memref<8x128xi32, #tpu.memory_space<vmem>> -> memref<1x128xi32, #tpu.memory_space<vmem>>
          %dma_start3A_218 = tpu.memref_squeeze %dma_start3A_217 : memref<1x128xi32, #tpu.memory_space<vmem>> -> memref<128xi32, #tpu.memory_space<vmem>>
          %dma_start3A_219 = arith.constant 0 : i32
          %dma_start3A_220 = arith.constant 0 : i32
          %dma_start3A_221 = tpu.memref_slice %arg2[%dma_start3A_219, %dma_start3A_220] : memref<131072x32xf32, #tpu.memory_space<hbm>> -> memref<131072x32xf32, #tpu.memory_space<hbm>>
          tpu.enqueue_indirect_dma source(%dma_start3A_221 : memref<131072x32xf32, #tpu.memory_space<hbm>>) target(%dma_start3A_215 : memref<128x32xf32, #tpu.memory_space<vmem>>) offsets(%dma_start3A_218 : memref<128xi32, #tpu.memory_space<vmem>>) semaphore(%arg15 : memref<!tpu.dma_semaphore, #tpu.memory_space<semaphore_mem>>)
          %dma_start3A_222 = arith.constant 3 : i32
          %dma_start3A_223 = arith.constant 3 : i32
          %dma_start3A_224 = arith.constant 0 : i32
          %dma_start3A_225 = arith.constant 0 : i32
          %dma_start3A_226 = tpu.memref_slice %arg13[%dma_start3A_223, %dma_start3A_224, %dma_start3A_225] : memref<8x128x32xf32, #tpu.memory_space<vmem>> -> memref<1x128x32xf32, #tpu.memory_space<vmem>>
          %dma_start3A_227 = tpu.memref_squeeze %dma_start3A_226 : memref<1x128x32xf32, #tpu.memory_space<vmem>> -> memref<128x32xf32, #tpu.memory_space<vmem>>
          %dma_start3A_228 = arith.constant 0 : i32
          %dma_start3A_229 = tpu.memref_slice %arg10[%dma_start3A_222, %dma_start3A_228] : memref<8x128xi32, #tpu.memory_space<vmem>> -> memref<1x128xi32, #tpu.memory_space<vmem>>
          %dma_start3A_230 = tpu.memref_squeeze %dma_start3A_229 : memref<1x128xi32, #tpu.memory_space<vmem>> -> memref<128xi32, #tpu.memory_space<vmem>>
          %dma_start3A_231 = arith.constant 0 : i32
          %dma_start3A_232 = arith.constant 0 : i32
          %dma_start3A_233 = tpu.memref_slice %arg2[%dma_start3A_231, %dma_start3A_232] : memref<131072x32xf32, #tpu.memory_space<hbm>> -> memref<131072x32xf32, #tpu.memory_space<hbm>>
          tpu.enqueue_indirect_dma source(%dma_start3A_233 : memref<131072x32xf32, #tpu.memory_space<hbm>>) target(%dma_start3A_227 : memref<128x32xf32, #tpu.memory_space<vmem>>) offsets(%dma_start3A_230 : memref<128xi32, #tpu.memory_space<vmem>>) semaphore(%arg15 : memref<!tpu.dma_semaphore, #tpu.memory_space<semaphore_mem>>)
          %dma_start3A_234 = arith.constant 4 : i32
          %dma_start3A_235 = arith.constant 4 : i32
          %dma_start3A_236 = arith.constant 0 : i32
          %dma_start3A_237 = arith.constant 0 : i32
          %dma_start3A_238 = tpu.memref_slice %arg13[%dma_start3A_235, %dma_start3A_236, %dma_start3A_237] : memref<8x128x32xf32, #tpu.memory_space<vmem>> -> memref<1x128x32xf32, #tpu.memory_space<vmem>>
          %dma_start3A_239 = tpu.memref_squeeze %dma_start3A_238 : memref<1x128x32xf32, #tpu.memory_space<vmem>> -> memref<128x32xf32, #tpu.memory_space<vmem>>
          %dma_start3A_240 = arith.constant 0 : i32
          %dma_start3A_241 = tpu.memref_slice %arg10[%dma_start3A_234, %dma_start3A_240] : memref<8x128xi32, #tpu.memory_space<vmem>> -> memref<1x128xi32, #tpu.memory_space<vmem>>
          %dma_start3A_242 = tpu.memref_squeeze %dma_start3A_241 : memref<1x128xi32, #tpu.memory_space<vmem>> -> memref<128xi32, #tpu.memory_space<vmem>>
          %dma_start3A_243 = arith.constant 0 : i32
          %dma_start3A_244 = arith.constant 0 : i32
          %dma_start3A_245 = tpu.memref_slice %arg2[%dma_start3A_243, %dma_start3A_244] : memref<131072x32xf32, #tpu.memory_space<hbm>> -> memref<131072x32xf32, #tpu.memory_space<hbm>>
          tpu.enqueue_indirect_dma source(%dma_start3A_245 : memref<131072x32xf32, #tpu.memory_space<hbm>>) target(%dma_start3A_239 : memref<128x32xf32, #tpu.memory_space<vmem>>) offsets(%dma_start3A_242 : memref<128xi32, #tpu.memory_space<vmem>>) semaphore(%arg15 : memref<!tpu.dma_semaphore, #tpu.memory_space<semaphore_mem>>)
          %dma_start3A_246 = arith.constant 5 : i32
          %dma_start3A_247 = arith.constant 5 : i32
          %dma_start3A_248 = arith.constant 0 : i32
          %dma_start3A_249 = arith.constant 0 : i32
          %dma_start3A_250 = tpu.memref_slice %arg13[%dma_start3A_247, %dma_start3A_248, %dma_start3A_249] : memref<8x128x32xf32, #tpu.memory_space<vmem>> -> memref<1x128x32xf32, #tpu.memory_space<vmem>>
          %dma_start3A_251 = tpu.memref_squeeze %dma_start3A_250 : memref<1x128x32xf32, #tpu.memory_space<vmem>> -> memref<128x32xf32, #tpu.memory_space<vmem>>
          %dma_start3A_252 = arith.constant 0 : i32
          %dma_start3A_253 = tpu.memref_slice %arg10[%dma_start3A_246, %dma_start3A_252] : memref<8x128xi32, #tpu.memory_space<vmem>> -> memref<1x128xi32, #tpu.memory_space<vmem>>
          %dma_start3A_254 = tpu.memref_squeeze %dma_start3A_253 : memref<1x128xi32, #tpu.memory_space<vmem>> -> memref<128xi32, #tpu.memory_space<vmem>>
          %dma_start3A_255 = arith.constant 0 : i32
          %dma_start3A_256 = arith.constant 0 : i32
          %dma_start3A_257 = tpu.memref_slice %arg2[%dma_start3A_255, %dma_start3A_256] : memref<131072x32xf32, #tpu.memory_space<hbm>> -> memref<131072x32xf32, #tpu.memory_space<hbm>>
          tpu.enqueue_indirect_dma source(%dma_start3A_257 : memref<131072x32xf32, #tpu.memory_space<hbm>>) target(%dma_start3A_251 : memref<128x32xf32, #tpu.memory_space<vmem>>) offsets(%dma_start3A_254 : memref<128xi32, #tpu.memory_space<vmem>>) semaphore(%arg15 : memref<!tpu.dma_semaphore, #tpu.memory_space<semaphore_mem>>)
          %dma_start3A_258 = arith.constant 6 : i32
          %dma_start3A_259 = arith.constant 6 : i32
          %dma_start3A_260 = arith.constant 0 : i32
          %dma_start3A_261 = arith.constant 0 : i32
          %dma_start3A_262 = tpu.memref_slice %arg13[%dma_start3A_259, %dma_start3A_260, %dma_start3A_261] : memref<8x128x32xf32, #tpu.memory_space<vmem>> -> memref<1x128x32xf32, #tpu.memory_space<vmem>>
          %dma_start3A_263 = tpu.memref_squeeze %dma_start3A_262 : memref<1x128x32xf32, #tpu.memory_space<vmem>> -> memref<128x32xf32, #tpu.memory_space<vmem>>
          %dma_start3A_264 = arith.constant 0 : i32
          %dma_start3A_265 = tpu.memref_slice %arg10[%dma_start3A_258, %dma_start3A_264] : memref<8x128xi32, #tpu.memory_space<vmem>> -> memref<1x128xi32, #tpu.memory_space<vmem>>
          %dma_start3A_266 = tpu.memref_squeeze %dma_start3A_265 : memref<1x128xi32, #tpu.memory_space<vmem>> -> memref<128xi32, #tpu.memory_space<vmem>>
          %dma_start3A_267 = arith.constant 0 : i32
          %dma_start3A_268 = arith.constant 0 : i32
          %dma_start3A_269 = tpu.memref_slice %arg2[%dma_start3A_267, %dma_start3A_268] : memref<131072x32xf32, #tpu.memory_space<hbm>> -> memref<131072x32xf32, #tpu.memory_space<hbm>>
          tpu.enqueue_indirect_dma source(%dma_start3A_269 : memref<131072x32xf32, #tpu.memory_space<hbm>>) target(%dma_start3A_263 : memref<128x32xf32, #tpu.memory_space<vmem>>) offsets(%dma_start3A_266 : memref<128xi32, #tpu.memory_space<vmem>>) semaphore(%arg15 : memref<!tpu.dma_semaphore, #tpu.memory_space<semaphore_mem>>)
          %dma_start3A_270 = arith.constant 7 : i32
          %dma_start3A_271 = arith.constant 7 : i32
          %dma_start3A_272 = arith.constant 0 : i32
          %dma_start3A_273 = arith.constant 0 : i32
          %dma_start3A_274 = tpu.memref_slice %arg13[%dma_start3A_271, %dma_start3A_272, %dma_start3A_273] : memref<8x128x32xf32, #tpu.memory_space<vmem>> -> memref<1x128x32xf32, #tpu.memory_space<vmem>>
          %dma_start3A_275 = tpu.memref_squeeze %dma_start3A_274 : memref<1x128x32xf32, #tpu.memory_space<vmem>> -> memref<128x32xf32, #tpu.memory_space<vmem>>
          %dma_start3A_276 = arith.constant 0 : i32
          %dma_start3A_277 = tpu.memref_slice %arg10[%dma_start3A_270, %dma_start3A_276] : memref<8x128xi32, #tpu.memory_space<vmem>> -> memref<1x128xi32, #tpu.memory_space<vmem>>
          %dma_start3A_278 = tpu.memref_squeeze %dma_start3A_277 : memref<1x128xi32, #tpu.memory_space<vmem>> -> memref<128xi32, #tpu.memory_space<vmem>>
          %dma_start3A_279 = arith.constant 0 : i32
          %dma_start3A_280 = arith.constant 0 : i32
          %dma_start3A_281 = tpu.memref_slice %arg2[%dma_start3A_279, %dma_start3A_280] : memref<131072x32xf32, #tpu.memory_space<hbm>> -> memref<131072x32xf32, #tpu.memory_space<hbm>>
          tpu.enqueue_indirect_dma source(%dma_start3A_281 : memref<131072x32xf32, #tpu.memory_space<hbm>>) target(%dma_start3A_275 : memref<128x32xf32, #tpu.memory_space<vmem>>) offsets(%dma_start3A_278 : memref<128xi32, #tpu.memory_space<vmem>>) semaphore(%arg15 : memref<!tpu.dma_semaphore, #tpu.memory_space<semaphore_mem>>)
          %dma_wait3A = arith.constant 0 : i32
          %dma_wait3A_282 = arith.constant 0 : i32
          %dma_wait3A_283 = arith.constant 0 : i32
          %dma_wait3A_284 = arith.constant 0 : i32
          %dma_wait3A_285 = tpu.memref_slice %arg13[%dma_wait3A_282, %dma_wait3A_283, %dma_wait3A_284] : memref<8x128x32xf32, #tpu.memory_space<vmem>> -> memref<1x128x32xf32, #tpu.memory_space<vmem>>
          %dma_wait3A_286 = tpu.memref_squeeze %dma_wait3A_285 : memref<1x128x32xf32, #tpu.memory_space<vmem>> -> memref<128x32xf32, #tpu.memory_space<vmem>>
          %dma_wait3A_287 = arith.constant 0 : i32
          %dma_wait3A_288 = tpu.memref_slice %arg10[%dma_wait3A, %dma_wait3A_287] : memref<8x128xi32, #tpu.memory_space<vmem>> -> memref<1x128xi32, #tpu.memory_space<vmem>>
          %dma_wait3A_289 = tpu.memref_squeeze %dma_wait3A_288 : memref<1x128xi32, #tpu.memory_space<vmem>> -> memref<128xi32, #tpu.memory_space<vmem>>
          %dma_wait3A_290 = arith.constant 0 : i32
          %dma_wait3A_291 = arith.constant 0 : i32
          %dma_wait3A_292 = tpu.memref_slice %arg2[%dma_wait3A_290, %dma_wait3A_291] : memref<131072x32xf32, #tpu.memory_space<hbm>> -> memref<131072x32xf32, #tpu.memory_space<hbm>>
          tpu.wait_indirect_dma semaphore(%arg15 : memref<!tpu.dma_semaphore, #tpu.memory_space<semaphore_mem>>) src(%dma_wait3A_292 : memref<131072x32xf32, #tpu.memory_space<hbm>>) dst(%dma_wait3A_286 : memref<128x32xf32, #tpu.memory_space<vmem>>)
          %dma_wait3A_293 = arith.constant 1 : i32
          %dma_wait3A_294 = arith.constant 1 : i32
          %dma_wait3A_295 = arith.constant 0 : i32
          %dma_wait3A_296 = arith.constant 0 : i32
          %dma_wait3A_297 = tpu.memref_slice %arg13[%dma_wait3A_294, %dma_wait3A_295, %dma_wait3A_296] : memref<8x128x32xf32, #tpu.memory_space<vmem>> -> memref<1x128x32xf32, #tpu.memory_space<vmem>>
          %dma_wait3A_298 = tpu.memref_squeeze %dma_wait3A_297 : memref<1x128x32xf32, #tpu.memory_space<vmem>> -> memref<128x32xf32, #tpu.memory_space<vmem>>
          %dma_wait3A_299 = arith.constant 0 : i32
          %dma_wait3A_300 = tpu.memref_slice %arg10[%dma_wait3A_293, %dma_wait3A_299] : memref<8x128xi32, #tpu.memory_space<vmem>> -> memref<1x128xi32, #tpu.memory_space<vmem>>
          %dma_wait3A_301 = tpu.memref_squeeze %dma_wait3A_300 : memref<1x128xi32, #tpu.memory_space<vmem>> -> memref<128xi32, #tpu.memory_space<vmem>>
          %dma_wait3A_302 = arith.constant 0 : i32
          %dma_wait3A_303 = arith.constant 0 : i32
          %dma_wait3A_304 = tpu.memref_slice %arg2[%dma_wait3A_302, %dma_wait3A_303] : memref<131072x32xf32, #tpu.memory_space<hbm>> -> memref<131072x32xf32, #tpu.memory_space<hbm>>
          tpu.wait_indirect_dma semaphore(%arg15 : memref<!tpu.dma_semaphore, #tpu.memory_space<semaphore_mem>>) src(%dma_wait3A_304 : memref<131072x32xf32, #tpu.memory_space<hbm>>) dst(%dma_wait3A_298 : memref<128x32xf32, #tpu.memory_space<vmem>>)
          %dma_wait3A_305 = arith.constant 2 : i32
          %dma_wait3A_306 = arith.constant 2 : i32
          %dma_wait3A_307 = arith.constant 0 : i32
          %dma_wait3A_308 = arith.constant 0 : i32
          %dma_wait3A_309 = tpu.memref_slice %arg13[%dma_wait3A_306, %dma_wait3A_307, %dma_wait3A_308] : memref<8x128x32xf32, #tpu.memory_space<vmem>> -> memref<1x128x32xf32, #tpu.memory_space<vmem>>
          %dma_wait3A_310 = tpu.memref_squeeze %dma_wait3A_309 : memref<1x128x32xf32, #tpu.memory_space<vmem>> -> memref<128x32xf32, #tpu.memory_space<vmem>>
          %dma_wait3A_311 = arith.constant 0 : i32
          %dma_wait3A_312 = tpu.memref_slice %arg10[%dma_wait3A_305, %dma_wait3A_311] : memref<8x128xi32, #tpu.memory_space<vmem>> -> memref<1x128xi32, #tpu.memory_space<vmem>>
          %dma_wait3A_313 = tpu.memref_squeeze %dma_wait3A_312 : memref<1x128xi32, #tpu.memory_space<vmem>> -> memref<128xi32, #tpu.memory_space<vmem>>
          %dma_wait3A_314 = arith.constant 0 : i32
          %dma_wait3A_315 = arith.constant 0 : i32
          %dma_wait3A_316 = tpu.memref_slice %arg2[%dma_wait3A_314, %dma_wait3A_315] : memref<131072x32xf32, #tpu.memory_space<hbm>> -> memref<131072x32xf32, #tpu.memory_space<hbm>>
          tpu.wait_indirect_dma semaphore(%arg15 : memref<!tpu.dma_semaphore, #tpu.memory_space<semaphore_mem>>) src(%dma_wait3A_316 : memref<131072x32xf32, #tpu.memory_space<hbm>>) dst(%dma_wait3A_310 : memref<128x32xf32, #tpu.memory_space<vmem>>)
          %dma_wait3A_317 = arith.constant 3 : i32
          %dma_wait3A_318 = arith.constant 3 : i32
          %dma_wait3A_319 = arith.constant 0 : i32
          %dma_wait3A_320 = arith.constant 0 : i32
          %dma_wait3A_321 = tpu.memref_slice %arg13[%dma_wait3A_318, %dma_wait3A_319, %dma_wait3A_320] : memref<8x128x32xf32, #tpu.memory_space<vmem>> -> memref<1x128x32xf32, #tpu.memory_space<vmem>>
          %dma_wait3A_322 = tpu.memref_squeeze %dma_wait3A_321 : memref<1x128x32xf32, #tpu.memory_space<vmem>> -> memref<128x32xf32, #tpu.memory_space<vmem>>
          %dma_wait3A_323 = arith.constant 0 : i32
          %dma_wait3A_324 = tpu.memref_slice %arg10[%dma_wait3A_317, %dma_wait3A_323] : memref<8x128xi32, #tpu.memory_space<vmem>> -> memref<1x128xi32, #tpu.memory_space<vmem>>
          %dma_wait3A_325 = tpu.memref_squeeze %dma_wait3A_324 : memref<1x128xi32, #tpu.memory_space<vmem>> -> memref<128xi32, #tpu.memory_space<vmem>>
          %dma_wait3A_326 = arith.constant 0 : i32
          %dma_wait3A_327 = arith.constant 0 : i32
          %dma_wait3A_328 = tpu.memref_slice %arg2[%dma_wait3A_326, %dma_wait3A_327] : memref<131072x32xf32, #tpu.memory_space<hbm>> -> memref<131072x32xf32, #tpu.memory_space<hbm>>
          tpu.wait_indirect_dma semaphore(%arg15 : memref<!tpu.dma_semaphore, #tpu.memory_space<semaphore_mem>>) src(%dma_wait3A_328 : memref<131072x32xf32, #tpu.memory_space<hbm>>) dst(%dma_wait3A_322 : memref<128x32xf32, #tpu.memory_space<vmem>>)
          %dma_wait3A_329 = arith.constant 4 : i32
          %dma_wait3A_330 = arith.constant 4 : i32
          %dma_wait3A_331 = arith.constant 0 : i32
          %dma_wait3A_332 = arith.constant 0 : i32
          %dma_wait3A_333 = tpu.memref_slice %arg13[%dma_wait3A_330, %dma_wait3A_331, %dma_wait3A_332] : memref<8x128x32xf32, #tpu.memory_space<vmem>> -> memref<1x128x32xf32, #tpu.memory_space<vmem>>
          %dma_wait3A_334 = tpu.memref_squeeze %dma_wait3A_333 : memref<1x128x32xf32, #tpu.memory_space<vmem>> -> memref<128x32xf32, #tpu.memory_space<vmem>>
          %dma_wait3A_335 = arith.constant 0 : i32
          %dma_wait3A_336 = tpu.memref_slice %arg10[%dma_wait3A_329, %dma_wait3A_335] : memref<8x128xi32, #tpu.memory_space<vmem>> -> memref<1x128xi32, #tpu.memory_space<vmem>>
          %dma_wait3A_337 = tpu.memref_squeeze %dma_wait3A_336 : memref<1x128xi32, #tpu.memory_space<vmem>> -> memref<128xi32, #tpu.memory_space<vmem>>
          %dma_wait3A_338 = arith.constant 0 : i32
          %dma_wait3A_339 = arith.constant 0 : i32
          %dma_wait3A_340 = tpu.memref_slice %arg2[%dma_wait3A_338, %dma_wait3A_339] : memref<131072x32xf32, #tpu.memory_space<hbm>> -> memref<131072x32xf32, #tpu.memory_space<hbm>>
          tpu.wait_indirect_dma semaphore(%arg15 : memref<!tpu.dma_semaphore, #tpu.memory_space<semaphore_mem>>) src(%dma_wait3A_340 : memref<131072x32xf32, #tpu.memory_space<hbm>>) dst(%dma_wait3A_334 : memref<128x32xf32, #tpu.memory_space<vmem>>)
          %dma_wait3A_341 = arith.constant 5 : i32
          %dma_wait3A_342 = arith.constant 5 : i32
          %dma_wait3A_343 = arith.constant 0 : i32
          %dma_wait3A_344 = arith.constant 0 : i32
          %dma_wait3A_345 = tpu.memref_slice %arg13[%dma_wait3A_342, %dma_wait3A_343, %dma_wait3A_344] : memref<8x128x32xf32, #tpu.memory_space<vmem>> -> memref<1x128x32xf32, #tpu.memory_space<vmem>>
          %dma_wait3A_346 = tpu.memref_squeeze %dma_wait3A_345 : memref<1x128x32xf32, #tpu.memory_space<vmem>> -> memref<128x32xf32, #tpu.memory_space<vmem>>
          %dma_wait3A_347 = arith.constant 0 : i32
          %dma_wait3A_348 = tpu.memref_slice %arg10[%dma_wait3A_341, %dma_wait3A_347] : memref<8x128xi32, #tpu.memory_space<vmem>> -> memref<1x128xi32, #tpu.memory_space<vmem>>
          %dma_wait3A_349 = tpu.memref_squeeze %dma_wait3A_348 : memref<1x128xi32, #tpu.memory_space<vmem>> -> memref<128xi32, #tpu.memory_space<vmem>>
          %dma_wait3A_350 = arith.constant 0 : i32
          %dma_wait3A_351 = arith.constant 0 : i32
          %dma_wait3A_352 = tpu.memref_slice %arg2[%dma_wait3A_350, %dma_wait3A_351] : memref<131072x32xf32, #tpu.memory_space<hbm>> -> memref<131072x32xf32, #tpu.memory_space<hbm>>
          tpu.wait_indirect_dma semaphore(%arg15 : memref<!tpu.dma_semaphore, #tpu.memory_space<semaphore_mem>>) src(%dma_wait3A_352 : memref<131072x32xf32, #tpu.memory_space<hbm>>) dst(%dma_wait3A_346 : memref<128x32xf32, #tpu.memory_space<vmem>>)
          %dma_wait3A_353 = arith.constant 6 : i32
          %dma_wait3A_354 = arith.constant 6 : i32
          %dma_wait3A_355 = arith.constant 0 : i32
          %dma_wait3A_356 = arith.constant 0 : i32
          %dma_wait3A_357 = tpu.memref_slice %arg13[%dma_wait3A_354, %dma_wait3A_355, %dma_wait3A_356] : memref<8x128x32xf32, #tpu.memory_space<vmem>> -> memref<1x128x32xf32, #tpu.memory_space<vmem>>
          %dma_wait3A_358 = tpu.memref_squeeze %dma_wait3A_357 : memref<1x128x32xf32, #tpu.memory_space<vmem>> -> memref<128x32xf32, #tpu.memory_space<vmem>>
          %dma_wait3A_359 = arith.constant 0 : i32
          %dma_wait3A_360 = tpu.memref_slice %arg10[%dma_wait3A_353, %dma_wait3A_359] : memref<8x128xi32, #tpu.memory_space<vmem>> -> memref<1x128xi32, #tpu.memory_space<vmem>>
          %dma_wait3A_361 = tpu.memref_squeeze %dma_wait3A_360 : memref<1x128xi32, #tpu.memory_space<vmem>> -> memref<128xi32, #tpu.memory_space<vmem>>
          %dma_wait3A_362 = arith.constant 0 : i32
          %dma_wait3A_363 = arith.constant 0 : i32
          %dma_wait3A_364 = tpu.memref_slice %arg2[%dma_wait3A_362, %dma_wait3A_363] : memref<131072x32xf32, #tpu.memory_space<hbm>> -> memref<131072x32xf32, #tpu.memory_space<hbm>>
          tpu.wait_indirect_dma semaphore(%arg15 : memref<!tpu.dma_semaphore, #tpu.memory_space<semaphore_mem>>) src(%dma_wait3A_364 : memref<131072x32xf32, #tpu.memory_space<hbm>>) dst(%dma_wait3A_358 : memref<128x32xf32, #tpu.memory_space<vmem>>)
          %dma_wait3A_365 = arith.constant 7 : i32
          %dma_wait3A_366 = arith.constant 7 : i32
          %dma_wait3A_367 = arith.constant 0 : i32
          %dma_wait3A_368 = arith.constant 0 : i32
          %dma_wait3A_369 = tpu.memref_slice %arg13[%dma_wait3A_366, %dma_wait3A_367, %dma_wait3A_368] : memref<8x128x32xf32, #tpu.memory_space<vmem>> -> memref<1x128x32xf32, #tpu.memory_space<vmem>>
          %dma_wait3A_370 = tpu.memref_squeeze %dma_wait3A_369 : memref<1x128x32xf32, #tpu.memory_space<vmem>> -> memref<128x32xf32, #tpu.memory_space<vmem>>
          %dma_wait3A_371 = arith.constant 0 : i32
          %dma_wait3A_372 = tpu.memref_slice %arg10[%dma_wait3A_365, %dma_wait3A_371] : memref<8x128xi32, #tpu.memory_space<vmem>> -> memref<1x128xi32, #tpu.memory_space<vmem>>
          %dma_wait3A_373 = tpu.memref_squeeze %dma_wait3A_372 : memref<1x128xi32, #tpu.memory_space<vmem>> -> memref<128xi32, #tpu.memory_space<vmem>>
          %dma_wait3A_374 = arith.constant 0 : i32
          %dma_wait3A_375 = arith.constant 0 : i32
          %dma_wait3A_376 = tpu.memref_slice %arg2[%dma_wait3A_374, %dma_wait3A_375] : memref<131072x32xf32, #tpu.memory_space<hbm>> -> memref<131072x32xf32, #tpu.memory_space<hbm>>
          tpu.wait_indirect_dma semaphore(%arg15 : memref<!tpu.dma_semaphore, #tpu.memory_space<semaphore_mem>>) src(%dma_wait3A_376 : memref<131072x32xf32, #tpu.memory_space<hbm>>) dst(%dma_wait3A_370 : memref<128x32xf32, #tpu.memory_space<vmem>>)
          %scan3A_377 = arith.constant 0 : i32
          %scan3A_378 = arith.constant 0 : i32
          %scan3A_379 = arith.constant 8 : i32
          %scan3A_380 = arith.addi %scan3A_378, %scan3A_379 : i32
          %scan3A_381 = arith.constant 1 : i32
          %scan3A_382 = scf.for %scan3A_385 = %scan3A_378 to %scan3A_380 step %scan3A_381 iter_args(%scan3A_386 = %scan3A_377) -> (i32)  : i32 {
            %scan3A_387 = arith.constant 0 : i32
            %scan3A_388 = arith.constant 0 : i32
            %scan3A_389 = arith.constant 8 : i32
            %scan3A_390 = arith.addi %scan3A_388, %scan3A_389 : i32
            %scan3A_391 = arith.constant 1 : i32
            %scan3A_392 = scf.for %scan3A_394 = %scan3A_388 to %scan3A_390 step %scan3A_391 iter_args(%scan3A_395 = %scan3A_387) -> (i32)  : i32 {
              %mul3A_396 = arith.constant 128 : i32
              %mul3A_397 = arith.muli %scan3A_385, %mul3A_396 : i32
              %mul3A_398 = arith.constant 16 : i32
              %mul3A_399 = arith.muli %scan3A_394, %mul3A_398 : i32
              %add3A_400 = arith.addi %mul3A_397, %mul3A_399 : i32
              %get3A_401 = arith.index_cast %add3A_400 : i32 to index
              %get3A_402 = tpu.vector_load %arg11[%get3A_401] {strides = array<i32>} : memref<1024xi32, #tpu.memory_space<vmem>>, vector<16xi32>,
              %get3A_403 = arith.index_cast %add3A_400 : i32 to index
              %get3A_404 = tpu.vector_load %arg12[%get3A_403] {strides = array<i32>} : memref<1024xf32, #tpu.memory_space<vmem>>, vector<16xf32>,
              %broadcast_in_dim3A = arith.constant 0 : i32
              %broadcast_in_dim3A_405 = vector.broadcast %broadcast_in_dim3A : i32 to vector<16x1xi32>
              %gather3A = vector.shape_cast %broadcast_in_dim3A_405 : vector<16x1xi32> to vector<16xi32>
              %gather3A_406 = tpu.dynamic_gather %get3A_402[%gather3A] in [0] : vector<16xi32>, vector<16xi32> -> vector<16xi32>
              %broadcast_in_dim3A_407 = arith.constant 0 : i32
              %broadcast_in_dim3A_408 = vector.broadcast %broadcast_in_dim3A_407 : i32 to vector<16x1xi32>
              %gather3A_409 = vector.shape_cast %broadcast_in_dim3A_408 : vector<16x1xi32> to vector<16xi32>
              %gather3A_410 = tpu.dynamic_gather %get3A_404[%gather3A_409] in [0] : vector<16xf32>, vector<16xi32> -> vector<16xf32>
              %mul3A_411 = arith.constant 16 : i32
              %mul3A_412 = arith.muli %scan3A_394, %mul3A_411 : i32
              %add3A_413 = arith.constant 0 : i32
              %add3A_414 = arith.addi %mul3A_412, %add3A_413 : i32
              %get3A_415 = arith.index_cast %scan3A_385 : i32 to index
              %get3A_416 = arith.index_cast %add3A_414 : i32 to index
              %get3A_417 = arith.constant 0 : index
              %get3A_418 = tpu.vector_load %arg13[%get3A_415, %get3A_416, %get3A_417] {strides = array<i32>} : memref<8x128x32xf32, #tpu.memory_space<vmem>>, vector<16xf32>,
              %add3A_419 = arith.addi %gather3A_406, %mul3A_5 : vector<16xi32>
              %mul3A_420 = arith.mulf %gather3A_410, %get3A_418 : vector<16xf32>
              tpu.vector_store_idx %arg14[%add3A_419], %mul3A_420 {add = true} : memref<81920xf32, #tpu.memory_space<vmem>>[vector<16xi32>], vector<16xf32>,
              %mul3A_421 = arith.constant 16 : i32
              %mul3A_422 = arith.muli %scan3A_394, %mul3A_421 : i32
              %add3A_423 = arith.constant 0 : i32
              %add3A_424 = arith.addi %mul3A_422, %add3A_423 : i32
              %get3A_425 = arith.index_cast %scan3A_385 : i32 to index
              %get3A_426 = arith.index_cast %add3A_424 : i32 to index
              %get3A_427 = arith.constant 16 : index
              %get3A_428 = tpu.vector_load %arg13[%get3A_425, %get3A_426, %get3A_427] {strides = array<i32>} : memref<8x128x32xf32, #tpu.memory_space<vmem>>, vector<16xf32>,
              %add3A_429 = arith.addi %gather3A_406, %mul3A_11 : vector<16xi32>
              %mul3A_430 = arith.mulf %gather3A_410, %get3A_428 : vector<16xf32>
              tpu.vector_store_idx %arg14[%add3A_429], %mul3A_430 {add = true} : memref<81920xf32, #tpu.memory_space<vmem>>[vector<16xi32>], vector<16xf32>,
              %broadcast_in_dim3A_431 = arith.constant 1 : i32
              %broadcast_in_dim3A_432 = vector.broadcast %broadcast_in_dim3A_431 : i32 to vector<16x1xi32>
              %gather3A_433 = vector.shape_cast %broadcast_in_dim3A_432 : vector<16x1xi32> to vector<16xi32>
              %gather3A_434 = tpu.dynamic_gather %get3A_402[%gather3A_433] in [0] : vector<16xi32>, vector<16xi32> -> vector<16xi32>
              %broadcast_in_dim3A_435 = arith.constant 1 : i32
              %broadcast_in_dim3A_436 = vector.broadcast %broadcast_in_dim3A_435 : i32 to vector<16x1xi32>
              %gather3A_437 = vector.shape_cast %broadcast_in_dim3A_436 : vector<16x1xi32> to vector<16xi32>
              %gather3A_438 = tpu.dynamic_gather %get3A_404[%gather3A_437] in [0] : vector<16xf32>, vector<16xi32> -> vector<16xf32>
              %mul3A_439 = arith.constant 16 : i32
              %mul3A_440 = arith.muli %scan3A_394, %mul3A_439 : i32
              %add3A_441 = arith.constant 1 : i32
              %add3A_442 = arith.addi %mul3A_440, %add3A_441 : i32
              %get3A_443 = arith.index_cast %scan3A_385 : i32 to index
              %get3A_444 = arith.index_cast %add3A_442 : i32 to index
              %get3A_445 = arith.constant 0 : index
              %get3A_446 = tpu.vector_load %arg13[%get3A_443, %get3A_444, %get3A_445] {strides = array<i32>} : memref<8x128x32xf32, #tpu.memory_space<vmem>>, vector<16xf32>,
              %add3A_447 = arith.addi %gather3A_434, %mul3A_5 : vector<16xi32>
              %mul3A_448 = arith.mulf %gather3A_438, %get3A_446 : vector<16xf32>
              tpu.vector_store_idx %arg14[%add3A_447], %mul3A_448 {add = true} : memref<81920xf32, #tpu.memory_space<vmem>>[vector<16xi32>], vector<16xf32>,
              %mul3A_449 = arith.constant 16 : i32
              %mul3A_450 = arith.muli %scan3A_394, %mul3A_449 : i32
              %add3A_451 = arith.constant 1 : i32
              %add3A_452 = arith.addi %mul3A_450, %add3A_451 : i32
              %get3A_453 = arith.index_cast %scan3A_385 : i32 to index
              %get3A_454 = arith.index_cast %add3A_452 : i32 to index
              %get3A_455 = arith.constant 16 : index
              %get3A_456 = tpu.vector_load %arg13[%get3A_453, %get3A_454, %get3A_455] {strides = array<i32>} : memref<8x128x32xf32, #tpu.memory_space<vmem>>, vector<16xf32>,
              %add3A_457 = arith.addi %gather3A_434, %mul3A_11 : vector<16xi32>
              %mul3A_458 = arith.mulf %gather3A_438, %get3A_456 : vector<16xf32>
              tpu.vector_store_idx %arg14[%add3A_457], %mul3A_458 {add = true} : memref<81920xf32, #tpu.memory_space<vmem>>[vector<16xi32>], vector<16xf32>,
              %broadcast_in_dim3A_459 = arith.constant 2 : i32
              %broadcast_in_dim3A_460 = vector.broadcast %broadcast_in_dim3A_459 : i32 to vector<16x1xi32>
              %gather3A_461 = vector.shape_cast %broadcast_in_dim3A_460 : vector<16x1xi32> to vector<16xi32>
              %gather3A_462 = tpu.dynamic_gather %get3A_402[%gather3A_461] in [0] : vector<16xi32>, vector<16xi32> -> vector<16xi32>
              %broadcast_in_dim3A_463 = arith.constant 2 : i32
              %broadcast_in_dim3A_464 = vector.broadcast %broadcast_in_dim3A_463 : i32 to vector<16x1xi32>
              %gather3A_465 = vector.shape_cast %broadcast_in_dim3A_464 : vector<16x1xi32> to vector<16xi32>
              %gather3A_466 = tpu.dynamic_gather %get3A_404[%gather3A_465] in [0] : vector<16xf32>, vector<16xi32> -> vector<16xf32>
              %mul3A_467 = arith.constant 16 : i32
              %mul3A_468 = arith.muli %scan3A_394, %mul3A_467 : i32
              %add3A_469 = arith.constant 2 : i32
              %add3A_470 = arith.addi %mul3A_468, %add3A_469 : i32
              %get3A_471 = arith.index_cast %scan3A_385 : i32 to index
              %get3A_472 = arith.index_cast %add3A_470 : i32 to index
              %get3A_473 = arith.constant 0 : index
              %get3A_474 = tpu.vector_load %arg13[%get3A_471, %get3A_472, %get3A_473] {strides = array<i32>} : memref<8x128x32xf32, #tpu.memory_space<vmem>>, vector<16xf32>,
              %add3A_475 = arith.addi %gather3A_462, %mul3A_5 : vector<16xi32>
              %mul3A_476 = arith.mulf %gather3A_466, %get3A_474 : vector<16xf32>
              tpu.vector_store_idx %arg14[%add3A_475], %mul3A_476 {add = true} : memref<81920xf32, #tpu.memory_space<vmem>>[vector<16xi32>], vector<16xf32>,
              %mul3A_477 = arith.constant 16 : i32
              %mul3A_478 = arith.muli %scan3A_394, %mul3A_477 : i32
              %add3A_479 = arith.constant 2 : i32
              %add3A_480 = arith.addi %mul3A_478, %add3A_479 : i32
              %get3A_481 = arith.index_cast %scan3A_385 : i32 to index
              %get3A_482 = arith.index_cast %add3A_480 : i32 to index
              %get3A_483 = arith.constant 16 : index
              %get3A_484 = tpu.vector_load %arg13[%get3A_481, %get3A_482, %get3A_483] {strides = array<i32>} : memref<8x128x32xf32, #tpu.memory_space<vmem>>, vector<16xf32>,
              %add3A_485 = arith.addi %gather3A_462, %mul3A_11 : vector<16xi32>
              %mul3A_486 = arith.mulf %gather3A_466, %get3A_484 : vector<16xf32>
              tpu.vector_store_idx %arg14[%add3A_485], %mul3A_486 {add = true} : memref<81920xf32, #tpu.memory_space<vmem>>[vector<16xi32>], vector<16xf32>,
              %broadcast_in_dim3A_487 = arith.constant 3 : i32
              %broadcast_in_dim3A_488 = vector.broadcast %broadcast_in_dim3A_487 : i32 to vector<16x1xi32>
              %gather3A_489 = vector.shape_cast %broadcast_in_dim3A_488 : vector<16x1xi32> to vector<16xi32>
              %gather3A_490 = tpu.dynamic_gather %get3A_402[%gather3A_489] in [0] : vector<16xi32>, vector<16xi32> -> vector<16xi32>
              %broadcast_in_dim3A_491 = arith.constant 3 : i32
              %broadcast_in_dim3A_492 = vector.broadcast %broadcast_in_dim3A_491 : i32 to vector<16x1xi32>
              %gather3A_493 = vector.shape_cast %broadcast_in_dim3A_492 : vector<16x1xi32> to vector<16xi32>
              %gather3A_494 = tpu.dynamic_gather %get3A_404[%gather3A_493] in [0] : vector<16xf32>, vector<16xi32> -> vector<16xf32>
              %mul3A_495 = arith.constant 16 : i32
              %mul3A_496 = arith.muli %scan3A_394, %mul3A_495 : i32
              %add3A_497 = arith.constant 3 : i32
              %add3A_498 = arith.addi %mul3A_496, %add3A_497 : i32
              %get3A_499 = arith.index_cast %scan3A_385 : i32 to index
              %get3A_500 = arith.index_cast %add3A_498 : i32 to index
              %get3A_501 = arith.constant 0 : index
              %get3A_502 = tpu.vector_load %arg13[%get3A_499, %get3A_500, %get3A_501] {strides = array<i32>} : memref<8x128x32xf32, #tpu.memory_space<vmem>>, vector<16xf32>,
              %add3A_503 = arith.addi %gather3A_490, %mul3A_5 : vector<16xi32>
              %mul3A_504 = arith.mulf %gather3A_494, %get3A_502 : vector<16xf32>
              tpu.vector_store_idx %arg14[%add3A_503], %mul3A_504 {add = true} : memref<81920xf32, #tpu.memory_space<vmem>>[vector<16xi32>], vector<16xf32>,
              %mul3A_505 = arith.constant 16 : i32
              %mul3A_506 = arith.muli %scan3A_394, %mul3A_505 : i32
              %add3A_507 = arith.constant 3 : i32
              %add3A_508 = arith.addi %mul3A_506, %add3A_507 : i32
              %get3A_509 = arith.index_cast %scan3A_385 : i32 to index
              %get3A_510 = arith.index_cast %add3A_508 : i32 to index
              %get3A_511 = arith.constant 16 : index
              %get3A_512 = tpu.vector_load %arg13[%get3A_509, %get3A_510, %get3A_511] {strides = array<i32>} : memref<8x128x32xf32, #tpu.memory_space<vmem>>, vector<16xf32>,
              %add3A_513 = arith.addi %gather3A_490, %mul3A_11 : vector<16xi32>
              %mul3A_514 = arith.mulf %gather3A_494, %get3A_512 : vector<16xf32>
              tpu.vector_store_idx %arg14[%add3A_513], %mul3A_514 {add = true} : memref<81920xf32, #tpu.memory_space<vmem>>[vector<16xi32>], vector<16xf32>,
              %broadcast_in_dim3A_515 = arith.constant 4 : i32
              %broadcast_in_dim3A_516 = vector.broadcast %broadcast_in_dim3A_515 : i32 to vector<16x1xi32>
              %gather3A_517 = vector.shape_cast %broadcast_in_dim3A_516 : vector<16x1xi32> to vector<16xi32>
              %gather3A_518 = tpu.dynamic_gather %get3A_402[%gather3A_517] in [0] : vector<16xi32>, vector<16xi32> -> vector<16xi32>
              %broadcast_in_dim3A_519 = arith.constant 4 : i32
              %broadcast_in_dim3A_520 = vector.broadcast %broadcast_in_dim3A_519 : i32 to vector<16x1xi32>
              %gather3A_521 = vector.shape_cast %broadcast_in_dim3A_520 : vector<16x1xi32> to vector<16xi32>
              %gather3A_522 = tpu.dynamic_gather %get3A_404[%gather3A_521] in [0] : vector<16xf32>, vector<16xi32> -> vector<16xf32>
              %mul3A_523 = arith.constant 16 : i32
              %mul3A_524 = arith.muli %scan3A_394, %mul3A_523 : i32
              %add3A_525 = arith.constant 4 : i32
              %add3A_526 = arith.addi %mul3A_524, %add3A_525 : i32
              %get3A_527 = arith.index_cast %scan3A_385 : i32 to index
              %get3A_528 = arith.index_cast %add3A_526 : i32 to index
              %get3A_529 = arith.constant 0 : index
              %get3A_530 = tpu.vector_load %arg13[%get3A_527, %get3A_528, %get3A_529] {strides = array<i32>} : memref<8x128x32xf32, #tpu.memory_space<vmem>>, vector<16xf32>,
              %add3A_531 = arith.addi %gather3A_518, %mul3A_5 : vector<16xi32>
              %mul3A_532 = arith.mulf %gather3A_522, %get3A_530 : vector<16xf32>
              tpu.vector_store_idx %arg14[%add3A_531], %mul3A_532 {add = true} : memref<81920xf32, #tpu.memory_space<vmem>>[vector<16xi32>], vector<16xf32>,
              %mul3A_533 = arith.constant 16 : i32
              %mul3A_534 = arith.muli %scan3A_394, %mul3A_533 : i32
              %add3A_535 = arith.constant 4 : i32
              %add3A_536 = arith.addi %mul3A_534, %add3A_535 : i32
              %get3A_537 = arith.index_cast %scan3A_385 : i32 to index
              %get3A_538 = arith.index_cast %add3A_536 : i32 to index
              %get3A_539 = arith.constant 16 : index
              %get3A_540 = tpu.vector_load %arg13[%get3A_537, %get3A_538, %get3A_539] {strides = array<i32>} : memref<8x128x32xf32, #tpu.memory_space<vmem>>, vector<16xf32>,
              %add3A_541 = arith.addi %gather3A_518, %mul3A_11 : vector<16xi32>
              %mul3A_542 = arith.mulf %gather3A_522, %get3A_540 : vector<16xf32>
              tpu.vector_store_idx %arg14[%add3A_541], %mul3A_542 {add = true} : memref<81920xf32, #tpu.memory_space<vmem>>[vector<16xi32>], vector<16xf32>,
              %broadcast_in_dim3A_543 = arith.constant 5 : i32
              %broadcast_in_dim3A_544 = vector.broadcast %broadcast_in_dim3A_543 : i32 to vector<16x1xi32>
              %gather3A_545 = vector.shape_cast %broadcast_in_dim3A_544 : vector<16x1xi32> to vector<16xi32>
              %gather3A_546 = tpu.dynamic_gather %get3A_402[%gather3A_545] in [0] : vector<16xi32>, vector<16xi32> -> vector<16xi32>
              %broadcast_in_dim3A_547 = arith.constant 5 : i32
              %broadcast_in_dim3A_548 = vector.broadcast %broadcast_in_dim3A_547 : i32 to vector<16x1xi32>
              %gather3A_549 = vector.shape_cast %broadcast_in_dim3A_548 : vector<16x1xi32> to vector<16xi32>
              %gather3A_550 = tpu.dynamic_gather %get3A_404[%gather3A_549] in [0] : vector<16xf32>, vector<16xi32> -> vector<16xf32>
              %mul3A_551 = arith.constant 16 : i32
              %mul3A_552 = arith.muli %scan3A_394, %mul3A_551 : i32
              %add3A_553 = arith.constant 5 : i32
              %add3A_554 = arith.addi %mul3A_552, %add3A_553 : i32
              %get3A_555 = arith.index_cast %scan3A_385 : i32 to index
              %get3A_556 = arith.index_cast %add3A_554 : i32 to index
              %get3A_557 = arith.constant 0 : index
              %get3A_558 = tpu.vector_load %arg13[%get3A_555, %get3A_556, %get3A_557] {strides = array<i32>} : memref<8x128x32xf32, #tpu.memory_space<vmem>>, vector<16xf32>,
              %add3A_559 = arith.addi %gather3A_546, %mul3A_5 : vector<16xi32>
              %mul3A_560 = arith.mulf %gather3A_550, %get3A_558 : vector<16xf32>
              tpu.vector_store_idx %arg14[%add3A_559], %mul3A_560 {add = true} : memref<81920xf32, #tpu.memory_space<vmem>>[vector<16xi32>], vector<16xf32>,
              %mul3A_561 = arith.constant 16 : i32
              %mul3A_562 = arith.muli %scan3A_394, %mul3A_561 : i32
              %add3A_563 = arith.constant 5 : i32
              %add3A_564 = arith.addi %mul3A_562, %add3A_563 : i32
              %get3A_565 = arith.index_cast %scan3A_385 : i32 to index
              %get3A_566 = arith.index_cast %add3A_564 : i32 to index
              %get3A_567 = arith.constant 16 : index
              %get3A_568 = tpu.vector_load %arg13[%get3A_565, %get3A_566, %get3A_567] {strides = array<i32>} : memref<8x128x32xf32, #tpu.memory_space<vmem>>, vector<16xf32>,
              %add3A_569 = arith.addi %gather3A_546, %mul3A_11 : vector<16xi32>
              %mul3A_570 = arith.mulf %gather3A_550, %get3A_568 : vector<16xf32>
              tpu.vector_store_idx %arg14[%add3A_569], %mul3A_570 {add = true} : memref<81920xf32, #tpu.memory_space<vmem>>[vector<16xi32>], vector<16xf32>,
              %broadcast_in_dim3A_571 = arith.constant 6 : i32
              %broadcast_in_dim3A_572 = vector.broadcast %broadcast_in_dim3A_571 : i32 to vector<16x1xi32>
              %gather3A_573 = vector.shape_cast %broadcast_in_dim3A_572 : vector<16x1xi32> to vector<16xi32>
              %gather3A_574 = tpu.dynamic_gather %get3A_402[%gather3A_573] in [0] : vector<16xi32>, vector<16xi32> -> vector<16xi32>
              %broadcast_in_dim3A_575 = arith.constant 6 : i32
              %broadcast_in_dim3A_576 = vector.broadcast %broadcast_in_dim3A_575 : i32 to vector<16x1xi32>
              %gather3A_577 = vector.shape_cast %broadcast_in_dim3A_576 : vector<16x1xi32> to vector<16xi32>
              %gather3A_578 = tpu.dynamic_gather %get3A_404[%gather3A_577] in [0] : vector<16xf32>, vector<16xi32> -> vector<16xf32>
              %mul3A_579 = arith.constant 16 : i32
              %mul3A_580 = arith.muli %scan3A_394, %mul3A_579 : i32
              %add3A_581 = arith.constant 6 : i32
              %add3A_582 = arith.addi %mul3A_580, %add3A_581 : i32
              %get3A_583 = arith.index_cast %scan3A_385 : i32 to index
              %get3A_584 = arith.index_cast %add3A_582 : i32 to index
              %get3A_585 = arith.constant 0 : index
              %get3A_586 = tpu.vector_load %arg13[%get3A_583, %get3A_584, %get3A_585] {strides = array<i32>} : memref<8x128x32xf32, #tpu.memory_space<vmem>>, vector<16xf32>,
              %add3A_587 = arith.addi %gather3A_574, %mul3A_5 : vector<16xi32>
              %mul3A_588 = arith.mulf %gather3A_578, %get3A_586 : vector<16xf32>
              tpu.vector_store_idx %arg14[%add3A_587], %mul3A_588 {add = true} : memref<81920xf32, #tpu.memory_space<vmem>>[vector<16xi32>], vector<16xf32>,
              %mul3A_589 = arith.constant 16 : i32
              %mul3A_590 = arith.muli %scan3A_394, %mul3A_589 : i32
              %add3A_591 = arith.constant 6 : i32
              %add3A_592 = arith.addi %mul3A_590, %add3A_591 : i32
              %get3A_593 = arith.index_cast %scan3A_385 : i32 to index
              %get3A_594 = arith.index_cast %add3A_592 : i32 to index
              %get3A_595 = arith.constant 16 : index
              %get3A_596 = tpu.vector_load %arg13[%get3A_593, %get3A_594, %get3A_595] {strides = array<i32>} : memref<8x128x32xf32, #tpu.memory_space<vmem>>, vector<16xf32>,
              %add3A_597 = arith.addi %gather3A_574, %mul3A_11 : vector<16xi32>
              %mul3A_598 = arith.mulf %gather3A_578, %get3A_596 : vector<16xf32>
              tpu.vector_store_idx %arg14[%add3A_597], %mul3A_598 {add = true} : memref<81920xf32, #tpu.memory_space<vmem>>[vector<16xi32>], vector<16xf32>,
              %broadcast_in_dim3A_599 = arith.constant 7 : i32
              %broadcast_in_dim3A_600 = vector.broadcast %broadcast_in_dim3A_599 : i32 to vector<16x1xi32>
              %gather3A_601 = vector.shape_cast %broadcast_in_dim3A_600 : vector<16x1xi32> to vector<16xi32>
              %gather3A_602 = tpu.dynamic_gather %get3A_402[%gather3A_601] in [0] : vector<16xi32>, vector<16xi32> -> vector<16xi32>
              %broadcast_in_dim3A_603 = arith.constant 7 : i32
              %broadcast_in_dim3A_604 = vector.broadcast %broadcast_in_dim3A_603 : i32 to vector<16x1xi32>
              %gather3A_605 = vector.shape_cast %broadcast_in_dim3A_604 : vector<16x1xi32> to vector<16xi32>
              %gather3A_606 = tpu.dynamic_gather %get3A_404[%gather3A_605] in [0] : vector<16xf32>, vector<16xi32> -> vector<16xf32>
              %mul3A_607 = arith.constant 16 : i32
              %mul3A_608 = arith.muli %scan3A_394, %mul3A_607 : i32
              %add3A_609 = arith.constant 7 : i32
              %add3A_610 = arith.addi %mul3A_608, %add3A_609 : i32
              %get3A_611 = arith.index_cast %scan3A_385 : i32 to index
              %get3A_612 = arith.index_cast %add3A_610 : i32 to index
              %get3A_613 = arith.constant 0 : index
              %get3A_614 = tpu.vector_load %arg13[%get3A_611, %get3A_612, %get3A_613] {strides = array<i32>} : memref<8x128x32xf32, #tpu.memory_space<vmem>>, vector<16xf32>,
              %add3A_615 = arith.addi %gather3A_602, %mul3A_5 : vector<16xi32>
              %mul3A_616 = arith.mulf %gather3A_606, %get3A_614 : vector<16xf32>
              tpu.vector_store_idx %arg14[%add3A_615], %mul3A_616 {add = true} : memref<81920xf32, #tpu.memory_space<vmem>>[vector<16xi32>], vector<16xf32>,
              %mul3A_617 = arith.constant 16 : i32
              %mul3A_618 = arith.muli %scan3A_394, %mul3A_617 : i32
              %add3A_619 = arith.constant 7 : i32
              %add3A_620 = arith.addi %mul3A_618, %add3A_619 : i32
              %get3A_621 = arith.index_cast %scan3A_385 : i32 to index
              %get3A_622 = arith.index_cast %add3A_620 : i32 to index
              %get3A_623 = arith.constant 16 : index
              %get3A_624 = tpu.vector_load %arg13[%get3A_621, %get3A_622, %get3A_623] {strides = array<i32>} : memref<8x128x32xf32, #tpu.memory_space<vmem>>, vector<16xf32>,
              %add3A_625 = arith.addi %gather3A_602, %mul3A_11 : vector<16xi32>
              %mul3A_626 = arith.mulf %gather3A_606, %get3A_624 : vector<16xf32>
              tpu.vector_store_idx %arg14[%add3A_625], %mul3A_626 {add = true} : memref<81920xf32, #tpu.memory_space<vmem>>[vector<16xi32>], vector<16xf32>,
              %broadcast_in_dim3A_627 = arith.constant 8 : i32
              %broadcast_in_dim3A_628 = vector.broadcast %broadcast_in_dim3A_627 : i32 to vector<16x1xi32>
              %gather3A_629 = vector.shape_cast %broadcast_in_dim3A_628 : vector<16x1xi32> to vector<16xi32>
              %gather3A_630 = tpu.dynamic_gather %get3A_402[%gather3A_629] in [0] : vector<16xi32>, vector<16xi32> -> vector<16xi32>
              %broadcast_in_dim3A_631 = arith.constant 8 : i32
              %broadcast_in_dim3A_632 = vector.broadcast %broadcast_in_dim3A_631 : i32 to vector<16x1xi32>
              %gather3A_633 = vector.shape_cast %broadcast_in_dim3A_632 : vector<16x1xi32> to vector<16xi32>
              %gather3A_634 = tpu.dynamic_gather %get3A_404[%gather3A_633] in [0] : vector<16xf32>, vector<16xi32> -> vector<16xf32>
              %mul3A_635 = arith.constant 16 : i32
              %mul3A_636 = arith.muli %scan3A_394, %mul3A_635 : i32
              %add3A_637 = arith.constant 8 : i32
              %add3A_638 = arith.addi %mul3A_636, %add3A_637 : i32
              %get3A_639 = arith.index_cast %scan3A_385 : i32 to index
              %get3A_640 = arith.index_cast %add3A_638 : i32 to index
              %get3A_641 = arith.constant 0 : index
              %get3A_642 = tpu.vector_load %arg13[%get3A_639, %get3A_640, %get3A_641] {strides = array<i32>} : memref<8x128x32xf32, #tpu.memory_space<vmem>>, vector<16xf32>,
              %add3A_643 = arith.addi %gather3A_630, %mul3A_5 : vector<16xi32>
              %mul3A_644 = arith.mulf %gather3A_634, %get3A_642 : vector<16xf32>
              tpu.vector_store_idx %arg14[%add3A_643], %mul3A_644 {add = true} : memref<81920xf32, #tpu.memory_space<vmem>>[vector<16xi32>], vector<16xf32>,
              %mul3A_645 = arith.constant 16 : i32
              %mul3A_646 = arith.muli %scan3A_394, %mul3A_645 : i32
              %add3A_647 = arith.constant 8 : i32
              %add3A_648 = arith.addi %mul3A_646, %add3A_647 : i32
              %get3A_649 = arith.index_cast %scan3A_385 : i32 to index
              %get3A_650 = arith.index_cast %add3A_648 : i32 to index
              %get3A_651 = arith.constant 16 : index
              %get3A_652 = tpu.vector_load %arg13[%get3A_649, %get3A_650, %get3A_651] {strides = array<i32>} : memref<8x128x32xf32, #tpu.memory_space<vmem>>, vector<16xf32>,
              %add3A_653 = arith.addi %gather3A_630, %mul3A_11 : vector<16xi32>
              %mul3A_654 = arith.mulf %gather3A_634, %get3A_652 : vector<16xf32>
              tpu.vector_store_idx %arg14[%add3A_653], %mul3A_654 {add = true} : memref<81920xf32, #tpu.memory_space<vmem>>[vector<16xi32>], vector<16xf32>,
              %broadcast_in_dim3A_655 = arith.constant 9 : i32
              %broadcast_in_dim3A_656 = vector.broadcast %broadcast_in_dim3A_655 : i32 to vector<16x1xi32>
              %gather3A_657 = vector.shape_cast %broadcast_in_dim3A_656 : vector<16x1xi32> to vector<16xi32>
              %gather3A_658 = tpu.dynamic_gather %get3A_402[%gather3A_657] in [0] : vector<16xi32>, vector<16xi32> -> vector<16xi32>
              %broadcast_in_dim3A_659 = arith.constant 9 : i32
              %broadcast_in_dim3A_660 = vector.broadcast %broadcast_in_dim3A_659 : i32 to vector<16x1xi32>
              %gather3A_661 = vector.shape_cast %broadcast_in_dim3A_660 : vector<16x1xi32> to vector<16xi32>
              %gather3A_662 = tpu.dynamic_gather %get3A_404[%gather3A_661] in [0] : vector<16xf32>, vector<16xi32> -> vector<16xf32>
              %mul3A_663 = arith.constant 16 : i32
              %mul3A_664 = arith.muli %scan3A_394, %mul3A_663 : i32
              %add3A_665 = arith.constant 9 : i32
              %add3A_666 = arith.addi %mul3A_664, %add3A_665 : i32
              %get3A_667 = arith.index_cast %scan3A_385 : i32 to index
              %get3A_668 = arith.index_cast %add3A_666 : i32 to index
              %get3A_669 = arith.constant 0 : index
              %get3A_670 = tpu.vector_load %arg13[%get3A_667, %get3A_668, %get3A_669] {strides = array<i32>} : memref<8x128x32xf32, #tpu.memory_space<vmem>>, vector<16xf32>,
              %add3A_671 = arith.addi %gather3A_658, %mul3A_5 : vector<16xi32>
              %mul3A_672 = arith.mulf %gather3A_662, %get3A_670 : vector<16xf32>
              tpu.vector_store_idx %arg14[%add3A_671], %mul3A_672 {add = true} : memref<81920xf32, #tpu.memory_space<vmem>>[vector<16xi32>], vector<16xf32>,
              %mul3A_673 = arith.constant 16 : i32
              %mul3A_674 = arith.muli %scan3A_394, %mul3A_673 : i32
              %add3A_675 = arith.constant 9 : i32
              %add3A_676 = arith.addi %mul3A_674, %add3A_675 : i32
              %get3A_677 = arith.index_cast %scan3A_385 : i32 to index
              %get3A_678 = arith.index_cast %add3A_676 : i32 to index
              %get3A_679 = arith.constant 16 : index
              %get3A_680 = tpu.vector_load %arg13[%get3A_677, %get3A_678, %get3A_679] {strides = array<i32>} : memref<8x128x32xf32, #tpu.memory_space<vmem>>, vector<16xf32>,
              %add3A_681 = arith.addi %gather3A_658, %mul3A_11 : vector<16xi32>
              %mul3A_682 = arith.mulf %gather3A_662, %get3A_680 : vector<16xf32>
              tpu.vector_store_idx %arg14[%add3A_681], %mul3A_682 {add = true} : memref<81920xf32, #tpu.memory_space<vmem>>[vector<16xi32>], vector<16xf32>,
              %broadcast_in_dim3A_683 = arith.constant 10 : i32
              %broadcast_in_dim3A_684 = vector.broadcast %broadcast_in_dim3A_683 : i32 to vector<16x1xi32>
              %gather3A_685 = vector.shape_cast %broadcast_in_dim3A_684 : vector<16x1xi32> to vector<16xi32>
              %gather3A_686 = tpu.dynamic_gather %get3A_402[%gather3A_685] in [0] : vector<16xi32>, vector<16xi32> -> vector<16xi32>
              %broadcast_in_dim3A_687 = arith.constant 10 : i32
              %broadcast_in_dim3A_688 = vector.broadcast %broadcast_in_dim3A_687 : i32 to vector<16x1xi32>
              %gather3A_689 = vector.shape_cast %broadcast_in_dim3A_688 : vector<16x1xi32> to vector<16xi32>
              %gather3A_690 = tpu.dynamic_gather %get3A_404[%gather3A_689] in [0] : vector<16xf32>, vector<16xi32> -> vector<16xf32>
              %mul3A_691 = arith.constant 16 : i32
              %mul3A_692 = arith.muli %scan3A_394, %mul3A_691 : i32
              %add3A_693 = arith.constant 10 : i32
              %add3A_694 = arith.addi %mul3A_692, %add3A_693 : i32
              %get3A_695 = arith.index_cast %scan3A_385 : i32 to index
              %get3A_696 = arith.index_cast %add3A_694 : i32 to index
              %get3A_697 = arith.constant 0 : index
              %get3A_698 = tpu.vector_load %arg13[%get3A_695, %get3A_696, %get3A_697] {strides = array<i32>} : memref<8x128x32xf32, #tpu.memory_space<vmem>>, vector<16xf32>,
              %add3A_699 = arith.addi %gather3A_686, %mul3A_5 : vector<16xi32>
              %mul3A_700 = arith.mulf %gather3A_690, %get3A_698 : vector<16xf32>
              tpu.vector_store_idx %arg14[%add3A_699], %mul3A_700 {add = true} : memref<81920xf32, #tpu.memory_space<vmem>>[vector<16xi32>], vector<16xf32>,
              %mul3A_701 = arith.constant 16 : i32
              %mul3A_702 = arith.muli %scan3A_394, %mul3A_701 : i32
              %add3A_703 = arith.constant 10 : i32
              %add3A_704 = arith.addi %mul3A_702, %add3A_703 : i32
              %get3A_705 = arith.index_cast %scan3A_385 : i32 to index
              %get3A_706 = arith.index_cast %add3A_704 : i32 to index
              %get3A_707 = arith.constant 16 : index
              %get3A_708 = tpu.vector_load %arg13[%get3A_705, %get3A_706, %get3A_707] {strides = array<i32>} : memref<8x128x32xf32, #tpu.memory_space<vmem>>, vector<16xf32>,
              %add3A_709 = arith.addi %gather3A_686, %mul3A_11 : vector<16xi32>
              %mul3A_710 = arith.mulf %gather3A_690, %get3A_708 : vector<16xf32>
              tpu.vector_store_idx %arg14[%add3A_709], %mul3A_710 {add = true} : memref<81920xf32, #tpu.memory_space<vmem>>[vector<16xi32>], vector<16xf32>,
              %broadcast_in_dim3A_711 = arith.constant 11 : i32
              %broadcast_in_dim3A_712 = vector.broadcast %broadcast_in_dim3A_711 : i32 to vector<16x1xi32>
              %gather3A_713 = vector.shape_cast %broadcast_in_dim3A_712 : vector<16x1xi32> to vector<16xi32>
              %gather3A_714 = tpu.dynamic_gather %get3A_402[%gather3A_713] in [0] : vector<16xi32>, vector<16xi32> -> vector<16xi32>
              %broadcast_in_dim3A_715 = arith.constant 11 : i32
              %broadcast_in_dim3A_716 = vector.broadcast %broadcast_in_dim3A_715 : i32 to vector<16x1xi32>
              %gather3A_717 = vector.shape_cast %broadcast_in_dim3A_716 : vector<16x1xi32> to vector<16xi32>
              %gather3A_718 = tpu.dynamic_gather %get3A_404[%gather3A_717] in [0] : vector<16xf32>, vector<16xi32> -> vector<16xf32>
              %mul3A_719 = arith.constant 16 : i32
              %mul3A_720 = arith.muli %scan3A_394, %mul3A_719 : i32
              %add3A_721 = arith.constant 11 : i32
              %add3A_722 = arith.addi %mul3A_720, %add3A_721 : i32
              %get3A_723 = arith.index_cast %scan3A_385 : i32 to index
              %get3A_724 = arith.index_cast %add3A_722 : i32 to index
              %get3A_725 = arith.constant 0 : index
              %get3A_726 = tpu.vector_load %arg13[%get3A_723, %get3A_724, %get3A_725] {strides = array<i32>} : memref<8x128x32xf32, #tpu.memory_space<vmem>>, vector<16xf32>,
              %add3A_727 = arith.addi %gather3A_714, %mul3A_5 : vector<16xi32>
              %mul3A_728 = arith.mulf %gather3A_718, %get3A_726 : vector<16xf32>
              tpu.vector_store_idx %arg14[%add3A_727], %mul3A_728 {add = true} : memref<81920xf32, #tpu.memory_space<vmem>>[vector<16xi32>], vector<16xf32>,
              %mul3A_729 = arith.constant 16 : i32
              %mul3A_730 = arith.muli %scan3A_394, %mul3A_729 : i32
              %add3A_731 = arith.constant 11 : i32
              %add3A_732 = arith.addi %mul3A_730, %add3A_731 : i32
              %get3A_733 = arith.index_cast %scan3A_385 : i32 to index
              %get3A_734 = arith.index_cast %add3A_732 : i32 to index
              %get3A_735 = arith.constant 16 : index
              %get3A_736 = tpu.vector_load %arg13[%get3A_733, %get3A_734, %get3A_735] {strides = array<i32>} : memref<8x128x32xf32, #tpu.memory_space<vmem>>, vector<16xf32>,
              %add3A_737 = arith.addi %gather3A_714, %mul3A_11 : vector<16xi32>
              %mul3A_738 = arith.mulf %gather3A_718, %get3A_736 : vector<16xf32>
              tpu.vector_store_idx %arg14[%add3A_737], %mul3A_738 {add = true} : memref<81920xf32, #tpu.memory_space<vmem>>[vector<16xi32>], vector<16xf32>,
              %broadcast_in_dim3A_739 = arith.constant 12 : i32
              %broadcast_in_dim3A_740 = vector.broadcast %broadcast_in_dim3A_739 : i32 to vector<16x1xi32>
              %gather3A_741 = vector.shape_cast %broadcast_in_dim3A_740 : vector<16x1xi32> to vector<16xi32>
              %gather3A_742 = tpu.dynamic_gather %get3A_402[%gather3A_741] in [0] : vector<16xi32>, vector<16xi32> -> vector<16xi32>
              %broadcast_in_dim3A_743 = arith.constant 12 : i32
              %broadcast_in_dim3A_744 = vector.broadcast %broadcast_in_dim3A_743 : i32 to vector<16x1xi32>
              %gather3A_745 = vector.shape_cast %broadcast_in_dim3A_744 : vector<16x1xi32> to vector<16xi32>
              %gather3A_746 = tpu.dynamic_gather %get3A_404[%gather3A_745] in [0] : vector<16xf32>, vector<16xi32> -> vector<16xf32>
              %mul3A_747 = arith.constant 16 : i32
              %mul3A_748 = arith.muli %scan3A_394, %mul3A_747 : i32
              %add3A_749 = arith.constant 12 : i32
              %add3A_750 = arith.addi %mul3A_748, %add3A_749 : i32
              %get3A_751 = arith.index_cast %scan3A_385 : i32 to index
              %get3A_752 = arith.index_cast %add3A_750 : i32 to index
              %get3A_753 = arith.constant 0 : index
              %get3A_754 = tpu.vector_load %arg13[%get3A_751, %get3A_752, %get3A_753] {strides = array<i32>} : memref<8x128x32xf32, #tpu.memory_space<vmem>>, vector<16xf32>,
              %add3A_755 = arith.addi %gather3A_742, %mul3A_5 : vector<16xi32>
              %mul3A_756 = arith.mulf %gather3A_746, %get3A_754 : vector<16xf32>
              tpu.vector_store_idx %arg14[%add3A_755], %mul3A_756 {add = true} : memref<81920xf32, #tpu.memory_space<vmem>>[vector<16xi32>], vector<16xf32>,
              %mul3A_757 = arith.constant 16 : i32
              %mul3A_758 = arith.muli %scan3A_394, %mul3A_757 : i32
              %add3A_759 = arith.constant 12 : i32
              %add3A_760 = arith.addi %mul3A_758, %add3A_759 : i32
              %get3A_761 = arith.index_cast %scan3A_385 : i32 to index
              %get3A_762 = arith.index_cast %add3A_760 : i32 to index
              %get3A_763 = arith.constant 16 : index
              %get3A_764 = tpu.vector_load %arg13[%get3A_761, %get3A_762, %get3A_763] {strides = array<i32>} : memref<8x128x32xf32, #tpu.memory_space<vmem>>, vector<16xf32>,
              %add3A_765 = arith.addi %gather3A_742, %mul3A_11 : vector<16xi32>
              %mul3A_766 = arith.mulf %gather3A_746, %get3A_764 : vector<16xf32>
              tpu.vector_store_idx %arg14[%add3A_765], %mul3A_766 {add = true} : memref<81920xf32, #tpu.memory_space<vmem>>[vector<16xi32>], vector<16xf32>,
              %broadcast_in_dim3A_767 = arith.constant 13 : i32
              %broadcast_in_dim3A_768 = vector.broadcast %broadcast_in_dim3A_767 : i32 to vector<16x1xi32>
              %gather3A_769 = vector.shape_cast %broadcast_in_dim3A_768 : vector<16x1xi32> to vector<16xi32>
              %gather3A_770 = tpu.dynamic_gather %get3A_402[%gather3A_769] in [0] : vector<16xi32>, vector<16xi32> -> vector<16xi32>
              %broadcast_in_dim3A_771 = arith.constant 13 : i32
              %broadcast_in_dim3A_772 = vector.broadcast %broadcast_in_dim3A_771 : i32 to vector<16x1xi32>
              %gather3A_773 = vector.shape_cast %broadcast_in_dim3A_772 : vector<16x1xi32> to vector<16xi32>
              %gather3A_774 = tpu.dynamic_gather %get3A_404[%gather3A_773] in [0] : vector<16xf32>, vector<16xi32> -> vector<16xf32>
              %mul3A_775 = arith.constant 16 : i32
              %mul3A_776 = arith.muli %scan3A_394, %mul3A_775 : i32
              %add3A_777 = arith.constant 13 : i32
              %add3A_778 = arith.addi %mul3A_776, %add3A_777 : i32
              %get3A_779 = arith.index_cast %scan3A_385 : i32 to index
              %get3A_780 = arith.index_cast %add3A_778 : i32 to index
              %get3A_781 = arith.constant 0 : index
              %get3A_782 = tpu.vector_load %arg13[%get3A_779, %get3A_780, %get3A_781] {strides = array<i32>} : memref<8x128x32xf32, #tpu.memory_space<vmem>>, vector<16xf32>,
              %add3A_783 = arith.addi %gather3A_770, %mul3A_5 : vector<16xi32>
              %mul3A_784 = arith.mulf %gather3A_774, %get3A_782 : vector<16xf32>
              tpu.vector_store_idx %arg14[%add3A_783], %mul3A_784 {add = true} : memref<81920xf32, #tpu.memory_space<vmem>>[vector<16xi32>], vector<16xf32>,
              %mul3A_785 = arith.constant 16 : i32
              %mul3A_786 = arith.muli %scan3A_394, %mul3A_785 : i32
              %add3A_787 = arith.constant 13 : i32
              %add3A_788 = arith.addi %mul3A_786, %add3A_787 : i32
              %get3A_789 = arith.index_cast %scan3A_385 : i32 to index
              %get3A_790 = arith.index_cast %add3A_788 : i32 to index
              %get3A_791 = arith.constant 16 : index
              %get3A_792 = tpu.vector_load %arg13[%get3A_789, %get3A_790, %get3A_791] {strides = array<i32>} : memref<8x128x32xf32, #tpu.memory_space<vmem>>, vector<16xf32>,
              %add3A_793 = arith.addi %gather3A_770, %mul3A_11 : vector<16xi32>
              %mul3A_794 = arith.mulf %gather3A_774, %get3A_792 : vector<16xf32>
              tpu.vector_store_idx %arg14[%add3A_793], %mul3A_794 {add = true} : memref<81920xf32, #tpu.memory_space<vmem>>[vector<16xi32>], vector<16xf32>,
              %broadcast_in_dim3A_795 = arith.constant 14 : i32
              %broadcast_in_dim3A_796 = vector.broadcast %broadcast_in_dim3A_795 : i32 to vector<16x1xi32>
              %gather3A_797 = vector.shape_cast %broadcast_in_dim3A_796 : vector<16x1xi32> to vector<16xi32>
              %gather3A_798 = tpu.dynamic_gather %get3A_402[%gather3A_797] in [0] : vector<16xi32>, vector<16xi32> -> vector<16xi32>
              %broadcast_in_dim3A_799 = arith.constant 14 : i32
              %broadcast_in_dim3A_800 = vector.broadcast %broadcast_in_dim3A_799 : i32 to vector<16x1xi32>
              %gather3A_801 = vector.shape_cast %broadcast_in_dim3A_800 : vector<16x1xi32> to vector<16xi32>
              %gather3A_802 = tpu.dynamic_gather %get3A_404[%gather3A_801] in [0] : vector<16xf32>, vector<16xi32> -> vector<16xf32>
              %mul3A_803 = arith.constant 16 : i32
              %mul3A_804 = arith.muli %scan3A_394, %mul3A_803 : i32
              %add3A_805 = arith.constant 14 : i32
              %add3A_806 = arith.addi %mul3A_804, %add3A_805 : i32
              %get3A_807 = arith.index_cast %scan3A_385 : i32 to index
              %get3A_808 = arith.index_cast %add3A_806 : i32 to index
              %get3A_809 = arith.constant 0 : index
              %get3A_810 = tpu.vector_load %arg13[%get3A_807, %get3A_808, %get3A_809] {strides = array<i32>} : memref<8x128x32xf32, #tpu.memory_space<vmem>>, vector<16xf32>,
              %add3A_811 = arith.addi %gather3A_798, %mul3A_5 : vector<16xi32>
              %mul3A_812 = arith.mulf %gather3A_802, %get3A_810 : vector<16xf32>
              tpu.vector_store_idx %arg14[%add3A_811], %mul3A_812 {add = true} : memref<81920xf32, #tpu.memory_space<vmem>>[vector<16xi32>], vector<16xf32>,
              %mul3A_813 = arith.constant 16 : i32
              %mul3A_814 = arith.muli %scan3A_394, %mul3A_813 : i32
              %add3A_815 = arith.constant 14 : i32
              %add3A_816 = arith.addi %mul3A_814, %add3A_815 : i32
              %get3A_817 = arith.index_cast %scan3A_385 : i32 to index
              %get3A_818 = arith.index_cast %add3A_816 : i32 to index
              %get3A_819 = arith.constant 16 : index
              %get3A_820 = tpu.vector_load %arg13[%get3A_817, %get3A_818, %get3A_819] {strides = array<i32>} : memref<8x128x32xf32, #tpu.memory_space<vmem>>, vector<16xf32>,
              %add3A_821 = arith.addi %gather3A_798, %mul3A_11 : vector<16xi32>
              %mul3A_822 = arith.mulf %gather3A_802, %get3A_820 : vector<16xf32>
              tpu.vector_store_idx %arg14[%add3A_821], %mul3A_822 {add = true} : memref<81920xf32, #tpu.memory_space<vmem>>[vector<16xi32>], vector<16xf32>,
              %broadcast_in_dim3A_823 = arith.constant 15 : i32
              %broadcast_in_dim3A_824 = vector.broadcast %broadcast_in_dim3A_823 : i32 to vector<16x1xi32>
              %gather3A_825 = vector.shape_cast %broadcast_in_dim3A_824 : vector<16x1xi32> to vector<16xi32>
              %gather3A_826 = tpu.dynamic_gather %get3A_402[%gather3A_825] in [0] : vector<16xi32>, vector<16xi32> -> vector<16xi32>
              %broadcast_in_dim3A_827 = arith.constant 15 : i32
              %broadcast_in_dim3A_828 = vector.broadcast %broadcast_in_dim3A_827 : i32 to vector<16x1xi32>
              %gather3A_829 = vector.shape_cast %broadcast_in_dim3A_828 : vector<16x1xi32> to vector<16xi32>
              %gather3A_830 = tpu.dynamic_gather %get3A_404[%gather3A_829] in [0] : vector<16xf32>, vector<16xi32> -> vector<16xf32>
              %mul3A_831 = arith.constant 16 : i32
              %mul3A_832 = arith.muli %scan3A_394, %mul3A_831 : i32
              %add3A_833 = arith.constant 15 : i32
              %add3A_834 = arith.addi %mul3A_832, %add3A_833 : i32
              %get3A_835 = arith.index_cast %scan3A_385 : i32 to index
              %get3A_836 = arith.index_cast %add3A_834 : i32 to index
              %get3A_837 = arith.constant 0 : index
              %get3A_838 = tpu.vector_load %arg13[%get3A_835, %get3A_836, %get3A_837] {strides = array<i32>} : memref<8x128x32xf32, #tpu.memory_space<vmem>>, vector<16xf32>,
              %add3A_839 = arith.addi %gather3A_826, %mul3A_5 : vector<16xi32>
              %mul3A_840 = arith.mulf %gather3A_830, %get3A_838 : vector<16xf32>
              tpu.vector_store_idx %arg14[%add3A_839], %mul3A_840 {add = true} : memref<81920xf32, #tpu.memory_space<vmem>>[vector<16xi32>], vector<16xf32>,
              %mul3A_841 = arith.constant 16 : i32
              %mul3A_842 = arith.muli %scan3A_394, %mul3A_841 : i32
              %add3A_843 = arith.constant 15 : i32
              %add3A_844 = arith.addi %mul3A_842, %add3A_843 : i32
              %get3A_845 = arith.index_cast %scan3A_385 : i32 to index
              %get3A_846 = arith.index_cast %add3A_844 : i32 to index
              %get3A_847 = arith.constant 16 : index
              %get3A_848 = tpu.vector_load %arg13[%get3A_845, %get3A_846, %get3A_847] {strides = array<i32>} : memref<8x128x32xf32, #tpu.memory_space<vmem>>, vector<16xf32>,
              %add3A_849 = arith.addi %gather3A_826, %mul3A_11 : vector<16xi32>
              %mul3A_850 = arith.mulf %gather3A_830, %get3A_848 : vector<16xf32>
              tpu.vector_store_idx %arg14[%add3A_849], %mul3A_850 {add = true} : memref<81920xf32, #tpu.memory_space<vmem>>[vector<16xi32>], vector<16xf32>,
              %scan3A_851 = arith.constant 0 : i32
              scf.yield %scan3A_851 : i32
            }
            %scan3A_393 = arith.constant 8 : i32
            scf.yield %scan3A_392 : i32
          }
          %scan3A_383 = arith.constant 8 : i32
          %while3A_384 = arith.constant 0 : i32
          scf.yield %while3A_384 : i32
        }
        %add3A_81 = arith.constant 0 : i32
        %add3A_82 = arith.addi %add3A_81, %scan3A_59 : i32
        %mul3A_83 = arith.constant 64 : i32
        %mul3A_84 = arith.muli %add3A_82, %mul3A_83 : i32
        %add3A_85 = arith.addi %mul3A_84, %add3A_22 : i32
        %mul3A_86 = arith.constant 8192 : i32
        %mul3A_87 = arith.muli %add3A_85, %mul3A_86 : i32
        "tpu.region"() ({
          %run_scoped3A = tpu.sem_alloc : memref<!tpu.dma_semaphore, #tpu.memory_space<semaphore_mem>>
          %dma_start3A = arith.constant 0 : i32
          %dma_start3A_152 = tpu.memref_slice %arg14[%dma_start3A] : memref<81920xf32, #tpu.memory_space<vmem>> -> memref<8192xf32, #tpu.memory_space<vmem>>
          %dma_start3A_153 = tpu.memref_slice %arg7[%mul3A_87] : memref<41943040xf32, #tpu.memory_space<hbm>> -> memref<8192xf32, #tpu.memory_space<hbm>>
          %dma_start3A_154 = tpu.memref_slice %arg7[%mul3A_87] : memref<41943040xf32, #tpu.memory_space<hbm>> -> memref<8192xf32, #tpu.memory_space<hbm>>
          %dma_start3A_155 = arith.constant 0 : i32
          %dma_start3A_156 = tpu.memref_slice %arg14[%dma_start3A_155] : memref<81920xf32, #tpu.memory_space<vmem>> -> memref<8192xf32, #tpu.memory_space<vmem>>
          tpu.enqueue_dma source(%dma_start3A_156 : memref<8192xf32, #tpu.memory_space<vmem>>) target(%dma_start3A_154 : memref<8192xf32, #tpu.memory_space<hbm>>) target_semaphore(%run_scoped3A : memref<!tpu.dma_semaphore, #tpu.memory_space<semaphore_mem>>)
          %dma_wait3A = arith.constant 0 : i32
          %dma_wait3A_157 = tpu.memref_slice %arg14[%dma_wait3A] : memref<81920xf32, #tpu.memory_space<vmem>> -> memref<8192xf32, #tpu.memory_space<vmem>>
          %dma_wait3A_158 = tpu.memref_slice %arg7[%mul3A_87] : memref<41943040xf32, #tpu.memory_space<hbm>> -> memref<8192xf32, #tpu.memory_space<hbm>>
          %dma_wait3A_159 = tpu.memref_slice %arg7[%mul3A_87] : memref<41943040xf32, #tpu.memory_space<hbm>> -> memref<8192xf32, #tpu.memory_space<hbm>>
          %dma_wait3A_160 = arith.constant 0 : i32
          %dma_wait3A_161 = tpu.memref_slice %arg14[%dma_wait3A_160] : memref<81920xf32, #tpu.memory_space<vmem>> -> memref<8192xf32, #tpu.memory_space<vmem>>
          tpu.wait_dma2 semaphore(%run_scoped3A : memref<!tpu.dma_semaphore, #tpu.memory_space<semaphore_mem>>) src(%dma_wait3A_161 : memref<8192xf32, #tpu.memory_space<vmem>>) dst(%dma_wait3A_159 : memref<8192xf32, #tpu.memory_space<hbm>>)
          tpu.yield
        }) : () -> ()
        %add3A_88 = arith.constant 8 : i32
        %add3A_89 = arith.addi %add3A_88, %scan3A_59 : i32
        %mul3A_90 = arith.constant 64 : i32
        %mul3A_91 = arith.muli %add3A_89, %mul3A_90 : i32
        %add3A_92 = arith.addi %mul3A_91, %add3A_22 : i32
        %mul3A_93 = arith.constant 8192 : i32
        %mul3A_94 = arith.muli %add3A_92, %mul3A_93 : i32
        "tpu.region"() ({
          %run_scoped3A = tpu.sem_alloc : memref<!tpu.dma_semaphore, #tpu.memory_space<semaphore_mem>>
          %dma_start3A = arith.constant 8192 : i32
          %dma_start3A_152 = tpu.memref_slice %arg14[%dma_start3A] : memref<81920xf32, #tpu.memory_space<vmem>> -> memref<8192xf32, #tpu.memory_space<vmem>>
          %dma_start3A_153 = tpu.memref_slice %arg7[%mul3A_94] : memref<41943040xf32, #tpu.memory_space<hbm>> -> memref<8192xf32, #tpu.memory_space<hbm>>
          %dma_start3A_154 = tpu.memref_slice %arg7[%mul3A_94] : memref<41943040xf32, #tpu.memory_space<hbm>> -> memref<8192xf32, #tpu.memory_space<hbm>>
          %dma_start3A_155 = arith.constant 8192 : i32
          %dma_start3A_156 = tpu.memref_slice %arg14[%dma_start3A_155] : memref<81920xf32, #tpu.memory_space<vmem>> -> memref<8192xf32, #tpu.memory_space<vmem>>
          tpu.enqueue_dma source(%dma_start3A_156 : memref<8192xf32, #tpu.memory_space<vmem>>) target(%dma_start3A_154 : memref<8192xf32, #tpu.memory_space<hbm>>) target_semaphore(%run_scoped3A : memref<!tpu.dma_semaphore, #tpu.memory_space<semaphore_mem>>)
          %dma_wait3A = arith.constant 8192 : i32
          %dma_wait3A_157 = tpu.memref_slice %arg14[%dma_wait3A] : memref<81920xf32, #tpu.memory_space<vmem>> -> memref<8192xf32, #tpu.memory_space<vmem>>
          %dma_wait3A_158 = tpu.memref_slice %arg7[%mul3A_94] : memref<41943040xf32, #tpu.memory_space<hbm>> -> memref<8192xf32, #tpu.memory_space<hbm>>
          %dma_wait3A_159 = tpu.memref_slice %arg7[%mul3A_94] : memref<41943040xf32, #tpu.memory_space<hbm>> -> memref<8192xf32, #tpu.memory_space<hbm>>
          %dma_wait3A_160 = arith.constant 8192 : i32
          %dma_wait3A_161 = tpu.memref_slice %arg14[%dma_wait3A_160] : memref<81920xf32, #tpu.memory_space<vmem>> -> memref<8192xf32, #tpu.memory_space<vmem>>
          tpu.wait_dma2 semaphore(%run_scoped3A : memref<!tpu.dma_semaphore, #tpu.memory_space<semaphore_mem>>) src(%dma_wait3A_161 : memref<8192xf32, #tpu.memory_space<vmem>>) dst(%dma_wait3A_159 : memref<8192xf32, #tpu.memory_space<hbm>>)
          tpu.yield
        }) : () -> ()
        %add3A_95 = arith.constant 16 : i32
        %add3A_96 = arith.addi %add3A_95, %scan3A_59 : i32
        %mul3A_97 = arith.constant 64 : i32
        %mul3A_98 = arith.muli %add3A_96, %mul3A_97 : i32
        %add3A_99 = arith.addi %mul3A_98, %add3A_22 : i32
        %mul3A_100 = arith.constant 8192 : i32
        %mul3A_101 = arith.muli %add3A_99, %mul3A_100 : i32
        "tpu.region"() ({
          %run_scoped3A = tpu.sem_alloc : memref<!tpu.dma_semaphore, #tpu.memory_space<semaphore_mem>>
          %dma_start3A = arith.constant 16384 : i32
          %dma_start3A_152 = tpu.memref_slice %arg14[%dma_start3A] : memref<81920xf32, #tpu.memory_space<vmem>> -> memref<8192xf32, #tpu.memory_space<vmem>>
          %dma_start3A_153 = tpu.memref_slice %arg7[%mul3A_101] : memref<41943040xf32, #tpu.memory_space<hbm>> -> memref<8192xf32, #tpu.memory_space<hbm>>
          %dma_start3A_154 = tpu.memref_slice %arg7[%mul3A_101] : memref<41943040xf32, #tpu.memory_space<hbm>> -> memref<8192xf32, #tpu.memory_space<hbm>>
          %dma_start3A_155 = arith.constant 16384 : i32
          %dma_start3A_156 = tpu.memref_slice %arg14[%dma_start3A_155] : memref<81920xf32, #tpu.memory_space<vmem>> -> memref<8192xf32, #tpu.memory_space<vmem>>
          tpu.enqueue_dma source(%dma_start3A_156 : memref<8192xf32, #tpu.memory_space<vmem>>) target(%dma_start3A_154 : memref<8192xf32, #tpu.memory_space<hbm>>) target_semaphore(%run_scoped3A : memref<!tpu.dma_semaphore, #tpu.memory_space<semaphore_mem>>)
          %dma_wait3A = arith.constant 16384 : i32
          %dma_wait3A_157 = tpu.memref_slice %arg14[%dma_wait3A] : memref<81920xf32, #tpu.memory_space<vmem>> -> memref<8192xf32, #tpu.memory_space<vmem>>
          %dma_wait3A_158 = tpu.memref_slice %arg7[%mul3A_101] : memref<41943040xf32, #tpu.memory_space<hbm>> -> memref<8192xf32, #tpu.memory_space<hbm>>
          %dma_wait3A_159 = tpu.memref_slice %arg7[%mul3A_101] : memref<41943040xf32, #tpu.memory_space<hbm>> -> memref<8192xf32, #tpu.memory_space<hbm>>
          %dma_wait3A_160 = arith.constant 16384 : i32
          %dma_wait3A_161 = tpu.memref_slice %arg14[%dma_wait3A_160] : memref<81920xf32, #tpu.memory_space<vmem>> -> memref<8192xf32, #tpu.memory_space<vmem>>
          tpu.wait_dma2 semaphore(%run_scoped3A : memref<!tpu.dma_semaphore, #tpu.memory_space<semaphore_mem>>) src(%dma_wait3A_161 : memref<8192xf32, #tpu.memory_space<vmem>>) dst(%dma_wait3A_159 : memref<8192xf32, #tpu.memory_space<hbm>>)
          tpu.yield
        }) : () -> ()
        %add3A_102 = arith.constant 24 : i32
        %add3A_103 = arith.addi %add3A_102, %scan3A_59 : i32
        %mul3A_104 = arith.constant 64 : i32
        %mul3A_105 = arith.muli %add3A_103, %mul3A_104 : i32
        %add3A_106 = arith.addi %mul3A_105, %add3A_22 : i32
        %mul3A_107 = arith.constant 8192 : i32
        %mul3A_108 = arith.muli %add3A_106, %mul3A_107 : i32
        "tpu.region"() ({
          %run_scoped3A = tpu.sem_alloc : memref<!tpu.dma_semaphore, #tpu.memory_space<semaphore_mem>>
          %dma_start3A = arith.constant 24576 : i32
          %dma_start3A_152 = tpu.memref_slice %arg14[%dma_start3A] : memref<81920xf32, #tpu.memory_space<vmem>> -> memref<8192xf32, #tpu.memory_space<vmem>>
          %dma_start3A_153 = tpu.memref_slice %arg7[%mul3A_108] : memref<41943040xf32, #tpu.memory_space<hbm>> -> memref<8192xf32, #tpu.memory_space<hbm>>
          %dma_start3A_154 = tpu.memref_slice %arg7[%mul3A_108] : memref<41943040xf32, #tpu.memory_space<hbm>> -> memref<8192xf32, #tpu.memory_space<hbm>>
          %dma_start3A_155 = arith.constant 24576 : i32
          %dma_start3A_156 = tpu.memref_slice %arg14[%dma_start3A_155] : memref<81920xf32, #tpu.memory_space<vmem>> -> memref<8192xf32, #tpu.memory_space<vmem>>
          tpu.enqueue_dma source(%dma_start3A_156 : memref<8192xf32, #tpu.memory_space<vmem>>) target(%dma_start3A_154 : memref<8192xf32, #tpu.memory_space<hbm>>) target_semaphore(%run_scoped3A : memref<!tpu.dma_semaphore, #tpu.memory_space<semaphore_mem>>)
          %dma_wait3A = arith.constant 24576 : i32
          %dma_wait3A_157 = tpu.memref_slice %arg14[%dma_wait3A] : memref<81920xf32, #tpu.memory_space<vmem>> -> memref<8192xf32, #tpu.memory_space<vmem>>
          %dma_wait3A_158 = tpu.memref_slice %arg7[%mul3A_108] : memref<41943040xf32, #tpu.memory_space<hbm>> -> memref<8192xf32, #tpu.memory_space<hbm>>
          %dma_wait3A_159 = tpu.memref_slice %arg7[%mul3A_108] : memref<41943040xf32, #tpu.memory_space<hbm>> -> memref<8192xf32, #tpu.memory_space<hbm>>
          %dma_wait3A_160 = arith.constant 24576 : i32
          %dma_wait3A_161 = tpu.memref_slice %arg14[%dma_wait3A_160] : memref<81920xf32, #tpu.memory_space<vmem>> -> memref<8192xf32, #tpu.memory_space<vmem>>
          tpu.wait_dma2 semaphore(%run_scoped3A : memref<!tpu.dma_semaphore, #tpu.memory_space<semaphore_mem>>) src(%dma_wait3A_161 : memref<8192xf32, #tpu.memory_space<vmem>>) dst(%dma_wait3A_159 : memref<8192xf32, #tpu.memory_space<hbm>>)
          tpu.yield
        }) : () -> ()
        %add3A_109 = arith.constant 32 : i32
        %add3A_110 = arith.addi %add3A_109, %scan3A_59 : i32
        %mul3A_111 = arith.constant 64 : i32
        %mul3A_112 = arith.muli %add3A_110, %mul3A_111 : i32
        %add3A_113 = arith.addi %mul3A_112, %add3A_22 : i32
        %mul3A_114 = arith.constant 8192 : i32
        %mul3A_115 = arith.muli %add3A_113, %mul3A_114 : i32
        "tpu.region"() ({
          %run_scoped3A = tpu.sem_alloc : memref<!tpu.dma_semaphore, #tpu.memory_space<semaphore_mem>>
          %dma_start3A = arith.constant 32768 : i32
          %dma_start3A_152 = tpu.memref_slice %arg14[%dma_start3A] : memref<81920xf32, #tpu.memory_space<vmem>> -> memref<8192xf32, #tpu.memory_space<vmem>>
          %dma_start3A_153 = tpu.memref_slice %arg7[%mul3A_115] : memref<41943040xf32, #tpu.memory_space<hbm>> -> memref<8192xf32, #tpu.memory_space<hbm>>
          %dma_start3A_154 = tpu.memref_slice %arg7[%mul3A_115] : memref<41943040xf32, #tpu.memory_space<hbm>> -> memref<8192xf32, #tpu.memory_space<hbm>>
          %dma_start3A_155 = arith.constant 32768 : i32
          %dma_start3A_156 = tpu.memref_slice %arg14[%dma_start3A_155] : memref<81920xf32, #tpu.memory_space<vmem>> -> memref<8192xf32, #tpu.memory_space<vmem>>
          tpu.enqueue_dma source(%dma_start3A_156 : memref<8192xf32, #tpu.memory_space<vmem>>) target(%dma_start3A_154 : memref<8192xf32, #tpu.memory_space<hbm>>) target_semaphore(%run_scoped3A : memref<!tpu.dma_semaphore, #tpu.memory_space<semaphore_mem>>)
          %dma_wait3A = arith.constant 32768 : i32
          %dma_wait3A_157 = tpu.memref_slice %arg14[%dma_wait3A] : memref<81920xf32, #tpu.memory_space<vmem>> -> memref<8192xf32, #tpu.memory_space<vmem>>
          %dma_wait3A_158 = tpu.memref_slice %arg7[%mul3A_115] : memref<41943040xf32, #tpu.memory_space<hbm>> -> memref<8192xf32, #tpu.memory_space<hbm>>
          %dma_wait3A_159 = tpu.memref_slice %arg7[%mul3A_115] : memref<41943040xf32, #tpu.memory_space<hbm>> -> memref<8192xf32, #tpu.memory_space<hbm>>
          %dma_wait3A_160 = arith.constant 32768 : i32
          %dma_wait3A_161 = tpu.memref_slice %arg14[%dma_wait3A_160] : memref<81920xf32, #tpu.memory_space<vmem>> -> memref<8192xf32, #tpu.memory_space<vmem>>
          tpu.wait_dma2 semaphore(%run_scoped3A : memref<!tpu.dma_semaphore, #tpu.memory_space<semaphore_mem>>) src(%dma_wait3A_161 : memref<8192xf32, #tpu.memory_space<vmem>>) dst(%dma_wait3A_159 : memref<8192xf32, #tpu.memory_space<hbm>>)
          tpu.yield
        }) : () -> ()
        %add3A_116 = arith.constant 40 : i32
        %add3A_117 = arith.addi %add3A_116, %scan3A_59 : i32
        %mul3A_118 = arith.constant 64 : i32
        %mul3A_119 = arith.muli %add3A_117, %mul3A_118 : i32
        %add3A_120 = arith.addi %mul3A_119, %add3A_22 : i32
        %mul3A_121 = arith.constant 8192 : i32
        %mul3A_122 = arith.muli %add3A_120, %mul3A_121 : i32
        "tpu.region"() ({
          %run_scoped3A = tpu.sem_alloc : memref<!tpu.dma_semaphore, #tpu.memory_space<semaphore_mem>>
          %dma_start3A = arith.constant 40960 : i32
          %dma_start3A_152 = tpu.memref_slice %arg14[%dma_start3A] : memref<81920xf32, #tpu.memory_space<vmem>> -> memref<8192xf32, #tpu.memory_space<vmem>>
          %dma_start3A_153 = tpu.memref_slice %arg7[%mul3A_122] : memref<41943040xf32, #tpu.memory_space<hbm>> -> memref<8192xf32, #tpu.memory_space<hbm>>
          %dma_start3A_154 = tpu.memref_slice %arg7[%mul3A_122] : memref<41943040xf32, #tpu.memory_space<hbm>> -> memref<8192xf32, #tpu.memory_space<hbm>>
          %dma_start3A_155 = arith.constant 40960 : i32
          %dma_start3A_156 = tpu.memref_slice %arg14[%dma_start3A_155] : memref<81920xf32, #tpu.memory_space<vmem>> -> memref<8192xf32, #tpu.memory_space<vmem>>
          tpu.enqueue_dma source(%dma_start3A_156 : memref<8192xf32, #tpu.memory_space<vmem>>) target(%dma_start3A_154 : memref<8192xf32, #tpu.memory_space<hbm>>) target_semaphore(%run_scoped3A : memref<!tpu.dma_semaphore, #tpu.memory_space<semaphore_mem>>)
          %dma_wait3A = arith.constant 40960 : i32
          %dma_wait3A_157 = tpu.memref_slice %arg14[%dma_wait3A] : memref<81920xf32, #tpu.memory_space<vmem>> -> memref<8192xf32, #tpu.memory_space<vmem>>
          %dma_wait3A_158 = tpu.memref_slice %arg7[%mul3A_122] : memref<41943040xf32, #tpu.memory_space<hbm>> -> memref<8192xf32, #tpu.memory_space<hbm>>
          %dma_wait3A_159 = tpu.memref_slice %arg7[%mul3A_122] : memref<41943040xf32, #tpu.memory_space<hbm>> -> memref<8192xf32, #tpu.memory_space<hbm>>
          %dma_wait3A_160 = arith.constant 40960 : i32
          %dma_wait3A_161 = tpu.memref_slice %arg14[%dma_wait3A_160] : memref<81920xf32, #tpu.memory_space<vmem>> -> memref<8192xf32, #tpu.memory_space<vmem>>
          tpu.wait_dma2 semaphore(%run_scoped3A : memref<!tpu.dma_semaphore, #tpu.memory_space<semaphore_mem>>) src(%dma_wait3A_161 : memref<8192xf32, #tpu.memory_space<vmem>>) dst(%dma_wait3A_159 : memref<8192xf32, #tpu.memory_space<hbm>>)
          tpu.yield
        }) : () -> ()
        %add3A_123 = arith.constant 48 : i32
        %add3A_124 = arith.addi %add3A_123, %scan3A_59 : i32
        %mul3A_125 = arith.constant 64 : i32
        %mul3A_126 = arith.muli %add3A_124, %mul3A_125 : i32
        %add3A_127 = arith.addi %mul3A_126, %add3A_22 : i32
        %mul3A_128 = arith.constant 8192 : i32
        %mul3A_129 = arith.muli %add3A_127, %mul3A_128 : i32
        "tpu.region"() ({
          %run_scoped3A = tpu.sem_alloc : memref<!tpu.dma_semaphore, #tpu.memory_space<semaphore_mem>>
          %dma_start3A = arith.constant 49152 : i32
          %dma_start3A_152 = tpu.memref_slice %arg14[%dma_start3A] : memref<81920xf32, #tpu.memory_space<vmem>> -> memref<8192xf32, #tpu.memory_space<vmem>>
          %dma_start3A_153 = tpu.memref_slice %arg7[%mul3A_129] : memref<41943040xf32, #tpu.memory_space<hbm>> -> memref<8192xf32, #tpu.memory_space<hbm>>
          %dma_start3A_154 = tpu.memref_slice %arg7[%mul3A_129] : memref<41943040xf32, #tpu.memory_space<hbm>> -> memref<8192xf32, #tpu.memory_space<hbm>>
          %dma_start3A_155 = arith.constant 49152 : i32
          %dma_start3A_156 = tpu.memref_slice %arg14[%dma_start3A_155] : memref<81920xf32, #tpu.memory_space<vmem>> -> memref<8192xf32, #tpu.memory_space<vmem>>
          tpu.enqueue_dma source(%dma_start3A_156 : memref<8192xf32, #tpu.memory_space<vmem>>) target(%dma_start3A_154 : memref<8192xf32, #tpu.memory_space<hbm>>) target_semaphore(%run_scoped3A : memref<!tpu.dma_semaphore, #tpu.memory_space<semaphore_mem>>)
          %dma_wait3A = arith.constant 49152 : i32
          %dma_wait3A_157 = tpu.memref_slice %arg14[%dma_wait3A] : memref<81920xf32, #tpu.memory_space<vmem>> -> memref<8192xf32, #tpu.memory_space<vmem>>
          %dma_wait3A_158 = tpu.memref_slice %arg7[%mul3A_129] : memref<41943040xf32, #tpu.memory_space<hbm>> -> memref<8192xf32, #tpu.memory_space<hbm>>
          %dma_wait3A_159 = tpu.memref_slice %arg7[%mul3A_129] : memref<41943040xf32, #tpu.memory_space<hbm>> -> memref<8192xf32, #tpu.memory_space<hbm>>
          %dma_wait3A_160 = arith.constant 49152 : i32
          %dma_wait3A_161 = tpu.memref_slice %arg14[%dma_wait3A_160] : memref<81920xf32, #tpu.memory_space<vmem>> -> memref<8192xf32, #tpu.memory_space<vmem>>
          tpu.wait_dma2 semaphore(%run_scoped3A : memref<!tpu.dma_semaphore, #tpu.memory_space<semaphore_mem>>) src(%dma_wait3A_161 : memref<8192xf32, #tpu.memory_space<vmem>>) dst(%dma_wait3A_159 : memref<8192xf32, #tpu.memory_space<hbm>>)
          tpu.yield
        }) : () -> ()
        %add3A_130 = arith.constant 56 : i32
        %add3A_131 = arith.addi %add3A_130, %scan3A_59 : i32
        %mul3A_132 = arith.constant 64 : i32
        %mul3A_133 = arith.muli %add3A_131, %mul3A_132 : i32
        %add3A_134 = arith.addi %mul3A_133, %add3A_22 : i32
        %mul3A_135 = arith.constant 8192 : i32
        %mul3A_136 = arith.muli %add3A_134, %mul3A_135 : i32
        "tpu.region"() ({
          %run_scoped3A = tpu.sem_alloc : memref<!tpu.dma_semaphore, #tpu.memory_space<semaphore_mem>>
          %dma_start3A = arith.constant 57344 : i32
          %dma_start3A_152 = tpu.memref_slice %arg14[%dma_start3A] : memref<81920xf32, #tpu.memory_space<vmem>> -> memref<8192xf32, #tpu.memory_space<vmem>>
          %dma_start3A_153 = tpu.memref_slice %arg7[%mul3A_136] : memref<41943040xf32, #tpu.memory_space<hbm>> -> memref<8192xf32, #tpu.memory_space<hbm>>
          %dma_start3A_154 = tpu.memref_slice %arg7[%mul3A_136] : memref<41943040xf32, #tpu.memory_space<hbm>> -> memref<8192xf32, #tpu.memory_space<hbm>>
          %dma_start3A_155 = arith.constant 57344 : i32
          %dma_start3A_156 = tpu.memref_slice %arg14[%dma_start3A_155] : memref<81920xf32, #tpu.memory_space<vmem>> -> memref<8192xf32, #tpu.memory_space<vmem>>
          tpu.enqueue_dma source(%dma_start3A_156 : memref<8192xf32, #tpu.memory_space<vmem>>) target(%dma_start3A_154 : memref<8192xf32, #tpu.memory_space<hbm>>) target_semaphore(%run_scoped3A : memref<!tpu.dma_semaphore, #tpu.memory_space<semaphore_mem>>)
          %dma_wait3A = arith.constant 57344 : i32
          %dma_wait3A_157 = tpu.memref_slice %arg14[%dma_wait3A] : memref<81920xf32, #tpu.memory_space<vmem>> -> memref<8192xf32, #tpu.memory_space<vmem>>
          %dma_wait3A_158 = tpu.memref_slice %arg7[%mul3A_136] : memref<41943040xf32, #tpu.memory_space<hbm>> -> memref<8192xf32, #tpu.memory_space<hbm>>
          %dma_wait3A_159 = tpu.memref_slice %arg7[%mul3A_136] : memref<41943040xf32, #tpu.memory_space<hbm>> -> memref<8192xf32, #tpu.memory_space<hbm>>
          %dma_wait3A_160 = arith.constant 57344 : i32
          %dma_wait3A_161 = tpu.memref_slice %arg14[%dma_wait3A_160] : memref<81920xf32, #tpu.memory_space<vmem>> -> memref<8192xf32, #tpu.memory_space<vmem>>
          tpu.wait_dma2 semaphore(%run_scoped3A : memref<!tpu.dma_semaphore, #tpu.memory_space<semaphore_mem>>) src(%dma_wait3A_161 : memref<8192xf32, #tpu.memory_space<vmem>>) dst(%dma_wait3A_159 : memref<8192xf32, #tpu.memory_space<hbm>>)
          tpu.yield
        }) : () -> ()
        %add3A_137 = arith.constant 64 : i32
        %add3A_138 = arith.addi %add3A_137, %scan3A_59 : i32
        %mul3A_139 = arith.constant 64 : i32
        %mul3A_140 = arith.muli %add3A_138, %mul3A_139 : i32
        %add3A_141 = arith.addi %mul3A_140, %add3A_22 : i32
        %mul3A_142 = arith.constant 8192 : i32
        %mul3A_143 = arith.muli %add3A_141, %mul3A_142 : i32
        "tpu.region"() ({
          %run_scoped3A = tpu.sem_alloc : memref<!tpu.dma_semaphore, #tpu.memory_space<semaphore_mem>>
          %dma_start3A = arith.constant 65536 : i32
          %dma_start3A_152 = tpu.memref_slice %arg14[%dma_start3A] : memref<81920xf32, #tpu.memory_space<vmem>> -> memref<8192xf32, #tpu.memory_space<vmem>>
          %dma_start3A_153 = tpu.memref_slice %arg7[%mul3A_143] : memref<41943040xf32, #tpu.memory_space<hbm>> -> memref<8192xf32, #tpu.memory_space<hbm>>
          %dma_start3A_154 = tpu.memref_slice %arg7[%mul3A_143] : memref<41943040xf32, #tpu.memory_space<hbm>> -> memref<8192xf32, #tpu.memory_space<hbm>>
          %dma_start3A_155 = arith.constant 65536 : i32
          %dma_start3A_156 = tpu.memref_slice %arg14[%dma_start3A_155] : memref<81920xf32, #tpu.memory_space<vmem>> -> memref<8192xf32, #tpu.memory_space<vmem>>
          tpu.enqueue_dma source(%dma_start3A_156 : memref<8192xf32, #tpu.memory_space<vmem>>) target(%dma_start3A_154 : memref<8192xf32, #tpu.memory_space<hbm>>) target_semaphore(%run_scoped3A : memref<!tpu.dma_semaphore, #tpu.memory_space<semaphore_mem>>)
          %dma_wait3A = arith.constant 65536 : i32
          %dma_wait3A_157 = tpu.memref_slice %arg14[%dma_wait3A] : memref<81920xf32, #tpu.memory_space<vmem>> -> memref<8192xf32, #tpu.memory_space<vmem>>
          %dma_wait3A_158 = tpu.memref_slice %arg7[%mul3A_143] : memref<41943040xf32, #tpu.memory_space<hbm>> -> memref<8192xf32, #tpu.memory_space<hbm>>
          %dma_wait3A_159 = tpu.memref_slice %arg7[%mul3A_143] : memref<41943040xf32, #tpu.memory_space<hbm>> -> memref<8192xf32, #tpu.memory_space<hbm>>
          %dma_wait3A_160 = arith.constant 65536 : i32
          %dma_wait3A_161 = tpu.memref_slice %arg14[%dma_wait3A_160] : memref<81920xf32, #tpu.memory_space<vmem>> -> memref<8192xf32, #tpu.memory_space<vmem>>
          tpu.wait_dma2 semaphore(%run_scoped3A : memref<!tpu.dma_semaphore, #tpu.memory_space<semaphore_mem>>) src(%dma_wait3A_161 : memref<8192xf32, #tpu.memory_space<vmem>>) dst(%dma_wait3A_159 : memref<8192xf32, #tpu.memory_space<hbm>>)
          tpu.yield
        }) : () -> ()
        %add3A_144 = arith.constant 72 : i32
        %add3A_145 = arith.addi %add3A_144, %scan3A_59 : i32
        %mul3A_146 = arith.constant 64 : i32
        %mul3A_147 = arith.muli %add3A_145, %mul3A_146 : i32
        %add3A_148 = arith.addi %mul3A_147, %add3A_22 : i32
        %mul3A_149 = arith.constant 8192 : i32
        %mul3A_150 = arith.muli %add3A_148, %mul3A_149 : i32
        "tpu.region"() ({
          %run_scoped3A = tpu.sem_alloc : memref<!tpu.dma_semaphore, #tpu.memory_space<semaphore_mem>>
          %dma_start3A = arith.constant 73728 : i32
          %dma_start3A_152 = tpu.memref_slice %arg14[%dma_start3A] : memref<81920xf32, #tpu.memory_space<vmem>> -> memref<8192xf32, #tpu.memory_space<vmem>>
          %dma_start3A_153 = tpu.memref_slice %arg7[%mul3A_150] : memref<41943040xf32, #tpu.memory_space<hbm>> -> memref<8192xf32, #tpu.memory_space<hbm>>
          %dma_start3A_154 = tpu.memref_slice %arg7[%mul3A_150] : memref<41943040xf32, #tpu.memory_space<hbm>> -> memref<8192xf32, #tpu.memory_space<hbm>>
          %dma_start3A_155 = arith.constant 73728 : i32
          %dma_start3A_156 = tpu.memref_slice %arg14[%dma_start3A_155] : memref<81920xf32, #tpu.memory_space<vmem>> -> memref<8192xf32, #tpu.memory_space<vmem>>
          tpu.enqueue_dma source(%dma_start3A_156 : memref<8192xf32, #tpu.memory_space<vmem>>) target(%dma_start3A_154 : memref<8192xf32, #tpu.memory_space<hbm>>) target_semaphore(%run_scoped3A : memref<!tpu.dma_semaphore, #tpu.memory_space<semaphore_mem>>)
          %dma_wait3A = arith.constant 73728 : i32
          %dma_wait3A_157 = tpu.memref_slice %arg14[%dma_wait3A] : memref<81920xf32, #tpu.memory_space<vmem>> -> memref<8192xf32, #tpu.memory_space<vmem>>
          %dma_wait3A_158 = tpu.memref_slice %arg7[%mul3A_150] : memref<41943040xf32, #tpu.memory_space<hbm>> -> memref<8192xf32, #tpu.memory_space<hbm>>
          %dma_wait3A_159 = tpu.memref_slice %arg7[%mul3A_150] : memref<41943040xf32, #tpu.memory_space<hbm>> -> memref<8192xf32, #tpu.memory_space<hbm>>
          %dma_wait3A_160 = arith.constant 73728 : i32
          %dma_wait3A_161 = tpu.memref_slice %arg14[%dma_wait3A_160] : memref<81920xf32, #tpu.memory_space<vmem>> -> memref<8192xf32, #tpu.memory_space<vmem>>
          tpu.wait_dma2 semaphore(%run_scoped3A : memref<!tpu.dma_semaphore, #tpu.memory_space<semaphore_mem>>) src(%dma_wait3A_161 : memref<8192xf32, #tpu.memory_space<vmem>>) dst(%dma_wait3A_159 : memref<8192xf32, #tpu.memory_space<hbm>>)
          tpu.yield
        }) : () -> ()
        %scan3A_151 = arith.constant 0 : i32
        scf.yield %scan3A_151 : i32
      }
      %scan3A_57 = arith.constant 8 : i32
      %scan3A_58 = arith.constant 0 : i32
      scf.yield %scan3A_58 : i32
    }
    %scan3A_17 = arith.constant 2 : i32
    return
  }
}

module attributes {stable_mosaic.version = 14 : i64} {
  func.func @_tc_contract_kernel(%arg0: i32, %arg1: memref<10x8x1x32x256xf32, #tpu.memory_space<vmem>>, %arg2: memref<10x5xf32, #tpu.memory_space<smem>>, %arg3: memref<5x1x8x32x256xf32, #tpu.memory_space<vmem>>) attributes {dimension_semantics = [#tpu.dimension_semantics<arbitrary>], iteration_bounds = array<i64: 64>, scalar_prefetch = 0 : i64, scratch_operands = 0 : i64, tpu.core_type = #tpu.core_type<tc>, window_params = [{transform_indices = @transform_0, window_bounds = array<i64: 10, 8, 1, 32, 256>}, {transform_indices = @transform_1, window_bounds = array<i64: 10, 5>}, {transform_indices = @transform_2, window_bounds = array<i64: 5, 1, 8, 32, 256>}]} {
    %get3A = arith.constant 0 : index
    %get3A_0 = arith.constant 0 : index
    %get3A_1 = memref.load %arg2[%get3A, %get3A_0] : memref<10x5xf32, #tpu.memory_space<smem>>
    %get3A_2 = arith.constant 0 : index
    %get3A_3 = arith.constant 0 : index
    %get3A_4 = arith.constant 0 : index
    %get3A_5 = arith.constant 0 : index
    %get3A_6 = arith.constant 0 : index
    %get3A_7 = vector.load %arg1[%get3A_2, %get3A_3, %get3A_4, %get3A_5, %get3A_6] : memref<10x8x1x32x256xf32, #tpu.memory_space<vmem>>, vector<1x8x1x32x256xf32>
    %get3A_8 = vector.shape_cast %get3A_7 : vector<1x8x1x32x256xf32> to vector<8x32x256xf32>
    %mul3A = vector.broadcast %get3A_1 : f32 to vector<8x32x256xf32>
    %mul3A_9 = arith.mulf %mul3A, %get3A_8 : vector<8x32x256xf32>
    %get3A_10 = arith.constant 1 : index
    %get3A_11 = arith.constant 0 : index
    %get3A_12 = memref.load %arg2[%get3A_10, %get3A_11] : memref<10x5xf32, #tpu.memory_space<smem>>
    %get3A_13 = arith.constant 1 : index
    %get3A_14 = arith.constant 0 : index
    %get3A_15 = arith.constant 0 : index
    %get3A_16 = arith.constant 0 : index
    %get3A_17 = arith.constant 0 : index
    %get3A_18 = vector.load %arg1[%get3A_13, %get3A_14, %get3A_15, %get3A_16, %get3A_17] : memref<10x8x1x32x256xf32, #tpu.memory_space<vmem>>, vector<1x8x1x32x256xf32>
    %get3A_19 = vector.shape_cast %get3A_18 : vector<1x8x1x32x256xf32> to vector<8x32x256xf32>
    %mul3A_20 = vector.broadcast %get3A_12 : f32 to vector<8x32x256xf32>
    %mul3A_21 = arith.mulf %mul3A_20, %get3A_19 : vector<8x32x256xf32>
    %add3A = arith.addf %mul3A_9, %mul3A_21 : vector<8x32x256xf32>
    %get3A_22 = arith.constant 2 : index
    %get3A_23 = arith.constant 0 : index
    %get3A_24 = memref.load %arg2[%get3A_22, %get3A_23] : memref<10x5xf32, #tpu.memory_space<smem>>
    %get3A_25 = arith.constant 2 : index
    %get3A_26 = arith.constant 0 : index
    %get3A_27 = arith.constant 0 : index
    %get3A_28 = arith.constant 0 : index
    %get3A_29 = arith.constant 0 : index
    %get3A_30 = vector.load %arg1[%get3A_25, %get3A_26, %get3A_27, %get3A_28, %get3A_29] : memref<10x8x1x32x256xf32, #tpu.memory_space<vmem>>, vector<1x8x1x32x256xf32>
    %get3A_31 = vector.shape_cast %get3A_30 : vector<1x8x1x32x256xf32> to vector<8x32x256xf32>
    %mul3A_32 = vector.broadcast %get3A_24 : f32 to vector<8x32x256xf32>
    %mul3A_33 = arith.mulf %mul3A_32, %get3A_31 : vector<8x32x256xf32>
    %add3A_34 = arith.addf %add3A, %mul3A_33 : vector<8x32x256xf32>
    %get3A_35 = arith.constant 3 : index
    %get3A_36 = arith.constant 0 : index
    %get3A_37 = memref.load %arg2[%get3A_35, %get3A_36] : memref<10x5xf32, #tpu.memory_space<smem>>
    %get3A_38 = arith.constant 3 : index
    %get3A_39 = arith.constant 0 : index
    %get3A_40 = arith.constant 0 : index
    %get3A_41 = arith.constant 0 : index
    %get3A_42 = arith.constant 0 : index
    %get3A_43 = vector.load %arg1[%get3A_38, %get3A_39, %get3A_40, %get3A_41, %get3A_42] : memref<10x8x1x32x256xf32, #tpu.memory_space<vmem>>, vector<1x8x1x32x256xf32>
    %get3A_44 = vector.shape_cast %get3A_43 : vector<1x8x1x32x256xf32> to vector<8x32x256xf32>
    %mul3A_45 = vector.broadcast %get3A_37 : f32 to vector<8x32x256xf32>
    %mul3A_46 = arith.mulf %mul3A_45, %get3A_44 : vector<8x32x256xf32>
    %add3A_47 = arith.addf %add3A_34, %mul3A_46 : vector<8x32x256xf32>
    %get3A_48 = arith.constant 4 : index
    %get3A_49 = arith.constant 0 : index
    %get3A_50 = memref.load %arg2[%get3A_48, %get3A_49] : memref<10x5xf32, #tpu.memory_space<smem>>
    %get3A_51 = arith.constant 4 : index
    %get3A_52 = arith.constant 0 : index
    %get3A_53 = arith.constant 0 : index
    %get3A_54 = arith.constant 0 : index
    %get3A_55 = arith.constant 0 : index
    %get3A_56 = vector.load %arg1[%get3A_51, %get3A_52, %get3A_53, %get3A_54, %get3A_55] : memref<10x8x1x32x256xf32, #tpu.memory_space<vmem>>, vector<1x8x1x32x256xf32>
    %get3A_57 = vector.shape_cast %get3A_56 : vector<1x8x1x32x256xf32> to vector<8x32x256xf32>
    %mul3A_58 = vector.broadcast %get3A_50 : f32 to vector<8x32x256xf32>
    %mul3A_59 = arith.mulf %mul3A_58, %get3A_57 : vector<8x32x256xf32>
    %add3A_60 = arith.addf %add3A_47, %mul3A_59 : vector<8x32x256xf32>
    %get3A_61 = arith.constant 5 : index
    %get3A_62 = arith.constant 0 : index
    %get3A_63 = memref.load %arg2[%get3A_61, %get3A_62] : memref<10x5xf32, #tpu.memory_space<smem>>
    %get3A_64 = arith.constant 5 : index
    %get3A_65 = arith.constant 0 : index
    %get3A_66 = arith.constant 0 : index
    %get3A_67 = arith.constant 0 : index
    %get3A_68 = arith.constant 0 : index
    %get3A_69 = vector.load %arg1[%get3A_64, %get3A_65, %get3A_66, %get3A_67, %get3A_68] : memref<10x8x1x32x256xf32, #tpu.memory_space<vmem>>, vector<1x8x1x32x256xf32>
    %get3A_70 = vector.shape_cast %get3A_69 : vector<1x8x1x32x256xf32> to vector<8x32x256xf32>
    %mul3A_71 = vector.broadcast %get3A_63 : f32 to vector<8x32x256xf32>
    %mul3A_72 = arith.mulf %mul3A_71, %get3A_70 : vector<8x32x256xf32>
    %add3A_73 = arith.addf %add3A_60, %mul3A_72 : vector<8x32x256xf32>
    %get3A_74 = arith.constant 6 : index
    %get3A_75 = arith.constant 0 : index
    %get3A_76 = memref.load %arg2[%get3A_74, %get3A_75] : memref<10x5xf32, #tpu.memory_space<smem>>
    %get3A_77 = arith.constant 6 : index
    %get3A_78 = arith.constant 0 : index
    %get3A_79 = arith.constant 0 : index
    %get3A_80 = arith.constant 0 : index
    %get3A_81 = arith.constant 0 : index
    %get3A_82 = vector.load %arg1[%get3A_77, %get3A_78, %get3A_79, %get3A_80, %get3A_81] : memref<10x8x1x32x256xf32, #tpu.memory_space<vmem>>, vector<1x8x1x32x256xf32>
    %get3A_83 = vector.shape_cast %get3A_82 : vector<1x8x1x32x256xf32> to vector<8x32x256xf32>
    %mul3A_84 = vector.broadcast %get3A_76 : f32 to vector<8x32x256xf32>
    %mul3A_85 = arith.mulf %mul3A_84, %get3A_83 : vector<8x32x256xf32>
    %add3A_86 = arith.addf %add3A_73, %mul3A_85 : vector<8x32x256xf32>
    %get3A_87 = arith.constant 7 : index
    %get3A_88 = arith.constant 0 : index
    %get3A_89 = memref.load %arg2[%get3A_87, %get3A_88] : memref<10x5xf32, #tpu.memory_space<smem>>
    %get3A_90 = arith.constant 7 : index
    %get3A_91 = arith.constant 0 : index
    %get3A_92 = arith.constant 0 : index
    %get3A_93 = arith.constant 0 : index
    %get3A_94 = arith.constant 0 : index
    %get3A_95 = vector.load %arg1[%get3A_90, %get3A_91, %get3A_92, %get3A_93, %get3A_94] : memref<10x8x1x32x256xf32, #tpu.memory_space<vmem>>, vector<1x8x1x32x256xf32>
    %get3A_96 = vector.shape_cast %get3A_95 : vector<1x8x1x32x256xf32> to vector<8x32x256xf32>
    %mul3A_97 = vector.broadcast %get3A_89 : f32 to vector<8x32x256xf32>
    %mul3A_98 = arith.mulf %mul3A_97, %get3A_96 : vector<8x32x256xf32>
    %add3A_99 = arith.addf %add3A_86, %mul3A_98 : vector<8x32x256xf32>
    %get3A_100 = arith.constant 8 : index
    %get3A_101 = arith.constant 0 : index
    %get3A_102 = memref.load %arg2[%get3A_100, %get3A_101] : memref<10x5xf32, #tpu.memory_space<smem>>
    %get3A_103 = arith.constant 8 : index
    %get3A_104 = arith.constant 0 : index
    %get3A_105 = arith.constant 0 : index
    %get3A_106 = arith.constant 0 : index
    %get3A_107 = arith.constant 0 : index
    %get3A_108 = vector.load %arg1[%get3A_103, %get3A_104, %get3A_105, %get3A_106, %get3A_107] : memref<10x8x1x32x256xf32, #tpu.memory_space<vmem>>, vector<1x8x1x32x256xf32>
    %get3A_109 = vector.shape_cast %get3A_108 : vector<1x8x1x32x256xf32> to vector<8x32x256xf32>
    %mul3A_110 = vector.broadcast %get3A_102 : f32 to vector<8x32x256xf32>
    %mul3A_111 = arith.mulf %mul3A_110, %get3A_109 : vector<8x32x256xf32>
    %add3A_112 = arith.addf %add3A_99, %mul3A_111 : vector<8x32x256xf32>
    %get3A_113 = arith.constant 9 : index
    %get3A_114 = arith.constant 0 : index
    %get3A_115 = memref.load %arg2[%get3A_113, %get3A_114] : memref<10x5xf32, #tpu.memory_space<smem>>
    %get3A_116 = arith.constant 9 : index
    %get3A_117 = arith.constant 0 : index
    %get3A_118 = arith.constant 0 : index
    %get3A_119 = arith.constant 0 : index
    %get3A_120 = arith.constant 0 : index
    %get3A_121 = vector.load %arg1[%get3A_116, %get3A_117, %get3A_118, %get3A_119, %get3A_120] : memref<10x8x1x32x256xf32, #tpu.memory_space<vmem>>, vector<1x8x1x32x256xf32>
    %get3A_122 = vector.shape_cast %get3A_121 : vector<1x8x1x32x256xf32> to vector<8x32x256xf32>
    %mul3A_123 = vector.broadcast %get3A_115 : f32 to vector<8x32x256xf32>
    %mul3A_124 = arith.mulf %mul3A_123, %get3A_122 : vector<8x32x256xf32>
    %add3A_125 = arith.addf %add3A_112, %mul3A_124 : vector<8x32x256xf32>
    %swap3A = arith.constant 0 : index
    %swap3A_126 = arith.constant 0 : index
    %swap3A_127 = arith.constant 0 : index
    %swap3A_128 = arith.constant 0 : index
    %swap3A_129 = arith.constant 0 : index
    %swap3A_130 = vector.load %arg3[%swap3A, %swap3A_126, %swap3A_127, %swap3A_128, %swap3A_129] : memref<5x1x8x32x256xf32, #tpu.memory_space<vmem>>, vector<1x1x8x32x256xf32>
    %swap3A_131 = vector.shape_cast %swap3A_130 : vector<1x1x8x32x256xf32> to vector<8x32x256xf32>
    %swap3A_132 = vector.shape_cast %add3A_125 : vector<8x32x256xf32> to vector<1x1x8x32x256xf32>
    tpu.vector_store %arg3[%swap3A, %swap3A_126, %swap3A_127, %swap3A_128, %swap3A_129], %swap3A_132 {strides = array<i32>} : memref<5x1x8x32x256xf32, #tpu.memory_space<vmem>>, vector<1x1x8x32x256xf32>,
    %get3A_133 = arith.constant 0 : index
    %get3A_134 = arith.constant 1 : index
    %get3A_135 = memref.load %arg2[%get3A_133, %get3A_134] : memref<10x5xf32, #tpu.memory_space<smem>>
    %get3A_136 = arith.constant 0 : index
    %get3A_137 = arith.constant 0 : index
    %get3A_138 = arith.constant 0 : index
    %get3A_139 = arith.constant 0 : index
    %get3A_140 = arith.constant 0 : index
    %get3A_141 = vector.load %arg1[%get3A_136, %get3A_137, %get3A_138, %get3A_139, %get3A_140] : memref<10x8x1x32x256xf32, #tpu.memory_space<vmem>>, vector<1x8x1x32x256xf32>
    %get3A_142 = vector.shape_cast %get3A_141 : vector<1x8x1x32x256xf32> to vector<8x32x256xf32>
    %mul3A_143 = vector.broadcast %get3A_135 : f32 to vector<8x32x256xf32>
    %mul3A_144 = arith.mulf %mul3A_143, %get3A_142 : vector<8x32x256xf32>
    %get3A_145 = arith.constant 1 : index
    %get3A_146 = arith.constant 1 : index
    %get3A_147 = memref.load %arg2[%get3A_145, %get3A_146] : memref<10x5xf32, #tpu.memory_space<smem>>
    %get3A_148 = arith.constant 1 : index
    %get3A_149 = arith.constant 0 : index
    %get3A_150 = arith.constant 0 : index
    %get3A_151 = arith.constant 0 : index
    %get3A_152 = arith.constant 0 : index
    %get3A_153 = vector.load %arg1[%get3A_148, %get3A_149, %get3A_150, %get3A_151, %get3A_152] : memref<10x8x1x32x256xf32, #tpu.memory_space<vmem>>, vector<1x8x1x32x256xf32>
    %get3A_154 = vector.shape_cast %get3A_153 : vector<1x8x1x32x256xf32> to vector<8x32x256xf32>
    %mul3A_155 = vector.broadcast %get3A_147 : f32 to vector<8x32x256xf32>
    %mul3A_156 = arith.mulf %mul3A_155, %get3A_154 : vector<8x32x256xf32>
    %add3A_157 = arith.addf %mul3A_144, %mul3A_156 : vector<8x32x256xf32>
    %get3A_158 = arith.constant 2 : index
    %get3A_159 = arith.constant 1 : index
    %get3A_160 = memref.load %arg2[%get3A_158, %get3A_159] : memref<10x5xf32, #tpu.memory_space<smem>>
    %get3A_161 = arith.constant 2 : index
    %get3A_162 = arith.constant 0 : index
    %get3A_163 = arith.constant 0 : index
    %get3A_164 = arith.constant 0 : index
    %get3A_165 = arith.constant 0 : index
    %get3A_166 = vector.load %arg1[%get3A_161, %get3A_162, %get3A_163, %get3A_164, %get3A_165] : memref<10x8x1x32x256xf32, #tpu.memory_space<vmem>>, vector<1x8x1x32x256xf32>
    %get3A_167 = vector.shape_cast %get3A_166 : vector<1x8x1x32x256xf32> to vector<8x32x256xf32>
    %mul3A_168 = vector.broadcast %get3A_160 : f32 to vector<8x32x256xf32>
    %mul3A_169 = arith.mulf %mul3A_168, %get3A_167 : vector<8x32x256xf32>
    %add3A_170 = arith.addf %add3A_157, %mul3A_169 : vector<8x32x256xf32>
    %get3A_171 = arith.constant 3 : index
    %get3A_172 = arith.constant 1 : index
    %get3A_173 = memref.load %arg2[%get3A_171, %get3A_172] : memref<10x5xf32, #tpu.memory_space<smem>>
    %get3A_174 = arith.constant 3 : index
    %get3A_175 = arith.constant 0 : index
    %get3A_176 = arith.constant 0 : index
    %get3A_177 = arith.constant 0 : index
    %get3A_178 = arith.constant 0 : index
    %get3A_179 = vector.load %arg1[%get3A_174, %get3A_175, %get3A_176, %get3A_177, %get3A_178] : memref<10x8x1x32x256xf32, #tpu.memory_space<vmem>>, vector<1x8x1x32x256xf32>
    %get3A_180 = vector.shape_cast %get3A_179 : vector<1x8x1x32x256xf32> to vector<8x32x256xf32>
    %mul3A_181 = vector.broadcast %get3A_173 : f32 to vector<8x32x256xf32>
    %mul3A_182 = arith.mulf %mul3A_181, %get3A_180 : vector<8x32x256xf32>
    %add3A_183 = arith.addf %add3A_170, %mul3A_182 : vector<8x32x256xf32>
    %get3A_184 = arith.constant 4 : index
    %get3A_185 = arith.constant 1 : index
    %get3A_186 = memref.load %arg2[%get3A_184, %get3A_185] : memref<10x5xf32, #tpu.memory_space<smem>>
    %get3A_187 = arith.constant 4 : index
    %get3A_188 = arith.constant 0 : index
    %get3A_189 = arith.constant 0 : index
    %get3A_190 = arith.constant 0 : index
    %get3A_191 = arith.constant 0 : index
    %get3A_192 = vector.load %arg1[%get3A_187, %get3A_188, %get3A_189, %get3A_190, %get3A_191] : memref<10x8x1x32x256xf32, #tpu.memory_space<vmem>>, vector<1x8x1x32x256xf32>
    %get3A_193 = vector.shape_cast %get3A_192 : vector<1x8x1x32x256xf32> to vector<8x32x256xf32>
    %mul3A_194 = vector.broadcast %get3A_186 : f32 to vector<8x32x256xf32>
    %mul3A_195 = arith.mulf %mul3A_194, %get3A_193 : vector<8x32x256xf32>
    %add3A_196 = arith.addf %add3A_183, %mul3A_195 : vector<8x32x256xf32>
    %get3A_197 = arith.constant 5 : index
    %get3A_198 = arith.constant 1 : index
    %get3A_199 = memref.load %arg2[%get3A_197, %get3A_198] : memref<10x5xf32, #tpu.memory_space<smem>>
    %get3A_200 = arith.constant 5 : index
    %get3A_201 = arith.constant 0 : index
    %get3A_202 = arith.constant 0 : index
    %get3A_203 = arith.constant 0 : index
    %get3A_204 = arith.constant 0 : index
    %get3A_205 = vector.load %arg1[%get3A_200, %get3A_201, %get3A_202, %get3A_203, %get3A_204] : memref<10x8x1x32x256xf32, #tpu.memory_space<vmem>>, vector<1x8x1x32x256xf32>
    %get3A_206 = vector.shape_cast %get3A_205 : vector<1x8x1x32x256xf32> to vector<8x32x256xf32>
    %mul3A_207 = vector.broadcast %get3A_199 : f32 to vector<8x32x256xf32>
    %mul3A_208 = arith.mulf %mul3A_207, %get3A_206 : vector<8x32x256xf32>
    %add3A_209 = arith.addf %add3A_196, %mul3A_208 : vector<8x32x256xf32>
    %get3A_210 = arith.constant 6 : index
    %get3A_211 = arith.constant 1 : index
    %get3A_212 = memref.load %arg2[%get3A_210, %get3A_211] : memref<10x5xf32, #tpu.memory_space<smem>>
    %get3A_213 = arith.constant 6 : index
    %get3A_214 = arith.constant 0 : index
    %get3A_215 = arith.constant 0 : index
    %get3A_216 = arith.constant 0 : index
    %get3A_217 = arith.constant 0 : index
    %get3A_218 = vector.load %arg1[%get3A_213, %get3A_214, %get3A_215, %get3A_216, %get3A_217] : memref<10x8x1x32x256xf32, #tpu.memory_space<vmem>>, vector<1x8x1x32x256xf32>
    %get3A_219 = vector.shape_cast %get3A_218 : vector<1x8x1x32x256xf32> to vector<8x32x256xf32>
    %mul3A_220 = vector.broadcast %get3A_212 : f32 to vector<8x32x256xf32>
    %mul3A_221 = arith.mulf %mul3A_220, %get3A_219 : vector<8x32x256xf32>
    %add3A_222 = arith.addf %add3A_209, %mul3A_221 : vector<8x32x256xf32>
    %get3A_223 = arith.constant 7 : index
    %get3A_224 = arith.constant 1 : index
    %get3A_225 = memref.load %arg2[%get3A_223, %get3A_224] : memref<10x5xf32, #tpu.memory_space<smem>>
    %get3A_226 = arith.constant 7 : index
    %get3A_227 = arith.constant 0 : index
    %get3A_228 = arith.constant 0 : index
    %get3A_229 = arith.constant 0 : index
    %get3A_230 = arith.constant 0 : index
    %get3A_231 = vector.load %arg1[%get3A_226, %get3A_227, %get3A_228, %get3A_229, %get3A_230] : memref<10x8x1x32x256xf32, #tpu.memory_space<vmem>>, vector<1x8x1x32x256xf32>
    %get3A_232 = vector.shape_cast %get3A_231 : vector<1x8x1x32x256xf32> to vector<8x32x256xf32>
    %mul3A_233 = vector.broadcast %get3A_225 : f32 to vector<8x32x256xf32>
    %mul3A_234 = arith.mulf %mul3A_233, %get3A_232 : vector<8x32x256xf32>
    %add3A_235 = arith.addf %add3A_222, %mul3A_234 : vector<8x32x256xf32>
    %get3A_236 = arith.constant 8 : index
    %get3A_237 = arith.constant 1 : index
    %get3A_238 = memref.load %arg2[%get3A_236, %get3A_237] : memref<10x5xf32, #tpu.memory_space<smem>>
    %get3A_239 = arith.constant 8 : index
    %get3A_240 = arith.constant 0 : index
    %get3A_241 = arith.constant 0 : index
    %get3A_242 = arith.constant 0 : index
    %get3A_243 = arith.constant 0 : index
    %get3A_244 = vector.load %arg1[%get3A_239, %get3A_240, %get3A_241, %get3A_242, %get3A_243] : memref<10x8x1x32x256xf32, #tpu.memory_space<vmem>>, vector<1x8x1x32x256xf32>
    %get3A_245 = vector.shape_cast %get3A_244 : vector<1x8x1x32x256xf32> to vector<8x32x256xf32>
    %mul3A_246 = vector.broadcast %get3A_238 : f32 to vector<8x32x256xf32>
    %mul3A_247 = arith.mulf %mul3A_246, %get3A_245 : vector<8x32x256xf32>
    %add3A_248 = arith.addf %add3A_235, %mul3A_247 : vector<8x32x256xf32>
    %get3A_249 = arith.constant 9 : index
    %get3A_250 = arith.constant 1 : index
    %get3A_251 = memref.load %arg2[%get3A_249, %get3A_250] : memref<10x5xf32, #tpu.memory_space<smem>>
    %get3A_252 = arith.constant 9 : index
    %get3A_253 = arith.constant 0 : index
    %get3A_254 = arith.constant 0 : index
    %get3A_255 = arith.constant 0 : index
    %get3A_256 = arith.constant 0 : index
    %get3A_257 = vector.load %arg1[%get3A_252, %get3A_253, %get3A_254, %get3A_255, %get3A_256] : memref<10x8x1x32x256xf32, #tpu.memory_space<vmem>>, vector<1x8x1x32x256xf32>
    %get3A_258 = vector.shape_cast %get3A_257 : vector<1x8x1x32x256xf32> to vector<8x32x256xf32>
    %mul3A_259 = vector.broadcast %get3A_251 : f32 to vector<8x32x256xf32>
    %mul3A_260 = arith.mulf %mul3A_259, %get3A_258 : vector<8x32x256xf32>
    %add3A_261 = arith.addf %add3A_248, %mul3A_260 : vector<8x32x256xf32>
    %swap3A_262 = arith.constant 1 : index
    %swap3A_263 = arith.constant 0 : index
    %swap3A_264 = arith.constant 0 : index
    %swap3A_265 = arith.constant 0 : index
    %swap3A_266 = arith.constant 0 : index
    %swap3A_267 = vector.load %arg3[%swap3A_262, %swap3A_263, %swap3A_264, %swap3A_265, %swap3A_266] : memref<5x1x8x32x256xf32, #tpu.memory_space<vmem>>, vector<1x1x8x32x256xf32>
    %swap3A_268 = vector.shape_cast %swap3A_267 : vector<1x1x8x32x256xf32> to vector<8x32x256xf32>
    %swap3A_269 = vector.shape_cast %add3A_261 : vector<8x32x256xf32> to vector<1x1x8x32x256xf32>
    tpu.vector_store %arg3[%swap3A_262, %swap3A_263, %swap3A_264, %swap3A_265, %swap3A_266], %swap3A_269 {strides = array<i32>} : memref<5x1x8x32x256xf32, #tpu.memory_space<vmem>>, vector<1x1x8x32x256xf32>,
    %get3A_270 = arith.constant 0 : index
    %get3A_271 = arith.constant 2 : index
    %get3A_272 = memref.load %arg2[%get3A_270, %get3A_271] : memref<10x5xf32, #tpu.memory_space<smem>>
    %get3A_273 = arith.constant 0 : index
    %get3A_274 = arith.constant 0 : index
    %get3A_275 = arith.constant 0 : index
    %get3A_276 = arith.constant 0 : index
    %get3A_277 = arith.constant 0 : index
    %get3A_278 = vector.load %arg1[%get3A_273, %get3A_274, %get3A_275, %get3A_276, %get3A_277] : memref<10x8x1x32x256xf32, #tpu.memory_space<vmem>>, vector<1x8x1x32x256xf32>
    %get3A_279 = vector.shape_cast %get3A_278 : vector<1x8x1x32x256xf32> to vector<8x32x256xf32>
    %mul3A_280 = vector.broadcast %get3A_272 : f32 to vector<8x32x256xf32>
    %mul3A_281 = arith.mulf %mul3A_280, %get3A_279 : vector<8x32x256xf32>
    %get3A_282 = arith.constant 1 : index
    %get3A_283 = arith.constant 2 : index
    %get3A_284 = memref.load %arg2[%get3A_282, %get3A_283] : memref<10x5xf32, #tpu.memory_space<smem>>
    %get3A_285 = arith.constant 1 : index
    %get3A_286 = arith.constant 0 : index
    %get3A_287 = arith.constant 0 : index
    %get3A_288 = arith.constant 0 : index
    %get3A_289 = arith.constant 0 : index
    %get3A_290 = vector.load %arg1[%get3A_285, %get3A_286, %get3A_287, %get3A_288, %get3A_289] : memref<10x8x1x32x256xf32, #tpu.memory_space<vmem>>, vector<1x8x1x32x256xf32>
    %get3A_291 = vector.shape_cast %get3A_290 : vector<1x8x1x32x256xf32> to vector<8x32x256xf32>
    %mul3A_292 = vector.broadcast %get3A_284 : f32 to vector<8x32x256xf32>
    %mul3A_293 = arith.mulf %mul3A_292, %get3A_291 : vector<8x32x256xf32>
    %add3A_294 = arith.addf %mul3A_281, %mul3A_293 : vector<8x32x256xf32>
    %get3A_295 = arith.constant 2 : index
    %get3A_296 = arith.constant 2 : index
    %get3A_297 = memref.load %arg2[%get3A_295, %get3A_296] : memref<10x5xf32, #tpu.memory_space<smem>>
    %get3A_298 = arith.constant 2 : index
    %get3A_299 = arith.constant 0 : index
    %get3A_300 = arith.constant 0 : index
    %get3A_301 = arith.constant 0 : index
    %get3A_302 = arith.constant 0 : index
    %get3A_303 = vector.load %arg1[%get3A_298, %get3A_299, %get3A_300, %get3A_301, %get3A_302] : memref<10x8x1x32x256xf32, #tpu.memory_space<vmem>>, vector<1x8x1x32x256xf32>
    %get3A_304 = vector.shape_cast %get3A_303 : vector<1x8x1x32x256xf32> to vector<8x32x256xf32>
    %mul3A_305 = vector.broadcast %get3A_297 : f32 to vector<8x32x256xf32>
    %mul3A_306 = arith.mulf %mul3A_305, %get3A_304 : vector<8x32x256xf32>
    %add3A_307 = arith.addf %add3A_294, %mul3A_306 : vector<8x32x256xf32>
    %get3A_308 = arith.constant 3 : index
    %get3A_309 = arith.constant 2 : index
    %get3A_310 = memref.load %arg2[%get3A_308, %get3A_309] : memref<10x5xf32, #tpu.memory_space<smem>>
    %get3A_311 = arith.constant 3 : index
    %get3A_312 = arith.constant 0 : index
    %get3A_313 = arith.constant 0 : index
    %get3A_314 = arith.constant 0 : index
    %get3A_315 = arith.constant 0 : index
    %get3A_316 = vector.load %arg1[%get3A_311, %get3A_312, %get3A_313, %get3A_314, %get3A_315] : memref<10x8x1x32x256xf32, #tpu.memory_space<vmem>>, vector<1x8x1x32x256xf32>
    %get3A_317 = vector.shape_cast %get3A_316 : vector<1x8x1x32x256xf32> to vector<8x32x256xf32>
    %mul3A_318 = vector.broadcast %get3A_310 : f32 to vector<8x32x256xf32>
    %mul3A_319 = arith.mulf %mul3A_318, %get3A_317 : vector<8x32x256xf32>
    %add3A_320 = arith.addf %add3A_307, %mul3A_319 : vector<8x32x256xf32>
    %get3A_321 = arith.constant 4 : index
    %get3A_322 = arith.constant 2 : index
    %get3A_323 = memref.load %arg2[%get3A_321, %get3A_322] : memref<10x5xf32, #tpu.memory_space<smem>>
    %get3A_324 = arith.constant 4 : index
    %get3A_325 = arith.constant 0 : index
    %get3A_326 = arith.constant 0 : index
    %get3A_327 = arith.constant 0 : index
    %get3A_328 = arith.constant 0 : index
    %get3A_329 = vector.load %arg1[%get3A_324, %get3A_325, %get3A_326, %get3A_327, %get3A_328] : memref<10x8x1x32x256xf32, #tpu.memory_space<vmem>>, vector<1x8x1x32x256xf32>
    %get3A_330 = vector.shape_cast %get3A_329 : vector<1x8x1x32x256xf32> to vector<8x32x256xf32>
    %mul3A_331 = vector.broadcast %get3A_323 : f32 to vector<8x32x256xf32>
    %mul3A_332 = arith.mulf %mul3A_331, %get3A_330 : vector<8x32x256xf32>
    %add3A_333 = arith.addf %add3A_320, %mul3A_332 : vector<8x32x256xf32>
    %get3A_334 = arith.constant 5 : index
    %get3A_335 = arith.constant 2 : index
    %get3A_336 = memref.load %arg2[%get3A_334, %get3A_335] : memref<10x5xf32, #tpu.memory_space<smem>>
    %get3A_337 = arith.constant 5 : index
    %get3A_338 = arith.constant 0 : index
    %get3A_339 = arith.constant 0 : index
    %get3A_340 = arith.constant 0 : index
    %get3A_341 = arith.constant 0 : index
    %get3A_342 = vector.load %arg1[%get3A_337, %get3A_338, %get3A_339, %get3A_340, %get3A_341] : memref<10x8x1x32x256xf32, #tpu.memory_space<vmem>>, vector<1x8x1x32x256xf32>
    %get3A_343 = vector.shape_cast %get3A_342 : vector<1x8x1x32x256xf32> to vector<8x32x256xf32>
    %mul3A_344 = vector.broadcast %get3A_336 : f32 to vector<8x32x256xf32>
    %mul3A_345 = arith.mulf %mul3A_344, %get3A_343 : vector<8x32x256xf32>
    %add3A_346 = arith.addf %add3A_333, %mul3A_345 : vector<8x32x256xf32>
    %get3A_347 = arith.constant 6 : index
    %get3A_348 = arith.constant 2 : index
    %get3A_349 = memref.load %arg2[%get3A_347, %get3A_348] : memref<10x5xf32, #tpu.memory_space<smem>>
    %get3A_350 = arith.constant 6 : index
    %get3A_351 = arith.constant 0 : index
    %get3A_352 = arith.constant 0 : index
    %get3A_353 = arith.constant 0 : index
    %get3A_354 = arith.constant 0 : index
    %get3A_355 = vector.load %arg1[%get3A_350, %get3A_351, %get3A_352, %get3A_353, %get3A_354] : memref<10x8x1x32x256xf32, #tpu.memory_space<vmem>>, vector<1x8x1x32x256xf32>
    %get3A_356 = vector.shape_cast %get3A_355 : vector<1x8x1x32x256xf32> to vector<8x32x256xf32>
    %mul3A_357 = vector.broadcast %get3A_349 : f32 to vector<8x32x256xf32>
    %mul3A_358 = arith.mulf %mul3A_357, %get3A_356 : vector<8x32x256xf32>
    %add3A_359 = arith.addf %add3A_346, %mul3A_358 : vector<8x32x256xf32>
    %get3A_360 = arith.constant 7 : index
    %get3A_361 = arith.constant 2 : index
    %get3A_362 = memref.load %arg2[%get3A_360, %get3A_361] : memref<10x5xf32, #tpu.memory_space<smem>>
    %get3A_363 = arith.constant 7 : index
    %get3A_364 = arith.constant 0 : index
    %get3A_365 = arith.constant 0 : index
    %get3A_366 = arith.constant 0 : index
    %get3A_367 = arith.constant 0 : index
    %get3A_368 = vector.load %arg1[%get3A_363, %get3A_364, %get3A_365, %get3A_366, %get3A_367] : memref<10x8x1x32x256xf32, #tpu.memory_space<vmem>>, vector<1x8x1x32x256xf32>
    %get3A_369 = vector.shape_cast %get3A_368 : vector<1x8x1x32x256xf32> to vector<8x32x256xf32>
    %mul3A_370 = vector.broadcast %get3A_362 : f32 to vector<8x32x256xf32>
    %mul3A_371 = arith.mulf %mul3A_370, %get3A_369 : vector<8x32x256xf32>
    %add3A_372 = arith.addf %add3A_359, %mul3A_371 : vector<8x32x256xf32>
    %get3A_373 = arith.constant 8 : index
    %get3A_374 = arith.constant 2 : index
    %get3A_375 = memref.load %arg2[%get3A_373, %get3A_374] : memref<10x5xf32, #tpu.memory_space<smem>>
    %get3A_376 = arith.constant 8 : index
    %get3A_377 = arith.constant 0 : index
    %get3A_378 = arith.constant 0 : index
    %get3A_379 = arith.constant 0 : index
    %get3A_380 = arith.constant 0 : index
    %get3A_381 = vector.load %arg1[%get3A_376, %get3A_377, %get3A_378, %get3A_379, %get3A_380] : memref<10x8x1x32x256xf32, #tpu.memory_space<vmem>>, vector<1x8x1x32x256xf32>
    %get3A_382 = vector.shape_cast %get3A_381 : vector<1x8x1x32x256xf32> to vector<8x32x256xf32>
    %mul3A_383 = vector.broadcast %get3A_375 : f32 to vector<8x32x256xf32>
    %mul3A_384 = arith.mulf %mul3A_383, %get3A_382 : vector<8x32x256xf32>
    %add3A_385 = arith.addf %add3A_372, %mul3A_384 : vector<8x32x256xf32>
    %get3A_386 = arith.constant 9 : index
    %get3A_387 = arith.constant 2 : index
    %get3A_388 = memref.load %arg2[%get3A_386, %get3A_387] : memref<10x5xf32, #tpu.memory_space<smem>>
    %get3A_389 = arith.constant 9 : index
    %get3A_390 = arith.constant 0 : index
    %get3A_391 = arith.constant 0 : index
    %get3A_392 = arith.constant 0 : index
    %get3A_393 = arith.constant 0 : index
    %get3A_394 = vector.load %arg1[%get3A_389, %get3A_390, %get3A_391, %get3A_392, %get3A_393] : memref<10x8x1x32x256xf32, #tpu.memory_space<vmem>>, vector<1x8x1x32x256xf32>
    %get3A_395 = vector.shape_cast %get3A_394 : vector<1x8x1x32x256xf32> to vector<8x32x256xf32>
    %mul3A_396 = vector.broadcast %get3A_388 : f32 to vector<8x32x256xf32>
    %mul3A_397 = arith.mulf %mul3A_396, %get3A_395 : vector<8x32x256xf32>
    %add3A_398 = arith.addf %add3A_385, %mul3A_397 : vector<8x32x256xf32>
    %swap3A_399 = arith.constant 2 : index
    %swap3A_400 = arith.constant 0 : index
    %swap3A_401 = arith.constant 0 : index
    %swap3A_402 = arith.constant 0 : index
    %swap3A_403 = arith.constant 0 : index
    %swap3A_404 = vector.load %arg3[%swap3A_399, %swap3A_400, %swap3A_401, %swap3A_402, %swap3A_403] : memref<5x1x8x32x256xf32, #tpu.memory_space<vmem>>, vector<1x1x8x32x256xf32>
    %swap3A_405 = vector.shape_cast %swap3A_404 : vector<1x1x8x32x256xf32> to vector<8x32x256xf32>
    %swap3A_406 = vector.shape_cast %add3A_398 : vector<8x32x256xf32> to vector<1x1x8x32x256xf32>
    tpu.vector_store %arg3[%swap3A_399, %swap3A_400, %swap3A_401, %swap3A_402, %swap3A_403], %swap3A_406 {strides = array<i32>} : memref<5x1x8x32x256xf32, #tpu.memory_space<vmem>>, vector<1x1x8x32x256xf32>,
    %get3A_407 = arith.constant 0 : index
    %get3A_408 = arith.constant 3 : index
    %get3A_409 = memref.load %arg2[%get3A_407, %get3A_408] : memref<10x5xf32, #tpu.memory_space<smem>>
    %get3A_410 = arith.constant 0 : index
    %get3A_411 = arith.constant 0 : index
    %get3A_412 = arith.constant 0 : index
    %get3A_413 = arith.constant 0 : index
    %get3A_414 = arith.constant 0 : index
    %get3A_415 = vector.load %arg1[%get3A_410, %get3A_411, %get3A_412, %get3A_413, %get3A_414] : memref<10x8x1x32x256xf32, #tpu.memory_space<vmem>>, vector<1x8x1x32x256xf32>
    %get3A_416 = vector.shape_cast %get3A_415 : vector<1x8x1x32x256xf32> to vector<8x32x256xf32>
    %mul3A_417 = vector.broadcast %get3A_409 : f32 to vector<8x32x256xf32>
    %mul3A_418 = arith.mulf %mul3A_417, %get3A_416 : vector<8x32x256xf32>
    %get3A_419 = arith.constant 1 : index
    %get3A_420 = arith.constant 3 : index
    %get3A_421 = memref.load %arg2[%get3A_419, %get3A_420] : memref<10x5xf32, #tpu.memory_space<smem>>
    %get3A_422 = arith.constant 1 : index
    %get3A_423 = arith.constant 0 : index
    %get3A_424 = arith.constant 0 : index
    %get3A_425 = arith.constant 0 : index
    %get3A_426 = arith.constant 0 : index
    %get3A_427 = vector.load %arg1[%get3A_422, %get3A_423, %get3A_424, %get3A_425, %get3A_426] : memref<10x8x1x32x256xf32, #tpu.memory_space<vmem>>, vector<1x8x1x32x256xf32>
    %get3A_428 = vector.shape_cast %get3A_427 : vector<1x8x1x32x256xf32> to vector<8x32x256xf32>
    %mul3A_429 = vector.broadcast %get3A_421 : f32 to vector<8x32x256xf32>
    %mul3A_430 = arith.mulf %mul3A_429, %get3A_428 : vector<8x32x256xf32>
    %add3A_431 = arith.addf %mul3A_418, %mul3A_430 : vector<8x32x256xf32>
    %get3A_432 = arith.constant 2 : index
    %get3A_433 = arith.constant 3 : index
    %get3A_434 = memref.load %arg2[%get3A_432, %get3A_433] : memref<10x5xf32, #tpu.memory_space<smem>>
    %get3A_435 = arith.constant 2 : index
    %get3A_436 = arith.constant 0 : index
    %get3A_437 = arith.constant 0 : index
    %get3A_438 = arith.constant 0 : index
    %get3A_439 = arith.constant 0 : index
    %get3A_440 = vector.load %arg1[%get3A_435, %get3A_436, %get3A_437, %get3A_438, %get3A_439] : memref<10x8x1x32x256xf32, #tpu.memory_space<vmem>>, vector<1x8x1x32x256xf32>
    %get3A_441 = vector.shape_cast %get3A_440 : vector<1x8x1x32x256xf32> to vector<8x32x256xf32>
    %mul3A_442 = vector.broadcast %get3A_434 : f32 to vector<8x32x256xf32>
    %mul3A_443 = arith.mulf %mul3A_442, %get3A_441 : vector<8x32x256xf32>
    %add3A_444 = arith.addf %add3A_431, %mul3A_443 : vector<8x32x256xf32>
    %get3A_445 = arith.constant 3 : index
    %get3A_446 = arith.constant 3 : index
    %get3A_447 = memref.load %arg2[%get3A_445, %get3A_446] : memref<10x5xf32, #tpu.memory_space<smem>>
    %get3A_448 = arith.constant 3 : index
    %get3A_449 = arith.constant 0 : index
    %get3A_450 = arith.constant 0 : index
    %get3A_451 = arith.constant 0 : index
    %get3A_452 = arith.constant 0 : index
    %get3A_453 = vector.load %arg1[%get3A_448, %get3A_449, %get3A_450, %get3A_451, %get3A_452] : memref<10x8x1x32x256xf32, #tpu.memory_space<vmem>>, vector<1x8x1x32x256xf32>
    %get3A_454 = vector.shape_cast %get3A_453 : vector<1x8x1x32x256xf32> to vector<8x32x256xf32>
    %mul3A_455 = vector.broadcast %get3A_447 : f32 to vector<8x32x256xf32>
    %mul3A_456 = arith.mulf %mul3A_455, %get3A_454 : vector<8x32x256xf32>
    %add3A_457 = arith.addf %add3A_444, %mul3A_456 : vector<8x32x256xf32>
    %get3A_458 = arith.constant 4 : index
    %get3A_459 = arith.constant 3 : index
    %get3A_460 = memref.load %arg2[%get3A_458, %get3A_459] : memref<10x5xf32, #tpu.memory_space<smem>>
    %get3A_461 = arith.constant 4 : index
    %get3A_462 = arith.constant 0 : index
    %get3A_463 = arith.constant 0 : index
    %get3A_464 = arith.constant 0 : index
    %get3A_465 = arith.constant 0 : index
    %get3A_466 = vector.load %arg1[%get3A_461, %get3A_462, %get3A_463, %get3A_464, %get3A_465] : memref<10x8x1x32x256xf32, #tpu.memory_space<vmem>>, vector<1x8x1x32x256xf32>
    %get3A_467 = vector.shape_cast %get3A_466 : vector<1x8x1x32x256xf32> to vector<8x32x256xf32>
    %mul3A_468 = vector.broadcast %get3A_460 : f32 to vector<8x32x256xf32>
    %mul3A_469 = arith.mulf %mul3A_468, %get3A_467 : vector<8x32x256xf32>
    %add3A_470 = arith.addf %add3A_457, %mul3A_469 : vector<8x32x256xf32>
    %get3A_471 = arith.constant 5 : index
    %get3A_472 = arith.constant 3 : index
    %get3A_473 = memref.load %arg2[%get3A_471, %get3A_472] : memref<10x5xf32, #tpu.memory_space<smem>>
    %get3A_474 = arith.constant 5 : index
    %get3A_475 = arith.constant 0 : index
    %get3A_476 = arith.constant 0 : index
    %get3A_477 = arith.constant 0 : index
    %get3A_478 = arith.constant 0 : index
    %get3A_479 = vector.load %arg1[%get3A_474, %get3A_475, %get3A_476, %get3A_477, %get3A_478] : memref<10x8x1x32x256xf32, #tpu.memory_space<vmem>>, vector<1x8x1x32x256xf32>
    %get3A_480 = vector.shape_cast %get3A_479 : vector<1x8x1x32x256xf32> to vector<8x32x256xf32>
    %mul3A_481 = vector.broadcast %get3A_473 : f32 to vector<8x32x256xf32>
    %mul3A_482 = arith.mulf %mul3A_481, %get3A_480 : vector<8x32x256xf32>
    %add3A_483 = arith.addf %add3A_470, %mul3A_482 : vector<8x32x256xf32>
    %get3A_484 = arith.constant 6 : index
    %get3A_485 = arith.constant 3 : index
    %get3A_486 = memref.load %arg2[%get3A_484, %get3A_485] : memref<10x5xf32, #tpu.memory_space<smem>>
    %get3A_487 = arith.constant 6 : index
    %get3A_488 = arith.constant 0 : index
    %get3A_489 = arith.constant 0 : index
    %get3A_490 = arith.constant 0 : index
    %get3A_491 = arith.constant 0 : index
    %get3A_492 = vector.load %arg1[%get3A_487, %get3A_488, %get3A_489, %get3A_490, %get3A_491] : memref<10x8x1x32x256xf32, #tpu.memory_space<vmem>>, vector<1x8x1x32x256xf32>
    %get3A_493 = vector.shape_cast %get3A_492 : vector<1x8x1x32x256xf32> to vector<8x32x256xf32>
    %mul3A_494 = vector.broadcast %get3A_486 : f32 to vector<8x32x256xf32>
    %mul3A_495 = arith.mulf %mul3A_494, %get3A_493 : vector<8x32x256xf32>
    %add3A_496 = arith.addf %add3A_483, %mul3A_495 : vector<8x32x256xf32>
    %get3A_497 = arith.constant 7 : index
    %get3A_498 = arith.constant 3 : index
    %get3A_499 = memref.load %arg2[%get3A_497, %get3A_498] : memref<10x5xf32, #tpu.memory_space<smem>>
    %get3A_500 = arith.constant 7 : index
    %get3A_501 = arith.constant 0 : index
    %get3A_502 = arith.constant 0 : index
    %get3A_503 = arith.constant 0 : index
    %get3A_504 = arith.constant 0 : index
    %get3A_505 = vector.load %arg1[%get3A_500, %get3A_501, %get3A_502, %get3A_503, %get3A_504] : memref<10x8x1x32x256xf32, #tpu.memory_space<vmem>>, vector<1x8x1x32x256xf32>
    %get3A_506 = vector.shape_cast %get3A_505 : vector<1x8x1x32x256xf32> to vector<8x32x256xf32>
    %mul3A_507 = vector.broadcast %get3A_499 : f32 to vector<8x32x256xf32>
    %mul3A_508 = arith.mulf %mul3A_507, %get3A_506 : vector<8x32x256xf32>
    %add3A_509 = arith.addf %add3A_496, %mul3A_508 : vector<8x32x256xf32>
    %get3A_510 = arith.constant 8 : index
    %get3A_511 = arith.constant 3 : index
    %get3A_512 = memref.load %arg2[%get3A_510, %get3A_511] : memref<10x5xf32, #tpu.memory_space<smem>>
    %get3A_513 = arith.constant 8 : index
    %get3A_514 = arith.constant 0 : index
    %get3A_515 = arith.constant 0 : index
    %get3A_516 = arith.constant 0 : index
    %get3A_517 = arith.constant 0 : index
    %get3A_518 = vector.load %arg1[%get3A_513, %get3A_514, %get3A_515, %get3A_516, %get3A_517] : memref<10x8x1x32x256xf32, #tpu.memory_space<vmem>>, vector<1x8x1x32x256xf32>
    %get3A_519 = vector.shape_cast %get3A_518 : vector<1x8x1x32x256xf32> to vector<8x32x256xf32>
    %mul3A_520 = vector.broadcast %get3A_512 : f32 to vector<8x32x256xf32>
    %mul3A_521 = arith.mulf %mul3A_520, %get3A_519 : vector<8x32x256xf32>
    %add3A_522 = arith.addf %add3A_509, %mul3A_521 : vector<8x32x256xf32>
    %get3A_523 = arith.constant 9 : index
    %get3A_524 = arith.constant 3 : index
    %get3A_525 = memref.load %arg2[%get3A_523, %get3A_524] : memref<10x5xf32, #tpu.memory_space<smem>>
    %get3A_526 = arith.constant 9 : index
    %get3A_527 = arith.constant 0 : index
    %get3A_528 = arith.constant 0 : index
    %get3A_529 = arith.constant 0 : index
    %get3A_530 = arith.constant 0 : index
    %get3A_531 = vector.load %arg1[%get3A_526, %get3A_527, %get3A_528, %get3A_529, %get3A_530] : memref<10x8x1x32x256xf32, #tpu.memory_space<vmem>>, vector<1x8x1x32x256xf32>
    %get3A_532 = vector.shape_cast %get3A_531 : vector<1x8x1x32x256xf32> to vector<8x32x256xf32>
    %mul3A_533 = vector.broadcast %get3A_525 : f32 to vector<8x32x256xf32>
    %mul3A_534 = arith.mulf %mul3A_533, %get3A_532 : vector<8x32x256xf32>
    %add3A_535 = arith.addf %add3A_522, %mul3A_534 : vector<8x32x256xf32>
    %swap3A_536 = arith.constant 3 : index
    %swap3A_537 = arith.constant 0 : index
    %swap3A_538 = arith.constant 0 : index
    %swap3A_539 = arith.constant 0 : index
    %swap3A_540 = arith.constant 0 : index
    %swap3A_541 = vector.load %arg3[%swap3A_536, %swap3A_537, %swap3A_538, %swap3A_539, %swap3A_540] : memref<5x1x8x32x256xf32, #tpu.memory_space<vmem>>, vector<1x1x8x32x256xf32>
    %swap3A_542 = vector.shape_cast %swap3A_541 : vector<1x1x8x32x256xf32> to vector<8x32x256xf32>
    %swap3A_543 = vector.shape_cast %add3A_535 : vector<8x32x256xf32> to vector<1x1x8x32x256xf32>
    tpu.vector_store %arg3[%swap3A_536, %swap3A_537, %swap3A_538, %swap3A_539, %swap3A_540], %swap3A_543 {strides = array<i32>} : memref<5x1x8x32x256xf32, #tpu.memory_space<vmem>>, vector<1x1x8x32x256xf32>,
    %get3A_544 = arith.constant 0 : index
    %get3A_545 = arith.constant 4 : index
    %get3A_546 = memref.load %arg2[%get3A_544, %get3A_545] : memref<10x5xf32, #tpu.memory_space<smem>>
    %get3A_547 = arith.constant 0 : index
    %get3A_548 = arith.constant 0 : index
    %get3A_549 = arith.constant 0 : index
    %get3A_550 = arith.constant 0 : index
    %get3A_551 = arith.constant 0 : index
    %get3A_552 = vector.load %arg1[%get3A_547, %get3A_548, %get3A_549, %get3A_550, %get3A_551] : memref<10x8x1x32x256xf32, #tpu.memory_space<vmem>>, vector<1x8x1x32x256xf32>
    %get3A_553 = vector.shape_cast %get3A_552 : vector<1x8x1x32x256xf32> to vector<8x32x256xf32>
    %mul3A_554 = vector.broadcast %get3A_546 : f32 to vector<8x32x256xf32>
    %mul3A_555 = arith.mulf %mul3A_554, %get3A_553 : vector<8x32x256xf32>
    %get3A_556 = arith.constant 1 : index
    %get3A_557 = arith.constant 4 : index
    %get3A_558 = memref.load %arg2[%get3A_556, %get3A_557] : memref<10x5xf32, #tpu.memory_space<smem>>
    %get3A_559 = arith.constant 1 : index
    %get3A_560 = arith.constant 0 : index
    %get3A_561 = arith.constant 0 : index
    %get3A_562 = arith.constant 0 : index
    %get3A_563 = arith.constant 0 : index
    %get3A_564 = vector.load %arg1[%get3A_559, %get3A_560, %get3A_561, %get3A_562, %get3A_563] : memref<10x8x1x32x256xf32, #tpu.memory_space<vmem>>, vector<1x8x1x32x256xf32>
    %get3A_565 = vector.shape_cast %get3A_564 : vector<1x8x1x32x256xf32> to vector<8x32x256xf32>
    %mul3A_566 = vector.broadcast %get3A_558 : f32 to vector<8x32x256xf32>
    %mul3A_567 = arith.mulf %mul3A_566, %get3A_565 : vector<8x32x256xf32>
    %add3A_568 = arith.addf %mul3A_555, %mul3A_567 : vector<8x32x256xf32>
    %get3A_569 = arith.constant 2 : index
    %get3A_570 = arith.constant 4 : index
    %get3A_571 = memref.load %arg2[%get3A_569, %get3A_570] : memref<10x5xf32, #tpu.memory_space<smem>>
    %get3A_572 = arith.constant 2 : index
    %get3A_573 = arith.constant 0 : index
    %get3A_574 = arith.constant 0 : index
    %get3A_575 = arith.constant 0 : index
    %get3A_576 = arith.constant 0 : index
    %get3A_577 = vector.load %arg1[%get3A_572, %get3A_573, %get3A_574, %get3A_575, %get3A_576] : memref<10x8x1x32x256xf32, #tpu.memory_space<vmem>>, vector<1x8x1x32x256xf32>
    %get3A_578 = vector.shape_cast %get3A_577 : vector<1x8x1x32x256xf32> to vector<8x32x256xf32>
    %mul3A_579 = vector.broadcast %get3A_571 : f32 to vector<8x32x256xf32>
    %mul3A_580 = arith.mulf %mul3A_579, %get3A_578 : vector<8x32x256xf32>
    %add3A_581 = arith.addf %add3A_568, %mul3A_580 : vector<8x32x256xf32>
    %get3A_582 = arith.constant 3 : index
    %get3A_583 = arith.constant 4 : index
    %get3A_584 = memref.load %arg2[%get3A_582, %get3A_583] : memref<10x5xf32, #tpu.memory_space<smem>>
    %get3A_585 = arith.constant 3 : index
    %get3A_586 = arith.constant 0 : index
    %get3A_587 = arith.constant 0 : index
    %get3A_588 = arith.constant 0 : index
    %get3A_589 = arith.constant 0 : index
    %get3A_590 = vector.load %arg1[%get3A_585, %get3A_586, %get3A_587, %get3A_588, %get3A_589] : memref<10x8x1x32x256xf32, #tpu.memory_space<vmem>>, vector<1x8x1x32x256xf32>
    %get3A_591 = vector.shape_cast %get3A_590 : vector<1x8x1x32x256xf32> to vector<8x32x256xf32>
    %mul3A_592 = vector.broadcast %get3A_584 : f32 to vector<8x32x256xf32>
    %mul3A_593 = arith.mulf %mul3A_592, %get3A_591 : vector<8x32x256xf32>
    %add3A_594 = arith.addf %add3A_581, %mul3A_593 : vector<8x32x256xf32>
    %get3A_595 = arith.constant 4 : index
    %get3A_596 = arith.constant 4 : index
    %get3A_597 = memref.load %arg2[%get3A_595, %get3A_596] : memref<10x5xf32, #tpu.memory_space<smem>>
    %get3A_598 = arith.constant 4 : index
    %get3A_599 = arith.constant 0 : index
    %get3A_600 = arith.constant 0 : index
    %get3A_601 = arith.constant 0 : index
    %get3A_602 = arith.constant 0 : index
    %get3A_603 = vector.load %arg1[%get3A_598, %get3A_599, %get3A_600, %get3A_601, %get3A_602] : memref<10x8x1x32x256xf32, #tpu.memory_space<vmem>>, vector<1x8x1x32x256xf32>
    %get3A_604 = vector.shape_cast %get3A_603 : vector<1x8x1x32x256xf32> to vector<8x32x256xf32>
    %mul3A_605 = vector.broadcast %get3A_597 : f32 to vector<8x32x256xf32>
    %mul3A_606 = arith.mulf %mul3A_605, %get3A_604 : vector<8x32x256xf32>
    %add3A_607 = arith.addf %add3A_594, %mul3A_606 : vector<8x32x256xf32>
    %get3A_608 = arith.constant 5 : index
    %get3A_609 = arith.constant 4 : index
    %get3A_610 = memref.load %arg2[%get3A_608, %get3A_609] : memref<10x5xf32, #tpu.memory_space<smem>>
    %get3A_611 = arith.constant 5 : index
    %get3A_612 = arith.constant 0 : index
    %get3A_613 = arith.constant 0 : index
    %get3A_614 = arith.constant 0 : index
    %get3A_615 = arith.constant 0 : index
    %get3A_616 = vector.load %arg1[%get3A_611, %get3A_612, %get3A_613, %get3A_614, %get3A_615] : memref<10x8x1x32x256xf32, #tpu.memory_space<vmem>>, vector<1x8x1x32x256xf32>
    %get3A_617 = vector.shape_cast %get3A_616 : vector<1x8x1x32x256xf32> to vector<8x32x256xf32>
    %mul3A_618 = vector.broadcast %get3A_610 : f32 to vector<8x32x256xf32>
    %mul3A_619 = arith.mulf %mul3A_618, %get3A_617 : vector<8x32x256xf32>
    %add3A_620 = arith.addf %add3A_607, %mul3A_619 : vector<8x32x256xf32>
    %get3A_621 = arith.constant 6 : index
    %get3A_622 = arith.constant 4 : index
    %get3A_623 = memref.load %arg2[%get3A_621, %get3A_622] : memref<10x5xf32, #tpu.memory_space<smem>>
    %get3A_624 = arith.constant 6 : index
    %get3A_625 = arith.constant 0 : index
    %get3A_626 = arith.constant 0 : index
    %get3A_627 = arith.constant 0 : index
    %get3A_628 = arith.constant 0 : index
    %get3A_629 = vector.load %arg1[%get3A_624, %get3A_625, %get3A_626, %get3A_627, %get3A_628] : memref<10x8x1x32x256xf32, #tpu.memory_space<vmem>>, vector<1x8x1x32x256xf32>
    %get3A_630 = vector.shape_cast %get3A_629 : vector<1x8x1x32x256xf32> to vector<8x32x256xf32>
    %mul3A_631 = vector.broadcast %get3A_623 : f32 to vector<8x32x256xf32>
    %mul3A_632 = arith.mulf %mul3A_631, %get3A_630 : vector<8x32x256xf32>
    %add3A_633 = arith.addf %add3A_620, %mul3A_632 : vector<8x32x256xf32>
    %get3A_634 = arith.constant 7 : index
    %get3A_635 = arith.constant 4 : index
    %get3A_636 = memref.load %arg2[%get3A_634, %get3A_635] : memref<10x5xf32, #tpu.memory_space<smem>>
    %get3A_637 = arith.constant 7 : index
    %get3A_638 = arith.constant 0 : index
    %get3A_639 = arith.constant 0 : index
    %get3A_640 = arith.constant 0 : index
    %get3A_641 = arith.constant 0 : index
    %get3A_642 = vector.load %arg1[%get3A_637, %get3A_638, %get3A_639, %get3A_640, %get3A_641] : memref<10x8x1x32x256xf32, #tpu.memory_space<vmem>>, vector<1x8x1x32x256xf32>
    %get3A_643 = vector.shape_cast %get3A_642 : vector<1x8x1x32x256xf32> to vector<8x32x256xf32>
    %mul3A_644 = vector.broadcast %get3A_636 : f32 to vector<8x32x256xf32>
    %mul3A_645 = arith.mulf %mul3A_644, %get3A_643 : vector<8x32x256xf32>
    %add3A_646 = arith.addf %add3A_633, %mul3A_645 : vector<8x32x256xf32>
    %get3A_647 = arith.constant 8 : index
    %get3A_648 = arith.constant 4 : index
    %get3A_649 = memref.load %arg2[%get3A_647, %get3A_648] : memref<10x5xf32, #tpu.memory_space<smem>>
    %get3A_650 = arith.constant 8 : index
    %get3A_651 = arith.constant 0 : index
    %get3A_652 = arith.constant 0 : index
    %get3A_653 = arith.constant 0 : index
    %get3A_654 = arith.constant 0 : index
    %get3A_655 = vector.load %arg1[%get3A_650, %get3A_651, %get3A_652, %get3A_653, %get3A_654] : memref<10x8x1x32x256xf32, #tpu.memory_space<vmem>>, vector<1x8x1x32x256xf32>
    %get3A_656 = vector.shape_cast %get3A_655 : vector<1x8x1x32x256xf32> to vector<8x32x256xf32>
    %mul3A_657 = vector.broadcast %get3A_649 : f32 to vector<8x32x256xf32>
    %mul3A_658 = arith.mulf %mul3A_657, %get3A_656 : vector<8x32x256xf32>
    %add3A_659 = arith.addf %add3A_646, %mul3A_658 : vector<8x32x256xf32>
    %get3A_660 = arith.constant 9 : index
    %get3A_661 = arith.constant 4 : index
    %get3A_662 = memref.load %arg2[%get3A_660, %get3A_661] : memref<10x5xf32, #tpu.memory_space<smem>>
    %get3A_663 = arith.constant 9 : index
    %get3A_664 = arith.constant 0 : index
    %get3A_665 = arith.constant 0 : index
    %get3A_666 = arith.constant 0 : index
    %get3A_667 = arith.constant 0 : index
    %get3A_668 = vector.load %arg1[%get3A_663, %get3A_664, %get3A_665, %get3A_666, %get3A_667] : memref<10x8x1x32x256xf32, #tpu.memory_space<vmem>>, vector<1x8x1x32x256xf32>
    %get3A_669 = vector.shape_cast %get3A_668 : vector<1x8x1x32x256xf32> to vector<8x32x256xf32>
    %mul3A_670 = vector.broadcast %get3A_662 : f32 to vector<8x32x256xf32>
    %mul3A_671 = arith.mulf %mul3A_670, %get3A_669 : vector<8x32x256xf32>
    %add3A_672 = arith.addf %add3A_659, %mul3A_671 : vector<8x32x256xf32>
    %swap3A_673 = arith.constant 4 : index
    %swap3A_674 = arith.constant 0 : index
    %swap3A_675 = arith.constant 0 : index
    %swap3A_676 = arith.constant 0 : index
    %swap3A_677 = arith.constant 0 : index
    %swap3A_678 = vector.load %arg3[%swap3A_673, %swap3A_674, %swap3A_675, %swap3A_676, %swap3A_677] : memref<5x1x8x32x256xf32, #tpu.memory_space<vmem>>, vector<1x1x8x32x256xf32>
    %swap3A_679 = vector.shape_cast %swap3A_678 : vector<1x1x8x32x256xf32> to vector<8x32x256xf32>
    %swap3A_680 = vector.shape_cast %add3A_672 : vector<8x32x256xf32> to vector<1x1x8x32x256xf32>
    tpu.vector_store %arg3[%swap3A_673, %swap3A_674, %swap3A_675, %swap3A_676, %swap3A_677], %swap3A_680 {strides = array<i32>} : memref<5x1x8x32x256xf32, #tpu.memory_space<vmem>>, vector<1x1x8x32x256xf32>,
    return
  }
  func.func @transform_0(%arg0: i32) -> (i32, i32, i32, i32, i32) {
    %c0_i32 = arith.constant 0 : i32
    %c0_i32_0 = arith.constant 0 : i32
    %c0_i32_1 = arith.constant 0 : i32
    %c0_i32_2 = arith.constant 0 : i32
    %c0_i32_3 = arith.constant 0 : i32
    return %c0_i32, %c0_i32_0, %arg0, %c0_i32_1, %c0_i32_2 : i32, i32, i32, i32, i32
  }
  func.func @transform_1(%arg0: i32) -> (i32, i32) {
    %c0_i32 = arith.constant 0 : i32
    %c0_i32_0 = arith.constant 0 : i32
    %c0_i32_1 = arith.constant 0 : i32
    return %c0_i32, %c0_i32_0 : i32, i32
  }
  func.func @transform_2(%arg0: i32) -> (i32, i32, i32, i32, i32) {
    %c0_i32 = arith.constant 0 : i32
    %c0_i32_0 = arith.constant 0 : i32
    %c0_i32_1 = arith.constant 0 : i32
    %c0_i32_2 = arith.constant 0 : i32
    %c0_i32_3 = arith.constant 0 : i32
    return %c0_i32, %arg0, %c0_i32_0, %c0_i32_1, %c0_i32_2 : i32, i32, i32, i32, i32
  }
}

</mosaic_0001>

<sc_bundles>
// kernel: kernel.4.cloned.1.call-start
scs
__scs_entry_jumppad:
0x0: {  	(pc) =	sbr.rel $0x88, $3  }
0x1: {  	(tag) =	ssettag $0x0;
	lr =	simm.s32 $0x1  }
0x2: {  	[smem:$0x3F9C] =	sst lr;
	_ =	strace $0xD0000000  }
0x3: {  	_ = 	snop  }
0x4: {  	_ = 	snop  }
0x5: {  	_ = 	snop  }
0x6: {  	_ = 	snop  }
0x7: {  	_ = 	snop  }
__scs_overlays_trampoline_lowered:
0x8: {  	[smem:$0x3FAB] =	sst s0  }
0x9: {  	[smem:$0x3FAC] =	sst s1  }
0xa: {  	[smem:$0x3FAD] =	sst s2  }
0xb: {  	[smem:$0x3FAE] =	sst s3  }
0xc: {  	[smem:$0x3FAF] =	sst s4  }
0xd: {  	[smem:$0x3FB0] =	sst s5  }
0xe: {  	[smem:$0x3FB1] =	sst s6  }
0xf: {  	[smem:$0x3FB2] =	sst s7  }
0x10: {  	[smem:$0x3FB3] =	sst s8  }
0x11: {  	[smem:$0x3FB4] =	sst s9;
	s0 =	simm.s32 @!p0 $0x0  }
0x12: {  	s1 =	sld [smem:$0x3F9A];
	s0 =	simm.s32 @p0 $0x1  }
0x13: {  	[smem:$0x3FB5] =	sst s0;
	s0 =	simm.s32 @!p1 $0x0  }
0x14: {  	s2 =	sld [smem:$0x3F99];
	s0 =	simm.s32 @p1 $0x1  }
0x15: {  	[smem:$0x3FB6] =	sst s0;
	s0 =	simm.s32 @!p2 $0x0  }
0x16: {  	s3 =	sld [smem:$0x3FDB];
	s0 =	simm.s32 @p2 $0x1  }
0x17: {  	s4 =	simm.s32 $0x1BF5;
	[smem:$0x3FB8] =	sst s0  }
0x18: {  	s0 =	sld [smem:$0x3F9B];
	_ =	swait.ge [sflag:s4], $0x0  }
0x19: {  	s7 =	sld [smem:$0x3F9C]  }
0x1a: {  	s8 =	sadd.s32 $0xFFFFE003, lr  }
0x1b: {  	s9 =	sadd.s32 $0xFFFFFEF7, lr;
	s5 =	simm.s32 $0xFFFFFFFF;
	p2 =	slt.u32 s8, $0xFFFFF086  }
0x1c: {  	p1 =	slt.u32 s9, $0xF7A;
	s5 =	simm.s32 @!p2 $0x0  }
0x1d: {  	s5 =	simm.s32 @p1 $0x1;
	p0 =	seq.s32 s7, s2  }
0x1e: {  	s7 =	smul.u32 @!p0 $0xF7A, s2;
	p2 =	seq.s32 @!p0 s5, $0x0  }
0x1f: {  	s9 =	smul.u32 $0xF7A, s1;
	s8 =	simm.s32 @!p0 $0x1BF5;
	p2 =	por !p2, p0  }
0x20: {  	[sflag:s8] =	ssyncset.s32 @!p0 $0xFFFFF086;
	s6 =	sadd.s32 @!p0 s3, s7;
	s7 =	simm.s32 @!p0 $0x108  }
0x21: {  	s3 =	sadd.s32 s3, s9;
	s6 =	sadd.s32 @!p0 $0x88, s6;
	s7 =	simm.s32 @p2 $0x1082  }
0x22: {  	[simem:s7], [sflag:s8] =	dma.local @!p0 [hbm:s6], $0xF7A  }
0x23: {  	s9 =	sor.u32 $0xD0000000, s2;
	s6 =	simm.s32 $0x108;
	_ =	swait.ge @!p0 [sflag:s8], $0x0  }
0x24: {  	s3 =	sadd.s32 $0x88, s3;
	s6 =	simm.s32 @!p1 $0x1082;
	[sflag:s4] =	ssyncset.s32 $0xFFFFF086  }
0x25: {  	[simem:s6], [sflag:s4] =	dma.local [hbm:s3], $0xF7A  }
0x26: {  	[smem:$0x3F9C] =	sst s1;
	(tag) =	ssettag s2;
	_ =	strace s9  }
0x27: {  	s1 =	sld [smem:$0x3FAC]  }
0x28: {  	s2 =	sld [smem:$0x3FAD]  }
0x29: {  	s4 =	sld [smem:$0x3FAF]  }
0x2a: {  	p0 =	seq.s32 s5, $0x0;
	s5 =	sld [smem:$0x3FB0]  }
0x2b: {  	s6 =	sld [smem:$0x3FB1]  }
0x2c: {  	s7 =	sld [smem:$0x3FB2]  }
0x2d: {  	s3 =	simm.s32 $0x108;
	s8 =	sld [smem:$0x3FB3]  }
0x2e: {  	s3 =	simm.s32 @!p0 $0x1082;
	s9 =	sld [smem:$0x3FB4]  }
0x2f: {  	lr =	sadd.s32 s0, s3;
	s0 =	sld [smem:$0x3FAB]  }
0x30: {  	s3 =	sld [smem:$0x3FAE]  }
0x31: {  	[smem:$0x3FB7] =	sst s10  }
0x32: {  	s10 =	sld [smem:$0x3FB5];
	_ =	sdelay $0x3  }
0x33: {  	p0 =	seq.s32 s10, $0x1;
	s10 =	sld [smem:$0x3FB7];
	_ =	sdelay $0x3  }
0x34: {  	[smem:$0x3FB7] =	sst s10  }
0x35: {  	s10 =	sld [smem:$0x3FB6];
	_ =	sdelay $0x3  }
0x36: {  	p1 =	seq.s32 s10, $0x1;
	s10 =	sld [smem:$0x3FB7];
	_ =	sdelay $0x3  }
0x37: {  	[smem:$0x3FB7] =	sst s10  }
0x38: {  	s10 =	sld [smem:$0x3FB8]  }
0x39: {  	_ = 	snop;
	(pc) =	sbr.ind lr, $3  }
0x3a: {  	_ = 	snop  }
0x3b: {  	_ = 	snop  }
0x3c: {  	p2 =	seq.s32 s10, $0x1;
	s10 =	sld [smem:$0x3FB7]  }
0x3d: {  	_ =	shalt  }
0x3e: {  	_ =	shalt  }
0x3f: {  	_ =	shalt  }
0x40: {  	_ =	shalt  }
0x41: {  	_ =	shalt  }
0x42: {  	_ =	shalt  }
0x43: {  	_ =	shalt  }
0x44: {  	_ =	shalt  }
0x45: {  	_ =	shalt  }
0x46: {  	_ =	shalt  }
0x47: {  	_ =	shalt  }
0x48: {  	_ =	shalt  }
0x49: {  	_ =	shalt  }
0x4a: {  	_ =	shalt  }
0x4b: {  	_ =	shalt  }
0x4c: {  	_ =	shalt  }
0x4d: {  	_ =	shalt  }
0x4e: {  	_ =	shalt  }
0x4f: {  	_ =	shalt  }
0x50: {  	_ =	shalt  }
0x51: {  	_ =	shalt  }
0x52: {  	_ =	shalt  }
0x53: {  	_ =	shalt  }
0x54: {  	_ =	shalt  }
0x55: {  	_ =	shalt  }
0x56: {  	_ =	shalt  }
0x57: {  	_ =	shalt  }
0x58: {  	_ =	shalt  }
0x59: {  	_ =	shalt  }
0x5a: {  	_ =	shalt  }
0x5b: {  	_ =	shalt  }
0x5c: {  	_ =	shalt  }
0x5d: {  	_ =	shalt  }
0x5e: {  	_ =	shalt  }
0x5f: {  	_ =	shalt  }
0x60: {  	_ =	shalt  }
0x61: {  	_ =	shalt  }
0x62: {  	_ =	shalt  }
0x63: {  	_ =	shalt  }
0x64: {  	_ =	shalt  }
0x65: {  	_ =	shalt  }
0x66: {  	_ =	shalt  }
0x67: {  	_ =	shalt  }
0x68: {  	_ =	shalt  }
0x69: {  	_ =	shalt  }
0x6a: {  	_ =	shalt  }
0x6b: {  	_ =	shalt  }
0x6c: {  	_ =	shalt  }
0x6d: {  	_ =	shalt  }
0x6e: {  	_ =	shalt  }
0x6f: {  	_ =	shalt  }
0x70: {  	_ =	shalt  }
0x71: {  	_ =	shalt  }
0x72: {  	_ =	shalt  }
0x73: {  	_ =	shalt  }
0x74: {  	_ =	shalt  }
0x75: {  	_ =	shalt  }
0x76: {  	_ =	shalt  }
0x77: {  	_ =	shalt  }
0x78: {  	_ =	shalt  }
0x79: {  	_ =	shalt  }
0x7a: {  	_ =	shalt  }
0x7b: {  	_ =	shalt  }
0x7c: {  	_ =	shalt  }
0x7d: {  	_ =	shalt  }
0x7e: {  	_ =	shalt  }
0x7f: {  	_ =	shalt  }
0x80: {  	_ =	shalt  }
0x81: {  	_ =	shalt  }
0x82: {  	_ =	shalt  }
0x83: {  	_ =	shalt  }
0x84: {  	_ =	shalt  }
0x85: {  	_ =	shalt  }
0x86: {  	_ =	shalt  }
0x87: {  	_ =	shalt  }
.Lfunc_end0:
.L_simem_size_0:
called_computation.2_lowered:
.L_overlay_start_0:
0x88: {  	s2 =	sld [smem:$0x3FD9]  }
0x89: {  	s3 =	sld [smem:$0x3FFE];
	_ =	sdelay $0x1  }
0x8a: {  	s1 =	srdreg.scid  }
0x8b: {  	s0 =	sand.u32 $0x1, s1  }
0x8c: {  	s17 =	sshll.u32 s0, $0xA;
	s2 =	sadd.s32 s3, s2  }
0x8d: {  	s2 =	sadd.s32 s2, s17  }
0x8e: {  	[smem:$0x3FC3] =	sst s2  }
0x8f: {  	_ = 	snop  }
0x90: {  	s2 =	sld [smem:$0x3FD0];
	(tm) =	ssettm $0x1  }
0x91: {  	s18 =	sld [smem:$0x3FFB];
	_ =	sdelay $0x3  }
0x92: {  	_ =	strace s18  }
0x93: {  	s3 =	sld [smem:$0x3FFC];
	_ =	sdelay $0x3  }
0x94: {  	_ =	strace s3  }
0x95: {  	s3 =	sld [smem:$0x3FFD];
	_ =	sdelay $0x3  }
0x96: {  	_ =	strace s3  }
0x97: {  	_ =	strace $0x8FFFFFFF  }
0x98: {  	s19 =	sld [smem:$0x3FDB];
	_ =	sdelay $0x1  }
0x99: {  	s4 =	simm.s32 $_scs_section_size  }
0x9a: {  	s5 =	simm.s32 $_size__tile_overlayer_lowered;
	s6 =	simm.s32 $_tile_overlayer_lowered  }
0x9b: {  	s22 =	simm.s32 $0x1BFF;
	s21 =	sshll.u32 s6, $0x1;
	s3 =	sadd.s32 s4, s19  }
0x9c: {  	s7 =	simm.s32 $0x0;
	s20 =	sshll.u32 s5, $0x1;
	s5 =	sadd.s32 s21, s3  }
0x9d: {  	[timem:s7], [sflag:s22] =	dma.local [hbm:s5], s20  }
0x9e: {  	_ =	swait.ge [sflag:s22], s20  }
0x9f: {  	s4 =	ssub.s32 $0x0, s20;
	[sflag:s22] =	ssyncset.done $0x0  }
0xa0: {  	[sflag:s22] =	ssyncadd.s32 s4;
	_ =	sdelay $0x1  }
0xa1: {  	s23 =	simm.s32 $0x1B8B  }
0xa2: {  	_ =	swait.ge [sflag:s23], $0x1  }
0xa3: {  	[sflag:s23] =	ssyncset.done $0x0  }
0xa4: {  	s25 =	simm.s32 $0x1B8E;
	s24 =	sld [smem:$0x3FFE];
	[sflag:s23] =	ssyncadd.s32 $0xFFFFFFFF  }
0xa5: {  	s26 =	simm.s32 $execute0_lowered;
	[smem:$0x3FD2] =	sst s25  }
0xa6: {  	s5 =	sshll.u32 s26, $0x1;
	_ =	strace $0x80000046;
	[dreg:$0x1] =	wrdreg $0xFFFFFFFF  }
0xa7: {  	s28 =	simm.s32 $_size_execute0_lowered;
	s3 =	sadd.s32 s3, s5;
	[dreg:$0x0] =	wrdreg $0x0  }
0xa8: {  	s5 =	sshll.u32 s28, $0x1;
	[dreg:$0x2] =	wrdreg s3  }
0xa9: {  	[dreg:$0x3] =	wrdreg s5  }
0xaa: {  	[dreg:$0x4] =	wrdreg $0xC0  }
0xab: {  	_ =	task [dreg:s7], $0x5FFFF  }
0xac: {  	[dreg:$0x1] =	wrdreg $0xFFFFFFFF  }
0xad: {  	[dreg:$0x0] =	wrdreg $0x60  }
0xae: {  	[dreg:$0x2] =	wrdreg s24  }
0xaf: {  	[dreg:$0x3] =	wrdreg s2  }
0xb0: {  	[dreg:$0x4] =	wrdreg $0x0  }
0xb1: {  	[dreg:$0x5] =	wrdreg $0x9  }
0xb2: {  	_ =	task.clear_ibuf [dreg:s7], $0x6FFFF;
	_ =	strace $0x90000046  }
0xb3: {  	s29 =	simm.s32 $0x9;
	_ =	strace $0x80000048  }
0xb4: {  	_ =	swait.ge [sflag:s29], $0x1  }
0xb5: {  	[sflag:s29] =	ssyncadd.s32 $0xFFFFFFFF  }
0xb6: {  	_ =	strace $0x90000048  }
0xb7: {  	_ =	sfence  }
0xb8: {  	s30 =	sld [smem:$0x0];
	_ =	sdelay $0x2  }
0xb9: {  	s31 =	sshll.u32 s1, $0xD;
	s1 =	sshrl.u32 s1, $0x2  }
0xba: {  	s3 =	sand.u32 $0x4000, s31;
	s1 =	sadd.s32 s1, s30  }
0xbb: {  	s0 =	sor.u32 s3, s0;
	s1 =	sshll.u32 s1, $0x11  }
0xbc: {  	s0 =	sor.u32 s1, s0  }
0xbd: {  	s0 =	sadd.s32 $0x8F2B, s0  }
0xbe: {  	[sflag:s0] =	ssyncadd.remote.s32 $0x1  }
0xbf: {  	_ =	sfence.sel $0xFFFF  }
0xc0: {  	[dreg:$0x0] =	wrdreg $0xFFFFFFFF;
	(pc) =	sbr.abs _section_cstart, $3  }
0xc1: {  	[dreg:$0x1] =	wrdreg $0xFFFFFFFF  }
0xc2: {  	_ =	task.clear_ibuf [dreg:s7], $0x2FFFF;
	_ =	strace $0x9FFFFFFF  }
0xc3: {  	(tm) =	ssettm $0x7FFFFFFF  }
tec
execute0_lowered:
.L_overlay_start_1:
0x0: {  	(tag) =	ssettag $0x1  }
0x1: {  	s0 =	rddreg [dreg:$0x0]  }
0x2: {  	s7 =	rddreg [dreg:$0x2]  }
0x3: {  	s1 =	simm.s32 $0x0;
	s8 =	simm.s32 $0x0;
	s26 =	srdreg.scid  }
0x4: {  	s29 =	stileid.u32;
	s12 =	simm.s32 $0x2;
	s13 =	simm.s32 $0x1  }
0x5: {  	s14 =	simm.s32 $0x8;
	s15 =	simm.s32 $0x88;
	s16 =	simm.s32 $0x108  }
0x6: {  	s17 =	simm.s32 $0x188;
	s18 =	simm.s32 $0x208;
	s19 =	simm.s32 $0x288  }
0x7: {  	s20 =	simm.s32 $0x308;
	s21 =	simm.s32 $0x388;
	s24 =	simm.s32 $0x80  }
0x8: {  	[smem:$0x7FF] =	sst s1;
	s4 =	sadd.s32 $0x11800, s0;
	s5 =	sadd.s32 $0xE00, s0  }
0x9: {  	s1 =	sand.u32 $0x1, s26;
	s6 =	sadd.s32 $0x9200, s0;
	s2 =	sadd.s32 $0x11600, s0  }
0xa: {  	v0 =	vlaneseq.u32;
	v2 =	vimm.f32 $0.0e+00;
	s0 =	sadd.s32 $0x91800, s0;
	s30 =	sshll.u32 s29, $0x1;
	p0 =	sne.s32 s29, $0x0  }
0xb: {  	v3 =	vimm.s32 $0x0;
	v5 =	vimm.s32 $0x1;
	v6 =	vimm.s32 $0x2;
	_ =	strace $0x80000047;
	[dreg:$0x4] =	wrdreg s2;
	s28 =	ssub.s32 $0x2, s1  }
.Ltmp0:
0xc: {  	v7 =	vimm.s32 $0x3;
	v8 =	vimm.s32 $0x4;
	v9 =	vimm.s32 $0x5;
	[dreg:$0x5] =	wrdreg s0;
	s1 =	sshll.u32 s1, $0x5;
	(pc) =	sbr.rel .LBB2_1-.Ltmp0, $4  }
0xd: {  	v10 =	vimm.s32 $0x6;
	v11 =	vimm.s32 $0x7;
	v12 =	vimm.s32 $0x8;
	s0 =	sshrl.u32 @!p0 s7, $0x3;
	s7 =	simm.s32 $0x8C08;
	s3 =	sshrl.u32 s28, $0x1  }
0xe: {  	v13 =	vimm.s32 $0x9;
	v14 =	vimm.s32 $0xA;
	v1 =	vmul.u32 $0x100, v0;
	s1 =	sor.u32 s30, s1;
	[dreg:$0x8] =	wrdreg s0;
	s2 =	ssub.s32 s28, s3  }
0xf: {  	v15 =	vimm.s32 $0xB;
	v16 =	vimm.s32 $0xC;
	v17 =	vimm.s32 $0xD;
	s0 =	simm.s32 $0x6C08;
	[dreg:$0x6] =	wrdreg s1;
	s31 =	smax.u32 s2, $0x1  }
0x10: {  	v18 =	vimm.s32 $0xE;
	v19 =	vimm.s32 $0xF;
	v4 =	vor.u32 $0x1000, v1;
	s3 =	simm.s32 $0x0;
	s2 =	simm.s32 $0x7C08;
	[dreg:$0x7] =	wrdreg s31  }
.LBB2_16:
0x11: {  	s3 =	rddreg [dreg:$0x9]  }
0x12: {  	s1 =	rddreg [dreg:$0x7];
	s3 =	sadd.s32 $0x1, s3  }
0x13: {  	p1 =	sne.s32 s3, s1  }
.Ltmp1:
0x14: {  	_ = 	snop;
	(pc) =	sbr.rel @!p1 .LBB2_17-.Ltmp1, $1  }
0x15: {  	_ =	sdelay $0x3  }
.LBB2_1:
0x16: {  	[dreg:$0x9] =	wrdreg s3  }
0x17: {  	s3 =	rddreg [dreg:$0x4]  }
0x18: {  	s1 =	simm.s32 @!p0 $0x1C02;
	s9 =	rddreg [dreg:$0x8]  }
0x19: {  	[spmem:s9], [sflag:s1] =	dma.local @!p0 [hbm:s3], $0x9  }
0x1a: {  	s1 =	simm.s32 @!p0 $0x2  }
0x1b: {  	_ =	swait.ge @!p0 [sflag:s1], $0x9  }
0x1c: {  	[sflag:s1] =	ssyncset.done @!p0 $0x0  }
0x1d: {  	[sflag:s1] =	ssyncadd.s32 @!p0 $0xFFFFFFF7  }
0x1e: {  	[bflag:$0x0] =	sbarrier.arrive $0xFFFF  }
.Ltmp2:
0x1f: {  	s31 =	rddreg [dreg:$0x2];
	(pc) =	sbr.rel .LBB2_2-.Ltmp2, $4  }
0x20: {  	[smem:s8], [sflag:$0x2] =	stream.linear.gather [spmem:s31], $0x48, $0x38;
	[tilespmem:$0x1CC08] =	vst v63  }
0x21: {  	_ =	swait.ge [sflag:s12], $0x48  }
0x22: {  	[sflag:s12] =	ssyncset.done $0x0  }
0x23: {  	p2 =	por $0x1, $0x1;
	s1 =	simm.s32 $0x0;
	[sflag:s12] =	ssyncadd.s32 $0xFFFFFFB8  }
.LBB2_15:
.Ltmp3:
0x24: {  	(pc) =	sbr.rel @!p1 .LBB2_16-.Ltmp3, $2  }
0x25: {  	_ =	sdelay $0x2  }
0x26: {  	s1 =	simm.s32 $0x1;
	p2 =	por $0x0, $0x0  }
.LBB2_2:
0x27: {  	s3 =	rddreg [dreg:$0x6]  }
0x28: {  	s1 =	sor.u32 s3, s1  }
0x29: {  	s3 =	sld [smem:s1+$0x0]  }
0x2a: {  	s8 =	sld [smem:s1+$0x1];
	_ =	sdelay $0x1  }
0x2b: {  	s9 =	sand.u32 $0xFFFFFFF8, s3  }
0x2c: {  	s10 =	ssub.s32 s8, s9  }
0x2d: {  	s10 =	sadd.s32 $0x3FF, s10  }
0x2e: {  	s11 =	sand.u32 $0x3FF, s10  }
0x2f: {  	s30 =	sshra.s32 s10, $0x1F;
	p3 =	slt.s32 s10, $0x1;
	p1 =	sne.s32 s11, $0x0  }
.Ltmp4:
0x30: {  	s11 =	sshrl.u32 s30, $0x16;
	p1 =	por !p3, !p1;
	(pc) =	sbr.rel .LBB2_3-.Ltmp4, $4  }
0x31: {  	s10 =	sadd.s32 s11, s10;
	s11 =	simm.s32 $0x1;
	p1 =	por !p1, !p1  }
0x32: {  	s31 =	simm.s32 $0x0;
	s10 =	sshra.s32 s10, $0xA;
	s11 =	simm.s32 @!p1 $0x0  }
0x33: {  	[dreg:$0xb] =	wrdreg s31;
	s1 =	sshll.u32 s1, $0xA;
	s11 =	ssub.s32 s10, s11  }
0x34: {  	[dreg:$0xa] =	wrdreg s1;
	v20 =	vmov s3;
	v21 =	vmov s8;
	p1 =	por p2, p2;
	p2 =	slt.s32 s11, $0x1  }
.LBB2_14:
0x35: {  	s23 =	rddreg [dreg:$0xb]  }
0x36: {  	s3 =	rddreg [dreg:$0xa];
	s1 =	sshll.u32 s23, $0x10  }
0x37: {  	s8 =	rddreg [dreg:$0x5];
	s1 =	sor.u32 s3, s1  }
0x38: {  	s10 =	simm.s32 $0x0;
	s3 =	sadd.s32 s8, s1  }
0x39: {  	[hbm4b:s3+s10] =	stream.linear.scatter [tilespmem:s7], [sflag:$0x2], $0x2000, $0x38;
	[tilespmem:$0x1CC08] =	vst v63  }
0x3a: {  	_ =	swait.ge [sflag:s12], $0x2000  }
0x3b: {  	s29 =	sor.u32 $0x80000, s1;
	[sflag:s12] =	ssyncset.done $0x0  }
0x3c: {  	s22 =	simm.s32 $0xAC08;
	s3 =	sadd.s32 s8, s29;
	[sflag:s12] =	ssyncadd.s32 $0xFFFFE000  }
0x3d: {  	[hbm4b:s3+s10] =	stream.linear.scatter [tilespmem:s22], [sflag:$0x2], $0x2000, $0x38;
	[tilespmem:$0x1CC08] =	vst v63  }
0x3e: {  	_ =	swait.ge [sflag:s12], $0x2000  }
0x3f: {  	s30 =	sor.u32 $0x100000, s1;
	[sflag:s12] =	ssyncset.done $0x0  }
0x40: {  	s31 =	simm.s32 $0xCC08;
	s3 =	sadd.s32 s8, s30;
	[sflag:s12] =	ssyncadd.s32 $0xFFFFE000  }
0x41: {  	[hbm4b:s3+s10] =	stream.linear.scatter [tilespmem:s31], [sflag:$0x2], $0x2000, $0x38;
	[tilespmem:$0x1CC08] =	vst v63  }
0x42: {  	_ =	swait.ge [sflag:s12], $0x2000  }
0x43: {  	s25 =	sor.u32 $0x180000, s1;
	[sflag:s12] =	ssyncset.done $0x0  }
0x44: {  	s26 =	simm.s32 $0xEC08;
	s3 =	sadd.s32 s8, s25;
	[sflag:s12] =	ssyncadd.s32 $0xFFFFE000  }
0x45: {  	[hbm4b:s3+s10] =	stream.linear.scatter [tilespmem:s26], [sflag:$0x2], $0x2000, $0x38;
	[tilespmem:$0x1CC08] =	vst v63  }
0x46: {  	_ =	swait.ge [sflag:s12], $0x2000  }
0x47: {  	s28 =	sor.u32 $0x200000, s1;
	[sflag:s12] =	ssyncset.done $0x0  }
0x48: {  	s29 =	simm.s32 $0x10C08;
	s3 =	sadd.s32 s8, s28;
	[sflag:s12] =	ssyncadd.s32 $0xFFFFE000  }
0x49: {  	[hbm4b:s3+s10] =	stream.linear.scatter [tilespmem:s29], [sflag:$0x2], $0x2000, $0x38;
	[tilespmem:$0x1CC08] =	vst v63  }
0x4a: {  	_ =	swait.ge [sflag:s12], $0x2000  }
0x4b: {  	s30 =	sor.u32 $0x280000, s1;
	[sflag:s12] =	ssyncset.done $0x0  }
0x4c: {  	s31 =	simm.s32 $0x12C08;
	s3 =	sadd.s32 s8, s30;
	[sflag:s12] =	ssyncadd.s32 $0xFFFFE000  }
0x4d: {  	[hbm4b:s3+s10] =	stream.linear.scatter [tilespmem:s31], [sflag:$0x2], $0x2000, $0x38;
	[tilespmem:$0x1CC08] =	vst v63  }
0x4e: {  	_ =	swait.ge [sflag:s12], $0x2000  }
0x4f: {  	s22 =	sor.u32 $0x300000, s1;
	[sflag:s12] =	ssyncset.done $0x0  }
0x50: {  	s25 =	simm.s32 $0x14C08;
	s3 =	sadd.s32 s8, s22;
	[sflag:s12] =	ssyncadd.s32 $0xFFFFE000  }
0x51: {  	[hbm4b:s3+s10] =	stream.linear.scatter [tilespmem:s25], [sflag:$0x2], $0x2000, $0x38;
	[tilespmem:$0x1CC08] =	vst v63  }
0x52: {  	_ =	swait.ge [sflag:s12], $0x2000  }
0x53: {  	s26 =	sor.u32 $0x380000, s1;
	[sflag:s12] =	ssyncset.done $0x0  }
0x54: {  	s28 =	simm.s32 $0x16C08;
	s3 =	sadd.s32 s8, s26;
	[sflag:s12] =	ssyncadd.s32 $0xFFFFE000  }
0x55: {  	[hbm4b:s3+s10] =	stream.linear.scatter [tilespmem:s28], [sflag:$0x2], $0x2000, $0x38;
	[tilespmem:$0x1CC08] =	vst v63  }
0x56: {  	_ =	swait.ge [sflag:s12], $0x2000  }
0x57: {  	s29 =	sor.u32 $0x400000, s1;
	[sflag:s12] =	ssyncset.done $0x0  }
0x58: {  	s30 =	simm.s32 $0x18C08;
	s3 =	sadd.s32 s8, s29;
	[sflag:s12] =	ssyncadd.s32 $0xFFFFE000  }
0x59: {  	[hbm4b:s3+s10] =	stream.linear.scatter [tilespmem:s30], [sflag:$0x2], $0x2000, $0x38;
	[tilespmem:$0x1CC08] =	vst v63  }
0x5a: {  	s23 =	sadd.s32 $0x1, s23;
	s1 =	sor.u32 $0x480000, s1;
	_ =	swait.ge [sflag:s12], $0x2000  }
0x5b: {  	p3 =	sne.s32 s23, $0x8;
	s1 =	sadd.s32 s8, s1;
	[sflag:s12] =	ssyncset.done $0x0  }
.Ltmp5:
0x5c: {  	s31 =	simm.s32 $0x1AC08;
	[sflag:s12] =	ssyncadd.s32 $0xFFFFE000;
	(pc) =	sbr.rel @!p3 .LBB2_15-.Ltmp5, $4  }
0x5d: {  	[hbm4b:s1+s10] =	stream.linear.scatter [tilespmem:s31], [sflag:$0x2], $0x2000, $0x38;
	[tilespmem:$0x1CC08] =	vst v63  }
0x5e: {  	_ =	swait.ge [sflag:s12], $0x2000  }
0x5f: {  	[sflag:s12] =	ssyncset.done $0x0  }
0x60: {  	s8 =	simm.s32 $0x0;
	[dreg:$0xb] =	wrdreg s23;
	[sflag:s12] =	ssyncadd.s32 $0xFFFFE000  }
.LBB2_3:
0x61: {  	s1 =	simm.s32 $0x40;
	s3 =	simm.s32 $0x0  }
.LBB2_4:
0x62: {  	p3 =	sne.s32 s1, $0x4FFC0;
	[tilespmem:s3+$0x8C08] =	vst v2;
	s3 =	smov.u32 s1;
	s1 =	sadd.s32 $0x40, s1  }
.Ltmp6:
0x63: {  	(pc) =	sbr.rel @p3 .LBB2_4-.Ltmp6, $2  }
0x64: {  	_ =	sdelay $0x2  }
0x65: {  	s3 =	sshra.s32 s3, $0x2  }
.Ltmp7:
0x66: {  	(pc) =	sbr.rel @p2 .LBB2_14-.Ltmp7, $2  }
0x67: {  	_ =	sdelay $0x2  }
0x68: {  	[tilespmem:s3+$0x8C08] =	vst v2  }
0x69: {  	s1 =	rddreg [dreg:$0xb]  }
0x6a: {  	s1 =	sshll.u32 s1, $0xE  }
0x6b: {  	s3 =	simm.s32 $0x0;
	s10 =	smov.u32 s9;
	v22 =	vmov s1;
	s1 =	simm.s32 $0x0  }
.LBB2_7:
0x6c: {  	s8 =	sshll.u32 s1, $0xA  }
0x6d: {  	s8 =	sadd.s32 s9, s8  }
0x6e: {  	s22 =	sshrl.u32 s8, $0x3  }
0x6f: {  	s23 =	sadd.s32 s5, s22  }
0x70: {  	[tilespmem:s14], [sflag:$0x2] =	stream.linear.gather [hbm4b:s23+s3], $0x80, $0x38;
	[tilespmem:$0x1CC08] =	vst v63  }
0x71: {  	s30 =	sadd.s32 $0x80, s8;
	_ =	swait.ge [sflag:s12], $0x80  }
0x72: {  	s23 =	sshrl.u32 s30, $0x3;
	[sflag:s12] =	ssyncset.done $0x0  }
0x73: {  	s23 =	sadd.s32 s5, s23;
	[sflag:s12] =	ssyncadd.s32 $0xFFFFFF80  }
0x74: {  	[tilespmem:s15], [sflag:$0x2] =	stream.linear.gather [hbm4b:s23+s3], $0x80, $0x38;
	[tilespmem:$0x1CC08] =	vst v63  }
0x75: {  	s31 =	sadd.s32 $0x100, s8;
	_ =	swait.ge [sflag:s12], $0x80  }
0x76: {  	s23 =	sshrl.u32 s31, $0x3;
	[sflag:s12] =	ssyncset.done $0x0  }
0x77: {  	s23 =	sadd.s32 s5, s23;
	[sflag:s12] =	ssyncadd.s32 $0xFFFFFF80  }
0x78: {  	[tilespmem:s16], [sflag:$0x2] =	stream.linear.gather [hbm4b:s23+s3], $0x80, $0x38;
	[tilespmem:$0x1CC08] =	vst v63  }
0x79: {  	s25 =	sadd.s32 $0x180, s8;
	_ =	swait.ge [sflag:s12], $0x80  }
0x7a: {  	s23 =	sshrl.u32 s25, $0x3;
	[sflag:s12] =	ssyncset.done $0x0  }
0x7b: {  	s23 =	sadd.s32 s5, s23;
	[sflag:s12] =	ssyncadd.s32 $0xFFFFFF80  }
0x7c: {  	[tilespmem:s17], [sflag:$0x2] =	stream.linear.gather [hbm4b:s23+s3], $0x80, $0x38;
	[tilespmem:$0x1CC08] =	vst v63  }
0x7d: {  	s26 =	sadd.s32 $0x200, s8;
	_ =	swait.ge [sflag:s12], $0x80  }
0x7e: {  	s23 =	sshrl.u32 s26, $0x3;
	[sflag:s12] =	ssyncset.done $0x0  }
0x7f: {  	s23 =	sadd.s32 s5, s23;
	[sflag:s12] =	ssyncadd.s32 $0xFFFFFF80  }
0x80: {  	[tilespmem:s18], [sflag:$0x2] =	stream.linear.gather [hbm4b:s23+s3], $0x80, $0x38;
	[tilespmem:$0x1CC08] =	vst v63  }
0x81: {  	s28 =	sadd.s32 $0x280, s8;
	_ =	swait.ge [sflag:s12], $0x80  }
0x82: {  	s23 =	sshrl.u32 s28, $0x3;
	[sflag:s12] =	ssyncset.done $0x0  }
0x83: {  	s23 =	sadd.s32 s5, s23;
	[sflag:s12] =	ssyncadd.s32 $0xFFFFFF80  }
0x84: {  	[tilespmem:s19], [sflag:$0x2] =	stream.linear.gather [hbm4b:s23+s3], $0x80, $0x38;
	[tilespmem:$0x1CC08] =	vst v63  }
0x85: {  	s29 =	sadd.s32 $0x300, s8;
	_ =	swait.ge [sflag:s12], $0x80  }
0x86: {  	s23 =	sshrl.u32 s29, $0x3;
	[sflag:s12] =	ssyncset.done $0x0  }
0x87: {  	s23 =	sadd.s32 s5, s23;
	[sflag:s12] =	ssyncadd.s32 $0xFFFFFF80  }
0x88: {  	[tilespmem:s20], [sflag:$0x2] =	stream.linear.gather [hbm4b:s23+s3], $0x80, $0x38;
	[tilespmem:$0x1CC08] =	vst v63  }
0x89: {  	s8 =	sadd.s32 $0x380, s8;
	_ =	swait.ge [sflag:s12], $0x80  }
0x8a: {  	s8 =	sshrl.u32 s8, $0x3;
	[sflag:s12] =	ssyncset.done $0x0  }
0x8b: {  	s8 =	sadd.s32 s5, s8;
	[sflag:s12] =	ssyncadd.s32 $0xFFFFFF80  }
0x8c: {  	[tilespmem:s21], [sflag:$0x2] =	stream.linear.gather [hbm4b:s8+s3], $0x80, $0x38;
	[tilespmem:$0x1CC08] =	vst v63  }
0x8d: {  	_ =	swait.ge [sflag:s12], $0x80  }
0x8e: {  	[sflag:s12] =	ssyncset.done $0x0  }
0x8f: {  	s30 =	sadd.s32 s6, s22;
	s31 =	simm.s32 $0x408;
	[sflag:s12] =	ssyncadd.s32 $0xFFFFFF80  }
0x90: {  	[tilespmem:s31], [sflag:$0x2] =	stream.linear.gather [hbm4b:s30+s3], $0x400, $0x38;
	[tilespmem:$0x1CC08] =	vst v63  }
0x91: {  	_ =	swait.ge [sflag:s12], $0x400  }
0x92: {  	[sflag:s12] =	ssyncset.done $0x0  }
0x93: {  	[sflag:s12] =	ssyncadd.s32 $0xFFFFFC00  }
0x94: {  	s25 =	rddreg [dreg:$0x1]  }
0x95: {  	s26 =	simm.s32 $0x808;
	s8 =	sadd.s32 s25, s22  }
0x96: {  	[tilespmem:s26], [sflag:$0x2] =	stream.linear.gather [hbm4b:s8+s3], $0x400, $0x38;
	[tilespmem:$0x1CC08] =	vst v63  }
0x97: {  	_ =	swait.ge [sflag:s12], $0x400  }
0x98: {  	[sflag:s12] =	ssyncset.done $0x0  }
0x99: {  	s28 =	simm.s32 $0x0;
	[sflag:s12] =	ssyncadd.s32 $0xFFFFFC00  }
0x9a: {  	v23 =	vld [tilespmem:s28+$0x808]  }
0x9b: {  	s29 =	sadd.s32 $0x0, s10  }
0x9c: {  	v24 =	vadd.s32 s29, v0  }
0x9d: {  	vm0 =	vge.s32 v24, v20;
	vm1 =	vlt.s32 v24, v21  }
0x9e: {  	vm0 =	vmand vm0, vm1;
	s30 =	sand.u32 $0xE00, s3  }
0x9f: {  	s31 =	sand.u32 $0x70, s3;
	s22 =	sshrl.u32 s30, $0x2;
	v23 =	vnsel vm0, $0x0, v23  }
0xa0: {  	s23 =	sor.u32 s31, s22;
	[tilespmem:s28+$0x808] =	vst v23  }
0xa1: {  	v23 =	vld [tilespmem:s23+$0x8];
	_ =	sdelay $0x4  }
0xa2: {  	s25 =	simm.s32 $0x80;
	s8 =	simm.s32 $0x40;
	s22 =	simm.s32 $0x0;
	v23 =	vadd.s32 v22, v23  }
.LBB2_8:
0xa3: {  	s26 =	sshra.s32 s8, $0x2  }
0xa4: {  	[tilespmem:s23+$0x8] =	vst v23;
	s22 =	sadd.s32 $0x10, s22;
	s23 =	smov.u32 s25;
	s28 =	sadd.s32 $0x40, s25  }
0xa5: {  	p3 =	sne.s32 s25, $0xFC0;
	v23 =	vld [tilespmem:s26+$0x808]  }
0xa6: {  	s25 =	sadd.s32 s22, s10  }
0xa7: {  	v24 =	vadd.s32 s25, v0  }
0xa8: {  	vm0 =	vge.s32 v24, v20;
	vm1 =	vlt.s32 v24, v21  }
0xa9: {  	s25 =	sand.u32 $0xE00, s8;
	s8 =	smov.u32 s23;
	vm0 =	vmand vm0, vm1  }
0xaa: {  	s23 =	sand.u32 $0x70, s22;
	s25 =	sshrl.u32 s25, $0x2;
	v23 =	vnsel vm0, $0x0, v23  }
0xab: {  	s23 =	sor.u32 s23, s25;
	[tilespmem:s26+$0x808] =	vst v23  }
0xac: {  	v23 =	vld [tilespmem:s23+$0x8]  }
.Ltmp8:
0xad: {  	(pc) =	sbr.rel @p3 .LBB2_8-.Ltmp8, $2  }
0xae: {  	_ =	sdelay $0x2  }
0xaf: {  	s25 =	smov.u32 s28;
	v23 =	vadd.s32 v22, v23  }
0xb0: {  	s25 =	sshra.s32 s8, $0x2;
	[tilespmem:s23+$0x8] =	vst v23  }
0xb1: {  	s22 =	sadd.s32 $0x10, s22;
	v23 =	vld [tilespmem:s25+$0x808]  }
0xb2: {  	s31 =	sadd.s32 s22, s10  }
0xb3: {  	v24 =	vadd.s32 s31, v0  }
0xb4: {  	vm0 =	vge.s32 v24, v20;
	vm1 =	vlt.s32 v24, v21  }
0xb5: {  	s23 =	sand.u32 $0xE00, s8;
	vm0 =	vmand vm0, vm1  }
0xb6: {  	s22 =	sand.u32 $0x70, s22;
	s8 =	sshrl.u32 s23, $0x2;
	v23 =	vnsel vm0, $0x0, v23  }
0xb7: {  	s8 =	sor.u32 s22, s8;
	[tilespmem:s25+$0x808] =	vst v23  }
0xb8: {  	v23 =	vld [tilespmem:s8+$0x8];
	_ =	sdelay $0x4  }
0xb9: {  	v23 =	vadd.s32 v22, v23  }
0xba: {  	s25 =	simm.s32 $0xC08;
	[tilespmem:s8+$0x8] =	vst v23  }
0xbb: {  	[tilespmem:s25], [sflag:$0x1] =	stream.indirect.gather [hbm4b:s4+s24], $0x20, s14, s24, $0xb8;
	[tilespmem:$0x1CC08] =	vst v63  }
0xbc: {  	s26 =	simm.s32 $0x1C08  }
0xbd: {  	[tilespmem:s26], [sflag:$0x1] =	stream.indirect.gather [hbm4b:s4+s24], $0x20, s15, s24, $0xb8;
	[tilespmem:$0x1CC08] =	vst v63  }
0xbe: {  	s28 =	simm.s32 $0x2C08  }
0xbf: {  	[tilespmem:s28], [sflag:$0x1] =	stream.indirect.gather [hbm4b:s4+s24], $0x20, s16, s24, $0xb8;
	[tilespmem:$0x1CC08] =	vst v63  }
0xc0: {  	s29 =	simm.s32 $0x3C08  }
0xc1: {  	[tilespmem:s29], [sflag:$0x1] =	stream.indirect.gather [hbm4b:s4+s24], $0x20, s17, s24, $0xb8;
	[tilespmem:$0x1CC08] =	vst v63  }
0xc2: {  	s30 =	simm.s32 $0x4C08  }
0xc3: {  	[tilespmem:s30], [sflag:$0x1] =	stream.indirect.gather [hbm4b:s4+s24], $0x20, s18, s24, $0xb8;
	[tilespmem:$0x1CC08] =	vst v63  }
0xc4: {  	s31 =	simm.s32 $0x5C08  }
0xc5: {  	[tilespmem:s31], [sflag:$0x1] =	stream.indirect.gather [hbm4b:s4+s24], $0x20, s19, s24, $0xb8;
	[tilespmem:$0x1CC08] =	vst v63  }
0xc6: {  	_ = 	snop  }
0xc7: {  	[tilespmem:s0], [sflag:$0x1] =	stream.indirect.gather [hbm4b:s4+s24], $0x20, s20, s24, $0xb8;
	[tilespmem:$0x1CC08] =	vst v63  }
0xc8: {  	_ = 	snop  }
0xc9: {  	[tilespmem:s2], [sflag:$0x1] =	stream.indirect.gather [hbm4b:s4+s24], $0x20, s21, s24, $0xb8;
	[tilespmem:$0x1CC08] =	vst v63  }
0xca: {  	_ =	swait.ge [sflag:s13], $0x1000  }
0xcb: {  	[sflag:s13] =	ssyncset.done $0x0  }
0xcc: {  	[sflag:s13] =	ssyncadd.s32 $0xFFFFF000  }
0xcd: {  	_ =	swait.ge [sflag:s13], $0x1000  }
0xce: {  	[sflag:s13] =	ssyncset.done $0x0  }
0xcf: {  	[sflag:s13] =	ssyncadd.s32 $0xFFFFF000  }
0xd0: {  	_ =	swait.ge [sflag:s13], $0x1000  }
0xd1: {  	[sflag:s13] =	ssyncset.done $0x0  }
0xd2: {  	[sflag:s13] =	ssyncadd.s32 $0xFFFFF000  }
0xd3: {  	_ =	swait.ge [sflag:s13], $0x1000  }
0xd4: {  	[sflag:s13] =	ssyncset.done $0x0  }
0xd5: {  	[sflag:s13] =	ssyncadd.s32 $0xFFFFF000  }
0xd6: {  	_ =	swait.ge [sflag:s13], $0x1000  }
0xd7: {  	[sflag:s13] =	ssyncset.done $0x0  }
0xd8: {  	[sflag:s13] =	ssyncadd.s32 $0xFFFFF000  }
0xd9: {  	_ =	swait.ge [sflag:s13], $0x1000  }
0xda: {  	[sflag:s13] =	ssyncset.done $0x0  }
0xdb: {  	[sflag:s13] =	ssyncadd.s32 $0xFFFFF000  }
0xdc: {  	_ =	swait.ge [sflag:s13], $0x1000  }
0xdd: {  	[sflag:s13] =	ssyncset.done $0x0  }
0xde: {  	[sflag:s13] =	ssyncadd.s32 $0xFFFFF000  }
0xdf: {  	_ =	swait.ge [sflag:s13], $0x1000  }
0xe0: {  	s23 =	simm.s32 $0x408;
	s22 =	simm.s32 $0x808;
	[sflag:s13] =	ssyncset.done $0x0  }
0xe1: {  	s8 =	simm.s32 $0x0;
	s26 =	simm.s32 $0xD08;
	[sflag:s13] =	ssyncadd.s32 $0xFFFFF000  }
.LBB2_10:
0xe2: {  	v23 =	vmov s23;
	_ =	sdelay $0x2  }
0xe3: {  	v24 =	vmov s22  }
0xe4: {  	s25 =	simm.s32 $0x0  }
0xe5: {  	v26 =	vld.idx.msk [tilespmem:v23+s25+$0x0 ss:$0x1], $0xffff;
	_ =	sdelay $0x2  }
0xe6: {  	v25 =	vld.idx.msk [tilespmem:v24+s25+$0x0 ss:$0x1], $0xffff;
	_ =	sdelay $0x1  }
0xe7: {  	v28 =	vld [tilespmem:s26+$0xFFFFFF00];
	v27 =	vperm.xlane v26, v3;
	_ =	sdelay $0x1  }
0xe8: {  	v29 =	vadd.s32 v1, v27  }
0xe9: {  	v30 =	vperm.xlane v25, v3;
	_ =	sdelay $0x1  }
0xea: {  	v28 =	vmul.f32 v28, v30;
	_ =	sdelay $0x1  }
0xeb: {  	[tilespmem:v29+s7+$0x0] =	vst.idx.add.f32.msk $0xffff, v28  }
0xec: {  	v28 =	vld [tilespmem:s26+$0xFFFFFF10];
	_ =	sdelay $0x1  }
0xed: {  	v27 =	vadd.s32 v4, v27;
	_ =	sdelay $0x2  }
0xee: {  	v28 =	vmul.f32 v28, v30;
	_ =	sdelay $0x1  }
0xef: {  	[tilespmem:v27+s7+$0x0] =	vst.idx.add.f32.msk $0xffff, v28  }
0xf0: {  	v27 =	vperm.xlane v26, v5;
	v28 =	vld [tilespmem:s26+$0xFFFFFF20];
	_ =	sdelay $0x1  }
0xf1: {  	v34 =	vadd.s32 v1, v27  }
0xf2: {  	v35 =	vperm.xlane v25, v5;
	_ =	sdelay $0x1  }
0xf3: {  	v28 =	vmul.f32 v28, v35;
	_ =	sdelay $0x1  }
0xf4: {  	[tilespmem:v34+s7+$0x0] =	vst.idx.add.f32.msk $0xffff, v28  }
0xf5: {  	v28 =	vld [tilespmem:s26+$0xFFFFFF30];
	_ =	sdelay $0x1  }
0xf6: {  	v27 =	vadd.s32 v4, v27;
	_ =	sdelay $0x2  }
0xf7: {  	v28 =	vmul.f32 v28, v35;
	_ =	sdelay $0x1  }
0xf8: {  	[tilespmem:v27+s7+$0x0] =	vst.idx.add.f32.msk $0xffff, v28  }
0xf9: {  	v27 =	vperm.xlane v26, v6;
	v28 =	vld [tilespmem:s26+$0xFFFFFF40];
	_ =	sdelay $0x1  }
0xfa: {  	v36 =	vadd.s32 v1, v27  }
0xfb: {  	v37 =	vperm.xlane v25, v6;
	_ =	sdelay $0x1  }
0xfc: {  	v28 =	vmul.f32 v28, v37;
	_ =	sdelay $0x1  }
0xfd: {  	[tilespmem:v36+s7+$0x0] =	vst.idx.add.f32.msk $0xffff, v28  }
0xfe: {  	v28 =	vld [tilespmem:s26+$0xFFFFFF50];
	_ =	sdelay $0x1  }
0xff: {  	v27 =	vadd.s32 v4, v27;
	_ =	sdelay $0x2  }
0x100: {  	v28 =	vmul.f32 v28, v37;
	_ =	sdelay $0x1  }
0x101: {  	[tilespmem:v27+s7+$0x0] =	vst.idx.add.f32.msk $0xffff, v28  }
0x102: {  	v27 =	vperm.xlane v26, v7;
	v28 =	vld [tilespmem:s26+$0xFFFFFF60];
	_ =	sdelay $0x1  }
0x103: {  	v38 =	vadd.s32 v1, v27  }
0x104: {  	v39 =	vperm.xlane v25, v7;
	_ =	sdelay $0x1  }
0x105: {  	v28 =	vmul.f32 v28, v39;
	_ =	sdelay $0x1  }
0x106: {  	[tilespmem:v38+s7+$0x0] =	vst.idx.add.f32.msk $0xffff, v28  }
0x107: {  	v28 =	vld [tilespmem:s26+$0xFFFFFF70];
	_ =	sdelay $0x1  }
0x108: {  	v27 =	vadd.s32 v4, v27;
	_ =	sdelay $0x2  }
0x109: {  	v28 =	vmul.f32 v28, v39;
	_ =	sdelay $0x1  }
0x10a: {  	[tilespmem:v27+s7+$0x0] =	vst.idx.add.f32.msk $0xffff, v28  }
0x10b: {  	v27 =	vperm.xlane v26, v8;
	v28 =	vld [tilespmem:s26+$0xFFFFFF80];
	_ =	sdelay $0x1  }
0x10c: {  	v40 =	vadd.s32 v1, v27  }
0x10d: {  	v41 =	vperm.xlane v25, v8;
	_ =	sdelay $0x1  }
0x10e: {  	v28 =	vmul.f32 v28, v41;
	_ =	sdelay $0x1  }
0x10f: {  	[tilespmem:v40+s7+$0x0] =	vst.idx.add.f32.msk $0xffff, v28  }
0x110: {  	v28 =	vld [tilespmem:s26+$0xFFFFFF90];
	_ =	sdelay $0x1  }
0x111: {  	v27 =	vadd.s32 v4, v27;
	_ =	sdelay $0x2  }
0x112: {  	v28 =	vmul.f32 v28, v41;
	_ =	sdelay $0x1  }
0x113: {  	[tilespmem:v27+s7+$0x0] =	vst.idx.add.f32.msk $0xffff, v28  }
0x114: {  	v27 =	vperm.xlane v26, v9;
	v28 =	vld [tilespmem:s26+$0xFFFFFFA0];
	_ =	sdelay $0x1  }
0x115: {  	v42 =	vadd.s32 v1, v27  }
0x116: {  	v43 =	vperm.xlane v25, v9;
	_ =	sdelay $0x1  }
0x117: {  	v28 =	vmul.f32 v28, v43;
	_ =	sdelay $0x1  }
0x118: {  	[tilespmem:v42+s7+$0x0] =	vst.idx.add.f32.msk $0xffff, v28  }
0x119: {  	v28 =	vld [tilespmem:s26+$0xFFFFFFB0];
	_ =	sdelay $0x1  }
0x11a: {  	v27 =	vadd.s32 v4, v27;
	_ =	sdelay $0x2  }
0x11b: {  	v28 =	vmul.f32 v28, v43;
	_ =	sdelay $0x1  }
0x11c: {  	[tilespmem:v27+s7+$0x0] =	vst.idx.add.f32.msk $0xffff, v28  }
0x11d: {  	v27 =	vperm.xlane v26, v10;
	v28 =	vld [tilespmem:s26+$0xFFFFFFC0];
	_ =	sdelay $0x1  }
0x11e: {  	v44 =	vadd.s32 v1, v27  }
0x11f: {  	v45 =	vperm.xlane v25, v10;
	_ =	sdelay $0x1  }
0x120: {  	v28 =	vmul.f32 v28, v45;
	_ =	sdelay $0x1  }
0x121: {  	[tilespmem:v44+s7+$0x0] =	vst.idx.add.f32.msk $0xffff, v28  }
0x122: {  	v28 =	vld [tilespmem:s26+$0xFFFFFFD0];
	_ =	sdelay $0x1  }
0x123: {  	v27 =	vadd.s32 v4, v27;
	_ =	sdelay $0x2  }
0x124: {  	v28 =	vmul.f32 v28, v45;
	_ =	sdelay $0x1  }
0x125: {  	[tilespmem:v27+s7+$0x0] =	vst.idx.add.f32.msk $0xffff, v28  }
0x126: {  	v27 =	vperm.xlane v26, v11;
	v28 =	vld [tilespmem:s26+$0xFFFFFFE0];
	_ =	sdelay $0x1  }
0x127: {  	v46 =	vadd.s32 v1, v27  }
0x128: {  	v47 =	vperm.xlane v25, v11;
	_ =	sdelay $0x1  }
0x129: {  	v28 =	vmul.f32 v28, v47;
	_ =	sdelay $0x1  }
0x12a: {  	[tilespmem:v46+s7+$0x0] =	vst.idx.add.f32.msk $0xffff, v28  }
0x12b: {  	v28 =	vld [tilespmem:s26+$0xFFFFFFF0];
	_ =	sdelay $0x1  }
0x12c: {  	v27 =	vadd.s32 v4, v27;
	_ =	sdelay $0x2  }
0x12d: {  	v28 =	vmul.f32 v28, v47;
	_ =	sdelay $0x1  }
0x12e: {  	[tilespmem:v27+s7+$0x0] =	vst.idx.add.f32.msk $0xffff, v28  }
0x12f: {  	v27 =	vperm.xlane v26, v12;
	v28 =	vld [tilespmem:s26+$0x0];
	_ =	sdelay $0x1  }
0x130: {  	v48 =	vadd.s32 v1, v27  }
0x131: {  	v49 =	vperm.xlane v25, v12;
	_ =	sdelay $0x1  }
0x132: {  	v28 =	vmul.f32 v28, v49;
	_ =	sdelay $0x1  }
0x133: {  	[tilespmem:v48+s7+$0x0] =	vst.idx.add.f32.msk $0xffff, v28  }
0x134: {  	v28 =	vld [tilespmem:s26+$0x10];
	_ =	sdelay $0x1  }
0x135: {  	v27 =	vadd.s32 v4, v27;
	_ =	sdelay $0x2  }
0x136: {  	v28 =	vmul.f32 v28, v49;
	_ =	sdelay $0x1  }
0x137: {  	[tilespmem:v27+s7+$0x0] =	vst.idx.add.f32.msk $0xffff, v28  }
0x138: {  	v27 =	vperm.xlane v26, v13;
	v28 =	vld [tilespmem:s26+$0x20];
	_ =	sdelay $0x1  }
0x139: {  	v50 =	vadd.s32 v1, v27  }
0x13a: {  	v51 =	vperm.xlane v25, v13;
	_ =	sdelay $0x1  }
0x13b: {  	v28 =	vmul.f32 v28, v51;
	_ =	sdelay $0x1  }
0x13c: {  	[tilespmem:v50+s7+$0x0] =	vst.idx.add.f32.msk $0xffff, v28  }
0x13d: {  	v28 =	vld [tilespmem:s26+$0x30];
	_ =	sdelay $0x1  }
0x13e: {  	v27 =	vadd.s32 v4, v27;
	_ =	sdelay $0x2  }
0x13f: {  	v28 =	vmul.f32 v28, v51;
	_ =	sdelay $0x1  }
0x140: {  	[tilespmem:v27+s7+$0x0] =	vst.idx.add.f32.msk $0xffff, v28  }
0x141: {  	v27 =	vperm.xlane v26, v14;
	v28 =	vld [tilespmem:s26+$0x40];
	_ =	sdelay $0x1  }
0x142: {  	v52 =	vadd.s32 v1, v27  }
0x143: {  	v53 =	vperm.xlane v25, v14;
	_ =	sdelay $0x1  }
0x144: {  	v28 =	vmul.f32 v28, v53;
	_ =	sdelay $0x1  }
0x145: {  	[tilespmem:v52+s7+$0x0] =	vst.idx.add.f32.msk $0xffff, v28  }
0x146: {  	v28 =	vld [tilespmem:s26+$0x50];
	_ =	sdelay $0x1  }
0x147: {  	v27 =	vadd.s32 v4, v27;
	_ =	sdelay $0x2  }
0x148: {  	v28 =	vmul.f32 v28, v53;
	_ =	sdelay $0x1  }
0x149: {  	[tilespmem:v27+s7+$0x0] =	vst.idx.add.f32.msk $0xffff, v28  }
0x14a: {  	v27 =	vperm.xlane v26, v15;
	v28 =	vld [tilespmem:s26+$0x60];
	_ =	sdelay $0x1  }
0x14b: {  	v54 =	vadd.s32 v1, v27  }
0x14c: {  	v55 =	vperm.xlane v25, v15;
	_ =	sdelay $0x1  }
0x14d: {  	v28 =	vmul.f32 v28, v55;
	_ =	sdelay $0x1  }
0x14e: {  	[tilespmem:v54+s7+$0x0] =	vst.idx.add.f32.msk $0xffff, v28  }
0x14f: {  	v28 =	vld [tilespmem:s26+$0x70];
	_ =	sdelay $0x1  }
0x150: {  	v27 =	vadd.s32 v4, v27;
	_ =	sdelay $0x2  }
0x151: {  	v28 =	vmul.f32 v28, v55;
	_ =	sdelay $0x1  }
0x152: {  	[tilespmem:v27+s7+$0x0] =	vst.idx.add.f32.msk $0xffff, v28  }
0x153: {  	v27 =	vperm.xlane v26, v16;
	v28 =	vld [tilespmem:s26+$0x80];
	_ =	sdelay $0x1  }
0x154: {  	v56 =	vadd.s32 v1, v27  }
0x155: {  	v57 =	vperm.xlane v25, v16;
	_ =	sdelay $0x1  }
0x156: {  	v28 =	vmul.f32 v28, v57;
	_ =	sdelay $0x1  }
0x157: {  	[tilespmem:v56+s7+$0x0] =	vst.idx.add.f32.msk $0xffff, v28  }
0x158: {  	v28 =	vld [tilespmem:s26+$0x90];
	_ =	sdelay $0x1  }
0x159: {  	v27 =	vadd.s32 v4, v27;
	_ =	sdelay $0x2  }
0x15a: {  	v28 =	vmul.f32 v28, v57;
	_ =	sdelay $0x1  }
0x15b: {  	[tilespmem:v27+s7+$0x0] =	vst.idx.add.f32.msk $0xffff, v28  }
0x15c: {  	v27 =	vperm.xlane v26, v17;
	v28 =	vld [tilespmem:s26+$0xA0];
	_ =	sdelay $0x1  }
0x15d: {  	v58 =	vadd.s32 v1, v27  }
0x15e: {  	v59 =	vperm.xlane v25, v17;
	_ =	sdelay $0x1  }
0x15f: {  	v28 =	vmul.f32 v28, v59;
	_ =	sdelay $0x1  }
0x160: {  	[tilespmem:v58+s7+$0x0] =	vst.idx.add.f32.msk $0xffff, v28  }
0x161: {  	v28 =	vld [tilespmem:s26+$0xB0];
	_ =	sdelay $0x1  }
0x162: {  	v27 =	vadd.s32 v4, v27;
	_ =	sdelay $0x2  }
0x163: {  	v28 =	vmul.f32 v28, v59;
	_ =	sdelay $0x1  }
0x164: {  	[tilespmem:v27+s7+$0x0] =	vst.idx.add.f32.msk $0xffff, v28  }
0x165: {  	v27 =	vperm.xlane v26, v18;
	v28 =	vld [tilespmem:s26+$0xC0];
	_ =	sdelay $0x1  }
0x166: {  	v60 =	vadd.s32 v1, v27  }
0x167: {  	v61 =	vperm.xlane v25, v18;
	_ =	sdelay $0x1  }
0x168: {  	v28 =	vmul.f32 v28, v61;
	_ =	sdelay $0x1  }
0x169: {  	[tilespmem:v60+s7+$0x0] =	vst.idx.add.f32.msk $0xffff, v28  }
0x16a: {  	v28 =	vld [tilespmem:s26+$0xD0];
	_ =	sdelay $0x1  }
0x16b: {  	v27 =	vadd.s32 v4, v27;
	_ =	sdelay $0x2  }
0x16c: {  	v28 =	vmul.f32 v28, v61;
	_ =	sdelay $0x1  }
0x16d: {  	[tilespmem:v27+s7+$0x0] =	vst.idx.add.f32.msk $0xffff, v28  }
0x16e: {  	v26 =	vperm.xlane v26, v19;
	v27 =	vld [tilespmem:s26+$0xE0];
	_ =	sdelay $0x1  }
0x16f: {  	v62 =	vadd.s32 v1, v26  }
0x170: {  	v63 =	vperm.xlane v25, v19;
	_ =	sdelay $0x1  }
0x171: {  	v25 =	vmul.f32 v27, v63;
	_ =	sdelay $0x1  }
0x172: {  	[tilespmem:v62+s7+$0x0] =	vst.idx.add.f32.msk $0xffff, v25  }
0x173: {  	v27 =	vld [tilespmem:s26+$0xF0];
	_ =	sdelay $0x1  }
0x174: {  	v25 =	vadd.s32 v4, v26;
	_ =	sdelay $0x2  }
0x175: {  	s28 =	simm.s32 $0x40;
	s29 =	simm.s32 $0x80;
	s25 =	smov.u32 s26;
	v26 =	vmul.f32 v27, v63  }
.LBB2_11:
0x176: {  	s31 =	sshra.s32 s28, $0x2  }
0x177: {  	s25 =	sadd.s32 $0x200, s25;
	s28 =	smov.u32 s29;
	s30 =	sadd.s32 $0x40, s29;
	[tilespmem:v25+s7+$0x0] =	vst.idx.add.f32.msk $0xffff, v26  }
0x178: {  	p3 =	sne.s32 s29, $0x1C0;
	v26 =	vld.idx.msk [tilespmem:v23+s31+$0x0 ss:$0x1], $0xffff;
	_ =	sdelay $0x2  }
0x179: {  	v25 =	vld.idx.msk [tilespmem:v24+s31+$0x0 ss:$0x1], $0xffff;
	_ =	sdelay $0x2  }
0x17a: {  	v37 =	vperm.xlane v26, v3;
	v38 =	vperm.xlane v26, v5;
	v27 =	vld [tilespmem:s25+$0xFFFFFF00]  }
0x17b: {  	v39 =	vperm.xlane v26, v6;
	v40 =	vperm.xlane v26, v7  }
0x17c: {  	v41 =	vperm.xlane v26, v8;
	v36 =	vperm.xlane v26, v9;
	v28 =	vadd.s32 v1, v37  }
0x17d: {  	v35 =	vperm.xlane v26, v10;
	v42 =	vperm.xlane v25, v3  }
0x17e: {  	v34 =	vperm.xlane v26, v11;
	v33 =	vperm.xlane v26, v12  }
0x17f: {  	v32 =	vperm.xlane v26, v13;
	v27 =	vmul.f32 v27, v42  }
0x180: {  	v31 =	vperm.xlane v26, v14;
	v30 =	vperm.xlane v26, v15  }
0x181: {  	v29 =	vperm.xlane v26, v16;
	[tilespmem:v28+s7+$0x0] =	vst.idx.add.f32.msk $0xffff, v27;
	v28 =	vperm.xlane v26, v17  }
0x182: {  	v27 =	vperm.xlane v26, v18;
	v26 =	vperm.xlane v26, v19;
	v43 =	vld [tilespmem:s25+$0xFFFFFF10];
	_ =	sdelay $0x1  }
0x183: {  	v37 =	vadd.s32 v4, v37;
	_ =	sdelay $0x2  }
0x184: {  	v42 =	vmul.f32 v43, v42;
	_ =	sdelay $0x1  }
0x185: {  	[tilespmem:v37+s7+$0x0] =	vst.idx.add.f32.msk $0xffff, v42  }
0x186: {  	v37 =	vld [tilespmem:s25+$0xFFFFFF20];
	_ =	sdelay $0x1  }
0x187: {  	v42 =	vadd.s32 v1, v38  }
0x188: {  	v43 =	vperm.xlane v25, v5;
	_ =	sdelay $0x1  }
0x189: {  	v37 =	vmul.f32 v37, v43;
	_ =	sdelay $0x1  }
0x18a: {  	[tilespmem:v42+s7+$0x0] =	vst.idx.add.f32.msk $0xffff, v37  }
0x18b: {  	v37 =	vld [tilespmem:s25+$0xFFFFFF30];
	_ =	sdelay $0x1  }
0x18c: {  	v38 =	vadd.s32 v4, v38;
	_ =	sdelay $0x2  }
0x18d: {  	v37 =	vmul.f32 v37, v43;
	_ =	sdelay $0x1  }
0x18e: {  	[tilespmem:v38+s7+$0x0] =	vst.idx.add.f32.msk $0xffff, v37  }
0x18f: {  	v37 =	vld [tilespmem:s25+$0xFFFFFF40];
	_ =	sdelay $0x1  }
0x190: {  	v38 =	vadd.s32 v1, v39  }
0x191: {  	v42 =	vperm.xlane v25, v6;
	_ =	sdelay $0x1  }
0x192: {  	v37 =	vmul.f32 v37, v42;
	_ =	sdelay $0x1  }
0x193: {  	[tilespmem:v38+s7+$0x0] =	vst.idx.add.f32.msk $0xffff, v37  }
0x194: {  	v37 =	vld [tilespmem:s25+$0xFFFFFF50];
	_ =	sdelay $0x1  }
0x195: {  	v38 =	vadd.s32 v4, v39;
	_ =	sdelay $0x2  }
0x196: {  	v37 =	vmul.f32 v37, v42;
	_ =	sdelay $0x1  }
0x197: {  	[tilespmem:v38+s7+$0x0] =	vst.idx.add.f32.msk $0xffff, v37  }
0x198: {  	v37 =	vld [tilespmem:s25+$0xFFFFFF60];
	_ =	sdelay $0x1  }
0x199: {  	v38 =	vadd.s32 v1, v40  }
0x19a: {  	v39 =	vperm.xlane v25, v7;
	_ =	sdelay $0x1  }
0x19b: {  	v37 =	vmul.f32 v37, v39;
	_ =	sdelay $0x1  }
0x19c: {  	[tilespmem:v38+s7+$0x0] =	vst.idx.add.f32.msk $0xffff, v37  }
0x19d: {  	v37 =	vld [tilespmem:s25+$0xFFFFFF70];
	_ =	sdelay $0x1  }
0x19e: {  	v38 =	vadd.s32 v4, v40;
	_ =	sdelay $0x2  }
0x19f: {  	v37 =	vmul.f32 v37, v39;
	_ =	sdelay $0x1  }
0x1a0: {  	[tilespmem:v38+s7+$0x0] =	vst.idx.add.f32.msk $0xffff, v37  }
0x1a1: {  	v37 =	vld [tilespmem:s25+$0xFFFFFF80];
	_ =	sdelay $0x1  }
0x1a2: {  	v38 =	vadd.s32 v1, v41  }
0x1a3: {  	v39 =	vperm.xlane v25, v8;
	_ =	sdelay $0x1  }
0x1a4: {  	v37 =	vmul.f32 v37, v39;
	_ =	sdelay $0x1  }
0x1a5: {  	[tilespmem:v38+s7+$0x0] =	vst.idx.add.f32.msk $0xffff, v37  }
0x1a6: {  	v37 =	vld [tilespmem:s25+$0xFFFFFF90];
	_ =	sdelay $0x1  }
0x1a7: {  	v38 =	vadd.s32 v4, v41;
	_ =	sdelay $0x2  }
0x1a8: {  	v37 =	vmul.f32 v37, v39;
	_ =	sdelay $0x1  }
0x1a9: {  	[tilespmem:v38+s7+$0x0] =	vst.idx.add.f32.msk $0xffff, v37  }
0x1aa: {  	v37 =	vld [tilespmem:s25+$0xFFFFFFA0];
	_ =	sdelay $0x1  }
0x1ab: {  	v38 =	vadd.s32 v1, v36  }
0x1ac: {  	v39 =	vperm.xlane v25, v9;
	_ =	sdelay $0x1  }
0x1ad: {  	v37 =	vmul.f32 v37, v39;
	_ =	sdelay $0x1  }
0x1ae: {  	[tilespmem:v38+s7+$0x0] =	vst.idx.add.f32.msk $0xffff, v37  }
0x1af: {  	v37 =	vld [tilespmem:s25+$0xFFFFFFB0];
	_ =	sdelay $0x1  }
0x1b0: {  	v36 =	vadd.s32 v4, v36;
	_ =	sdelay $0x2  }
0x1b1: {  	v37 =	vmul.f32 v37, v39;
	_ =	sdelay $0x1  }
0x1b2: {  	[tilespmem:v36+s7+$0x0] =	vst.idx.add.f32.msk $0xffff, v37  }
0x1b3: {  	v36 =	vld [tilespmem:s25+$0xFFFFFFC0];
	_ =	sdelay $0x1  }
0x1b4: {  	v37 =	vadd.s32 v1, v35  }
0x1b5: {  	v38 =	vperm.xlane v25, v10;
	_ =	sdelay $0x1  }
0x1b6: {  	v36 =	vmul.f32 v36, v38;
	_ =	sdelay $0x1  }
0x1b7: {  	[tilespmem:v37+s7+$0x0] =	vst.idx.add.f32.msk $0xffff, v36  }
0x1b8: {  	v36 =	vld [tilespmem:s25+$0xFFFFFFD0];
	_ =	sdelay $0x1  }
0x1b9: {  	v35 =	vadd.s32 v4, v35;
	_ =	sdelay $0x2  }
0x1ba: {  	v36 =	vmul.f32 v36, v38;
	_ =	sdelay $0x1  }
0x1bb: {  	[tilespmem:v35+s7+$0x0] =	vst.idx.add.f32.msk $0xffff, v36  }
0x1bc: {  	v35 =	vld [tilespmem:s25+$0xFFFFFFE0];
	_ =	sdelay $0x1  }
0x1bd: {  	v36 =	vadd.s32 v1, v34  }
0x1be: {  	v37 =	vperm.xlane v25, v11;
	_ =	sdelay $0x1  }
0x1bf: {  	v35 =	vmul.f32 v35, v37;
	_ =	sdelay $0x1  }
0x1c0: {  	[tilespmem:v36+s7+$0x0] =	vst.idx.add.f32.msk $0xffff, v35  }
0x1c1: {  	v35 =	vld [tilespmem:s25+$0xFFFFFFF0];
	_ =	sdelay $0x1  }
0x1c2: {  	v34 =	vadd.s32 v4, v34;
	_ =	sdelay $0x2  }
0x1c3: {  	v35 =	vmul.f32 v35, v37;
	_ =	sdelay $0x1  }
0x1c4: {  	[tilespmem:v34+s7+$0x0] =	vst.idx.add.f32.msk $0xffff, v35  }
0x1c5: {  	v34 =	vld [tilespmem:s25+$0x0];
	_ =	sdelay $0x1  }
0x1c6: {  	v35 =	vadd.s32 v1, v33  }
0x1c7: {  	v36 =	vperm.xlane v25, v12;
	_ =	sdelay $0x1  }
0x1c8: {  	v34 =	vmul.f32 v34, v36;
	_ =	sdelay $0x1  }
0x1c9: {  	[tilespmem:v35+s7+$0x0] =	vst.idx.add.f32.msk $0xffff, v34  }
0x1ca: {  	v34 =	vld [tilespmem:s25+$0x10];
	_ =	sdelay $0x1  }
0x1cb: {  	v33 =	vadd.s32 v4, v33;
	_ =	sdelay $0x2  }
0x1cc: {  	v34 =	vmul.f32 v34, v36;
	_ =	sdelay $0x1  }
0x1cd: {  	[tilespmem:v33+s7+$0x0] =	vst.idx.add.f32.msk $0xffff, v34  }
0x1ce: {  	v33 =	vld [tilespmem:s25+$0x20];
	_ =	sdelay $0x1  }
0x1cf: {  	v34 =	vadd.s32 v1, v32  }
0x1d0: {  	v35 =	vperm.xlane v25, v13;
	_ =	sdelay $0x1  }
0x1d1: {  	v33 =	vmul.f32 v33, v35;
	_ =	sdelay $0x1  }
0x1d2: {  	[tilespmem:v34+s7+$0x0] =	vst.idx.add.f32.msk $0xffff, v33  }
0x1d3: {  	v33 =	vld [tilespmem:s25+$0x30];
	_ =	sdelay $0x1  }
0x1d4: {  	v32 =	vadd.s32 v4, v32;
	_ =	sdelay $0x2  }
0x1d5: {  	v33 =	vmul.f32 v33, v35;
	_ =	sdelay $0x1  }
0x1d6: {  	[tilespmem:v32+s7+$0x0] =	vst.idx.add.f32.msk $0xffff, v33  }
0x1d7: {  	v32 =	vld [tilespmem:s25+$0x40];
	_ =	sdelay $0x1  }
0x1d8: {  	v33 =	vadd.s32 v1, v31  }
0x1d9: {  	v34 =	vperm.xlane v25, v14;
	_ =	sdelay $0x1  }
0x1da: {  	v32 =	vmul.f32 v32, v34;
	_ =	sdelay $0x1  }
0x1db: {  	[tilespmem:v33+s7+$0x0] =	vst.idx.add.f32.msk $0xffff, v32  }
0x1dc: {  	v32 =	vld [tilespmem:s25+$0x50];
	_ =	sdelay $0x1  }
0x1dd: {  	v31 =	vadd.s32 v4, v31;
	_ =	sdelay $0x2  }
0x1de: {  	v32 =	vmul.f32 v32, v34;
	_ =	sdelay $0x1  }
0x1df: {  	[tilespmem:v31+s7+$0x0] =	vst.idx.add.f32.msk $0xffff, v32  }
0x1e0: {  	v31 =	vld [tilespmem:s25+$0x60];
	_ =	sdelay $0x1  }
0x1e1: {  	v32 =	vadd.s32 v1, v30  }
0x1e2: {  	v33 =	vperm.xlane v25, v15;
	_ =	sdelay $0x1  }
0x1e3: {  	v31 =	vmul.f32 v31, v33;
	_ =	sdelay $0x1  }
0x1e4: {  	[tilespmem:v32+s7+$0x0] =	vst.idx.add.f32.msk $0xffff, v31  }
0x1e5: {  	v31 =	vld [tilespmem:s25+$0x70];
	_ =	sdelay $0x1  }
0x1e6: {  	v30 =	vadd.s32 v4, v30;
	_ =	sdelay $0x2  }
0x1e7: {  	v31 =	vmul.f32 v31, v33;
	_ =	sdelay $0x1  }
0x1e8: {  	[tilespmem:v30+s7+$0x0] =	vst.idx.add.f32.msk $0xffff, v31  }
0x1e9: {  	v30 =	vld [tilespmem:s25+$0x80];
	_ =	sdelay $0x1  }
0x1ea: {  	v31 =	vadd.s32 v1, v29  }
0x1eb: {  	v32 =	vperm.xlane v25, v16;
	_ =	sdelay $0x1  }
0x1ec: {  	v30 =	vmul.f32 v30, v32;
	_ =	sdelay $0x1  }
0x1ed: {  	[tilespmem:v31+s7+$0x0] =	vst.idx.add.f32.msk $0xffff, v30  }
0x1ee: {  	v30 =	vld [tilespmem:s25+$0x90];
	_ =	sdelay $0x1  }
0x1ef: {  	v29 =	vadd.s32 v4, v29;
	_ =	sdelay $0x2  }
0x1f0: {  	v30 =	vmul.f32 v30, v32;
	_ =	sdelay $0x1  }
0x1f1: {  	[tilespmem:v29+s7+$0x0] =	vst.idx.add.f32.msk $0xffff, v30  }
0x1f2: {  	v29 =	vld [tilespmem:s25+$0xA0];
	_ =	sdelay $0x1  }
0x1f3: {  	v30 =	vadd.s32 v1, v28  }
0x1f4: {  	v31 =	vperm.xlane v25, v17;
	_ =	sdelay $0x1  }
0x1f5: {  	v29 =	vmul.f32 v29, v31;
	_ =	sdelay $0x1  }
0x1f6: {  	[tilespmem:v30+s7+$0x0] =	vst.idx.add.f32.msk $0xffff, v29  }
0x1f7: {  	v29 =	vld [tilespmem:s25+$0xB0];
	_ =	sdelay $0x1  }
0x1f8: {  	v28 =	vadd.s32 v4, v28;
	_ =	sdelay $0x2  }
0x1f9: {  	v29 =	vmul.f32 v29, v31;
	_ =	sdelay $0x1  }
0x1fa: {  	[tilespmem:v28+s7+$0x0] =	vst.idx.add.f32.msk $0xffff, v29  }
0x1fb: {  	v28 =	vld [tilespmem:s25+$0xC0];
	_ =	sdelay $0x1  }
0x1fc: {  	v29 =	vadd.s32 v1, v27  }
0x1fd: {  	v30 =	vperm.xlane v25, v18;
	_ =	sdelay $0x1  }
0x1fe: {  	v28 =	vmul.f32 v28, v30;
	_ =	sdelay $0x1  }
0x1ff: {  	[tilespmem:v29+s7+$0x0] =	vst.idx.add.f32.msk $0xffff, v28  }
0x200: {  	v28 =	vld [tilespmem:s25+$0xD0];
	_ =	sdelay $0x1  }
0x201: {  	v27 =	vadd.s32 v4, v27;
	_ =	sdelay $0x2  }
0x202: {  	v28 =	vmul.f32 v28, v30;
	_ =	sdelay $0x1  }
0x203: {  	[tilespmem:v27+s7+$0x0] =	vst.idx.add.f32.msk $0xffff, v28  }
0x204: {  	v27 =	vld [tilespmem:s25+$0xE0];
	_ =	sdelay $0x1  }
0x205: {  	v28 =	vadd.s32 v1, v26  }
0x206: {  	v29 =	vperm.xlane v25, v19;
	_ =	sdelay $0x1  }
0x207: {  	v25 =	vmul.f32 v27, v29;
	_ =	sdelay $0x1  }
0x208: {  	[tilespmem:v28+s7+$0x0] =	vst.idx.add.f32.msk $0xffff, v25  }
0x209: {  	v27 =	vld [tilespmem:s25+$0xF0]  }
.Ltmp9:
0x20a: {  	(pc) =	sbr.rel @p3 .LBB2_11-.Ltmp9, $2  }
0x20b: {  	v25 =	vadd.s32 v4, v26;
	_ =	sdelay $0x2  }
0x20c: {  	s29 =	smov.u32 s30;
	v26 =	vmul.f32 v27, v29  }
0x20d: {  	_ =	sdelay $0x3  }
0x20e: {  	s28 =	sshra.s32 s28, $0x2;
	[tilespmem:v25+s7+$0x0] =	vst.idx.add.f32.msk $0xffff, v26  }
0x20f: {  	v25 =	vld.idx.msk [tilespmem:v23+s28+$0x0 ss:$0x1], $0xffff;
	_ =	sdelay $0x2  }
0x210: {  	v23 =	vld.idx.msk [tilespmem:v24+s28+$0x0 ss:$0x1], $0xffff  }
0x211: {  	s25 =	sadd.s32 $0x200, s25  }
0x212: {  	v26 =	vld [tilespmem:s25+$0xFFFFFF00];
	v50 =	vperm.xlane v25, v3;
	_ =	sdelay $0x1  }
0x213: {  	v27 =	vadd.s32 v1, v50  }
0x214: {  	v28 =	vperm.xlane v23, v3;
	_ =	sdelay $0x1  }
0x215: {  	v26 =	vmul.f32 v26, v28;
	_ =	sdelay $0x1  }
0x216: {  	[tilespmem:v27+s7+$0x0] =	vst.idx.add.f32.msk $0xffff, v26  }
0x217: {  	v26 =	vld [tilespmem:s25+$0xFFFFFF10];
	_ =	sdelay $0x1  }
0x218: {  	v24 =	vadd.s32 v4, v50;
	_ =	sdelay $0x2  }
0x219: {  	v26 =	vmul.f32 v26, v28;
	_ =	sdelay $0x1  }
0x21a: {  	[tilespmem:v24+s7+$0x0] =	vst.idx.add.f32.msk $0xffff, v26  }
0x21b: {  	v51 =	vperm.xlane v25, v5;
	v26 =	vld [tilespmem:s25+$0xFFFFFF20];
	_ =	sdelay $0x1  }
0x21c: {  	v52 =	vadd.s32 v1, v51  }
0x21d: {  	v53 =	vperm.xlane v23, v5;
	_ =	sdelay $0x1  }
0x21e: {  	v26 =	vmul.f32 v26, v53;
	_ =	sdelay $0x1  }
0x21f: {  	[tilespmem:v52+s7+$0x0] =	vst.idx.add.f32.msk $0xffff, v26  }
0x220: {  	v26 =	vld [tilespmem:s25+$0xFFFFFF30];
	_ =	sdelay $0x1  }
0x221: {  	v24 =	vadd.s32 v4, v51;
	_ =	sdelay $0x2  }
0x222: {  	v26 =	vmul.f32 v26, v53;
	_ =	sdelay $0x1  }
0x223: {  	[tilespmem:v24+s7+$0x0] =	vst.idx.add.f32.msk $0xffff, v26  }
0x224: {  	v54 =	vperm.xlane v25, v6;
	v26 =	vld [tilespmem:s25+$0xFFFFFF40];
	_ =	sdelay $0x1  }
0x225: {  	v55 =	vadd.s32 v1, v54  }
0x226: {  	v56 =	vperm.xlane v23, v6;
	_ =	sdelay $0x1  }
0x227: {  	v26 =	vmul.f32 v26, v56;
	_ =	sdelay $0x1  }
0x228: {  	[tilespmem:v55+s7+$0x0] =	vst.idx.add.f32.msk $0xffff, v26  }
0x229: {  	v26 =	vld [tilespmem:s25+$0xFFFFFF50];
	_ =	sdelay $0x1  }
0x22a: {  	v24 =	vadd.s32 v4, v54;
	_ =	sdelay $0x2  }
0x22b: {  	v26 =	vmul.f32 v26, v56;
	_ =	sdelay $0x1  }
0x22c: {  	[tilespmem:v24+s7+$0x0] =	vst.idx.add.f32.msk $0xffff, v26  }
0x22d: {  	v57 =	vperm.xlane v25, v7;
	v26 =	vld [tilespmem:s25+$0xFFFFFF60];
	_ =	sdelay $0x1  }
0x22e: {  	v58 =	vadd.s32 v1, v57  }
0x22f: {  	v59 =	vperm.xlane v23, v7;
	_ =	sdelay $0x1  }
0x230: {  	v26 =	vmul.f32 v26, v59;
	_ =	sdelay $0x1  }
0x231: {  	[tilespmem:v58+s7+$0x0] =	vst.idx.add.f32.msk $0xffff, v26  }
0x232: {  	v26 =	vld [tilespmem:s25+$0xFFFFFF70];
	_ =	sdelay $0x1  }
0x233: {  	v24 =	vadd.s32 v4, v57;
	_ =	sdelay $0x2  }
0x234: {  	v26 =	vmul.f32 v26, v59;
	_ =	sdelay $0x1  }
0x235: {  	[tilespmem:v24+s7+$0x0] =	vst.idx.add.f32.msk $0xffff, v26  }
0x236: {  	v60 =	vperm.xlane v25, v8;
	v26 =	vld [tilespmem:s25+$0xFFFFFF80];
	_ =	sdelay $0x1  }
0x237: {  	v61 =	vadd.s32 v1, v60  }
0x238: {  	v62 =	vperm.xlane v23, v8;
	_ =	sdelay $0x1  }
0x239: {  	v26 =	vmul.f32 v26, v62;
	_ =	sdelay $0x1  }
0x23a: {  	[tilespmem:v61+s7+$0x0] =	vst.idx.add.f32.msk $0xffff, v26  }
0x23b: {  	v26 =	vld [tilespmem:s25+$0xFFFFFF90];
	_ =	sdelay $0x1  }
0x23c: {  	v24 =	vadd.s32 v4, v60;
	_ =	sdelay $0x2  }
0x23d: {  	v26 =	vmul.f32 v26, v62;
	_ =	sdelay $0x1  }
0x23e: {  	[tilespmem:v24+s7+$0x0] =	vst.idx.add.f32.msk $0xffff, v26  }
0x23f: {  	v63 =	vperm.xlane v25, v9;
	v26 =	vld [tilespmem:s25+$0xFFFFFFA0];
	_ =	sdelay $0x1  }
0x240: {  	v32 =	vadd.s32 v1, v63  }
0x241: {  	v33 =	vperm.xlane v23, v9;
	_ =	sdelay $0x1  }
0x242: {  	v26 =	vmul.f32 v26, v33;
	_ =	sdelay $0x1  }
0x243: {  	[tilespmem:v32+s7+$0x0] =	vst.idx.add.f32.msk $0xffff, v26  }
0x244: {  	v26 =	vld [tilespmem:s25+$0xFFFFFFB0];
	_ =	sdelay $0x1  }
0x245: {  	v24 =	vadd.s32 v4, v63;
	_ =	sdelay $0x2  }
0x246: {  	v26 =	vmul.f32 v26, v33;
	_ =	sdelay $0x1  }
0x247: {  	[tilespmem:v24+s7+$0x0] =	vst.idx.add.f32.msk $0xffff, v26  }
0x248: {  	v34 =	vperm.xlane v25, v10;
	v26 =	vld [tilespmem:s25+$0xFFFFFFC0];
	_ =	sdelay $0x1  }
0x249: {  	v35 =	vadd.s32 v1, v34  }
0x24a: {  	v36 =	vperm.xlane v23, v10;
	_ =	sdelay $0x1  }
0x24b: {  	v26 =	vmul.f32 v26, v36;
	_ =	sdelay $0x1  }
0x24c: {  	[tilespmem:v35+s7+$0x0] =	vst.idx.add.f32.msk $0xffff, v26  }
0x24d: {  	v26 =	vld [tilespmem:s25+$0xFFFFFFD0];
	_ =	sdelay $0x1  }
0x24e: {  	v24 =	vadd.s32 v4, v34;
	_ =	sdelay $0x2  }
0x24f: {  	v26 =	vmul.f32 v26, v36;
	_ =	sdelay $0x1  }
0x250: {  	[tilespmem:v24+s7+$0x0] =	vst.idx.add.f32.msk $0xffff, v26  }
0x251: {  	v37 =	vperm.xlane v25, v11;
	v26 =	vld [tilespmem:s25+$0xFFFFFFE0];
	_ =	sdelay $0x1  }
0x252: {  	v38 =	vadd.s32 v1, v37  }
0x253: {  	v39 =	vperm.xlane v23, v11;
	_ =	sdelay $0x1  }
0x254: {  	v26 =	vmul.f32 v26, v39;
	_ =	sdelay $0x1  }
0x255: {  	[tilespmem:v38+s7+$0x0] =	vst.idx.add.f32.msk $0xffff, v26  }
0x256: {  	v26 =	vld [tilespmem:s25+$0xFFFFFFF0];
	_ =	sdelay $0x1  }
0x257: {  	v24 =	vadd.s32 v4, v37;
	_ =	sdelay $0x2  }
0x258: {  	v26 =	vmul.f32 v26, v39;
	_ =	sdelay $0x1  }
0x259: {  	[tilespmem:v24+s7+$0x0] =	vst.idx.add.f32.msk $0xffff, v26  }
0x25a: {  	v40 =	vperm.xlane v25, v12;
	v26 =	vld [tilespmem:s25+$0x0];
	_ =	sdelay $0x1  }
0x25b: {  	v41 =	vadd.s32 v1, v40  }
0x25c: {  	v42 =	vperm.xlane v23, v12;
	_ =	sdelay $0x1  }
0x25d: {  	v26 =	vmul.f32 v26, v42;
	_ =	sdelay $0x1  }
0x25e: {  	[tilespmem:v41+s7+$0x0] =	vst.idx.add.f32.msk $0xffff, v26  }
0x25f: {  	v26 =	vld [tilespmem:s25+$0x10];
	_ =	sdelay $0x1  }
0x260: {  	v24 =	vadd.s32 v4, v40;
	_ =	sdelay $0x2  }
0x261: {  	v26 =	vmul.f32 v26, v42;
	_ =	sdelay $0x1  }
0x262: {  	[tilespmem:v24+s7+$0x0] =	vst.idx.add.f32.msk $0xffff, v26  }
0x263: {  	v43 =	vperm.xlane v25, v13;
	v26 =	vld [tilespmem:s25+$0x20];
	_ =	sdelay $0x1  }
0x264: {  	v44 =	vadd.s32 v1, v43  }
0x265: {  	v45 =	vperm.xlane v23, v13;
	_ =	sdelay $0x1  }
0x266: {  	v26 =	vmul.f32 v26, v45;
	_ =	sdelay $0x1  }
0x267: {  	[tilespmem:v44+s7+$0x0] =	vst.idx.add.f32.msk $0xffff, v26  }
0x268: {  	v26 =	vld [tilespmem:s25+$0x30];
	_ =	sdelay $0x1  }
0x269: {  	v24 =	vadd.s32 v4, v43;
	_ =	sdelay $0x2  }
0x26a: {  	v26 =	vmul.f32 v26, v45;
	_ =	sdelay $0x1  }
0x26b: {  	[tilespmem:v24+s7+$0x0] =	vst.idx.add.f32.msk $0xffff, v26  }
0x26c: {  	v46 =	vperm.xlane v25, v14;
	v26 =	vld [tilespmem:s25+$0x40];
	_ =	sdelay $0x1  }
0x26d: {  	v47 =	vadd.s32 v1, v46  }
0x26e: {  	v48 =	vperm.xlane v23, v14;
	_ =	sdelay $0x1  }
0x26f: {  	v26 =	vmul.f32 v26, v48;
	_ =	sdelay $0x1  }
0x270: {  	[tilespmem:v47+s7+$0x0] =	vst.idx.add.f32.msk $0xffff, v26  }
0x271: {  	v26 =	vld [tilespmem:s25+$0x50];
	_ =	sdelay $0x1  }
0x272: {  	v24 =	vadd.s32 v4, v46;
	_ =	sdelay $0x2  }
0x273: {  	v26 =	vmul.f32 v26, v48;
	_ =	sdelay $0x1  }
0x274: {  	[tilespmem:v24+s7+$0x0] =	vst.idx.add.f32.msk $0xffff, v26  }
0x275: {  	v49 =	vperm.xlane v25, v15;
	v26 =	vld [tilespmem:s25+$0x60];
	_ =	sdelay $0x1  }
0x276: {  	v50 =	vadd.s32 v1, v49  }
0x277: {  	v51 =	vperm.xlane v23, v15;
	_ =	sdelay $0x1  }
0x278: {  	v26 =	vmul.f32 v26, v51;
	_ =	sdelay $0x1  }
0x279: {  	[tilespmem:v50+s7+$0x0] =	vst.idx.add.f32.msk $0xffff, v26  }
0x27a: {  	v26 =	vld [tilespmem:s25+$0x70];
	_ =	sdelay $0x1  }
0x27b: {  	v24 =	vadd.s32 v4, v49;
	_ =	sdelay $0x2  }
0x27c: {  	v26 =	vmul.f32 v26, v51;
	_ =	sdelay $0x1  }
0x27d: {  	[tilespmem:v24+s7+$0x0] =	vst.idx.add.f32.msk $0xffff, v26  }
0x27e: {  	v52 =	vperm.xlane v25, v16;
	v26 =	vld [tilespmem:s25+$0x80];
	_ =	sdelay $0x1  }
0x27f: {  	v53 =	vadd.s32 v1, v52  }
0x280: {  	v54 =	vperm.xlane v23, v16;
	_ =	sdelay $0x1  }
0x281: {  	v26 =	vmul.f32 v26, v54;
	_ =	sdelay $0x1  }
0x282: {  	[tilespmem:v53+s7+$0x0] =	vst.idx.add.f32.msk $0xffff, v26  }
0x283: {  	v26 =	vld [tilespmem:s25+$0x90];
	_ =	sdelay $0x1  }
0x284: {  	v24 =	vadd.s32 v4, v52;
	_ =	sdelay $0x2  }
0x285: {  	v26 =	vmul.f32 v26, v54;
	_ =	sdelay $0x1  }
0x286: {  	[tilespmem:v24+s7+$0x0] =	vst.idx.add.f32.msk $0xffff, v26  }
0x287: {  	v55 =	vperm.xlane v25, v17;
	v26 =	vld [tilespmem:s25+$0xA0];
	_ =	sdelay $0x1  }
0x288: {  	v56 =	vadd.s32 v1, v55  }
0x289: {  	v57 =	vperm.xlane v23, v17;
	_ =	sdelay $0x1  }
0x28a: {  	v26 =	vmul.f32 v26, v57;
	_ =	sdelay $0x1  }
0x28b: {  	[tilespmem:v56+s7+$0x0] =	vst.idx.add.f32.msk $0xffff, v26  }
0x28c: {  	v26 =	vld [tilespmem:s25+$0xB0];
	_ =	sdelay $0x1  }
0x28d: {  	v24 =	vadd.s32 v4, v55;
	_ =	sdelay $0x2  }
0x28e: {  	v26 =	vmul.f32 v26, v57;
	_ =	sdelay $0x1  }
0x28f: {  	[tilespmem:v24+s7+$0x0] =	vst.idx.add.f32.msk $0xffff, v26  }
0x290: {  	v58 =	vperm.xlane v25, v18;
	v26 =	vld [tilespmem:s25+$0xC0];
	_ =	sdelay $0x1  }
0x291: {  	v59 =	vadd.s32 v1, v58  }
0x292: {  	v60 =	vperm.xlane v23, v18;
	_ =	sdelay $0x1  }
0x293: {  	v26 =	vmul.f32 v26, v60;
	_ =	sdelay $0x1  }
0x294: {  	[tilespmem:v59+s7+$0x0] =	vst.idx.add.f32.msk $0xffff, v26  }
0x295: {  	v26 =	vld [tilespmem:s25+$0xD0];
	_ =	sdelay $0x1  }
0x296: {  	v24 =	vadd.s32 v4, v58;
	_ =	sdelay $0x2  }
0x297: {  	v26 =	vmul.f32 v26, v60;
	_ =	sdelay $0x1  }
0x298: {  	[tilespmem:v24+s7+$0x0] =	vst.idx.add.f32.msk $0xffff, v26  }
0x299: {  	v61 =	vperm.xlane v25, v19;
	v62 =	vld [tilespmem:s25+$0xE0];
	_ =	sdelay $0x1  }
0x29a: {  	v63 =	vadd.s32 v1, v61  }
0x29b: {  	v23 =	vperm.xlane v23, v19;
	_ =	sdelay $0x1  }
0x29c: {  	v25 =	vmul.f32 v62, v23;
	_ =	sdelay $0x1  }
0x29d: {  	[tilespmem:v63+s7+$0x0] =	vst.idx.add.f32.msk $0xffff, v25  }
0x29e: {  	v25 =	vld [tilespmem:s25+$0xF0]  }
0x29f: {  	s8 =	sadd.s32 $0x1, s8  }
0x2a0: {  	p3 =	sne.s32 s8, $0x8;
	v24 =	vadd.s32 v4, v61  }
.Ltmp10:
0x2a1: {  	_ = 	snop;
	(pc) =	sbr.rel @p3 .LBB2_10-.Ltmp10, $3  }
0x2a2: {  	_ = 	snop  }
0x2a3: {  	v23 =	vmul.f32 v25, v23;
	_ =	sdelay $0x1  }
0x2a4: {  	s22 =	sadd.s32 $0x80, s22;
	s23 =	sadd.s32 $0x80, s23;
	s26 =	sadd.s32 $0x1000, s26;
	[tilespmem:v24+s7+$0x0] =	vst.idx.add.f32.msk $0xffff, v23  }
0x2a5: {  	s1 =	sadd.s32 $0x1, s1  }
0x2a6: {  	p3 =	sne.s32 s1, s11  }
.Ltmp11:
0x2a7: {  	_ = 	snop;
	(pc) =	sbr.rel @p3 .LBB2_7-.Ltmp11, $4  }
.Ltmp12:
0x2a8: {  	_ = 	snop;
	(pc) =	sbr.rel @!p3 .LBB2_14-.Ltmp12, $4  }
0x2a9: {  	_ = 	snop  }
0x2aa: {  	_ = 	snop  }
0x2ab: {  	s10 =	sadd.s32 $0x400, s10  }
0x2ac: {  	_ = 	snop  }
.LBB2_17:
0x2ad: {  	_ =	sfence.sel $0x180000  }
0x2ae: {  	[bflag:$0x0] =	sbarrier.arrive $0xFFFF  }
0x2af: {  	_ =	strace $0x90000047  }
0x2b0: {  	[bflag:$0x2] =	sbarrier.arrive $0xFFFF  }
0x2b1: {  	s0 =	rddreg [dreg:$0x3]  }
0x2b2: {  	s0 =	sadd.s32 @!p0 $0x100000, s0  }
0x2b3: {  	[sflag:s0] =	ssyncadd.tile.s32 @!p0 $0x1;
	_ =	shalt  }
.Lfunc_end2:
_tile_overlayer_lowered:
.L_overlay_start_2:
0x2b4: {  	(tag) =	ssettag $0x2  }
0x2b5: {  	s0 =	rddreg [dreg:$0x0];
	s2 =	stileid.u32  }
0x2b6: {  	s1 =	rddreg [dreg:$0x1];
	p0 =	sne.s32 s2, $0x0  }
0x2b7: {  	s3 =	rddreg [dreg:$0x2];
	[bflag:$0x3] =	sbarrier.arrive $0xFFFF;
	s2 =	simm.s32 @!p0 $0x1C02  }
0x2b8: {  	[timem:s3], [sflag:s2] =	dma.local @!p0 [hbm:s0], s1  }
0x2b9: {  	s0 =	simm.s32 @!p0 $0x2  }
0x2ba: {  	_ =	swait.ge @!p0 [sflag:s0], s1  }
0x2bb: {  	s1 =	ssub.s32 @!p0 $0x0, s1;
	[sflag:s0] =	ssyncset.done @!p0 $0x0  }
0x2bc: {  	[sflag:s0] =	ssyncadd.s32 @!p0 s1  }
0x2bd: {  	[bflag:$0x3] =	sbarrier.arrive $0xFFFF  }
0x2be: {  	_ =	shalt  }

// kernel: sparse-core-data-format-call.1.cloned.1.call-start
scs
called_computation.1_lowered:
.L_overlay_start_0:
0x0: {  	s2 =	sld [smem:$0x3FD9]  }
0x1: {  	s3 =	sld [smem:$0x3FFE];
	_ =	sdelay $0x1  }
0x2: {  	s1 =	srdreg.scid  }
0x3: {  	s0 =	sand.u32 $0x1, s1  }
0x4: {  	s18 =	sshll.u32 s0, $0xA;
	s2 =	sadd.s32 s3, s2  }
0x5: {  	s2 =	sadd.s32 s2, s18  }
0x6: {  	[smem:$0x3FC3] =	sst s2  }
0x7: {  	_ = 	snop  }
0x8: {  	s2 =	sld [smem:$0x3FD0];
	(tm) =	ssettm $0x1  }
0x9: {  	s19 =	sld [smem:$0x3FFB];
	_ =	sdelay $0x3  }
0xa: {  	_ =	strace s19  }
0xb: {  	s3 =	sld [smem:$0x3FFC];
	_ =	sdelay $0x3  }
0xc: {  	_ =	strace s3  }
0xd: {  	s3 =	sld [smem:$0x3FFD];
	_ =	sdelay $0x3  }
0xe: {  	_ =	strace s3  }
0xf: {  	_ =	strace $0x8FFFFFFF  }
0x10: {  	s20 =	sld [smem:$0x3FDB];
	_ =	sdelay $0x1  }
0x11: {  	s4 =	simm.s32 $_scs_section_size  }
0x12: {  	s5 =	simm.s32 $_size__tile_overlayer_lowered;
	s6 =	simm.s32 $_tile_overlayer_lowered  }
0x13: {  	s23 =	simm.s32 $0x1BFF;
	s22 =	sshll.u32 s6, $0x1;
	s3 =	sadd.s32 s4, s20  }
0x14: {  	s7 =	simm.s32 $0x0;
	s21 =	sshll.u32 s5, $0x1;
	s5 =	sadd.s32 s22, s3  }
0x15: {  	[timem:s7], [sflag:s23] =	dma.local [hbm:s5], s21  }
0x16: {  	_ =	swait.ge [sflag:s23], s21  }
0x17: {  	s4 =	ssub.s32 $0x0, s21;
	[sflag:s23] =	ssyncset.done $0x0  }
0x18: {  	[sflag:s23] =	ssyncadd.s32 s4;
	_ =	sdelay $0x1  }
0x19: {  	s24 =	simm.s32 $0x1B8B  }
0x1a: {  	_ =	swait.ge [sflag:s24], $0x1  }
0x1b: {  	[sflag:s24] =	ssyncset.done $0x0  }
0x1c: {  	s26 =	simm.s32 $0x1B8E;
	s25 =	sld [smem:$0x3FFE];
	[sflag:s24] =	ssyncadd.s32 $0xFFFFFFFF  }
0x1d: {  	s27 =	simm.s32 $execute0_lowered;
	[smem:$0x3FD2] =	sst s26  }
0x1e: {  	s5 =	sshll.u32 s27, $0x1;
	_ =	strace $0x80000049;
	[dreg:$0x1] =	wrdreg $0xFFFFFFFF  }
0x1f: {  	s28 =	simm.s32 $_size_execute0_lowered;
	s3 =	sadd.s32 s3, s5;
	[dreg:$0x0] =	wrdreg $0x0  }
0x20: {  	s5 =	sshll.u32 s28, $0x1;
	[dreg:$0x2] =	wrdreg s3  }
0x21: {  	[dreg:$0x3] =	wrdreg s5  }
0x22: {  	[dreg:$0x4] =	wrdreg $0xC0  }
0x23: {  	_ =	task [dreg:s7], $0x5FFFF  }
0x24: {  	[dreg:$0x1] =	wrdreg $0xFFFFFFFF  }
0x25: {  	[dreg:$0x0] =	wrdreg $0x60  }
0x26: {  	[dreg:$0x2] =	wrdreg s2  }
0x27: {  	[dreg:$0x3] =	wrdreg s25  }
0x28: {  	[dreg:$0x4] =	wrdreg $0x9  }
0x29: {  	_ =	task.clear_ibuf [dreg:s7], $0x5FFFF;
	_ =	strace $0x90000049  }
0x2a: {  	s29 =	simm.s32 $0x9;
	_ =	strace $0x8000004B  }
0x2b: {  	_ =	swait.ge [sflag:s29], $0x1  }
0x2c: {  	[sflag:s29] =	ssyncadd.s32 $0xFFFFFFFF  }
0x2d: {  	_ =	strace $0x9000004B  }
0x2e: {  	_ =	sfence  }
0x2f: {  	s30 =	sld [smem:$0x0];
	_ =	sdelay $0x2  }
0x30: {  	s31 =	sshll.u32 s1, $0xD;
	s1 =	sshrl.u32 s1, $0x2  }
0x31: {  	s3 =	sand.u32 $0x4000, s31;
	s1 =	sadd.s32 s1, s30  }
0x32: {  	s0 =	sor.u32 s3, s0;
	s1 =	sshll.u32 s1, $0x11  }
0x33: {  	s0 =	sor.u32 s1, s0  }
0x34: {  	s0 =	sadd.s32 $0x8F2B, s0  }
0x35: {  	[sflag:s0] =	ssyncadd.remote.s32 $0x1  }
0x36: {  	_ =	sfence.sel $0xFFFF  }
0x37: {  	[dreg:$0x0] =	wrdreg $0xFFFFFFFF;
	(pc) =	sbr.abs _section_cstart, $3  }
0x38: {  	[dreg:$0x1] =	wrdreg $0xFFFFFFFF  }
0x39: {  	_ =	task.clear_ibuf [dreg:s7], $0x2FFFF;
	_ =	strace $0x9FFFFFFF  }
0x3a: {  	(tm) =	ssettm $0x7FFFFFFF  }
0x3b: {  	_ =	shalt  }
tec
execute0_lowered:
.L_overlay_start_1:
0x0: {  	(tag) =	ssettag $0x1  }
0x1: {  	s0 =	srdreg.scid  }
0x2: {  	s1 =	sshll.u32 s0, $0x4  }
0x3: {  	s3 =	rddreg [dreg:$0x0];
	s0 =	stileid.u32;
	s1 =	sand.u32 $0x10, s1  }
0x4: {  	s6 =	rddreg [dreg:$0x1];
	s7 =	simm.s32 $0x2;
	s1 =	sor.u32 s0, s1  }
0x5: {  	s14 =	simm.s32 $0x0;
	s8 =	simm.s32 $0x20;
	s2 =	sshll.u32 s1, $0x1  }
0x6: {  	s9 =	simm.s32 $0x1400;
	s15 =	simm.s32 $0x0;
	s1 =	ssub.s32 $0x40, s2  }
0x7: {  	s16 =	simm.s32 $0x0;
	s10 =	simm.s32 $0x0;
	s4 =	sand.u32 $0x3E, s1  }
0x8: {  	s12 =	simm.s32 $0x0;
	p0 =	sne.s32 s4, $0x0;
	s4 =	simm.s32 $0x1  }
.Ltmp0:
0x9: {  	s5 =	sshrl.u32 s1, $0x6;
	s4 =	simm.s32 @!p0 $0x0;
	(pc) =	sbr.rel .LBB1_1-.Ltmp0, $4  }
0xa: {  	s13 =	simm.s32 $0x0;
	s1 =	rddreg [dreg:$0x2];
	s5 =	sadd.s32 s4, s5  }
0xb: {  	_ =	strace $0x8000004A;
	s4 =	simm.s32 $0x1;
	s5 =	smul.u32 $0x28, s5  }
0xc: {  	s6 =	sadd.s32 $0xE00, s6;
	s11 =	smov.u32 s2;
	[sflag:s4] =	ssyncpa.u1 $0x0  }
0xd: {  	p0 =	por $0x0, $0x0;
	[sflag:s7] =	ssyncpa.u1 $0x0;
	s7 =	sor.u32 $0x1, s5  }
.LBB1_7:
0xe: {  	s17 =	sadd.s32 $0x1, s10  }
0xf: {  	s14 =	sadd.s32 $0x40, s11;
	s18 =	smov.u32 s11;
	p2 =	sgt.s32 s17, $0x7  }
0x10: {  	s18 =	smov.u32 @p2 s14  }
0x11: {  	s14 =	simm.s32 $0x1;
	p3 =	sgt.s32 s18, $0x3F  }
0x12: {  	s14 =	simm.s32 @!p3 $0x0  }
0x13: {  	s20 =	sadd.s32 s14, s12  }
0x14: {  	s17 =	simm.s32 @p2 $0x0;
	p2 =	sgt.s32 s20, $0x4  }
0x15: {  	p1 =	slt.u32 s13, $0x2;
	s20 =	simm.s32 @p2 $0x0;
	p2 =	sne.s32 s13, s7  }
.Ltmp1:
0x16: {  	s19 =	simm.s32 @!p1 $0x2;
	(pc) =	sbr.rel @!p2 .LBB1_8-.Ltmp1, $4  }
0x17: {  	s15 =	smov.u32 s11;
	s16 =	smov.u32 s12;
	_ =	swait.ge @!p1 [sflag:s19], $0x4000  }
0x18: {  	p0 =	por !p0, !p0;
	[sflag:s19] =	ssyncset.done @!p1 $0x0;
	s18 =	smov.u32 @p3 s2  }
0x19: {  	[sflag:s19] =	ssyncadd.s32 @!p1 $0xFFFFC000;
	s14 =	smov.u32 s10;
	s10 =	smov.u32 s17  }
0x1a: {  	s11 =	smov.u32 s18;
	s13 =	sadd.s32 $0x1, s13;
	s12 =	smov.u32 s20  }
.LBB1_1:
0x1b: {  	p1 =	sge.u32 s13, s5  }
0x1c: {  	s31 =	sadd.s32 $0xFFFFFFFF, s13;
	s17 =	sxor.u32 @!p1 $0xFFFFFFFF, s13;
	s18 =	sshll.u32 @!p1 s12, $0x13  }
0x1d: {  	s19 =	sshll.u32 @!p1 s11, $0xD;
	s17 =	sshll.u32 @!p1 s17, $0xE;
	s18 =	sadd.s32 @!p1 s3, s18  }
0x1e: {  	s20 =	sshll.u32 @!p1 s10, $0xA;
	s17 =	sand.u32 @!p1 $0x4000, s17;
	s18 =	sadd.s32 @!p1 s19, s18  }
0x1f: {  	s19 =	simm.s32 @!p1 $0x2000;
	s18 =	sadd.s32 @!p1 s20, s18;
	s20 =	simm.s32 @!p1 $0x10000  }
0x20: {  	[tilespmem:s17], [sflag:$0x1] =	stream.strided.gather @!p1 [hbm4b:s18+s19], $0x4000, s20, s19, $0x38;
	[tilespmem:$0x10400] =	vst v63  }
0x21: {  	p1 =	sge.u32 s31, s5  }
.Ltmp2:
0x22: {  	_ = 	snop;
	(pc) =	sbr.rel @p1 .LBB1_7-.Ltmp2, $1  }
0x23: {  	_ =	sdelay $0x3  }
0x24: {  	s17 =	simm.s32 $0x1;
	s18 =	sand.u32 $0x1, s13  }
0x25: {  	s17 =	simm.s32 @!p0 $0x0;
	s19 =	smul.u32 $0x10800, s18  }
0x26: {  	_ =	swait.ge [sflag:s4], $0x4000;
	p2 =	por $0x1, $0x1;
	s17 =	smul.u32 $0x10800, s17  }
0x27: {  	s21 =	simm.s32 $0x0;
	[sflag:s4] =	ssyncset.done $0x0;
	s18 =	sshll.u32 s18, $0xE  }
0x28: {  	[sflag:s4] =	ssyncadd.s32 $0xFFFFC000;
	s19 =	sshrl.u32 s19, $0x2;
	s20 =	sshrl.u32 s17, $0x2  }
0x29: {  	s17 =	sor.u32 $0x8000, s19;
	s19 =	sor.u32 $0x8000, s20;
	s20 =	simm.s32 $0x0  }
.LBB1_3:
0x2a: {  	s22 =	sshll.u32 s21, $0xD  }
0x2b: {  	s26 =	sand.u32 $0x1800, s20;
	s30 =	sand.u32 $0x380, s20;
	v1 =	vmov s22  }
0x2c: {  	s23 =	sadd.s32 s22, s18;
	s22 =	sor.u32 s30, s26  }
0x2d: {  	v0 =	vmov s23;
	s23 =	sand.u32 $0x1B00, s22  }
0x2e: {  	s24 =	sand.u32 $0x80, s20;
	s23 =	sadd.s32 s23, s18  }
0x2f: {  	s24 =	sadd.s32 s24, s23  }
0x30: {  	v5 =	vld.idx.msk [tilespmem:v1+s24+$0x400 ss:$0x1], $0xffff  }
0x31: {  	v6 =	vld.idx.msk [tilespmem:v1+s24+$0x0 ss:$0x1], $0xffff  }
0x32: {  	v7 =	vld.idx.msk [tilespmem:v1+s24+$0x10 ss:$0x1], $0xffff  }
0x33: {  	v11 =	vld.idx.msk [tilespmem:v1+s24+$0x20 ss:$0x1], $0xffff  }
0x34: {  	s31 =	smul.u32 $0x8400, s21;
	v12 =	vld.idx.msk [tilespmem:v1+s24+$0x30 ss:$0x1], $0xffff  }
0x35: {  	v13 =	vld.idx.msk [tilespmem:v1+s24+$0x40 ss:$0x1], $0xffff  }
0x36: {  	s21 =	sshra.s32 s31, $0x2;
	v10 =	vld.idx.msk [tilespmem:v1+s24+$0x50 ss:$0x1], $0xffff  }
0x37: {  	s21 =	sadd.s32 s21, s19;
	v9 =	vld.idx.msk [tilespmem:v1+s24+$0x60 ss:$0x1], $0xffff  }
0x38: {  	s23 =	sadd.s32 $0x0, s21;
	v8 =	vld.idx.msk [tilespmem:v1+s24+$0x70 ss:$0x1], $0xffff  }
0x39: {  	v2 =	vld.idx.msk [tilespmem:v0+s22+$0x410 ss:$0x1], $0xffff;
	[tilespmem:s23+$0x1080 ss:$0x21] =	vst.msk $0xffff, v5  }
0x3a: {  	v3 =	vld.idx.msk [tilespmem:v0+s22+$0x420 ss:$0x1], $0xffff;
	[tilespmem:s23+$0x0 ss:$0x21] =	vst.msk $0xffff, v6  }
0x3b: {  	v4 =	vld.idx.msk [tilespmem:v0+s22+$0x430 ss:$0x1], $0xffff;
	[tilespmem:s23+$0x210 ss:$0x21] =	vst.msk $0xffff, v7  }
0x3c: {  	s25 =	simm.s32 $0x80;
	[tilespmem:s23+$0x420 ss:$0x21] =	vst.msk $0xffff, v11;
	v5 =	vld.idx.msk [tilespmem:v0+s22+$0x440 ss:$0x1], $0xffff  }
0x3d: {  	p1 =	por p2, p2;
	s27 =	simm.s32 $0x8;
	s26 =	simm.s32 $0x100;
	[tilespmem:s23+$0x630 ss:$0x21] =	vst.msk $0xffff, v12;
	v6 =	vld.idx.msk [tilespmem:v0+s22+$0x450 ss:$0x1], $0xffff  }
0x3e: {  	s29 =	sand.u32 $0x380, s25;
	s28 =	sand.u32 $0x1800, s26;
	s24 =	simm.s32 $0x4;
	[tilespmem:s23+$0x840 ss:$0x21] =	vst.msk $0xffff, v13;
	v7 =	vld.idx.msk [tilespmem:v0+s22+$0x460 ss:$0x1], $0xffff  }
.LBB1_4:
0x3f: {  	p2 =	sne.s32 s27, $0x7C;
	[tilespmem:s23+$0xA50 ss:$0x21] =	vst.msk $0xffff, v10;
	v10 =	vld.idx.msk [tilespmem:v0+s22+$0x470 ss:$0x1], $0xffff;
	s22 =	sor.u32 s29, s28  }
0x40: {  	s28 =	sand.u32 $0x1B00, s22;
	v11 =	vld.idx.msk [tilespmem:v0+s22+$0x410 ss:$0x1], $0xffff;
	[tilespmem:s23+$0xC60 ss:$0x21] =	vst.msk $0xffff, v9  }
0x41: {  	s29 =	sand.u32 $0x80, s25;
	s28 =	sadd.s32 s28, s18;
	v9 =	vld.idx.msk [tilespmem:v0+s22+$0x420 ss:$0x1], $0xffff;
	[tilespmem:s23+$0xE70 ss:$0x21] =	vst.msk $0xffff, v8  }
0x42: {  	s28 =	sadd.s32 s29, s28;
	v8 =	vld.idx.msk [tilespmem:v0+s22+$0x430 ss:$0x1], $0xffff;
	[tilespmem:s23+$0x1290 ss:$0x21] =	vst.msk $0xffff, v2  }
0x43: {  	v12 =	vld.idx.msk [tilespmem:v1+s28+$0x400 ss:$0x1], $0xffff;
	[tilespmem:s23+$0x14A0 ss:$0x21] =	vst.msk $0xffff, v3  }
0x44: {  	v13 =	vld.idx.msk [tilespmem:v1+s28+$0x0 ss:$0x1], $0xffff;
	[tilespmem:s23+$0x16B0 ss:$0x21] =	vst.msk $0xffff, v4  }
0x45: {  	v14 =	vld.idx.msk [tilespmem:v1+s28+$0x10 ss:$0x1], $0xffff;
	[tilespmem:s23+$0x18C0 ss:$0x21] =	vst.msk $0xffff, v5  }
0x46: {  	v2 =	vmov v11;
	v5 =	vld.idx.msk [tilespmem:v1+s28+$0x20 ss:$0x1], $0xffff;
	[tilespmem:s23+$0x1AD0 ss:$0x21] =	vst.msk $0xffff, v6  }
0x47: {  	s29 =	sshra.s32 s24, $0x2;
	s24 =	smov.u32 s27;
	v3 =	vmov v9;
	v6 =	vld.idx.msk [tilespmem:v1+s28+$0x30 ss:$0x1], $0xffff;
	[tilespmem:s23+$0x1CE0 ss:$0x21] =	vst.msk $0xffff, v7  }
0x48: {  	v4 =	vmov v8;
	v7 =	vld.idx.msk [tilespmem:v1+s28+$0x40 ss:$0x1], $0xffff;
	[tilespmem:s23+$0x1EF0 ss:$0x21] =	vst.msk $0xffff, v10;
	s23 =	sadd.s32 s29, s21  }
0x49: {  	v10 =	vld.idx.msk [tilespmem:v1+s28+$0x50 ss:$0x1], $0xffff;
	[tilespmem:s23+$0x1080 ss:$0x21] =	vst.msk $0xffff, v12  }
.Ltmp3:
0x4a: {  	[tilespmem:s23+$0x0 ss:$0x21] =	vst.msk $0xffff, v13;
	v9 =	vld.idx.msk [tilespmem:v1+s28+$0x60 ss:$0x1], $0xffff;
	(pc) =	sbr.rel @p2 .LBB1_4-.Ltmp3, $4  }
0x4b: {  	[tilespmem:s23+$0x210 ss:$0x21] =	vst.msk $0xffff, v14;
	v8 =	vld.idx.msk [tilespmem:v1+s28+$0x70 ss:$0x1], $0xffff  }
0x4c: {  	[tilespmem:s23+$0x420 ss:$0x21] =	vst.msk $0xffff, v5;
	v5 =	vld.idx.msk [tilespmem:v0+s22+$0x440 ss:$0x1], $0xffff  }
0x4d: {  	s25 =	sadd.s32 $0x80, s25;
	s26 =	sadd.s32 $0x100, s26;
	[tilespmem:s23+$0x630 ss:$0x21] =	vst.msk $0xffff, v6;
	v6 =	vld.idx.msk [tilespmem:v0+s22+$0x450 ss:$0x1], $0xffff  }
0x4e: {  	s27 =	sadd.s32 $0x4, s27;
	s29 =	sand.u32 $0x380, s25;
	s28 =	sand.u32 $0x1800, s26;
	[tilespmem:s23+$0x840 ss:$0x21] =	vst.msk $0xffff, v7;
	v7 =	vld.idx.msk [tilespmem:v0+s22+$0x460 ss:$0x1], $0xffff  }
0x4f: {  	[tilespmem:s23+$0xA50 ss:$0x21] =	vst.msk $0xffff, v10  }
0x50: {  	[tilespmem:s23+$0xC60 ss:$0x21] =	vst.msk $0xffff, v9  }
0x51: {  	[tilespmem:s23+$0x1290 ss:$0x21] =	vst.msk $0xffff, v2  }
0x52: {  	[tilespmem:s23+$0x14A0 ss:$0x21] =	vst.msk $0xffff, v3  }
0x53: {  	s26 =	sor.u32 s29, s28;
	v47 =	vld.idx.msk [tilespmem:v0+s22+$0x470 ss:$0x1], $0xffff;
	[tilespmem:s23+$0x16B0 ss:$0x21] =	vst.msk $0xffff, v4  }
0x54: {  	[tilespmem:s23+$0xE70 ss:$0x21] =	vst.msk $0xffff, v8;
	v57 =	vld.idx.msk [tilespmem:v0+s26+$0x410 ss:$0x1], $0xffff  }
0x55: {  	v58 =	vld.idx.msk [tilespmem:v0+s26+$0x420 ss:$0x1], $0xffff;
	[tilespmem:s23+$0x18C0 ss:$0x21] =	vst.msk $0xffff, v5  }
0x56: {  	v59 =	vld.idx.msk [tilespmem:v0+s26+$0x430 ss:$0x1], $0xffff;
	[tilespmem:s23+$0x1AD0 ss:$0x21] =	vst.msk $0xffff, v6  }
0x57: {  	s24 =	sshra.s32 s24, $0x2;
	v60 =	vld.idx.msk [tilespmem:v0+s26+$0x440 ss:$0x1], $0xffff;
	[tilespmem:s23+$0x1CE0 ss:$0x21] =	vst.msk $0xffff, v7  }
0x58: {  	s27 =	sand.u32 $0x1B00, s26;
	s21 =	sadd.s32 s24, s21;
	v61 =	vld.idx.msk [tilespmem:v0+s26+$0x450 ss:$0x1], $0xffff;
	[tilespmem:s23+$0x1EF0 ss:$0x21] =	vst.msk $0xffff, v47  }
0x59: {  	s25 =	sand.u32 $0x80, s25;
	v62 =	vld.idx.msk [tilespmem:v0+s26+$0x460 ss:$0x1], $0xffff;
	s27 =	sadd.s32 s27, s18;
	[tilespmem:s21+$0x1290 ss:$0x21] =	vst.msk $0xffff, v57  }
0x5a: {  	v63 =	vld.idx.msk [tilespmem:v0+s26+$0x470 ss:$0x1], $0xffff;
	s31 =	sadd.s32 s25, s27;
	[tilespmem:s21+$0x14A0 ss:$0x21] =	vst.msk $0xffff, v58  }
0x5b: {  	v48 =	vld.idx.msk [tilespmem:v1+s31+$0x400 ss:$0x1], $0xffff;
	[tilespmem:s21+$0x16B0 ss:$0x21] =	vst.msk $0xffff, v59  }
0x5c: {  	v49 =	vld.idx.msk [tilespmem:v1+s31+$0x0 ss:$0x1], $0xffff;
	[tilespmem:s21+$0x18C0 ss:$0x21] =	vst.msk $0xffff, v60  }
0x5d: {  	v50 =	vld.idx.msk [tilespmem:v1+s31+$0x10 ss:$0x1], $0xffff;
	[tilespmem:s21+$0x1AD0 ss:$0x21] =	vst.msk $0xffff, v61  }
0x5e: {  	v51 =	vld.idx.msk [tilespmem:v1+s31+$0x20 ss:$0x1], $0xffff;
	[tilespmem:s21+$0x1CE0 ss:$0x21] =	vst.msk $0xffff, v62  }
0x5f: {  	v52 =	vld.idx.msk [tilespmem:v1+s31+$0x30 ss:$0x1], $0xffff;
	[tilespmem:s21+$0x1EF0 ss:$0x21] =	vst.msk $0xffff, v63  }
0x60: {  	v53 =	vld.idx.msk [tilespmem:v1+s31+$0x40 ss:$0x1], $0xffff;
	[tilespmem:s21+$0x1080 ss:$0x21] =	vst.msk $0xffff, v48  }
0x61: {  	v54 =	vld.idx.msk [tilespmem:v1+s31+$0x50 ss:$0x1], $0xffff;
	[tilespmem:s21+$0x0 ss:$0x21] =	vst.msk $0xffff, v49  }
0x62: {  	v55 =	vld.idx.msk [tilespmem:v1+s31+$0x60 ss:$0x1], $0xffff;
	[tilespmem:s21+$0x210 ss:$0x21] =	vst.msk $0xffff, v50  }
0x63: {  	v56 =	vld.idx.msk [tilespmem:v1+s31+$0x70 ss:$0x1], $0xffff;
	[tilespmem:s21+$0x420 ss:$0x21] =	vst.msk $0xffff, v51  }
.Ltmp4:
0x64: {  	[tilespmem:s21+$0x630 ss:$0x21] =	vst.msk $0xffff, v52;
	(pc) =	sbr.rel @p1 .LBB1_3-.Ltmp4, $4  }
0x65: {  	[tilespmem:s21+$0x840 ss:$0x21] =	vst.msk $0xffff, v53  }
0x66: {  	[tilespmem:s21+$0xA50 ss:$0x21] =	vst.msk $0xffff, v54  }
0x67: {  	[tilespmem:s21+$0xC60 ss:$0x21] =	vst.msk $0xffff, v55  }
0x68: {  	p2 =	por $0x0, $0x0;
	[tilespmem:s21+$0xE70 ss:$0x21] =	vst.msk $0xffff, v56;
	s21 =	simm.s32 $0x1  }
0x69: {  	s15 =	smul.u32 $0x28000, s15  }
.Ltmp5:
0x6a: {  	s16 =	sshll.u32 s16, $0x7;
	(pc) =	sbr.rel .LBB1_7-.Ltmp5, $4  }
0x6b: {  	s14 =	sshll.u32 s14, $0x4;
	s16 =	sadd.s32 s6, s16  }
0x6c: {  	s14 =	sand.u32 $0x70, s14;
	s15 =	sadd.s32 s15, s16  }
0x6d: {  	s14 =	sadd.s32 s14, s15  }
0x6e: {  	[hbm4b:s14+s8] =	stream.strided.scatter [tilespmem:s17], [sflag:$0x2], $0x4000, s9, s8, $0x10;
	[tilespmem:$0x10400] =	vst v63  }
.LBB1_8:
0x6f: {  	_ =	sfence.sel $0x180000  }
0x70: {  	s2 =	simm.s32 $0x1;
	[bflag:$0x0] =	sbarrier.arrive $0xFFFF  }
0x71: {  	s31 =	simm.s32 $0x2;
	[sflag:s2] =	ssyncpa.u1 $0x1  }
0x72: {  	[sflag:s31] =	ssyncpa.u1 $0x1  }
0x73: {  	p0 =	sne.s32 s0, $0x0;
	_ =	strace $0x9000004A  }
0x74: {  	s0 =	sadd.s32 @!p0 $0x100000, s1;
	[bflag:$0x2] =	sbarrier.arrive $0xFFFF  }
0x75: {  	[sflag:s0] =	ssyncadd.tile.s32 @!p0 $0x1;
	_ =	shalt  }
.Lfunc_end1:
_tile_overlayer_lowered:
.L_overlay_start_2:
0x76: {  	(tag) =	ssettag $0x2  }
0x77: {  	s0 =	rddreg [dreg:$0x0];
	s2 =	stileid.u32  }
0x78: {  	s1 =	rddreg [dreg:$0x1];
	p0 =	sne.s32 s2, $0x0  }
0x79: {  	s3 =	rddreg [dreg:$0x2];
	[bflag:$0x3] =	sbarrier.arrive $0xFFFF;
	s2 =	simm.s32 @!p0 $0x1C01  }
0x7a: {  	[timem:s3], [sflag:s2] =	dma.local @!p0 [hbm:s0], s1  }
0x7b: {  	s0 =	simm.s32 @!p0 $0x1  }
0x7c: {  	_ =	swait.ge @!p0 [sflag:s0], s1  }
0x7d: {  	s1 =	ssub.s32 @!p0 $0x0, s1;
	[sflag:s0] =	ssyncset.done @!p0 $0x0  }
0x7e: {  	[sflag:s0] =	ssyncadd.s32 @!p0 s1  }
0x7f: {  	[bflag:$0x3] =	sbarrier.arrive $0xFFFF  }
0x80: {  	_ =	shalt  }

// kernel: sparse-core-data-format-call.cloned.1.call-start
scs
called_computation_lowered:
.L_overlay_start_0:
0x0: {  	s2 =	sld [smem:$0x3FD9]  }
0x1: {  	s3 =	sld [smem:$0x3FFE];
	_ =	sdelay $0x1  }
0x2: {  	s1 =	srdreg.scid  }
0x3: {  	s0 =	sand.u32 $0x1, s1  }
0x4: {  	s18 =	sshll.u32 s0, $0xA;
	s2 =	sadd.s32 s3, s2  }
0x5: {  	s2 =	sadd.s32 s2, s18  }
0x6: {  	[smem:$0x3FC3] =	sst s2  }
0x7: {  	_ = 	snop  }
0x8: {  	s2 =	sld [smem:$0x3FD0];
	(tm) =	ssettm $0x1  }
0x9: {  	s19 =	sld [smem:$0x3FFB];
	_ =	sdelay $0x3  }
0xa: {  	_ =	strace s19  }
0xb: {  	s3 =	sld [smem:$0x3FFC];
	_ =	sdelay $0x3  }
0xc: {  	_ =	strace s3  }
0xd: {  	s3 =	sld [smem:$0x3FFD];
	_ =	sdelay $0x3  }
0xe: {  	_ =	strace s3  }
0xf: {  	_ =	strace $0x8FFFFFFF  }
0x10: {  	s20 =	sld [smem:$0x3FDB];
	_ =	sdelay $0x1  }
0x11: {  	s4 =	simm.s32 $_scs_section_size  }
0x12: {  	s5 =	simm.s32 $_size__tile_overlayer_lowered;
	s6 =	simm.s32 $_tile_overlayer_lowered  }
0x13: {  	s23 =	simm.s32 $0x1BFF;
	s22 =	sshll.u32 s6, $0x1;
	s3 =	sadd.s32 s4, s20  }
0x14: {  	s7 =	simm.s32 $0x0;
	s21 =	sshll.u32 s5, $0x1;
	s5 =	sadd.s32 s22, s3  }
0x15: {  	[timem:s7], [sflag:s23] =	dma.local [hbm:s5], s21  }
0x16: {  	_ =	swait.ge [sflag:s23], s21  }
0x17: {  	s4 =	ssub.s32 $0x0, s21;
	[sflag:s23] =	ssyncset.done $0x0  }
0x18: {  	[sflag:s23] =	ssyncadd.s32 s4;
	_ =	sdelay $0x1  }
0x19: {  	s24 =	simm.s32 $0x1B8B  }
0x1a: {  	_ =	swait.ge [sflag:s24], $0x1  }
0x1b: {  	[sflag:s24] =	ssyncset.done $0x0  }
0x1c: {  	s26 =	simm.s32 $0x1B8E;
	s25 =	sld [smem:$0x3FFE];
	[sflag:s24] =	ssyncadd.s32 $0xFFFFFFFF  }
0x1d: {  	s27 =	simm.s32 $execute0_lowered;
	[smem:$0x3FD2] =	sst s26  }
0x1e: {  	s5 =	sshll.u32 s27, $0x1;
	_ =	strace $0x8000004C;
	[dreg:$0x1] =	wrdreg $0xFFFFFFFF  }
0x1f: {  	s28 =	simm.s32 $_size_execute0_lowered;
	s3 =	sadd.s32 s3, s5;
	[dreg:$0x0] =	wrdreg $0x0  }
0x20: {  	s5 =	sshll.u32 s28, $0x1;
	[dreg:$0x2] =	wrdreg s3  }
0x21: {  	[dreg:$0x3] =	wrdreg s5  }
0x22: {  	[dreg:$0x4] =	wrdreg $0xC0  }
0x23: {  	_ =	task [dreg:s7], $0x5FFFF  }
0x24: {  	[dreg:$0x1] =	wrdreg $0xFFFFFFFF  }
0x25: {  	[dreg:$0x0] =	wrdreg $0x60  }
0x26: {  	[dreg:$0x2] =	wrdreg s25  }
0x27: {  	[dreg:$0x3] =	wrdreg s2  }
0x28: {  	[dreg:$0x4] =	wrdreg $0x9  }
0x29: {  	_ =	task.clear_ibuf [dreg:s7], $0x5FFFF;
	_ =	strace $0x9000004C  }
0x2a: {  	s29 =	simm.s32 $0x9;
	_ =	strace $0x8000004E  }
0x2b: {  	_ =	swait.ge [sflag:s29], $0x1  }
0x2c: {  	[sflag:s29] =	ssyncadd.s32 $0xFFFFFFFF  }
0x2d: {  	_ =	strace $0x9000004E  }
0x2e: {  	_ =	sfence  }
0x2f: {  	s30 =	sld [smem:$0x0];
	_ =	sdelay $0x2  }
0x30: {  	s31 =	sshll.u32 s1, $0xD;
	s1 =	sshrl.u32 s1, $0x2  }
0x31: {  	s3 =	sand.u32 $0x4000, s31;
	s1 =	sadd.s32 s1, s30  }
0x32: {  	s0 =	sor.u32 s3, s0;
	s1 =	sshll.u32 s1, $0x11  }
0x33: {  	s0 =	sor.u32 s1, s0  }
0x34: {  	s0 =	sadd.s32 $0x8F2B, s0  }
0x35: {  	[sflag:s0] =	ssyncadd.remote.s32 $0x1  }
0x36: {  	_ =	sfence.sel $0xFFFF  }
0x37: {  	[dreg:$0x0] =	wrdreg $0xFFFFFFFF;
	(pc) =	sbr.abs _section_cstart, $3  }
0x38: {  	[dreg:$0x1] =	wrdreg $0xFFFFFFFF  }
0x39: {  	_ =	task.clear_ibuf [dreg:s7], $0x2FFFF;
	_ =	strace $0x9FFFFFFF  }
0x3a: {  	(tm) =	ssettm $0x7FFFFFFF  }
0x3b: {  	_ =	shalt  }
tec
execute0_lowered:
.L_overlay_start_1:
0x0: {  	(tag) =	ssettag $0x1  }
0x1: {  	s0 =	srdreg.scid;
	s4 =	rddreg [dreg:$0x0]  }
0x2: {  	s2 =	rddreg [dreg:$0x1];
	s7 =	simm.s32 $0x1;
	s1 =	sshll.u32 s0, $0x4  }
0x3: {  	s8 =	simm.s32 $0x2;
	s0 =	stileid.u32;
	s1 =	sand.u32 $0x10, s1  }
0x4: {  	s12 =	simm.s32 $0x0;
	s13 =	simm.s32 $0x0;
	s1 =	sor.u32 s0, s1  }
0x5: {  	s9 =	simm.s32 $0x0;
	s11 =	simm.s32 $0x0;
	s3 =	sshll.u32 s1, $0x7  }
0x6: {  	s4 =	sadd.s32 $0xA00E00, s4;
	s1 =	rddreg [dreg:$0x2];
	s6 =	ssub.s32 $0x14000, s3  }
.Ltmp0:
0x7: {  	_ =	strace $0x8000004D;
	s5 =	sand.u32 $0xF80, s6;
	(pc) =	sbr.rel .LBB1_1-.Ltmp0, $4  }
0x8: {  	s10 =	smov.u32 s3;
	p0 =	sne.s32 s5, $0x0;
	s5 =	simm.s32 $0x1  }
0x9: {  	s6 =	sshrl.u32 s6, $0xC;
	s7 =	simm.s32 @!p0 $0x0;
	[sflag:s5] =	ssyncpa.u1 $0x0  }
0xa: {  	p0 =	por $0x0, $0x0;
	s7 =	sadd.s32 s7, s6;
	[sflag:s8] =	ssyncpa.u1 $0x0  }
0xb: {  	s8 =	simm.s32 $0xA0000;
	s6 =	sshll.u32 s7, $0x1;
	s7 =	sshllo.u32 s7, $0x1  }
.LBB1_4:
0xc: {  	s19 =	sshrl.u32 s12, $0x3  }
0xd: {  	s20 =	sshll.u32 s13, $0x3;
	s24 =	sshll.u32 s12, $0x7;
	s19 =	smul.u32 $0xA0000, s19  }
0xe: {  	v5 =	vld [tilespmem:s17+$0xFFFFFFD0];
	[tilespmem:s16+$0x2040 ss:$0x81] =	vst.msk $0xffff, v4;
	s25 =	sand.u32 $0x7F, s13;
	s20 =	sand.u32 $0xFFFFFC00, s20;
	s12 =	sand.u32 $0x380, s24  }
0xf: {  	v58 =	vld [tilespmem:s17+$0xFFFFFFE0];
	[tilespmem:s16+$0x2850 ss:$0x81] =	vst.msk $0xffff, v2;
	s12 =	sor.u32 s25, s12;
	s19 =	sadd.s32 s20, s19  }
0x10: {  	s26 =	sshra.s32 s18, $0x2;
	v59 =	vld [tilespmem:s17+$0xFFFFFFF0];
	[tilespmem:s16+$0x3060 ss:$0x81] =	vst.msk $0xffff, v3;
	s12 =	sor.u32 s19, s12  }
0x11: {  	v60 =	vld [tilespmem:s17+$0x0];
	[tilespmem:s16+$0x0 ss:$0x81] =	vst.msk $0xffff, v0;
	s13 =	sadd.s32 s26, s15;
	s27 =	smulhi.u32 $0xCCCCCCCD, s12  }
0x12: {  	v61 =	vld [tilespmem:s17+$0x10];
	[tilespmem:s13+$0x3870 ss:$0x81] =	vst.msk $0xffff, v1  }
0x13: {  	v62 =	vld [tilespmem:s17+$0x20];
	s28 =	smulhi.u32 $0xCCCCCCCD, s19;
	[tilespmem:s13+$0x810 ss:$0x81] =	vst.msk $0xffff, v5;
	s15 =	sshrl.u32 s27, $0x10  }
0x14: {  	v63 =	vld [tilespmem:s17+$0xFFFFFFC0];
	[tilespmem:s13+$0x1020 ss:$0x81] =	vst.msk $0xffff, v58;
	s15 =	smul.u32 $0x14000, s15  }
0x15: {  	[tilespmem:s13+$0x1830 ss:$0x81] =	vst.msk $0xffff, v59;
	s16 =	sshrl.u32 s28, $0x10  }
0x16: {  	[tilespmem:s13+$0x2040 ss:$0x81] =	vst.msk $0xffff, v60;
	s29 =	sand.u32 $0xFF, s16;
	s12 =	ssub.s32 s12, s15  }
0x17: {  	[tilespmem:s13+$0x2850 ss:$0x81] =	vst.msk $0xffff, v61;
	s15 =	smul.u32 $0x2800, s29;
	s30 =	sshrl.u32 s12, $0x3;
	s12 =	sand.u32 $0x7, s12  }
0x18: {  	[tilespmem:s13+$0x3060 ss:$0x81] =	vst.msk $0xffff, v62;
	s16 =	sadd.s32 s2, s30;
	s12 =	sshll.u32 s12, $0x12  }
0x19: {  	[tilespmem:s13+$0x0 ss:$0x81] =	vst.msk $0xffff, v63;
	s31 =	sadd.s32 s15, s16;
	s12 =	sor.u32 $0x400, s12  }
0x1a: {  	[hbm4b:s31+s12] =	stream.strided.scatter [tilespmem:s14], [sflag:$0x2], $0x4000, s8, s12, $0x20;
	[tilespmem:$0x10100] =	vst v63  }
.LBB1_5:
0x1b: {  	s14 =	sadd.s32 $0x80, s9  }
0x1c: {  	s12 =	sadd.s32 $0x1000, s10;
	s16 =	smov.u32 s10;
	p2 =	sgt.s32 s14, $0xFF  }
0x1d: {  	s16 =	smov.u32 @p2 s12  }
0x1e: {  	s14 =	simm.s32 @p2 $0x0;
	p2 =	sgt.s32 s16, $0x13FFF  }
0x1f: {  	s16 =	smov.u32 @p2 s3;
	p2 =	sne.s32 s11, s7  }
.Ltmp1:
0x20: {  	p1 =	slt.u32 s11, $0x2;
	(pc) =	sbr.rel @!p2 .LBB1_6-.Ltmp1, $4  }
0x21: {  	s15 =	simm.s32 @!p1 $0x2  }
0x22: {  	s13 =	smov.u32 s10;
	p0 =	por !p0, !p0;
	_ =	swait.ge @!p1 [sflag:s15], $0x4000  }
0x23: {  	s12 =	smov.u32 s9;
	[sflag:s15] =	ssyncset.done @!p1 $0x0;
	s9 =	smov.u32 s14  }
0x24: {  	s11 =	sadd.s32 $0x1, s11;
	[sflag:s15] =	ssyncadd.s32 @!p1 $0xFFFFC000;
	s10 =	smov.u32 s16  }
.LBB1_1:
0x25: {  	p1 =	sge.u32 s11, s6  }
0x26: {  	s14 =	sshll.u32 @!p1 s10, $0x8;
	s15 =	sshll.u32 @!p1 s9, $0x3  }
0x27: {  	s16 =	sshll.u32 @!p1 s10, $0x7;
	s14 =	sand.u32 @!p1 $0xFFFFF800, s14;
	s15 =	sand.u32 @!p1 $0xFFFFFC00, s15  }
0x28: {  	s14 =	sadd.s32 @!p1 s14, s15;
	s15 =	sand.u32 @!p1 $0x300, s16  }
0x29: {  	s14 =	sor.u32 @!p1 s15, s14  }
0x2a: {  	s14 =	sshrl.u32 @!p1 s14, $0x8  }
0x2b: {  	s15 =	smulhi.u32 @!p1 $0xCCCCCD, s14;
	_ =	sdelay $0x1  }
0x2c: {  	s17 =	sxor.u32 @!p1 $0xFFFFFFFF, s11;
	s18 =	sand.u32 @!p1 $0x78, s9;
	s15 =	sshrl.u32 @!p1 s15, $0x8  }
0x2d: {  	s17 =	sshll.u32 @!p1 s17, $0xE;
	s16 =	sand.u32 @!p1 $0x80, s16;
	s15 =	smul.u32 @!p1 $0x14000, s15  }
0x2e: {  	s31 =	sadd.s32 $0xFFFFFFFF, s11;
	s17 =	sand.u32 @!p1 $0x4000, s17;
	s16 =	sor.u32 @!p1 s18, s16  }
0x2f: {  	s14 =	ssub.s32 @!p1 s14, s15;
	s15 =	sshrl.u32 @!p1 s16, $0x3;
	s16 =	sand.u32 @!p1 $0x7, s9  }
0x30: {  	s14 =	sshll.u32 @!p1 s14, $0x5;
	s15 =	sadd.s32 @!p1 s4, s15;
	s16 =	sshll.u32 @!p1 s16, $0x12  }
0x31: {  	s14 =	sadd.s32 @!p1 s14, s15;
	s15 =	sor.u32 @!p1 $0x400, s16;
	s16 =	simm.s32 @!p1 $0x800  }
0x32: {  	[tilespmem:s17], [sflag:$0x1] =	stream.strided.gather @!p1 [hbm4b:s14+s15], $0x4000, s16, s15, $0x38;
	[tilespmem:$0x10100] =	vst v63  }
0x33: {  	p1 =	sge.u32 s31, s6  }
.Ltmp2:
0x34: {  	_ = 	snop;
	(pc) =	sbr.rel @p1 .LBB1_5-.Ltmp2, $1  }
0x35: {  	_ =	sdelay $0x3  }
0x36: {  	s14 =	simm.s32 $0x1  }
0x37: {  	_ =	swait.ge [sflag:s5], $0x4000;
	s14 =	simm.s32 @!p0 $0x0  }
0x38: {  	[sflag:s5] =	ssyncset.done $0x0;
	s15 =	sshll.u32 s14, $0xE  }
0x39: {  	[sflag:s5] =	ssyncadd.s32 $0xFFFFC000;
	s17 =	sor.u32 $0x40, s15  }
0x3a: {  	s14 =	smul.u32 $0x10200, s14;
	v0 =	vld [tilespmem:s17+$0x30]  }
0x3b: {  	v1 =	vld [tilespmem:s17+$0xFFFFFFD0]  }
0x3c: {  	s14 =	sshrl.u32 s14, $0x2;
	v5 =	vld [tilespmem:s17+$0xFFFFFFE0]  }
0x3d: {  	v6 =	vld [tilespmem:s17+$0xFFFFFFF0];
	s15 =	sor.u32 $0x8000, s14  }
0x3e: {  	s31 =	sand.u32 $0x1, s11;
	v4 =	vld [tilespmem:s17+$0x0];
	s16 =	sadd.s32 $0x0, s15  }
0x3f: {  	v2 =	vld [tilespmem:s17+$0x10];
	s14 =	smul.u32 $0x10200, s31;
	[tilespmem:s16+$0x3870 ss:$0x81] =	vst.msk $0xffff, v0  }
0x40: {  	v3 =	vld [tilespmem:s17+$0x20];
	[tilespmem:s16+$0x810 ss:$0x81] =	vst.msk $0xffff, v1  }
0x41: {  	s14 =	sshrl.u32 s14, $0x2;
	v0 =	vld [tilespmem:s17+$0xFFFFFFC0];
	[tilespmem:s16+$0x1020 ss:$0x81] =	vst.msk $0xffff, v5;
	s17 =	sadd.s32 $0x80, s17  }
0x42: {  	s18 =	simm.s32 $0x4;
	s19 =	simm.s32 $0x8;
	s14 =	sor.u32 $0x8000, s14;
	[tilespmem:s16+$0x1830 ss:$0x81] =	vst.msk $0xffff, v6;
	v1 =	vld [tilespmem:s17+$0x30]  }
.LBB1_3:
0x43: {  	p1 =	sne.s32 s19, $0x1FC;
	v5 =	vld [tilespmem:s17+$0xFFFFFFD0];
	[tilespmem:s16+$0x2040 ss:$0x81] =	vst.msk $0xffff, v4  }
0x44: {  	v6 =	vld [tilespmem:s17+$0xFFFFFFE0];
	[tilespmem:s16+$0x2850 ss:$0x81] =	vst.msk $0xffff, v2  }
0x45: {  	s20 =	sshra.s32 s18, $0x2;
	s18 =	smov.u32 s19;
	v7 =	vld [tilespmem:s17+$0xFFFFFFF0];
	[tilespmem:s16+$0x3060 ss:$0x81] =	vst.msk $0xffff, v3  }
.Ltmp3:
0x46: {  	v4 =	vld [tilespmem:s17+$0x0];
	[tilespmem:s16+$0x0 ss:$0x81] =	vst.msk $0xffff, v0;
	s16 =	sadd.s32 s20, s15;
	(pc) =	sbr.rel @p1 .LBB1_3-.Ltmp3, $4  }
0x47: {  	v2 =	vld [tilespmem:s17+$0x10];
	[tilespmem:s16+$0x3870 ss:$0x81] =	vst.msk $0xffff, v1  }
0x48: {  	[tilespmem:s16+$0x810 ss:$0x81] =	vst.msk $0xffff, v5;
	v3 =	vld [tilespmem:s17+$0x20]  }
0x49: {  	v0 =	vld [tilespmem:s17+$0xFFFFFFC0];
	[tilespmem:s16+$0x1020 ss:$0x81] =	vst.msk $0xffff, v6;
	s17 =	sadd.s32 $0x80, s17  }
0x4a: {  	s19 =	sadd.s32 $0x4, s19;
	v1 =	vld [tilespmem:s17+$0x30];
	[tilespmem:s16+$0x1830 ss:$0x81] =	vst.msk $0xffff, v7  }
.Ltmp4:
0x4b: {  	_ = 	snop;
	(pc) =	sbr.rel .LBB1_4-.Ltmp4, $1  }
0x4c: {  	_ =	sdelay $0x3  }
.LBB1_6:
0x4d: {  	_ =	sfence.sel $0x180000  }
0x4e: {  	s2 =	simm.s32 $0x1;
	[bflag:$0x0] =	sbarrier.arrive $0xFFFF  }
0x4f: {  	s31 =	simm.s32 $0x2;
	[sflag:s2] =	ssyncpa.u1 $0x1  }
0x50: {  	[sflag:s31] =	ssyncpa.u1 $0x1  }
0x51: {  	p0 =	sne.s32 s0, $0x0;
	_ =	strace $0x9000004D  }
0x52: {  	s0 =	sadd.s32 @!p0 $0x100000, s1;
	[bflag:$0x2] =	sbarrier.arrive $0xFFFF  }
0x53: {  	[sflag:s0] =	ssyncadd.tile.s32 @!p0 $0x1;
	_ =	shalt  }
.Lfunc_end1:
_tile_overlayer_lowered:
.L_overlay_start_2:
0x54: {  	(tag) =	ssettag $0x2  }
0x55: {  	s0 =	rddreg [dreg:$0x0];
	s2 =	stileid.u32  }
0x56: {  	s1 =	rddreg [dreg:$0x1];
	p0 =	sne.s32 s2, $0x0  }
0x57: {  	s3 =	rddreg [dreg:$0x2];
	[bflag:$0x3] =	sbarrier.arrive $0xFFFF;
	s2 =	simm.s32 @!p0 $0x1C01  }
0x58: {  	[timem:s3], [sflag:s2] =	dma.local @!p0 [hbm:s0], s1  }
0x59: {  	s0 =	simm.s32 @!p0 $0x1  }
0x5a: {  	_ =	swait.ge @!p0 [sflag:s0], s1  }
0x5b: {  	s1 =	ssub.s32 @!p0 $0x0, s1;
	[sflag:s0] =	ssyncset.done @!p0 $0x0  }
0x5c: {  	[sflag:s0] =	ssyncadd.s32 @!p0 s1  }
0x5d: {  	[bflag:$0x3] =	sbarrier.arrive $0xFFFF  }
0x5e: {  	_ =	shalt  }

</sc_bundles>
